<compile_context>
chip_gen: v7x
topology: tpu7x:2x2x1
jax: 0.10.2.dev20260603
libtpu: 0.0.44.dev20260713+nightly
codegen_flags: <defaults>
</compile_context>

<pallas_src>
import functools

import jax
import jax.numpy as jnp
from jax import lax
from jax.experimental import pallas as pl
from jax.experimental.pallas import tpu as pltpu
from jax.experimental.pallas import tpu_sc as plsc

NN = 10000
NE = 320000
D = 128
NG = 64
NC, NS, L = 2, 16, 16
NW = NC * NS
K = 80
NCHS = (NE // NS) // K
KS = 80
NCHS2 = (NE // NS) // KS
NPH = 2
WCH = NCHS2 // NPH

NH = NN // NC
SWRT = 312
SZR = 24
STAIL = NH - NS * SWRT
ACC_ROWS = 5008

ER = NE // D

RB = 1000
GRID = NN // RB

_mesh = plsc.VectorSubcoreMesh(core_axis_name="c", subcore_axis_name="s")



def _zero_init(zeros_hbm, zbuf_v, sh, s, zr, wrt, tail, tbase):
    pltpu.sync_copy(zeros_hbm, zbuf_v)
    for r in range(wrt // zr):
        pltpu.sync_copy(zbuf_v, sh.at[pl.ds(s * wrt + r * zr, zr)])

    @pl.when(s == 0)
    def _():
        pltpu.sync_copy(zbuf_v.at[pl.ds(0, tail)],
                        sh.at[pl.ds(tbase, tail)])


def _writeout(zbuf_v, sh, out, c, s, zr, wrt, tail, tbase):
    for r in range(wrt // zr):
        rows = pl.ds(s * wrt + r * zr, zr)
        pltpu.sync_copy(sh.at[rows], zbuf_v)
        pltpu.sync_copy(zbuf_v, out.at[c, rows])

    @pl.when(s == 0)
    def _():
        rows = pl.ds(tbase, tail)
        pltpu.sync_copy(sh.at[rows], zbuf_v.at[pl.ds(0, tail)])
        pltpu.sync_copy(zbuf_v.at[pl.ds(0, tail)], out.at[c, rows])


@functools.partial(
    pl.kernel,
    out_type=jax.ShapeDtypeStruct((NC, NH, D), jnp.float32),
    mesh=_mesh,
    scratch_types=[
        pltpu.VMEM((WCH, KS), jnp.int32),
        pltpu.VMEM((WCH, KS), jnp.int32),
        pltpu.VMEM((KS, D), jnp.float32),
        pltpu.VMEM((KS, D), jnp.float32),
        pltpu.VMEM((SZR, D), jnp.float32),
        pltpu.VMEM_SHARED((ACC_ROWS, D), jnp.float32),
        pltpu.SemaphoreType.DMA,
        pltpu.SemaphoreType.DMA,
    ],
)
def _sc_scatter(src2, ldst4, g_hbm, zeros_hbm, out, isrc_v, idst_v, r0_v, r1_v,
                zbuf_v, acc_sh, sem0, sem1):
    c = lax.axis_index("c")
    s = lax.axis_index("s")
    _zero_init(zeros_hbm, zbuf_v, acc_sh, s, SZR, SWRT, STAIL, NS * SWRT)
    plsc.subcore_barrier()

    bufs = (r0_v, r1_v)
    sems = (sem0, sem1)
    for p in range(NPH):
        pltpu.sync_copy(src2.at[s, p], isrc_v)
        pltpu.sync_copy(ldst4.at[c, s, p], idst_v)
        for b in range(2):
            pltpu.async_copy(g_hbm.at[isrc_v.at[b]], bufs[b], sems[b])

        def body(gi, carry):
            for b in range(2):
                j = 2 * gi + b
                pltpu.make_async_copy(g_hbm.at[isrc_v.at[j]], bufs[b],
                                      sems[b]).wait()
                pltpu.sync_copy(bufs[b], acc_sh.at[idst_v.at[j]], add=True)
                pltpu.async_copy(g_hbm.at[isrc_v.at[j + 2]], bufs[b], sems[b])
            return carry

        niter = (WCH - 3) // 2 if WCH % 2 else WCH // 2 - 1
        lax.fori_loop(0, niter, body, 0)
        tail = [(2 * niter + t, t % 2) for t in range(WCH - 2 * niter)]
        for t, (j, b) in enumerate(tail):
            pltpu.make_async_copy(g_hbm.at[isrc_v.at[j]], bufs[b],
                                  sems[b]).wait()
            pltpu.sync_copy(bufs[b], acc_sh.at[idst_v.at[j]], add=True)
            if t + 2 < len(tail):
                pltpu.async_copy(g_hbm.at[isrc_v.at[j + 2]], bufs[b], sems[b])
    plsc.subcore_barrier()
    _writeout(zbuf_v, acc_sh, out, c, s, SZR, SWRT, STAIL, NS * SWRT)


@functools.partial(
    pl.kernel,
    out_type=jax.ShapeDtypeStruct((NC, NH, D), jnp.float32),
    mesh=_mesh,
    scratch_types=[
        pltpu.VMEM((NCHS, K), jnp.int32),
        pltpu.VMEM((K, D), jnp.float32),
        pltpu.VMEM((SZR, D), jnp.float32),
        pltpu.VMEM_SHARED((ACC_ROWS, D), jnp.float32),
    ],
)
def _sc_deg(ldst4, ones_hbm, zeros_hbm, out, idst_v, rows_v, zbuf_v, acc_sh):
    c = lax.axis_index("c")
    s = lax.axis_index("s")
    pltpu.sync_copy(ldst4.at[c, s], idst_v)
    pltpu.sync_copy(ones_hbm, rows_v)
    _zero_init(zeros_hbm, zbuf_v, acc_sh, s, SZR, SWRT, STAIL, NS * SWRT)
    plsc.subcore_barrier()

    def body(j, carry):
        pltpu.sync_copy(rows_v, acc_sh.at[idst_v.at[j]], add=True)
        return carry

    lax.fori_loop(0, NCHS, body, 0)
    plsc.subcore_barrier()
    _writeout(zbuf_v, acc_sh, out, c, s, SZR, SWRT, STAIL, NS * SWRT)



def _loc_body(dst_ref, o_ref):
    d = dst_ref[...]
    for c in range(NC):
        t = d - c * NH
        o_ref[c] = jnp.where((t >= 0) & (t < NH), t, NH)


_tc_loc = pl.pallas_call(
    _loc_body,
    out_shape=jax.ShapeDtypeStruct((NC, ER, D), jnp.int32),
)


def _dinv(deg_ref):
    d = deg_ref[0, :, 0] + 1.0
    return lax.rsqrt(d)[:, None]


_HALF_SPEC = pl.BlockSpec((1, RB, D),
                          lambda i: (i // (NH // RB), i % (NH // RB), 0))


def _tc1_body(x_ref, w_ref, deg_ref, o_ref):
    h = jnp.dot(x_ref[...], w_ref[...], preferred_element_type=jnp.float32)
    o_ref[...] = h * _dinv(deg_ref)


_tc1 = pl.pallas_call(
    _tc1_body,
    grid=(GRID,),
    in_specs=[
        pl.BlockSpec((RB, D), lambda i: (i, 0)),
        pl.BlockSpec((D, D), lambda i: (0, 0)),
        _HALF_SPEC,
    ],
    out_specs=pl.BlockSpec((RB, D), lambda i: (i, 0)),
    out_shape=jax.ShapeDtypeStruct((NN, D), jnp.float32),
)


def _post_body(s_ref, g_ref, deg_ref, b_ref, o_ref):
    dinv = _dinv(deg_ref)
    t = (s_ref[0] + g_ref[...]) * dinv + b_ref[...]
    o_ref[...] = jnp.maximum(t, 0.0)


_tc_post = pl.pallas_call(
    _post_body,
    grid=(GRID,),
    in_specs=[
        _HALF_SPEC,
        pl.BlockSpec((RB, D), lambda i: (i, 0)),
        _HALF_SPEC,
        pl.BlockSpec((1, D), lambda i: (0, 0)),
    ],
    out_specs=pl.BlockSpec((RB, D), lambda i: (i, 0)),
    out_shape=jax.ShapeDtypeStruct((NN, D), jnp.float32),
)


def _tc3_body(h_ref, batch_ref, w_ref, bo_ref, o_ref, sums_ref, cnt_ref):
    i = pl.program_id(0)

    @pl.when(i == 0)
    def _():
        sums_ref[...] = jnp.zeros_like(sums_ref)
        cnt_ref[...] = jnp.zeros_like(cnt_ref)

    h = h_ref[...]
    bt = batch_ref[0, 0, :]
    oh = (lax.broadcasted_iota(jnp.int32, (NG, RB), 0) == bt[None, :]).astype(
        jnp.float32)
    sums_ref[...] += jnp.dot(oh, h, preferred_element_type=jnp.float32)
    cnt_ref[...] += jnp.broadcast_to(
        jnp.sum(oh, axis=1, keepdims=True), (NG, D))

    @pl.when(i == GRID - 1)
    def _():
        pooled = sums_ref[...] / jnp.maximum(cnt_ref[...], 1.0)
        o_ref[...] = jnp.dot(pooled, w_ref[...],
                             preferred_element_type=jnp.float32) + bo_ref[...]


_tc3 = pl.pallas_call(
    _tc3_body,
    grid=(GRID,),
    in_specs=[
        pl.BlockSpec((RB, D), lambda i: (i, 0)),
        pl.BlockSpec((1, 1, RB), lambda i: (i, 0, 0)),
        pl.BlockSpec((D, D), lambda i: (0, 0)),
        pl.BlockSpec((1, D), lambda i: (0, 0)),
    ],
    out_specs=pl.BlockSpec((NG, D), lambda i: (0, 0)),
    out_shape=jax.ShapeDtypeStruct((NG, D), jnp.float32),
    scratch_shapes=[
        pltpu.VMEM((NG, D), jnp.float32),
        pltpu.VMEM((NG, D), jnp.float32),
    ],
)


def kernel(x, edge_index, batch, W_in, b_in, W_h, b_h, W_out, b_out):
    ei = edge_index.astype(jnp.int32)
    src2 = ei[0].reshape(NS, NPH, WCH, KS)
    batch3 = batch.astype(jnp.int32).reshape(GRID, 1, RB)

    ldst = _tc_loc(ei[1].reshape(ER, D))
    ldst4 = ldst.reshape(NC, NS, NCHS, K)
    ldst4s = ldst.reshape(NC, NS, NPH, WCH, KS)

    zerosD = jnp.zeros((SZR, D), jnp.float32)
    onesK = jnp.ones((K, D), jnp.float32)

    deg2 = _sc_deg(ldst4, onesK, zerosD)
    Ws = jnp.stack([W_in, W_h])
    bs = jnp.stack([b_in.reshape(1, D), b_h.reshape(1, D)])

    def step(h, wb):
        W, b = wb
        g = _tc1(h, W, deg2)
        s = _sc_scatter(src2, ldst4s, g, zerosD)
        return _tc_post(s, g, deg2, b), None

    h2, _ = lax.scan(step, x, (Ws, bs))
    return _tc3(h2, batch3, W_out, b_out.reshape(1, D))

# --- scband reference (transcript-rebuilt; emitter-appended) ---
"""Pipeline reference for scband-gcn-12635793785487 (READ-ONLY COPY).

The authoritative reference and input builder live on the scoring server;
editing this copy changes nothing except your own understanding.
"""

import jax, jax.numpy as jnp
import numpy as np

N_NODES = 10000
N_EDGES = 320000
D_IN = 128
D_H = 128
D_OUT = 128
N_GRAPHS = 64


def setup_inputs(seed: int = 0) -> dict:
    key = jax.random.key(seed)
    ks = jax.random.split(key, 10)
    x = jax.random.normal(ks[0], (N_NODES, D_IN), dtype=jnp.float32)
    edge_index = jax.random.randint(ks[1], (2, N_EDGES), 0, N_NODES, dtype=jnp.int64)
    batch = jnp.sort(jax.random.randint(ks[2], (N_NODES,), 0, N_GRAPHS, dtype=jnp.int64))
    s = 1.0 / np.sqrt(D_IN)
    W_in = jax.random.uniform(ks[3], (D_IN, D_H), dtype=jnp.float32, minval=-s, maxval=s)
    b_in = jnp.zeros((D_H,), dtype=jnp.float32)
    W_h = jax.random.uniform(ks[4], (D_H, D_H), dtype=jnp.float32, minval=-s, maxval=s)
    b_h = jnp.zeros((D_H,), dtype=jnp.float32)
    W_out = jax.random.uniform(ks[5], (D_H, D_OUT), dtype=jnp.float32, minval=-s, maxval=s)
    b_out = jnp.zeros((D_OUT,), dtype=jnp.float32)
    return {"x": x, "edge_index": edge_index, "batch": batch,
            "W_in": W_in, "b_in": b_in, "W_h": W_h, "b_h": b_h,
            "W_out": W_out, "b_out": b_out}


def _gcn_conv(x, W, b, src, dst, n_nodes):
    # PyG GCNConv: x' = D^{-1/2} (A + I) D^{-1/2} (x W) + b
    h = x @ W
    loop = jnp.arange(n_nodes, dtype=src.dtype)
    src2 = jnp.concatenate([src, loop])
    dst2 = jnp.concatenate([dst, loop])
    deg = jax.ops.segment_sum(jnp.ones_like(dst2, dtype=h.dtype), dst2, num_segments=n_nodes)
    dinv = jnp.where(deg > 0, 1.0 / jnp.sqrt(deg), 0.0)
    norm = dinv[src2] * dinv[dst2]
    msg = h[src2] * norm[:, None]
    out = jax.ops.segment_sum(msg, dst2, num_segments=n_nodes)
    return out + b


def reference(x, edge_index, batch, W_in, b_in, W_h, b_h, W_out, b_out):
    src = edge_index[0]
    dst = edge_index[1]
    n = x.shape[0]
    # GconvIN + ReLU (norm=None)
    h = jax.nn.relu(_gcn_conv(x, W_in, b_in, src, dst, n))
    # one hidden GCNhlayer (h_size=[128,128]) + ReLU
    h = jax.nn.relu(_gcn_conv(h, W_h, b_h, src, dst, n))
    # global_mean_pool over batch assignment
    sums = jax.ops.segment_sum(h, batch, num_segments=N_GRAPHS)
    counts = jax.ops.segment_sum(jnp.ones((n,), dtype=h.dtype), batch, num_segments=N_GRAPHS)
    pooled = sums / jnp.maximum(counts, 1.0)[:, None]
    # fcOUT
    return pooled @ W_out + b_out

if __name__ == "__main__":
    import jax
    _d = setup_inputs()
    print(jax.jit(kernel)(*tuple(_d.values())))

</pallas_src>

<mosaic_0001>
#map = affine_map<(d0, d1) -> (0, 0, 0, 0)>
#map1 = affine_map<(d0, d1) -> (0, 0)>
#map2 = affine_map<(d0, d1) -> (0, 0, 0)>
module attributes {stable_mosaic.version = 14 : i64} {
  func.func @_sc_deg(%arg0: i32, %arg1: i32, %arg2: memref<2x16x250x80xi32, #tpu.memory_space<hbm>>, %arg3: memref<80x128xf32, #tpu.memory_space<hbm>>, %arg4: memref<24x128xf32, #tpu.memory_space<hbm>>, %arg5: memref<2x5000x128xf32, #tpu.memory_space<hbm>>, %arg6: memref<250x80xi32, #tpu.memory_space<vmem>>, %arg7: memref<80x128xf32, #tpu.memory_space<vmem>>, %arg8: memref<24x128xf32, #tpu.memory_space<vmem>>, %arg9: memref<5008x128xf32, #tpu.memory_space<vmem_shared>>) attributes {dimension_semantics = [#tpu.dimension_semantics<core_parallel>, #tpu.dimension_semantics<subcore_parallel>], iteration_bounds = array<i64: 2, 16>, scalar_prefetch = 0 : i64, scratch_operands = 4 : i64, tpu.core_type = #tpu.core_type<sc_vector_subcore>, window_params = [{transform_indices = #map}, {transform_indices = #map1}, {transform_indices = #map1}, {transform_indices = #map2}]} {
    "tpu.region"() ({
      %run_scoped3A = tpu.sem_alloc : memref<!tpu.dma_semaphore, #tpu.memory_space<semaphore_mem>>
      %dma_start3A = arith.constant 0 : i32
      %dma_start3A_115 = arith.constant 0 : i32
      %dma_start3A_116 = tpu.memref_slice %arg2[%arg0, %arg1, %dma_start3A, %dma_start3A_115] : memref<2x16x250x80xi32, #tpu.memory_space<hbm>> -> memref<1x1x250x80xi32, #tpu.memory_space<hbm>>
      %dma_start3A_117 = tpu.memref_squeeze %dma_start3A_116 : memref<1x1x250x80xi32, #tpu.memory_space<hbm>> -> memref<250x80xi32, #tpu.memory_space<hbm>>
      %dma_start3A_118 = arith.constant 0 : i32
      %dma_start3A_119 = arith.constant 0 : i32
      %dma_start3A_120 = tpu.memref_slice %arg2[%arg0, %arg1, %dma_start3A_118, %dma_start3A_119] : memref<2x16x250x80xi32, #tpu.memory_space<hbm>> -> memref<1x1x250x80xi32, #tpu.memory_space<hbm>>
      %dma_start3A_121 = tpu.memref_squeeze %dma_start3A_120 : memref<1x1x250x80xi32, #tpu.memory_space<hbm>> -> memref<250x80xi32, #tpu.memory_space<hbm>>
      tpu.enqueue_dma source(%dma_start3A_121 : memref<250x80xi32, #tpu.memory_space<hbm>>) target(%arg6 : memref<250x80xi32, #tpu.memory_space<vmem>>) target_semaphore(%run_scoped3A : memref<!tpu.dma_semaphore, #tpu.memory_space<semaphore_mem>>)
      %dma_wait3A = arith.constant 0 : i32
      %dma_wait3A_122 = arith.constant 0 : i32
      %dma_wait3A_123 = tpu.memref_slice %arg2[%arg0, %arg1, %dma_wait3A, %dma_wait3A_122] : memref<2x16x250x80xi32, #tpu.memory_space<hbm>> -> memref<1x1x250x80xi32, #tpu.memory_space<hbm>>
      %dma_wait3A_124 = tpu.memref_squeeze %dma_wait3A_123 : memref<1x1x250x80xi32, #tpu.memory_space<hbm>> -> memref<250x80xi32, #tpu.memory_space<hbm>>
      %dma_wait3A_125 = arith.constant 0 : i32
      %dma_wait3A_126 = arith.constant 0 : i32
      %dma_wait3A_127 = tpu.memref_slice %arg2[%arg0, %arg1, %dma_wait3A_125, %dma_wait3A_126] : memref<2x16x250x80xi32, #tpu.memory_space<hbm>> -> memref<1x1x250x80xi32, #tpu.memory_space<hbm>>
      %dma_wait3A_128 = tpu.memref_squeeze %dma_wait3A_127 : memref<1x1x250x80xi32, #tpu.memory_space<hbm>> -> memref<250x80xi32, #tpu.memory_space<hbm>>
      tpu.wait_dma2 semaphore(%run_scoped3A : memref<!tpu.dma_semaphore, #tpu.memory_space<semaphore_mem>>) src(%dma_wait3A_128 : memref<250x80xi32, #tpu.memory_space<hbm>>) dst(%arg6 : memref<250x80xi32, #tpu.memory_space<vmem>>)
      tpu.yield
    }) : () -> ()
    "tpu.region"() ({
      %run_scoped3A = tpu.sem_alloc : memref<!tpu.dma_semaphore, #tpu.memory_space<semaphore_mem>>
      tpu.enqueue_dma source(%arg3 : memref<80x128xf32, #tpu.memory_space<hbm>>) target(%arg7 : memref<80x128xf32, #tpu.memory_space<vmem>>) target_semaphore(%run_scoped3A : memref<!tpu.dma_semaphore, #tpu.memory_space<semaphore_mem>>)
      tpu.wait_dma2 semaphore(%run_scoped3A : memref<!tpu.dma_semaphore, #tpu.memory_space<semaphore_mem>>) src(%arg3 : memref<80x128xf32, #tpu.memory_space<hbm>>) dst(%arg7 : memref<80x128xf32, #tpu.memory_space<vmem>>)
      tpu.yield
    }) : () -> ()
    "tpu.region"() ({
      %run_scoped3A = tpu.sem_alloc : memref<!tpu.dma_semaphore, #tpu.memory_space<semaphore_mem>>
      tpu.enqueue_dma source(%arg4 : memref<24x128xf32, #tpu.memory_space<hbm>>) target(%arg8 : memref<24x128xf32, #tpu.memory_space<vmem>>) target_semaphore(%run_scoped3A : memref<!tpu.dma_semaphore, #tpu.memory_space<semaphore_mem>>)
      tpu.wait_dma2 semaphore(%run_scoped3A : memref<!tpu.dma_semaphore, #tpu.memory_space<semaphore_mem>>) src(%arg4 : memref<24x128xf32, #tpu.memory_space<hbm>>) dst(%arg8 : memref<24x128xf32, #tpu.memory_space<vmem>>)
      tpu.yield
    }) : () -> ()
    %mul3A = arith.constant 312 : i32
    %mul3A_0 = arith.muli %arg1, %mul3A : i32
    %add3A = arith.constant 0 : i32
    %add3A_1 = arith.addi %mul3A_0, %add3A : i32
    "tpu.region"() ({
      %run_scoped3A = tpu.sem_alloc : memref<!tpu.dma_semaphore, #tpu.memory_space<semaphore_mem>>
      %dma_start3A = arith.constant 0 : i32
      %dma_start3A_115 = tpu.memref_slice %arg9[%add3A_1, %dma_start3A] : memref<5008x128xf32, #tpu.memory_space<vmem_shared>> -> memref<24x128xf32, #tpu.memory_space<vmem_shared>>
      %dma_start3A_116 = arith.constant 0 : i32
      %dma_start3A_117 = tpu.memref_slice %arg9[%add3A_1, %dma_start3A_116] : memref<5008x128xf32, #tpu.memory_space<vmem_shared>> -> memref<24x128xf32, #tpu.memory_space<vmem_shared>>
      tpu.enqueue_dma source(%arg8 : memref<24x128xf32, #tpu.memory_space<vmem>>) target(%dma_start3A_117 : memref<24x128xf32, #tpu.memory_space<vmem_shared>>) target_semaphore(%run_scoped3A : memref<!tpu.dma_semaphore, #tpu.memory_space<semaphore_mem>>)
      %dma_wait3A = arith.constant 0 : i32
      %dma_wait3A_118 = tpu.memref_slice %arg9[%add3A_1, %dma_wait3A] : memref<5008x128xf32, #tpu.memory_space<vmem_shared>> -> memref<24x128xf32, #tpu.memory_space<vmem_shared>>
      %dma_wait3A_119 = arith.constant 0 : i32
      %dma_wait3A_120 = tpu.memref_slice %arg9[%add3A_1, %dma_wait3A_119] : memref<5008x128xf32, #tpu.memory_space<vmem_shared>> -> memref<24x128xf32, #tpu.memory_space<vmem_shared>>
      tpu.wait_dma2 semaphore(%run_scoped3A : memref<!tpu.dma_semaphore, #tpu.memory_space<semaphore_mem>>) src(%arg8 : memref<24x128xf32, #tpu.memory_space<vmem>>) dst(%dma_wait3A_120 : memref<24x128xf32, #tpu.memory_space<vmem_shared>>)
      tpu.yield
    }) : () -> ()
    %mul3A_2 = arith.constant 312 : i32
    %mul3A_3 = arith.muli %arg1, %mul3A_2 : i32
    %add3A_4 = arith.constant 24 : i32
    %add3A_5 = arith.addi %mul3A_3, %add3A_4 : i32
    "tpu.region"() ({
      %run_scoped3A = tpu.sem_alloc : memref<!tpu.dma_semaphore, #tpu.memory_space<semaphore_mem>>
      %dma_start3A = arith.constant 0 : i32
      %dma_start3A_115 = tpu.memref_slice %arg9[%add3A_5, %dma_start3A] : memref<5008x128xf32, #tpu.memory_space<vmem_shared>> -> memref<24x128xf32, #tpu.memory_space<vmem_shared>>
      %dma_start3A_116 = arith.constant 0 : i32
      %dma_start3A_117 = tpu.memref_slice %arg9[%add3A_5, %dma_start3A_116] : memref<5008x128xf32, #tpu.memory_space<vmem_shared>> -> memref<24x128xf32, #tpu.memory_space<vmem_shared>>
      tpu.enqueue_dma source(%arg8 : memref<24x128xf32, #tpu.memory_space<vmem>>) target(%dma_start3A_117 : memref<24x128xf32, #tpu.memory_space<vmem_shared>>) target_semaphore(%run_scoped3A : memref<!tpu.dma_semaphore, #tpu.memory_space<semaphore_mem>>)
      %dma_wait3A = arith.constant 0 : i32
      %dma_wait3A_118 = tpu.memref_slice %arg9[%add3A_5, %dma_wait3A] : memref<5008x128xf32, #tpu.memory_space<vmem_shared>> -> memref<24x128xf32, #tpu.memory_space<vmem_shared>>
      %dma_wait3A_119 = arith.constant 0 : i32
      %dma_wait3A_120 = tpu.memref_slice %arg9[%add3A_5, %dma_wait3A_119] : memref<5008x128xf32, #tpu.memory_space<vmem_shared>> -> memref<24x128xf32, #tpu.memory_space<vmem_shared>>
      tpu.wait_dma2 semaphore(%run_scoped3A : memref<!tpu.dma_semaphore, #tpu.memory_space<semaphore_mem>>) src(%arg8 : memref<24x128xf32, #tpu.memory_space<vmem>>) dst(%dma_wait3A_120 : memref<24x128xf32, #tpu.memory_space<vmem_shared>>)
      tpu.yield
    }) : () -> ()
    %mul3A_6 = arith.constant 312 : i32
    %mul3A_7 = arith.muli %arg1, %mul3A_6 : i32
    %add3A_8 = arith.constant 48 : i32
    %add3A_9 = arith.addi %mul3A_7, %add3A_8 : i32
    "tpu.region"() ({
      %run_scoped3A = tpu.sem_alloc : memref<!tpu.dma_semaphore, #tpu.memory_space<semaphore_mem>>
      %dma_start3A = arith.constant 0 : i32
      %dma_start3A_115 = tpu.memref_slice %arg9[%add3A_9, %dma_start3A] : memref<5008x128xf32, #tpu.memory_space<vmem_shared>> -> memref<24x128xf32, #tpu.memory_space<vmem_shared>>
      %dma_start3A_116 = arith.constant 0 : i32
      %dma_start3A_117 = tpu.memref_slice %arg9[%add3A_9, %dma_start3A_116] : memref<5008x128xf32, #tpu.memory_space<vmem_shared>> -> memref<24x128xf32, #tpu.memory_space<vmem_shared>>
      tpu.enqueue_dma source(%arg8 : memref<24x128xf32, #tpu.memory_space<vmem>>) target(%dma_start3A_117 : memref<24x128xf32, #tpu.memory_space<vmem_shared>>) target_semaphore(%run_scoped3A : memref<!tpu.dma_semaphore, #tpu.memory_space<semaphore_mem>>)
      %dma_wait3A = arith.constant 0 : i32
      %dma_wait3A_118 = tpu.memref_slice %arg9[%add3A_9, %dma_wait3A] : memref<5008x128xf32, #tpu.memory_space<vmem_shared>> -> memref<24x128xf32, #tpu.memory_space<vmem_shared>>
      %dma_wait3A_119 = arith.constant 0 : i32
      %dma_wait3A_120 = tpu.memref_slice %arg9[%add3A_9, %dma_wait3A_119] : memref<5008x128xf32, #tpu.memory_space<vmem_shared>> -> memref<24x128xf32, #tpu.memory_space<vmem_shared>>
      tpu.wait_dma2 semaphore(%run_scoped3A : memref<!tpu.dma_semaphore, #tpu.memory_space<semaphore_mem>>) src(%arg8 : memref<24x128xf32, #tpu.memory_space<vmem>>) dst(%dma_wait3A_120 : memref<24x128xf32, #tpu.memory_space<vmem_shared>>)
      tpu.yield
    }) : () -> ()
    %mul3A_10 = arith.constant 312 : i32
    %mul3A_11 = arith.muli %arg1, %mul3A_10 : i32
    %add3A_12 = arith.constant 72 : i32
    %add3A_13 = arith.addi %mul3A_11, %add3A_12 : i32
    "tpu.region"() ({
      %run_scoped3A = tpu.sem_alloc : memref<!tpu.dma_semaphore, #tpu.memory_space<semaphore_mem>>
      %dma_start3A = arith.constant 0 : i32
      %dma_start3A_115 = tpu.memref_slice %arg9[%add3A_13, %dma_start3A] : memref<5008x128xf32, #tpu.memory_space<vmem_shared>> -> memref<24x128xf32, #tpu.memory_space<vmem_shared>>
      %dma_start3A_116 = arith.constant 0 : i32
      %dma_start3A_117 = tpu.memref_slice %arg9[%add3A_13, %dma_start3A_116] : memref<5008x128xf32, #tpu.memory_space<vmem_shared>> -> memref<24x128xf32, #tpu.memory_space<vmem_shared>>
      tpu.enqueue_dma source(%arg8 : memref<24x128xf32, #tpu.memory_space<vmem>>) target(%dma_start3A_117 : memref<24x128xf32, #tpu.memory_space<vmem_shared>>) target_semaphore(%run_scoped3A : memref<!tpu.dma_semaphore, #tpu.memory_space<semaphore_mem>>)
      %dma_wait3A = arith.constant 0 : i32
      %dma_wait3A_118 = tpu.memref_slice %arg9[%add3A_13, %dma_wait3A] : memref<5008x128xf32, #tpu.memory_space<vmem_shared>> -> memref<24x128xf32, #tpu.memory_space<vmem_shared>>
      %dma_wait3A_119 = arith.constant 0 : i32
      %dma_wait3A_120 = tpu.memref_slice %arg9[%add3A_13, %dma_wait3A_119] : memref<5008x128xf32, #tpu.memory_space<vmem_shared>> -> memref<24x128xf32, #tpu.memory_space<vmem_shared>>
      tpu.wait_dma2 semaphore(%run_scoped3A : memref<!tpu.dma_semaphore, #tpu.memory_space<semaphore_mem>>) src(%arg8 : memref<24x128xf32, #tpu.memory_space<vmem>>) dst(%dma_wait3A_120 : memref<24x128xf32, #tpu.memory_space<vmem_shared>>)
      tpu.yield
    }) : () -> ()
    %mul3A_14 = arith.constant 312 : i32
    %mul3A_15 = arith.muli %arg1, %mul3A_14 : i32
    %add3A_16 = arith.constant 96 : i32
    %add3A_17 = arith.addi %mul3A_15, %add3A_16 : i32
    "tpu.region"() ({
      %run_scoped3A = tpu.sem_alloc : memref<!tpu.dma_semaphore, #tpu.memory_space<semaphore_mem>>
      %dma_start3A = arith.constant 0 : i32
      %dma_start3A_115 = tpu.memref_slice %arg9[%add3A_17, %dma_start3A] : memref<5008x128xf32, #tpu.memory_space<vmem_shared>> -> memref<24x128xf32, #tpu.memory_space<vmem_shared>>
      %dma_start3A_116 = arith.constant 0 : i32
      %dma_start3A_117 = tpu.memref_slice %arg9[%add3A_17, %dma_start3A_116] : memref<5008x128xf32, #tpu.memory_space<vmem_shared>> -> memref<24x128xf32, #tpu.memory_space<vmem_shared>>
      tpu.enqueue_dma source(%arg8 : memref<24x128xf32, #tpu.memory_space<vmem>>) target(%dma_start3A_117 : memref<24x128xf32, #tpu.memory_space<vmem_shared>>) target_semaphore(%run_scoped3A : memref<!tpu.dma_semaphore, #tpu.memory_space<semaphore_mem>>)
      %dma_wait3A = arith.constant 0 : i32
      %dma_wait3A_118 = tpu.memref_slice %arg9[%add3A_17, %dma_wait3A] : memref<5008x128xf32, #tpu.memory_space<vmem_shared>> -> memref<24x128xf32, #tpu.memory_space<vmem_shared>>
      %dma_wait3A_119 = arith.constant 0 : i32
      %dma_wait3A_120 = tpu.memref_slice %arg9[%add3A_17, %dma_wait3A_119] : memref<5008x128xf32, #tpu.memory_space<vmem_shared>> -> memref<24x128xf32, #tpu.memory_space<vmem_shared>>
      tpu.wait_dma2 semaphore(%run_scoped3A : memref<!tpu.dma_semaphore, #tpu.memory_space<semaphore_mem>>) src(%arg8 : memref<24x128xf32, #tpu.memory_space<vmem>>) dst(%dma_wait3A_120 : memref<24x128xf32, #tpu.memory_space<vmem_shared>>)
      tpu.yield
    }) : () -> ()
    %mul3A_18 = arith.constant 312 : i32
    %mul3A_19 = arith.muli %arg1, %mul3A_18 : i32
    %add3A_20 = arith.constant 120 : i32
    %add3A_21 = arith.addi %mul3A_19, %add3A_20 : i32
    "tpu.region"() ({
      %run_scoped3A = tpu.sem_alloc : memref<!tpu.dma_semaphore, #tpu.memory_space<semaphore_mem>>
      %dma_start3A = arith.constant 0 : i32
      %dma_start3A_115 = tpu.memref_slice %arg9[%add3A_21, %dma_start3A] : memref<5008x128xf32, #tpu.memory_space<vmem_shared>> -> memref<24x128xf32, #tpu.memory_space<vmem_shared>>
      %dma_start3A_116 = arith.constant 0 : i32
      %dma_start3A_117 = tpu.memref_slice %arg9[%add3A_21, %dma_start3A_116] : memref<5008x128xf32, #tpu.memory_space<vmem_shared>> -> memref<24x128xf32, #tpu.memory_space<vmem_shared>>
      tpu.enqueue_dma source(%arg8 : memref<24x128xf32, #tpu.memory_space<vmem>>) target(%dma_start3A_117 : memref<24x128xf32, #tpu.memory_space<vmem_shared>>) target_semaphore(%run_scoped3A : memref<!tpu.dma_semaphore, #tpu.memory_space<semaphore_mem>>)
      %dma_wait3A = arith.constant 0 : i32
      %dma_wait3A_118 = tpu.memref_slice %arg9[%add3A_21, %dma_wait3A] : memref<5008x128xf32, #tpu.memory_space<vmem_shared>> -> memref<24x128xf32, #tpu.memory_space<vmem_shared>>
      %dma_wait3A_119 = arith.constant 0 : i32
      %dma_wait3A_120 = tpu.memref_slice %arg9[%add3A_21, %dma_wait3A_119] : memref<5008x128xf32, #tpu.memory_space<vmem_shared>> -> memref<24x128xf32, #tpu.memory_space<vmem_shared>>
      tpu.wait_dma2 semaphore(%run_scoped3A : memref<!tpu.dma_semaphore, #tpu.memory_space<semaphore_mem>>) src(%arg8 : memref<24x128xf32, #tpu.memory_space<vmem>>) dst(%dma_wait3A_120 : memref<24x128xf32, #tpu.memory_space<vmem_shared>>)
      tpu.yield
    }) : () -> ()
    %mul3A_22 = arith.constant 312 : i32
    %mul3A_23 = arith.muli %arg1, %mul3A_22 : i32
    %add3A_24 = arith.constant 144 : i32
    %add3A_25 = arith.addi %mul3A_23, %add3A_24 : i32
    "tpu.region"() ({
      %run_scoped3A = tpu.sem_alloc : memref<!tpu.dma_semaphore, #tpu.memory_space<semaphore_mem>>
      %dma_start3A = arith.constant 0 : i32
      %dma_start3A_115 = tpu.memref_slice %arg9[%add3A_25, %dma_start3A] : memref<5008x128xf32, #tpu.memory_space<vmem_shared>> -> memref<24x128xf32, #tpu.memory_space<vmem_shared>>
      %dma_start3A_116 = arith.constant 0 : i32
      %dma_start3A_117 = tpu.memref_slice %arg9[%add3A_25, %dma_start3A_116] : memref<5008x128xf32, #tpu.memory_space<vmem_shared>> -> memref<24x128xf32, #tpu.memory_space<vmem_shared>>
      tpu.enqueue_dma source(%arg8 : memref<24x128xf32, #tpu.memory_space<vmem>>) target(%dma_start3A_117 : memref<24x128xf32, #tpu.memory_space<vmem_shared>>) target_semaphore(%run_scoped3A : memref<!tpu.dma_semaphore, #tpu.memory_space<semaphore_mem>>)
      %dma_wait3A = arith.constant 0 : i32
      %dma_wait3A_118 = tpu.memref_slice %arg9[%add3A_25, %dma_wait3A] : memref<5008x128xf32, #tpu.memory_space<vmem_shared>> -> memref<24x128xf32, #tpu.memory_space<vmem_shared>>
      %dma_wait3A_119 = arith.constant 0 : i32
      %dma_wait3A_120 = tpu.memref_slice %arg9[%add3A_25, %dma_wait3A_119] : memref<5008x128xf32, #tpu.memory_space<vmem_shared>> -> memref<24x128xf32, #tpu.memory_space<vmem_shared>>
      tpu.wait_dma2 semaphore(%run_scoped3A : memref<!tpu.dma_semaphore, #tpu.memory_space<semaphore_mem>>) src(%arg8 : memref<24x128xf32, #tpu.memory_space<vmem>>) dst(%dma_wait3A_120 : memref<24x128xf32, #tpu.memory_space<vmem_shared>>)
      tpu.yield
    }) : () -> ()
    %mul3A_26 = arith.constant 312 : i32
    %mul3A_27 = arith.muli %arg1, %mul3A_26 : i32
    %add3A_28 = arith.constant 168 : i32
    %add3A_29 = arith.addi %mul3A_27, %add3A_28 : i32
    "tpu.region"() ({
      %run_scoped3A = tpu.sem_alloc : memref<!tpu.dma_semaphore, #tpu.memory_space<semaphore_mem>>
      %dma_start3A = arith.constant 0 : i32
      %dma_start3A_115 = tpu.memref_slice %arg9[%add3A_29, %dma_start3A] : memref<5008x128xf32, #tpu.memory_space<vmem_shared>> -> memref<24x128xf32, #tpu.memory_space<vmem_shared>>
      %dma_start3A_116 = arith.constant 0 : i32
      %dma_start3A_117 = tpu.memref_slice %arg9[%add3A_29, %dma_start3A_116] : memref<5008x128xf32, #tpu.memory_space<vmem_shared>> -> memref<24x128xf32, #tpu.memory_space<vmem_shared>>
      tpu.enqueue_dma source(%arg8 : memref<24x128xf32, #tpu.memory_space<vmem>>) target(%dma_start3A_117 : memref<24x128xf32, #tpu.memory_space<vmem_shared>>) target_semaphore(%run_scoped3A : memref<!tpu.dma_semaphore, #tpu.memory_space<semaphore_mem>>)
      %dma_wait3A = arith.constant 0 : i32
      %dma_wait3A_118 = tpu.memref_slice %arg9[%add3A_29, %dma_wait3A] : memref<5008x128xf32, #tpu.memory_space<vmem_shared>> -> memref<24x128xf32, #tpu.memory_space<vmem_shared>>
      %dma_wait3A_119 = arith.constant 0 : i32
      %dma_wait3A_120 = tpu.memref_slice %arg9[%add3A_29, %dma_wait3A_119] : memref<5008x128xf32, #tpu.memory_space<vmem_shared>> -> memref<24x128xf32, #tpu.memory_space<vmem_shared>>
      tpu.wait_dma2 semaphore(%run_scoped3A : memref<!tpu.dma_semaphore, #tpu.memory_space<semaphore_mem>>) src(%arg8 : memref<24x128xf32, #tpu.memory_space<vmem>>) dst(%dma_wait3A_120 : memref<24x128xf32, #tpu.memory_space<vmem_shared>>)
      tpu.yield
    }) : () -> ()
    %mul3A_30 = arith.constant 312 : i32
    %mul3A_31 = arith.muli %arg1, %mul3A_30 : i32
    %add3A_32 = arith.constant 192 : i32
    %add3A_33 = arith.addi %mul3A_31, %add3A_32 : i32
    "tpu.region"() ({
      %run_scoped3A = tpu.sem_alloc : memref<!tpu.dma_semaphore, #tpu.memory_space<semaphore_mem>>
      %dma_start3A = arith.constant 0 : i32
      %dma_start3A_115 = tpu.memref_slice %arg9[%add3A_33, %dma_start3A] : memref<5008x128xf32, #tpu.memory_space<vmem_shared>> -> memref<24x128xf32, #tpu.memory_space<vmem_shared>>
      %dma_start3A_116 = arith.constant 0 : i32
      %dma_start3A_117 = tpu.memref_slice %arg9[%add3A_33, %dma_start3A_116] : memref<5008x128xf32, #tpu.memory_space<vmem_shared>> -> memref<24x128xf32, #tpu.memory_space<vmem_shared>>
      tpu.enqueue_dma source(%arg8 : memref<24x128xf32, #tpu.memory_space<vmem>>) target(%dma_start3A_117 : memref<24x128xf32, #tpu.memory_space<vmem_shared>>) target_semaphore(%run_scoped3A : memref<!tpu.dma_semaphore, #tpu.memory_space<semaphore_mem>>)
      %dma_wait3A = arith.constant 0 : i32
      %dma_wait3A_118 = tpu.memref_slice %arg9[%add3A_33, %dma_wait3A] : memref<5008x128xf32, #tpu.memory_space<vmem_shared>> -> memref<24x128xf32, #tpu.memory_space<vmem_shared>>
      %dma_wait3A_119 = arith.constant 0 : i32
      %dma_wait3A_120 = tpu.memref_slice %arg9[%add3A_33, %dma_wait3A_119] : memref<5008x128xf32, #tpu.memory_space<vmem_shared>> -> memref<24x128xf32, #tpu.memory_space<vmem_shared>>
      tpu.wait_dma2 semaphore(%run_scoped3A : memref<!tpu.dma_semaphore, #tpu.memory_space<semaphore_mem>>) src(%arg8 : memref<24x128xf32, #tpu.memory_space<vmem>>) dst(%dma_wait3A_120 : memref<24x128xf32, #tpu.memory_space<vmem_shared>>)
      tpu.yield
    }) : () -> ()
    %mul3A_34 = arith.constant 312 : i32
    %mul3A_35 = arith.muli %arg1, %mul3A_34 : i32
    %add3A_36 = arith.constant 216 : i32
    %add3A_37 = arith.addi %mul3A_35, %add3A_36 : i32
    "tpu.region"() ({
      %run_scoped3A = tpu.sem_alloc : memref<!tpu.dma_semaphore, #tpu.memory_space<semaphore_mem>>
      %dma_start3A = arith.constant 0 : i32
      %dma_start3A_115 = tpu.memref_slice %arg9[%add3A_37, %dma_start3A] : memref<5008x128xf32, #tpu.memory_space<vmem_shared>> -> memref<24x128xf32, #tpu.memory_space<vmem_shared>>
      %dma_start3A_116 = arith.constant 0 : i32
      %dma_start3A_117 = tpu.memref_slice %arg9[%add3A_37, %dma_start3A_116] : memref<5008x128xf32, #tpu.memory_space<vmem_shared>> -> memref<24x128xf32, #tpu.memory_space<vmem_shared>>
      tpu.enqueue_dma source(%arg8 : memref<24x128xf32, #tpu.memory_space<vmem>>) target(%dma_start3A_117 : memref<24x128xf32, #tpu.memory_space<vmem_shared>>) target_semaphore(%run_scoped3A : memref<!tpu.dma_semaphore, #tpu.memory_space<semaphore_mem>>)
      %dma_wait3A = arith.constant 0 : i32
      %dma_wait3A_118 = tpu.memref_slice %arg9[%add3A_37, %dma_wait3A] : memref<5008x128xf32, #tpu.memory_space<vmem_shared>> -> memref<24x128xf32, #tpu.memory_space<vmem_shared>>
      %dma_wait3A_119 = arith.constant 0 : i32
      %dma_wait3A_120 = tpu.memref_slice %arg9[%add3A_37, %dma_wait3A_119] : memref<5008x128xf32, #tpu.memory_space<vmem_shared>> -> memref<24x128xf32, #tpu.memory_space<vmem_shared>>
      tpu.wait_dma2 semaphore(%run_scoped3A : memref<!tpu.dma_semaphore, #tpu.memory_space<semaphore_mem>>) src(%arg8 : memref<24x128xf32, #tpu.memory_space<vmem>>) dst(%dma_wait3A_120 : memref<24x128xf32, #tpu.memory_space<vmem_shared>>)
      tpu.yield
    }) : () -> ()
    %mul3A_38 = arith.constant 312 : i32
    %mul3A_39 = arith.muli %arg1, %mul3A_38 : i32
    %add3A_40 = arith.constant 240 : i32
    %add3A_41 = arith.addi %mul3A_39, %add3A_40 : i32
    "tpu.region"() ({
      %run_scoped3A = tpu.sem_alloc : memref<!tpu.dma_semaphore, #tpu.memory_space<semaphore_mem>>
      %dma_start3A = arith.constant 0 : i32
      %dma_start3A_115 = tpu.memref_slice %arg9[%add3A_41, %dma_start3A] : memref<5008x128xf32, #tpu.memory_space<vmem_shared>> -> memref<24x128xf32, #tpu.memory_space<vmem_shared>>
      %dma_start3A_116 = arith.constant 0 : i32
      %dma_start3A_117 = tpu.memref_slice %arg9[%add3A_41, %dma_start3A_116] : memref<5008x128xf32, #tpu.memory_space<vmem_shared>> -> memref<24x128xf32, #tpu.memory_space<vmem_shared>>
      tpu.enqueue_dma source(%arg8 : memref<24x128xf32, #tpu.memory_space<vmem>>) target(%dma_start3A_117 : memref<24x128xf32, #tpu.memory_space<vmem_shared>>) target_semaphore(%run_scoped3A : memref<!tpu.dma_semaphore, #tpu.memory_space<semaphore_mem>>)
      %dma_wait3A = arith.constant 0 : i32
      %dma_wait3A_118 = tpu.memref_slice %arg9[%add3A_41, %dma_wait3A] : memref<5008x128xf32, #tpu.memory_space<vmem_shared>> -> memref<24x128xf32, #tpu.memory_space<vmem_shared>>
      %dma_wait3A_119 = arith.constant 0 : i32
      %dma_wait3A_120 = tpu.memref_slice %arg9[%add3A_41, %dma_wait3A_119] : memref<5008x128xf32, #tpu.memory_space<vmem_shared>> -> memref<24x128xf32, #tpu.memory_space<vmem_shared>>
      tpu.wait_dma2 semaphore(%run_scoped3A : memref<!tpu.dma_semaphore, #tpu.memory_space<semaphore_mem>>) src(%arg8 : memref<24x128xf32, #tpu.memory_space<vmem>>) dst(%dma_wait3A_120 : memref<24x128xf32, #tpu.memory_space<vmem_shared>>)
      tpu.yield
    }) : () -> ()
    %mul3A_42 = arith.constant 312 : i32
    %mul3A_43 = arith.muli %arg1, %mul3A_42 : i32
    %add3A_44 = arith.constant 264 : i32
    %add3A_45 = arith.addi %mul3A_43, %add3A_44 : i32
    "tpu.region"() ({
      %run_scoped3A = tpu.sem_alloc : memref<!tpu.dma_semaphore, #tpu.memory_space<semaphore_mem>>
      %dma_start3A = arith.constant 0 : i32
      %dma_start3A_115 = tpu.memref_slice %arg9[%add3A_45, %dma_start3A] : memref<5008x128xf32, #tpu.memory_space<vmem_shared>> -> memref<24x128xf32, #tpu.memory_space<vmem_shared>>
      %dma_start3A_116 = arith.constant 0 : i32
      %dma_start3A_117 = tpu.memref_slice %arg9[%add3A_45, %dma_start3A_116] : memref<5008x128xf32, #tpu.memory_space<vmem_shared>> -> memref<24x128xf32, #tpu.memory_space<vmem_shared>>
      tpu.enqueue_dma source(%arg8 : memref<24x128xf32, #tpu.memory_space<vmem>>) target(%dma_start3A_117 : memref<24x128xf32, #tpu.memory_space<vmem_shared>>) target_semaphore(%run_scoped3A : memref<!tpu.dma_semaphore, #tpu.memory_space<semaphore_mem>>)
      %dma_wait3A = arith.constant 0 : i32
      %dma_wait3A_118 = tpu.memref_slice %arg9[%add3A_45, %dma_wait3A] : memref<5008x128xf32, #tpu.memory_space<vmem_shared>> -> memref<24x128xf32, #tpu.memory_space<vmem_shared>>
      %dma_wait3A_119 = arith.constant 0 : i32
      %dma_wait3A_120 = tpu.memref_slice %arg9[%add3A_45, %dma_wait3A_119] : memref<5008x128xf32, #tpu.memory_space<vmem_shared>> -> memref<24x128xf32, #tpu.memory_space<vmem_shared>>
      tpu.wait_dma2 semaphore(%run_scoped3A : memref<!tpu.dma_semaphore, #tpu.memory_space<semaphore_mem>>) src(%arg8 : memref<24x128xf32, #tpu.memory_space<vmem>>) dst(%dma_wait3A_120 : memref<24x128xf32, #tpu.memory_space<vmem_shared>>)
      tpu.yield
    }) : () -> ()
    %mul3A_46 = arith.constant 312 : i32
    %mul3A_47 = arith.muli %arg1, %mul3A_46 : i32
    %add3A_48 = arith.constant 288 : i32
    %add3A_49 = arith.addi %mul3A_47, %add3A_48 : i32
    "tpu.region"() ({
      %run_scoped3A = tpu.sem_alloc : memref<!tpu.dma_semaphore, #tpu.memory_space<semaphore_mem>>
      %dma_start3A = arith.constant 0 : i32
      %dma_start3A_115 = tpu.memref_slice %arg9[%add3A_49, %dma_start3A] : memref<5008x128xf32, #tpu.memory_space<vmem_shared>> -> memref<24x128xf32, #tpu.memory_space<vmem_shared>>
      %dma_start3A_116 = arith.constant 0 : i32
      %dma_start3A_117 = tpu.memref_slice %arg9[%add3A_49, %dma_start3A_116] : memref<5008x128xf32, #tpu.memory_space<vmem_shared>> -> memref<24x128xf32, #tpu.memory_space<vmem_shared>>
      tpu.enqueue_dma source(%arg8 : memref<24x128xf32, #tpu.memory_space<vmem>>) target(%dma_start3A_117 : memref<24x128xf32, #tpu.memory_space<vmem_shared>>) target_semaphore(%run_scoped3A : memref<!tpu.dma_semaphore, #tpu.memory_space<semaphore_mem>>)
      %dma_wait3A = arith.constant 0 : i32
      %dma_wait3A_118 = tpu.memref_slice %arg9[%add3A_49, %dma_wait3A] : memref<5008x128xf32, #tpu.memory_space<vmem_shared>> -> memref<24x128xf32, #tpu.memory_space<vmem_shared>>
      %dma_wait3A_119 = arith.constant 0 : i32
      %dma_wait3A_120 = tpu.memref_slice %arg9[%add3A_49, %dma_wait3A_119] : memref<5008x128xf32, #tpu.memory_space<vmem_shared>> -> memref<24x128xf32, #tpu.memory_space<vmem_shared>>
      tpu.wait_dma2 semaphore(%run_scoped3A : memref<!tpu.dma_semaphore, #tpu.memory_space<semaphore_mem>>) src(%arg8 : memref<24x128xf32, #tpu.memory_space<vmem>>) dst(%dma_wait3A_120 : memref<24x128xf32, #tpu.memory_space<vmem_shared>>)
      tpu.yield
    }) : () -> ()
    %eq3A = arith.constant 0 : i32
    %eq3A_50 = arith.cmpi eq, %arg1, %eq3A : i32
    %convert_element_type3A = arith.extui %eq3A_50 : i1 to i32
    %cond3A = arith.constant 0 : i32
    %cond3A_51 = arith.cmpi ne, %convert_element_type3A, %cond3A : i32
    scf.if %cond3A_51 {
      "tpu.region"() ({
        %run_scoped3A = tpu.sem_alloc : memref<!tpu.dma_semaphore, #tpu.memory_space<semaphore_mem>>
        %dma_start3A = arith.constant 0 : i32
        %dma_start3A_115 = arith.constant 0 : i32
        %dma_start3A_116 = tpu.memref_slice %arg8[%dma_start3A, %dma_start3A_115] : memref<24x128xf32, #tpu.memory_space<vmem>> -> memref<8x128xf32, #tpu.memory_space<vmem>>
        %dma_start3A_117 = arith.constant 4992 : i32
        %dma_start3A_118 = arith.constant 0 : i32
        %dma_start3A_119 = tpu.memref_slice %arg9[%dma_start3A_117, %dma_start3A_118] : memref<5008x128xf32, #tpu.memory_space<vmem_shared>> -> memref<8x128xf32, #tpu.memory_space<vmem_shared>>
        %dma_start3A_120 = arith.constant 4992 : i32
        %dma_start3A_121 = arith.constant 0 : i32
        %dma_start3A_122 = tpu.memref_slice %arg9[%dma_start3A_120, %dma_start3A_121] : memref<5008x128xf32, #tpu.memory_space<vmem_shared>> -> memref<8x128xf32, #tpu.memory_space<vmem_shared>>
        %dma_start3A_123 = arith.constant 0 : i32
        %dma_start3A_124 = arith.constant 0 : i32
        %dma_start3A_125 = tpu.memref_slice %arg8[%dma_start3A_123, %dma_start3A_124] : memref<24x128xf32, #tpu.memory_space<vmem>> -> memref<8x128xf32, #tpu.memory_space<vmem>>
        tpu.enqueue_dma source(%dma_start3A_125 : memref<8x128xf32, #tpu.memory_space<vmem>>) target(%dma_start3A_122 : memref<8x128xf32, #tpu.memory_space<vmem_shared>>) target_semaphore(%run_scoped3A : memref<!tpu.dma_semaphore, #tpu.memory_space<semaphore_mem>>)
        %dma_wait3A = arith.constant 0 : i32
        %dma_wait3A_126 = arith.constant 0 : i32
        %dma_wait3A_127 = tpu.memref_slice %arg8[%dma_wait3A, %dma_wait3A_126] : memref<24x128xf32, #tpu.memory_space<vmem>> -> memref<8x128xf32, #tpu.memory_space<vmem>>
        %dma_wait3A_128 = arith.constant 4992 : i32
        %dma_wait3A_129 = arith.constant 0 : i32
        %dma_wait3A_130 = tpu.memref_slice %arg9[%dma_wait3A_128, %dma_wait3A_129] : memref<5008x128xf32, #tpu.memory_space<vmem_shared>> -> memref<8x128xf32, #tpu.memory_space<vmem_shared>>
        %dma_wait3A_131 = arith.constant 4992 : i32
        %dma_wait3A_132 = arith.constant 0 : i32
        %dma_wait3A_133 = tpu.memref_slice %arg9[%dma_wait3A_131, %dma_wait3A_132] : memref<5008x128xf32, #tpu.memory_space<vmem_shared>> -> memref<8x128xf32, #tpu.memory_space<vmem_shared>>
        %dma_wait3A_134 = arith.constant 0 : i32
        %dma_wait3A_135 = arith.constant 0 : i32
        %dma_wait3A_136 = tpu.memref_slice %arg8[%dma_wait3A_134, %dma_wait3A_135] : memref<24x128xf32, #tpu.memory_space<vmem>> -> memref<8x128xf32, #tpu.memory_space<vmem>>
        tpu.wait_dma2 semaphore(%run_scoped3A : memref<!tpu.dma_semaphore, #tpu.memory_space<semaphore_mem>>) src(%dma_wait3A_136 : memref<8x128xf32, #tpu.memory_space<vmem>>) dst(%dma_wait3A_133 : memref<8x128xf32, #tpu.memory_space<vmem_shared>>)
        tpu.yield
      }) : () -> ()
    } else {
    }
    %barrier3A = arith.constant 0 : index
    tpu.barrier barrier_id(%barrier3A)
    %scan3A = arith.constant 0 : i32
    %scan3A_52 = arith.constant 0 : i32
    %scan3A_53 = arith.constant 250 : i32
    %scan3A_54 = arith.addi %scan3A_52, %scan3A_53 : i32
    %scan3A_55 = arith.constant 1 : i32
    scf.for %scan3A_115 = %scan3A_52 to %scan3A_54 step %scan3A_55  : i32 {
      "tpu.region"() ({
        %run_scoped3A = tpu.sem_alloc : memref<!tpu.dma_semaphore, #tpu.memory_space<semaphore_mem>>
        %dma_start3A = arith.constant 0 : i32
        %dma_start3A_116 = tpu.memref_slice %arg6[%scan3A_115, %dma_start3A] : memref<250x80xi32, #tpu.memory_space<vmem>> -> memref<1x80xi32, #tpu.memory_space<vmem>>
        %dma_start3A_117 = tpu.memref_squeeze %dma_start3A_116 : memref<1x80xi32, #tpu.memory_space<vmem>> -> memref<80xi32, #tpu.memory_space<vmem>>
        %dma_start3A_118 = arith.constant 0 : i32
        %dma_start3A_119 = arith.constant 0 : i32
        %dma_start3A_120 = tpu.memref_slice %arg9[%dma_start3A_118, %dma_start3A_119] : memref<5008x128xf32, #tpu.memory_space<vmem_shared>> -> memref<5008x128xf32, #tpu.memory_space<vmem_shared>>
        tpu.enqueue_indirect_dma source(%arg7 : memref<80x128xf32, #tpu.memory_space<vmem>>) target(%dma_start3A_120 : memref<5008x128xf32, #tpu.memory_space<vmem_shared>>) offsets(%dma_start3A_117 : memref<80xi32, #tpu.memory_space<vmem>>) semaphore(%run_scoped3A : memref<!tpu.dma_semaphore, #tpu.memory_space<semaphore_mem>>) {add = true}
        %dma_wait3A = arith.constant 0 : i32
        %dma_wait3A_121 = tpu.memref_slice %arg6[%scan3A_115, %dma_wait3A] : memref<250x80xi32, #tpu.memory_space<vmem>> -> memref<1x80xi32, #tpu.memory_space<vmem>>
        %dma_wait3A_122 = tpu.memref_squeeze %dma_wait3A_121 : memref<1x80xi32, #tpu.memory_space<vmem>> -> memref<80xi32, #tpu.memory_space<vmem>>
        %dma_wait3A_123 = arith.constant 0 : i32
        %dma_wait3A_124 = arith.constant 0 : i32
        %dma_wait3A_125 = tpu.memref_slice %arg9[%dma_wait3A_123, %dma_wait3A_124] : memref<5008x128xf32, #tpu.memory_space<vmem_shared>> -> memref<5008x128xf32, #tpu.memory_space<vmem_shared>>
        tpu.wait_indirect_dma semaphore(%run_scoped3A : memref<!tpu.dma_semaphore, #tpu.memory_space<semaphore_mem>>) src(%arg7 : memref<80x128xf32, #tpu.memory_space<vmem>>) dst(%dma_wait3A_125 : memref<5008x128xf32, #tpu.memory_space<vmem_shared>>)
        tpu.yield
      }) : () -> ()
    }
    %scan3A_56 = arith.constant 250 : i32
    %barrier3A_57 = arith.constant 0 : index
    tpu.barrier barrier_id(%barrier3A_57)
    %mul3A_58 = arith.constant 312 : i32
    %mul3A_59 = arith.muli %arg1, %mul3A_58 : i32
    %add3A_60 = arith.constant 0 : i32
    %add3A_61 = arith.addi %mul3A_59, %add3A_60 : i32
    "tpu.region"() ({
      %run_scoped3A = tpu.sem_alloc : memref<!tpu.dma_semaphore, #tpu.memory_space<semaphore_mem>>
      %dma_start3A = arith.constant 0 : i32
      %dma_start3A_115 = tpu.memref_slice %arg9[%add3A_61, %dma_start3A] : memref<5008x128xf32, #tpu.memory_space<vmem_shared>> -> memref<24x128xf32, #tpu.memory_space<vmem_shared>>
      %dma_start3A_116 = arith.constant 0 : i32
      %dma_start3A_117 = tpu.memref_slice %arg9[%add3A_61, %dma_start3A_116] : memref<5008x128xf32, #tpu.memory_space<vmem_shared>> -> memref<24x128xf32, #tpu.memory_space<vmem_shared>>
      tpu.enqueue_dma source(%dma_start3A_117 : memref<24x128xf32, #tpu.memory_space<vmem_shared>>) target(%arg8 : memref<24x128xf32, #tpu.memory_space<vmem>>) target_semaphore(%run_scoped3A : memref<!tpu.dma_semaphore, #tpu.memory_space<semaphore_mem>>)
      %dma_wait3A = arith.constant 0 : i32
      %dma_wait3A_118 = tpu.memref_slice %arg9[%add3A_61, %dma_wait3A] : memref<5008x128xf32, #tpu.memory_space<vmem_shared>> -> memref<24x128xf32, #tpu.memory_space<vmem_shared>>
      %dma_wait3A_119 = arith.constant 0 : i32
      %dma_wait3A_120 = tpu.memref_slice %arg9[%add3A_61, %dma_wait3A_119] : memref<5008x128xf32, #tpu.memory_space<vmem_shared>> -> memref<24x128xf32, #tpu.memory_space<vmem_shared>>
      tpu.wait_dma2 semaphore(%run_scoped3A : memref<!tpu.dma_semaphore, #tpu.memory_space<semaphore_mem>>) src(%dma_wait3A_120 : memref<24x128xf32, #tpu.memory_space<vmem_shared>>) dst(%arg8 : memref<24x128xf32, #tpu.memory_space<vmem>>)
      tpu.yield
    }) : () -> ()
    "tpu.region"() ({
      %run_scoped3A = tpu.sem_alloc : memref<!tpu.dma_semaphore, #tpu.memory_space<semaphore_mem>>
      %dma_start3A = arith.constant 0 : i32
      %dma_start3A_115 = tpu.memref_slice %arg5[%arg0, %add3A_61, %dma_start3A] : memref<2x5000x128xf32, #tpu.memory_space<hbm>> -> memref<1x24x128xf32, #tpu.memory_space<hbm>>
      %dma_start3A_116 = tpu.memref_squeeze %dma_start3A_115 : memref<1x24x128xf32, #tpu.memory_space<hbm>> -> memref<24x128xf32, #tpu.memory_space<hbm>>
      %dma_start3A_117 = arith.constant 0 : i32
      %dma_start3A_118 = tpu.memref_slice %arg5[%arg0, %add3A_61, %dma_start3A_117] : memref<2x5000x128xf32, #tpu.memory_space<hbm>> -> memref<1x24x128xf32, #tpu.memory_space<hbm>>
      %dma_start3A_119 = tpu.memref_squeeze %dma_start3A_118 : memref<1x24x128xf32, #tpu.memory_space<hbm>> -> memref<24x128xf32, #tpu.memory_space<hbm>>
      tpu.enqueue_dma source(%arg8 : memref<24x128xf32, #tpu.memory_space<vmem>>) target(%dma_start3A_119 : memref<24x128xf32, #tpu.memory_space<hbm>>) target_semaphore(%run_scoped3A : memref<!tpu.dma_semaphore, #tpu.memory_space<semaphore_mem>>)
      %dma_wait3A = arith.constant 0 : i32
      %dma_wait3A_120 = tpu.memref_slice %arg5[%arg0, %add3A_61, %dma_wait3A] : memref<2x5000x128xf32, #tpu.memory_space<hbm>> -> memref<1x24x128xf32, #tpu.memory_space<hbm>>
      %dma_wait3A_121 = tpu.memref_squeeze %dma_wait3A_120 : memref<1x24x128xf32, #tpu.memory_space<hbm>> -> memref<24x128xf32, #tpu.memory_space<hbm>>
      %dma_wait3A_122 = arith.constant 0 : i32
      %dma_wait3A_123 = tpu.memref_slice %arg5[%arg0, %add3A_61, %dma_wait3A_122] : memref<2x5000x128xf32, #tpu.memory_space<hbm>> -> memref<1x24x128xf32, #tpu.memory_space<hbm>>
      %dma_wait3A_124 = tpu.memref_squeeze %dma_wait3A_123 : memref<1x24x128xf32, #tpu.memory_space<hbm>> -> memref<24x128xf32, #tpu.memory_space<hbm>>
      tpu.wait_dma2 semaphore(%run_scoped3A : memref<!tpu.dma_semaphore, #tpu.memory_space<semaphore_mem>>) src(%arg8 : memref<24x128xf32, #tpu.memory_space<vmem>>) dst(%dma_wait3A_124 : memref<24x128xf32, #tpu.memory_space<hbm>>)
      tpu.yield
    }) : () -> ()
    %mul3A_62 = arith.constant 312 : i32
    %mul3A_63 = arith.muli %arg1, %mul3A_62 : i32
    %add3A_64 = arith.constant 24 : i32
    %add3A_65 = arith.addi %mul3A_63, %add3A_64 : i32
    "tpu.region"() ({
      %run_scoped3A = tpu.sem_alloc : memref<!tpu.dma_semaphore, #tpu.memory_space<semaphore_mem>>
      %dma_start3A = arith.constant 0 : i32
      %dma_start3A_115 = tpu.memref_slice %arg9[%add3A_65, %dma_start3A] : memref<5008x128xf32, #tpu.memory_space<vmem_shared>> -> memref<24x128xf32, #tpu.memory_space<vmem_shared>>
      %dma_start3A_116 = arith.constant 0 : i32
      %dma_start3A_117 = tpu.memref_slice %arg9[%add3A_65, %dma_start3A_116] : memref<5008x128xf32, #tpu.memory_space<vmem_shared>> -> memref<24x128xf32, #tpu.memory_space<vmem_shared>>
      tpu.enqueue_dma source(%dma_start3A_117 : memref<24x128xf32, #tpu.memory_space<vmem_shared>>) target(%arg8 : memref<24x128xf32, #tpu.memory_space<vmem>>) target_semaphore(%run_scoped3A : memref<!tpu.dma_semaphore, #tpu.memory_space<semaphore_mem>>)
      %dma_wait3A = arith.constant 0 : i32
      %dma_wait3A_118 = tpu.memref_slice %arg9[%add3A_65, %dma_wait3A] : memref<5008x128xf32, #tpu.memory_space<vmem_shared>> -> memref<24x128xf32, #tpu.memory_space<vmem_shared>>
      %dma_wait3A_119 = arith.constant 0 : i32
      %dma_wait3A_120 = tpu.memref_slice %arg9[%add3A_65, %dma_wait3A_119] : memref<5008x128xf32, #tpu.memory_space<vmem_shared>> -> memref<24x128xf32, #tpu.memory_space<vmem_shared>>
      tpu.wait_dma2 semaphore(%run_scoped3A : memref<!tpu.dma_semaphore, #tpu.memory_space<semaphore_mem>>) src(%dma_wait3A_120 : memref<24x128xf32, #tpu.memory_space<vmem_shared>>) dst(%arg8 : memref<24x128xf32, #tpu.memory_space<vmem>>)
      tpu.yield
    }) : () -> ()
    "tpu.region"() ({
      %run_scoped3A = tpu.sem_alloc : memref<!tpu.dma_semaphore, #tpu.memory_space<semaphore_mem>>
      %dma_start3A = arith.constant 0 : i32
      %dma_start3A_115 = tpu.memref_slice %arg5[%arg0, %add3A_65, %dma_start3A] : memref<2x5000x128xf32, #tpu.memory_space<hbm>> -> memref<1x24x128xf32, #tpu.memory_space<hbm>>
      %dma_start3A_116 = tpu.memref_squeeze %dma_start3A_115 : memref<1x24x128xf32, #tpu.memory_space<hbm>> -> memref<24x128xf32, #tpu.memory_space<hbm>>
      %dma_start3A_117 = arith.constant 0 : i32
      %dma_start3A_118 = tpu.memref_slice %arg5[%arg0, %add3A_65, %dma_start3A_117] : memref<2x5000x128xf32, #tpu.memory_space<hbm>> -> memref<1x24x128xf32, #tpu.memory_space<hbm>>
      %dma_start3A_119 = tpu.memref_squeeze %dma_start3A_118 : memref<1x24x128xf32, #tpu.memory_space<hbm>> -> memref<24x128xf32, #tpu.memory_space<hbm>>
      tpu.enqueue_dma source(%arg8 : memref<24x128xf32, #tpu.memory_space<vmem>>) target(%dma_start3A_119 : memref<24x128xf32, #tpu.memory_space<hbm>>) target_semaphore(%run_scoped3A : memref<!tpu.dma_semaphore, #tpu.memory_space<semaphore_mem>>)
      %dma_wait3A = arith.constant 0 : i32
      %dma_wait3A_120 = tpu.memref_slice %arg5[%arg0, %add3A_65, %dma_wait3A] : memref<2x5000x128xf32, #tpu.memory_space<hbm>> -> memref<1x24x128xf32, #tpu.memory_space<hbm>>
      %dma_wait3A_121 = tpu.memref_squeeze %dma_wait3A_120 : memref<1x24x128xf32, #tpu.memory_space<hbm>> -> memref<24x128xf32, #tpu.memory_space<hbm>>
      %dma_wait3A_122 = arith.constant 0 : i32
      %dma_wait3A_123 = tpu.memref_slice %arg5[%arg0, %add3A_65, %dma_wait3A_122] : memref<2x5000x128xf32, #tpu.memory_space<hbm>> -> memref<1x24x128xf32, #tpu.memory_space<hbm>>
      %dma_wait3A_124 = tpu.memref_squeeze %dma_wait3A_123 : memref<1x24x128xf32, #tpu.memory_space<hbm>> -> memref<24x128xf32, #tpu.memory_space<hbm>>
      tpu.wait_dma2 semaphore(%run_scoped3A : memref<!tpu.dma_semaphore, #tpu.memory_space<semaphore_mem>>) src(%arg8 : memref<24x128xf32, #tpu.memory_space<vmem>>) dst(%dma_wait3A_124 : memref<24x128xf32, #tpu.memory_space<hbm>>)
      tpu.yield
    }) : () -> ()
    %mul3A_66 = arith.constant 312 : i32
    %mul3A_67 = arith.muli %arg1, %mul3A_66 : i32
    %add3A_68 = arith.constant 48 : i32
    %add3A_69 = arith.addi %mul3A_67, %add3A_68 : i32
    "tpu.region"() ({
      %run_scoped3A = tpu.sem_alloc : memref<!tpu.dma_semaphore, #tpu.memory_space<semaphore_mem>>
      %dma_start3A = arith.constant 0 : i32
      %dma_start3A_115 = tpu.memref_slice %arg9[%add3A_69, %dma_start3A] : memref<5008x128xf32, #tpu.memory_space<vmem_shared>> -> memref<24x128xf32, #tpu.memory_space<vmem_shared>>
      %dma_start3A_116 = arith.constant 0 : i32
      %dma_start3A_117 = tpu.memref_slice %arg9[%add3A_69, %dma_start3A_116] : memref<5008x128xf32, #tpu.memory_space<vmem_shared>> -> memref<24x128xf32, #tpu.memory_space<vmem_shared>>
      tpu.enqueue_dma source(%dma_start3A_117 : memref<24x128xf32, #tpu.memory_space<vmem_shared>>) target(%arg8 : memref<24x128xf32, #tpu.memory_space<vmem>>) target_semaphore(%run_scoped3A : memref<!tpu.dma_semaphore, #tpu.memory_space<semaphore_mem>>)
      %dma_wait3A = arith.constant 0 : i32
      %dma_wait3A_118 = tpu.memref_slice %arg9[%add3A_69, %dma_wait3A] : memref<5008x128xf32, #tpu.memory_space<vmem_shared>> -> memref<24x128xf32, #tpu.memory_space<vmem_shared>>
      %dma_wait3A_119 = arith.constant 0 : i32
      %dma_wait3A_120 = tpu.memref_slice %arg9[%add3A_69, %dma_wait3A_119] : memref<5008x128xf32, #tpu.memory_space<vmem_shared>> -> memref<24x128xf32, #tpu.memory_space<vmem_shared>>
      tpu.wait_dma2 semaphore(%run_scoped3A : memref<!tpu.dma_semaphore, #tpu.memory_space<semaphore_mem>>) src(%dma_wait3A_120 : memref<24x128xf32, #tpu.memory_space<vmem_shared>>) dst(%arg8 : memref<24x128xf32, #tpu.memory_space<vmem>>)
      tpu.yield
    }) : () -> ()
    "tpu.region"() ({
      %run_scoped3A = tpu.sem_alloc : memref<!tpu.dma_semaphore, #tpu.memory_space<semaphore_mem>>
      %dma_start3A = arith.constant 0 : i32
      %dma_start3A_115 = tpu.memref_slice %arg5[%arg0, %add3A_69, %dma_start3A] : memref<2x5000x128xf32, #tpu.memory_space<hbm>> -> memref<1x24x128xf32, #tpu.memory_space<hbm>>
      %dma_start3A_116 = tpu.memref_squeeze %dma_start3A_115 : memref<1x24x128xf32, #tpu.memory_space<hbm>> -> memref<24x128xf32, #tpu.memory_space<hbm>>
      %dma_start3A_117 = arith.constant 0 : i32
      %dma_start3A_118 = tpu.memref_slice %arg5[%arg0, %add3A_69, %dma_start3A_117] : memref<2x5000x128xf32, #tpu.memory_space<hbm>> -> memref<1x24x128xf32, #tpu.memory_space<hbm>>
      %dma_start3A_119 = tpu.memref_squeeze %dma_start3A_118 : memref<1x24x128xf32, #tpu.memory_space<hbm>> -> memref<24x128xf32, #tpu.memory_space<hbm>>
      tpu.enqueue_dma source(%arg8 : memref<24x128xf32, #tpu.memory_space<vmem>>) target(%dma_start3A_119 : memref<24x128xf32, #tpu.memory_space<hbm>>) target_semaphore(%run_scoped3A : memref<!tpu.dma_semaphore, #tpu.memory_space<semaphore_mem>>)
      %dma_wait3A = arith.constant 0 : i32
      %dma_wait3A_120 = tpu.memref_slice %arg5[%arg0, %add3A_69, %dma_wait3A] : memref<2x5000x128xf32, #tpu.memory_space<hbm>> -> memref<1x24x128xf32, #tpu.memory_space<hbm>>
      %dma_wait3A_121 = tpu.memref_squeeze %dma_wait3A_120 : memref<1x24x128xf32, #tpu.memory_space<hbm>> -> memref<24x128xf32, #tpu.memory_space<hbm>>
      %dma_wait3A_122 = arith.constant 0 : i32
      %dma_wait3A_123 = tpu.memref_slice %arg5[%arg0, %add3A_69, %dma_wait3A_122] : memref<2x5000x128xf32, #tpu.memory_space<hbm>> -> memref<1x24x128xf32, #tpu.memory_space<hbm>>
      %dma_wait3A_124 = tpu.memref_squeeze %dma_wait3A_123 : memref<1x24x128xf32, #tpu.memory_space<hbm>> -> memref<24x128xf32, #tpu.memory_space<hbm>>
      tpu.wait_dma2 semaphore(%run_scoped3A : memref<!tpu.dma_semaphore, #tpu.memory_space<semaphore_mem>>) src(%arg8 : memref<24x128xf32, #tpu.memory_space<vmem>>) dst(%dma_wait3A_124 : memref<24x128xf32, #tpu.memory_space<hbm>>)
      tpu.yield
    }) : () -> ()
    %mul3A_70 = arith.constant 312 : i32
    %mul3A_71 = arith.muli %arg1, %mul3A_70 : i32
    %add3A_72 = arith.constant 72 : i32
    %add3A_73 = arith.addi %mul3A_71, %add3A_72 : i32
    "tpu.region"() ({
      %run_scoped3A = tpu.sem_alloc : memref<!tpu.dma_semaphore, #tpu.memory_space<semaphore_mem>>
      %dma_start3A = arith.constant 0 : i32
      %dma_start3A_115 = tpu.memref_slice %arg9[%add3A_73, %dma_start3A] : memref<5008x128xf32, #tpu.memory_space<vmem_shared>> -> memref<24x128xf32, #tpu.memory_space<vmem_shared>>
      %dma_start3A_116 = arith.constant 0 : i32
      %dma_start3A_117 = tpu.memref_slice %arg9[%add3A_73, %dma_start3A_116] : memref<5008x128xf32, #tpu.memory_space<vmem_shared>> -> memref<24x128xf32, #tpu.memory_space<vmem_shared>>
      tpu.enqueue_dma source(%dma_start3A_117 : memref<24x128xf32, #tpu.memory_space<vmem_shared>>) target(%arg8 : memref<24x128xf32, #tpu.memory_space<vmem>>) target_semaphore(%run_scoped3A : memref<!tpu.dma_semaphore, #tpu.memory_space<semaphore_mem>>)
      %dma_wait3A = arith.constant 0 : i32
      %dma_wait3A_118 = tpu.memref_slice %arg9[%add3A_73, %dma_wait3A] : memref<5008x128xf32, #tpu.memory_space<vmem_shared>> -> memref<24x128xf32, #tpu.memory_space<vmem_shared>>
      %dma_wait3A_119 = arith.constant 0 : i32
      %dma_wait3A_120 = tpu.memref_slice %arg9[%add3A_73, %dma_wait3A_119] : memref<5008x128xf32, #tpu.memory_space<vmem_shared>> -> memref<24x128xf32, #tpu.memory_space<vmem_shared>>
      tpu.wait_dma2 semaphore(%run_scoped3A : memref<!tpu.dma_semaphore, #tpu.memory_space<semaphore_mem>>) src(%dma_wait3A_120 : memref<24x128xf32, #tpu.memory_space<vmem_shared>>) dst(%arg8 : memref<24x128xf32, #tpu.memory_space<vmem>>)
      tpu.yield
    }) : () -> ()
    "tpu.region"() ({
      %run_scoped3A = tpu.sem_alloc : memref<!tpu.dma_semaphore, #tpu.memory_space<semaphore_mem>>
      %dma_start3A = arith.constant 0 : i32
      %dma_start3A_115 = tpu.memref_slice %arg5[%arg0, %add3A_73, %dma_start3A] : memref<2x5000x128xf32, #tpu.memory_space<hbm>> -> memref<1x24x128xf32, #tpu.memory_space<hbm>>
      %dma_start3A_116 = tpu.memref_squeeze %dma_start3A_115 : memref<1x24x128xf32, #tpu.memory_space<hbm>> -> memref<24x128xf32, #tpu.memory_space<hbm>>
      %dma_start3A_117 = arith.constant 0 : i32
      %dma_start3A_118 = tpu.memref_slice %arg5[%arg0, %add3A_73, %dma_start3A_117] : memref<2x5000x128xf32, #tpu.memory_space<hbm>> -> memref<1x24x128xf32, #tpu.memory_space<hbm>>
      %dma_start3A_119 = tpu.memref_squeeze %dma_start3A_118 : memref<1x24x128xf32, #tpu.memory_space<hbm>> -> memref<24x128xf32, #tpu.memory_space<hbm>>
      tpu.enqueue_dma source(%arg8 : memref<24x128xf32, #tpu.memory_space<vmem>>) target(%dma_start3A_119 : memref<24x128xf32, #tpu.memory_space<hbm>>) target_semaphore(%run_scoped3A : memref<!tpu.dma_semaphore, #tpu.memory_space<semaphore_mem>>)
      %dma_wait3A = arith.constant 0 : i32
      %dma_wait3A_120 = tpu.memref_slice %arg5[%arg0, %add3A_73, %dma_wait3A] : memref<2x5000x128xf32, #tpu.memory_space<hbm>> -> memref<1x24x128xf32, #tpu.memory_space<hbm>>
      %dma_wait3A_121 = tpu.memref_squeeze %dma_wait3A_120 : memref<1x24x128xf32, #tpu.memory_space<hbm>> -> memref<24x128xf32, #tpu.memory_space<hbm>>
      %dma_wait3A_122 = arith.constant 0 : i32
      %dma_wait3A_123 = tpu.memref_slice %arg5[%arg0, %add3A_73, %dma_wait3A_122] : memref<2x5000x128xf32, #tpu.memory_space<hbm>> -> memref<1x24x128xf32, #tpu.memory_space<hbm>>
      %dma_wait3A_124 = tpu.memref_squeeze %dma_wait3A_123 : memref<1x24x128xf32, #tpu.memory_space<hbm>> -> memref<24x128xf32, #tpu.memory_space<hbm>>
      tpu.wait_dma2 semaphore(%run_scoped3A : memref<!tpu.dma_semaphore, #tpu.memory_space<semaphore_mem>>) src(%arg8 : memref<24x128xf32, #tpu.memory_space<vmem>>) dst(%dma_wait3A_124 : memref<24x128xf32, #tpu.memory_space<hbm>>)
      tpu.yield
    }) : () -> ()
    %mul3A_74 = arith.constant 312 : i32
    %mul3A_75 = arith.muli %arg1, %mul3A_74 : i32
    %add3A_76 = arith.constant 96 : i32
    %add3A_77 = arith.addi %mul3A_75, %add3A_76 : i32
    "tpu.region"() ({
      %run_scoped3A = tpu.sem_alloc : memref<!tpu.dma_semaphore, #tpu.memory_space<semaphore_mem>>
      %dma_start3A = arith.constant 0 : i32
      %dma_start3A_115 = tpu.memref_slice %arg9[%add3A_77, %dma_start3A] : memref<5008x128xf32, #tpu.memory_space<vmem_shared>> -> memref<24x128xf32, #tpu.memory_space<vmem_shared>>
      %dma_start3A_116 = arith.constant 0 : i32
      %dma_start3A_117 = tpu.memref_slice %arg9[%add3A_77, %dma_start3A_116] : memref<5008x128xf32, #tpu.memory_space<vmem_shared>> -> memref<24x128xf32, #tpu.memory_space<vmem_shared>>
      tpu.enqueue_dma source(%dma_start3A_117 : memref<24x128xf32, #tpu.memory_space<vmem_shared>>) target(%arg8 : memref<24x128xf32, #tpu.memory_space<vmem>>) target_semaphore(%run_scoped3A : memref<!tpu.dma_semaphore, #tpu.memory_space<semaphore_mem>>)
      %dma_wait3A = arith.constant 0 : i32
      %dma_wait3A_118 = tpu.memref_slice %arg9[%add3A_77, %dma_wait3A] : memref<5008x128xf32, #tpu.memory_space<vmem_shared>> -> memref<24x128xf32, #tpu.memory_space<vmem_shared>>
      %dma_wait3A_119 = arith.constant 0 : i32
      %dma_wait3A_120 = tpu.memref_slice %arg9[%add3A_77, %dma_wait3A_119] : memref<5008x128xf32, #tpu.memory_space<vmem_shared>> -> memref<24x128xf32, #tpu.memory_space<vmem_shared>>
      tpu.wait_dma2 semaphore(%run_scoped3A : memref<!tpu.dma_semaphore, #tpu.memory_space<semaphore_mem>>) src(%dma_wait3A_120 : memref<24x128xf32, #tpu.memory_space<vmem_shared>>) dst(%arg8 : memref<24x128xf32, #tpu.memory_space<vmem>>)
      tpu.yield
    }) : () -> ()
    "tpu.region"() ({
      %run_scoped3A = tpu.sem_alloc : memref<!tpu.dma_semaphore, #tpu.memory_space<semaphore_mem>>
      %dma_start3A = arith.constant 0 : i32
      %dma_start3A_115 = tpu.memref_slice %arg5[%arg0, %add3A_77, %dma_start3A] : memref<2x5000x128xf32, #tpu.memory_space<hbm>> -> memref<1x24x128xf32, #tpu.memory_space<hbm>>
      %dma_start3A_116 = tpu.memref_squeeze %dma_start3A_115 : memref<1x24x128xf32, #tpu.memory_space<hbm>> -> memref<24x128xf32, #tpu.memory_space<hbm>>
      %dma_start3A_117 = arith.constant 0 : i32
      %dma_start3A_118 = tpu.memref_slice %arg5[%arg0, %add3A_77, %dma_start3A_117] : memref<2x5000x128xf32, #tpu.memory_space<hbm>> -> memref<1x24x128xf32, #tpu.memory_space<hbm>>
      %dma_start3A_119 = tpu.memref_squeeze %dma_start3A_118 : memref<1x24x128xf32, #tpu.memory_space<hbm>> -> memref<24x128xf32, #tpu.memory_space<hbm>>
      tpu.enqueue_dma source(%arg8 : memref<24x128xf32, #tpu.memory_space<vmem>>) target(%dma_start3A_119 : memref<24x128xf32, #tpu.memory_space<hbm>>) target_semaphore(%run_scoped3A : memref<!tpu.dma_semaphore, #tpu.memory_space<semaphore_mem>>)
      %dma_wait3A = arith.constant 0 : i32
      %dma_wait3A_120 = tpu.memref_slice %arg5[%arg0, %add3A_77, %dma_wait3A] : memref<2x5000x128xf32, #tpu.memory_space<hbm>> -> memref<1x24x128xf32, #tpu.memory_space<hbm>>
      %dma_wait3A_121 = tpu.memref_squeeze %dma_wait3A_120 : memref<1x24x128xf32, #tpu.memory_space<hbm>> -> memref<24x128xf32, #tpu.memory_space<hbm>>
      %dma_wait3A_122 = arith.constant 0 : i32
      %dma_wait3A_123 = tpu.memref_slice %arg5[%arg0, %add3A_77, %dma_wait3A_122] : memref<2x5000x128xf32, #tpu.memory_space<hbm>> -> memref<1x24x128xf32, #tpu.memory_space<hbm>>
      %dma_wait3A_124 = tpu.memref_squeeze %dma_wait3A_123 : memref<1x24x128xf32, #tpu.memory_space<hbm>> -> memref<24x128xf32, #tpu.memory_space<hbm>>
      tpu.wait_dma2 semaphore(%run_scoped3A : memref<!tpu.dma_semaphore, #tpu.memory_space<semaphore_mem>>) src(%arg8 : memref<24x128xf32, #tpu.memory_space<vmem>>) dst(%dma_wait3A_124 : memref<24x128xf32, #tpu.memory_space<hbm>>)
      tpu.yield
    }) : () -> ()
    %mul3A_78 = arith.constant 312 : i32
    %mul3A_79 = arith.muli %arg1, %mul3A_78 : i32
    %add3A_80 = arith.constant 120 : i32
    %add3A_81 = arith.addi %mul3A_79, %add3A_80 : i32
    "tpu.region"() ({
      %run_scoped3A = tpu.sem_alloc : memref<!tpu.dma_semaphore, #tpu.memory_space<semaphore_mem>>
      %dma_start3A = arith.constant 0 : i32
      %dma_start3A_115 = tpu.memref_slice %arg9[%add3A_81, %dma_start3A] : memref<5008x128xf32, #tpu.memory_space<vmem_shared>> -> memref<24x128xf32, #tpu.memory_space<vmem_shared>>
      %dma_start3A_116 = arith.constant 0 : i32
      %dma_start3A_117 = tpu.memref_slice %arg9[%add3A_81, %dma_start3A_116] : memref<5008x128xf32, #tpu.memory_space<vmem_shared>> -> memref<24x128xf32, #tpu.memory_space<vmem_shared>>
      tpu.enqueue_dma source(%dma_start3A_117 : memref<24x128xf32, #tpu.memory_space<vmem_shared>>) target(%arg8 : memref<24x128xf32, #tpu.memory_space<vmem>>) target_semaphore(%run_scoped3A : memref<!tpu.dma_semaphore, #tpu.memory_space<semaphore_mem>>)
      %dma_wait3A = arith.constant 0 : i32
      %dma_wait3A_118 = tpu.memref_slice %arg9[%add3A_81, %dma_wait3A] : memref<5008x128xf32, #tpu.memory_space<vmem_shared>> -> memref<24x128xf32, #tpu.memory_space<vmem_shared>>
      %dma_wait3A_119 = arith.constant 0 : i32
      %dma_wait3A_120 = tpu.memref_slice %arg9[%add3A_81, %dma_wait3A_119] : memref<5008x128xf32, #tpu.memory_space<vmem_shared>> -> memref<24x128xf32, #tpu.memory_space<vmem_shared>>
      tpu.wait_dma2 semaphore(%run_scoped3A : memref<!tpu.dma_semaphore, #tpu.memory_space<semaphore_mem>>) src(%dma_wait3A_120 : memref<24x128xf32, #tpu.memory_space<vmem_shared>>) dst(%arg8 : memref<24x128xf32, #tpu.memory_space<vmem>>)
      tpu.yield
    }) : () -> ()
    "tpu.region"() ({
      %run_scoped3A = tpu.sem_alloc : memref<!tpu.dma_semaphore, #tpu.memory_space<semaphore_mem>>
      %dma_start3A = arith.constant 0 : i32
      %dma_start3A_115 = tpu.memref_slice %arg5[%arg0, %add3A_81, %dma_start3A] : memref<2x5000x128xf32, #tpu.memory_space<hbm>> -> memref<1x24x128xf32, #tpu.memory_space<hbm>>
      %dma_start3A_116 = tpu.memref_squeeze %dma_start3A_115 : memref<1x24x128xf32, #tpu.memory_space<hbm>> -> memref<24x128xf32, #tpu.memory_space<hbm>>
      %dma_start3A_117 = arith.constant 0 : i32
      %dma_start3A_118 = tpu.memref_slice %arg5[%arg0, %add3A_81, %dma_start3A_117] : memref<2x5000x128xf32, #tpu.memory_space<hbm>> -> memref<1x24x128xf32, #tpu.memory_space<hbm>>
      %dma_start3A_119 = tpu.memref_squeeze %dma_start3A_118 : memref<1x24x128xf32, #tpu.memory_space<hbm>> -> memref<24x128xf32, #tpu.memory_space<hbm>>
      tpu.enqueue_dma source(%arg8 : memref<24x128xf32, #tpu.memory_space<vmem>>) target(%dma_start3A_119 : memref<24x128xf32, #tpu.memory_space<hbm>>) target_semaphore(%run_scoped3A : memref<!tpu.dma_semaphore, #tpu.memory_space<semaphore_mem>>)
      %dma_wait3A = arith.constant 0 : i32
      %dma_wait3A_120 = tpu.memref_slice %arg5[%arg0, %add3A_81, %dma_wait3A] : memref<2x5000x128xf32, #tpu.memory_space<hbm>> -> memref<1x24x128xf32, #tpu.memory_space<hbm>>
      %dma_wait3A_121 = tpu.memref_squeeze %dma_wait3A_120 : memref<1x24x128xf32, #tpu.memory_space<hbm>> -> memref<24x128xf32, #tpu.memory_space<hbm>>
      %dma_wait3A_122 = arith.constant 0 : i32
      %dma_wait3A_123 = tpu.memref_slice %arg5[%arg0, %add3A_81, %dma_wait3A_122] : memref<2x5000x128xf32, #tpu.memory_space<hbm>> -> memref<1x24x128xf32, #tpu.memory_space<hbm>>
      %dma_wait3A_124 = tpu.memref_squeeze %dma_wait3A_123 : memref<1x24x128xf32, #tpu.memory_space<hbm>> -> memref<24x128xf32, #tpu.memory_space<hbm>>
      tpu.wait_dma2 semaphore(%run_scoped3A : memref<!tpu.dma_semaphore, #tpu.memory_space<semaphore_mem>>) src(%arg8 : memref<24x128xf32, #tpu.memory_space<vmem>>) dst(%dma_wait3A_124 : memref<24x128xf32, #tpu.memory_space<hbm>>)
      tpu.yield
    }) : () -> ()
    %mul3A_82 = arith.constant 312 : i32
    %mul3A_83 = arith.muli %arg1, %mul3A_82 : i32
    %add3A_84 = arith.constant 144 : i32
    %add3A_85 = arith.addi %mul3A_83, %add3A_84 : i32
    "tpu.region"() ({
      %run_scoped3A = tpu.sem_alloc : memref<!tpu.dma_semaphore, #tpu.memory_space<semaphore_mem>>
      %dma_start3A = arith.constant 0 : i32
      %dma_start3A_115 = tpu.memref_slice %arg9[%add3A_85, %dma_start3A] : memref<5008x128xf32, #tpu.memory_space<vmem_shared>> -> memref<24x128xf32, #tpu.memory_space<vmem_shared>>
      %dma_start3A_116 = arith.constant 0 : i32
      %dma_start3A_117 = tpu.memref_slice %arg9[%add3A_85, %dma_start3A_116] : memref<5008x128xf32, #tpu.memory_space<vmem_shared>> -> memref<24x128xf32, #tpu.memory_space<vmem_shared>>
      tpu.enqueue_dma source(%dma_start3A_117 : memref<24x128xf32, #tpu.memory_space<vmem_shared>>) target(%arg8 : memref<24x128xf32, #tpu.memory_space<vmem>>) target_semaphore(%run_scoped3A : memref<!tpu.dma_semaphore, #tpu.memory_space<semaphore_mem>>)
      %dma_wait3A = arith.constant 0 : i32
      %dma_wait3A_118 = tpu.memref_slice %arg9[%add3A_85, %dma_wait3A] : memref<5008x128xf32, #tpu.memory_space<vmem_shared>> -> memref<24x128xf32, #tpu.memory_space<vmem_shared>>
      %dma_wait3A_119 = arith.constant 0 : i32
      %dma_wait3A_120 = tpu.memref_slice %arg9[%add3A_85, %dma_wait3A_119] : memref<5008x128xf32, #tpu.memory_space<vmem_shared>> -> memref<24x128xf32, #tpu.memory_space<vmem_shared>>
      tpu.wait_dma2 semaphore(%run_scoped3A : memref<!tpu.dma_semaphore, #tpu.memory_space<semaphore_mem>>) src(%dma_wait3A_120 : memref<24x128xf32, #tpu.memory_space<vmem_shared>>) dst(%arg8 : memref<24x128xf32, #tpu.memory_space<vmem>>)
      tpu.yield
    }) : () -> ()
    "tpu.region"() ({
      %run_scoped3A = tpu.sem_alloc : memref<!tpu.dma_semaphore, #tpu.memory_space<semaphore_mem>>
      %dma_start3A = arith.constant 0 : i32
      %dma_start3A_115 = tpu.memref_slice %arg5[%arg0, %add3A_85, %dma_start3A] : memref<2x5000x128xf32, #tpu.memory_space<hbm>> -> memref<1x24x128xf32, #tpu.memory_space<hbm>>
      %dma_start3A_116 = tpu.memref_squeeze %dma_start3A_115 : memref<1x24x128xf32, #tpu.memory_space<hbm>> -> memref<24x128xf32, #tpu.memory_space<hbm>>
      %dma_start3A_117 = arith.constant 0 : i32
      %dma_start3A_118 = tpu.memref_slice %arg5[%arg0, %add3A_85, %dma_start3A_117] : memref<2x5000x128xf32, #tpu.memory_space<hbm>> -> memref<1x24x128xf32, #tpu.memory_space<hbm>>
      %dma_start3A_119 = tpu.memref_squeeze %dma_start3A_118 : memref<1x24x128xf32, #tpu.memory_space<hbm>> -> memref<24x128xf32, #tpu.memory_space<hbm>>
      tpu.enqueue_dma source(%arg8 : memref<24x128xf32, #tpu.memory_space<vmem>>) target(%dma_start3A_119 : memref<24x128xf32, #tpu.memory_space<hbm>>) target_semaphore(%run_scoped3A : memref<!tpu.dma_semaphore, #tpu.memory_space<semaphore_mem>>)
      %dma_wait3A = arith.constant 0 : i32
      %dma_wait3A_120 = tpu.memref_slice %arg5[%arg0, %add3A_85, %dma_wait3A] : memref<2x5000x128xf32, #tpu.memory_space<hbm>> -> memref<1x24x128xf32, #tpu.memory_space<hbm>>
      %dma_wait3A_121 = tpu.memref_squeeze %dma_wait3A_120 : memref<1x24x128xf32, #tpu.memory_space<hbm>> -> memref<24x128xf32, #tpu.memory_space<hbm>>
      %dma_wait3A_122 = arith.constant 0 : i32
      %dma_wait3A_123 = tpu.memref_slice %arg5[%arg0, %add3A_85, %dma_wait3A_122] : memref<2x5000x128xf32, #tpu.memory_space<hbm>> -> memref<1x24x128xf32, #tpu.memory_space<hbm>>
      %dma_wait3A_124 = tpu.memref_squeeze %dma_wait3A_123 : memref<1x24x128xf32, #tpu.memory_space<hbm>> -> memref<24x128xf32, #tpu.memory_space<hbm>>
      tpu.wait_dma2 semaphore(%run_scoped3A : memref<!tpu.dma_semaphore, #tpu.memory_space<semaphore_mem>>) src(%arg8 : memref<24x128xf32, #tpu.memory_space<vmem>>) dst(%dma_wait3A_124 : memref<24x128xf32, #tpu.memory_space<hbm>>)
      tpu.yield
    }) : () -> ()
    %mul3A_86 = arith.constant 312 : i32
    %mul3A_87 = arith.muli %arg1, %mul3A_86 : i32
    %add3A_88 = arith.constant 168 : i32
    %add3A_89 = arith.addi %mul3A_87, %add3A_88 : i32
    "tpu.region"() ({
      %run_scoped3A = tpu.sem_alloc : memref<!tpu.dma_semaphore, #tpu.memory_space<semaphore_mem>>
      %dma_start3A = arith.constant 0 : i32
      %dma_start3A_115 = tpu.memref_slice %arg9[%add3A_89, %dma_start3A] : memref<5008x128xf32, #tpu.memory_space<vmem_shared>> -> memref<24x128xf32, #tpu.memory_space<vmem_shared>>
      %dma_start3A_116 = arith.constant 0 : i32
      %dma_start3A_117 = tpu.memref_slice %arg9[%add3A_89, %dma_start3A_116] : memref<5008x128xf32, #tpu.memory_space<vmem_shared>> -> memref<24x128xf32, #tpu.memory_space<vmem_shared>>
      tpu.enqueue_dma source(%dma_start3A_117 : memref<24x128xf32, #tpu.memory_space<vmem_shared>>) target(%arg8 : memref<24x128xf32, #tpu.memory_space<vmem>>) target_semaphore(%run_scoped3A : memref<!tpu.dma_semaphore, #tpu.memory_space<semaphore_mem>>)
      %dma_wait3A = arith.constant 0 : i32
      %dma_wait3A_118 = tpu.memref_slice %arg9[%add3A_89, %dma_wait3A] : memref<5008x128xf32, #tpu.memory_space<vmem_shared>> -> memref<24x128xf32, #tpu.memory_space<vmem_shared>>
      %dma_wait3A_119 = arith.constant 0 : i32
      %dma_wait3A_120 = tpu.memref_slice %arg9[%add3A_89, %dma_wait3A_119] : memref<5008x128xf32, #tpu.memory_space<vmem_shared>> -> memref<24x128xf32, #tpu.memory_space<vmem_shared>>
      tpu.wait_dma2 semaphore(%run_scoped3A : memref<!tpu.dma_semaphore, #tpu.memory_space<semaphore_mem>>) src(%dma_wait3A_120 : memref<24x128xf32, #tpu.memory_space<vmem_shared>>) dst(%arg8 : memref<24x128xf32, #tpu.memory_space<vmem>>)
      tpu.yield
    }) : () -> ()
    "tpu.region"() ({
      %run_scoped3A = tpu.sem_alloc : memref<!tpu.dma_semaphore, #tpu.memory_space<semaphore_mem>>
      %dma_start3A = arith.constant 0 : i32
      %dma_start3A_115 = tpu.memref_slice %arg5[%arg0, %add3A_89, %dma_start3A] : memref<2x5000x128xf32, #tpu.memory_space<hbm>> -> memref<1x24x128xf32, #tpu.memory_space<hbm>>
      %dma_start3A_116 = tpu.memref_squeeze %dma_start3A_115 : memref<1x24x128xf32, #tpu.memory_space<hbm>> -> memref<24x128xf32, #tpu.memory_space<hbm>>
      %dma_start3A_117 = arith.constant 0 : i32
      %dma_start3A_118 = tpu.memref_slice %arg5[%arg0, %add3A_89, %dma_start3A_117] : memref<2x5000x128xf32, #tpu.memory_space<hbm>> -> memref<1x24x128xf32, #tpu.memory_space<hbm>>
      %dma_start3A_119 = tpu.memref_squeeze %dma_start3A_118 : memref<1x24x128xf32, #tpu.memory_space<hbm>> -> memref<24x128xf32, #tpu.memory_space<hbm>>
      tpu.enqueue_dma source(%arg8 : memref<24x128xf32, #tpu.memory_space<vmem>>) target(%dma_start3A_119 : memref<24x128xf32, #tpu.memory_space<hbm>>) target_semaphore(%run_scoped3A : memref<!tpu.dma_semaphore, #tpu.memory_space<semaphore_mem>>)
      %dma_wait3A = arith.constant 0 : i32
      %dma_wait3A_120 = tpu.memref_slice %arg5[%arg0, %add3A_89, %dma_wait3A] : memref<2x5000x128xf32, #tpu.memory_space<hbm>> -> memref<1x24x128xf32, #tpu.memory_space<hbm>>
      %dma_wait3A_121 = tpu.memref_squeeze %dma_wait3A_120 : memref<1x24x128xf32, #tpu.memory_space<hbm>> -> memref<24x128xf32, #tpu.memory_space<hbm>>
      %dma_wait3A_122 = arith.constant 0 : i32
      %dma_wait3A_123 = tpu.memref_slice %arg5[%arg0, %add3A_89, %dma_wait3A_122] : memref<2x5000x128xf32, #tpu.memory_space<hbm>> -> memref<1x24x128xf32, #tpu.memory_space<hbm>>
      %dma_wait3A_124 = tpu.memref_squeeze %dma_wait3A_123 : memref<1x24x128xf32, #tpu.memory_space<hbm>> -> memref<24x128xf32, #tpu.memory_space<hbm>>
      tpu.wait_dma2 semaphore(%run_scoped3A : memref<!tpu.dma_semaphore, #tpu.memory_space<semaphore_mem>>) src(%arg8 : memref<24x128xf32, #tpu.memory_space<vmem>>) dst(%dma_wait3A_124 : memref<24x128xf32, #tpu.memory_space<hbm>>)
      tpu.yield
    }) : () -> ()
    %mul3A_90 = arith.constant 312 : i32
    %mul3A_91 = arith.muli %arg1, %mul3A_90 : i32
    %add3A_92 = arith.constant 192 : i32
    %add3A_93 = arith.addi %mul3A_91, %add3A_92 : i32
    "tpu.region"() ({
      %run_scoped3A = tpu.sem_alloc : memref<!tpu.dma_semaphore, #tpu.memory_space<semaphore_mem>>
      %dma_start3A = arith.constant 0 : i32
      %dma_start3A_115 = tpu.memref_slice %arg9[%add3A_93, %dma_start3A] : memref<5008x128xf32, #tpu.memory_space<vmem_shared>> -> memref<24x128xf32, #tpu.memory_space<vmem_shared>>
      %dma_start3A_116 = arith.constant 0 : i32
      %dma_start3A_117 = tpu.memref_slice %arg9[%add3A_93, %dma_start3A_116] : memref<5008x128xf32, #tpu.memory_space<vmem_shared>> -> memref<24x128xf32, #tpu.memory_space<vmem_shared>>
      tpu.enqueue_dma source(%dma_start3A_117 : memref<24x128xf32, #tpu.memory_space<vmem_shared>>) target(%arg8 : memref<24x128xf32, #tpu.memory_space<vmem>>) target_semaphore(%run_scoped3A : memref<!tpu.dma_semaphore, #tpu.memory_space<semaphore_mem>>)
      %dma_wait3A = arith.constant 0 : i32
      %dma_wait3A_118 = tpu.memref_slice %arg9[%add3A_93, %dma_wait3A] : memref<5008x128xf32, #tpu.memory_space<vmem_shared>> -> memref<24x128xf32, #tpu.memory_space<vmem_shared>>
      %dma_wait3A_119 = arith.constant 0 : i32
      %dma_wait3A_120 = tpu.memref_slice %arg9[%add3A_93, %dma_wait3A_119] : memref<5008x128xf32, #tpu.memory_space<vmem_shared>> -> memref<24x128xf32, #tpu.memory_space<vmem_shared>>
      tpu.wait_dma2 semaphore(%run_scoped3A : memref<!tpu.dma_semaphore, #tpu.memory_space<semaphore_mem>>) src(%dma_wait3A_120 : memref<24x128xf32, #tpu.memory_space<vmem_shared>>) dst(%arg8 : memref<24x128xf32, #tpu.memory_space<vmem>>)
      tpu.yield
    }) : () -> ()
    "tpu.region"() ({
      %run_scoped3A = tpu.sem_alloc : memref<!tpu.dma_semaphore, #tpu.memory_space<semaphore_mem>>
      %dma_start3A = arith.constant 0 : i32
      %dma_start3A_115 = tpu.memref_slice %arg5[%arg0, %add3A_93, %dma_start3A] : memref<2x5000x128xf32, #tpu.memory_space<hbm>> -> memref<1x24x128xf32, #tpu.memory_space<hbm>>
      %dma_start3A_116 = tpu.memref_squeeze %dma_start3A_115 : memref<1x24x128xf32, #tpu.memory_space<hbm>> -> memref<24x128xf32, #tpu.memory_space<hbm>>
      %dma_start3A_117 = arith.constant 0 : i32
      %dma_start3A_118 = tpu.memref_slice %arg5[%arg0, %add3A_93, %dma_start3A_117] : memref<2x5000x128xf32, #tpu.memory_space<hbm>> -> memref<1x24x128xf32, #tpu.memory_space<hbm>>
      %dma_start3A_119 = tpu.memref_squeeze %dma_start3A_118 : memref<1x24x128xf32, #tpu.memory_space<hbm>> -> memref<24x128xf32, #tpu.memory_space<hbm>>
      tpu.enqueue_dma source(%arg8 : memref<24x128xf32, #tpu.memory_space<vmem>>) target(%dma_start3A_119 : memref<24x128xf32, #tpu.memory_space<hbm>>) target_semaphore(%run_scoped3A : memref<!tpu.dma_semaphore, #tpu.memory_space<semaphore_mem>>)
      %dma_wait3A = arith.constant 0 : i32
      %dma_wait3A_120 = tpu.memref_slice %arg5[%arg0, %add3A_93, %dma_wait3A] : memref<2x5000x128xf32, #tpu.memory_space<hbm>> -> memref<1x24x128xf32, #tpu.memory_space<hbm>>
      %dma_wait3A_121 = tpu.memref_squeeze %dma_wait3A_120 : memref<1x24x128xf32, #tpu.memory_space<hbm>> -> memref<24x128xf32, #tpu.memory_space<hbm>>
      %dma_wait3A_122 = arith.constant 0 : i32
      %dma_wait3A_123 = tpu.memref_slice %arg5[%arg0, %add3A_93, %dma_wait3A_122] : memref<2x5000x128xf32, #tpu.memory_space<hbm>> -> memref<1x24x128xf32, #tpu.memory_space<hbm>>
      %dma_wait3A_124 = tpu.memref_squeeze %dma_wait3A_123 : memref<1x24x128xf32, #tpu.memory_space<hbm>> -> memref<24x128xf32, #tpu.memory_space<hbm>>
      tpu.wait_dma2 semaphore(%run_scoped3A : memref<!tpu.dma_semaphore, #tpu.memory_space<semaphore_mem>>) src(%arg8 : memref<24x128xf32, #tpu.memory_space<vmem>>) dst(%dma_wait3A_124 : memref<24x128xf32, #tpu.memory_space<hbm>>)
      tpu.yield
    }) : () -> ()
    %mul3A_94 = arith.constant 312 : i32
    %mul3A_95 = arith.muli %arg1, %mul3A_94 : i32
    %add3A_96 = arith.constant 216 : i32
    %add3A_97 = arith.addi %mul3A_95, %add3A_96 : i32
    "tpu.region"() ({
      %run_scoped3A = tpu.sem_alloc : memref<!tpu.dma_semaphore, #tpu.memory_space<semaphore_mem>>
      %dma_start3A = arith.constant 0 : i32
      %dma_start3A_115 = tpu.memref_slice %arg9[%add3A_97, %dma_start3A] : memref<5008x128xf32, #tpu.memory_space<vmem_shared>> -> memref<24x128xf32, #tpu.memory_space<vmem_shared>>
      %dma_start3A_116 = arith.constant 0 : i32
      %dma_start3A_117 = tpu.memref_slice %arg9[%add3A_97, %dma_start3A_116] : memref<5008x128xf32, #tpu.memory_space<vmem_shared>> -> memref<24x128xf32, #tpu.memory_space<vmem_shared>>
      tpu.enqueue_dma source(%dma_start3A_117 : memref<24x128xf32, #tpu.memory_space<vmem_shared>>) target(%arg8 : memref<24x128xf32, #tpu.memory_space<vmem>>) target_semaphore(%run_scoped3A : memref<!tpu.dma_semaphore, #tpu.memory_space<semaphore_mem>>)
      %dma_wait3A = arith.constant 0 : i32
      %dma_wait3A_118 = tpu.memref_slice %arg9[%add3A_97, %dma_wait3A] : memref<5008x128xf32, #tpu.memory_space<vmem_shared>> -> memref<24x128xf32, #tpu.memory_space<vmem_shared>>
      %dma_wait3A_119 = arith.constant 0 : i32
      %dma_wait3A_120 = tpu.memref_slice %arg9[%add3A_97, %dma_wait3A_119] : memref<5008x128xf32, #tpu.memory_space<vmem_shared>> -> memref<24x128xf32, #tpu.memory_space<vmem_shared>>
      tpu.wait_dma2 semaphore(%run_scoped3A : memref<!tpu.dma_semaphore, #tpu.memory_space<semaphore_mem>>) src(%dma_wait3A_120 : memref<24x128xf32, #tpu.memory_space<vmem_shared>>) dst(%arg8 : memref<24x128xf32, #tpu.memory_space<vmem>>)
      tpu.yield
    }) : () -> ()
    "tpu.region"() ({
      %run_scoped3A = tpu.sem_alloc : memref<!tpu.dma_semaphore, #tpu.memory_space<semaphore_mem>>
      %dma_start3A = arith.constant 0 : i32
      %dma_start3A_115 = tpu.memref_slice %arg5[%arg0, %add3A_97, %dma_start3A] : memref<2x5000x128xf32, #tpu.memory_space<hbm>> -> memref<1x24x128xf32, #tpu.memory_space<hbm>>
      %dma_start3A_116 = tpu.memref_squeeze %dma_start3A_115 : memref<1x24x128xf32, #tpu.memory_space<hbm>> -> memref<24x128xf32, #tpu.memory_space<hbm>>
      %dma_start3A_117 = arith.constant 0 : i32
      %dma_start3A_118 = tpu.memref_slice %arg5[%arg0, %add3A_97, %dma_start3A_117] : memref<2x5000x128xf32, #tpu.memory_space<hbm>> -> memref<1x24x128xf32, #tpu.memory_space<hbm>>
      %dma_start3A_119 = tpu.memref_squeeze %dma_start3A_118 : memref<1x24x128xf32, #tpu.memory_space<hbm>> -> memref<24x128xf32, #tpu.memory_space<hbm>>
      tpu.enqueue_dma source(%arg8 : memref<24x128xf32, #tpu.memory_space<vmem>>) target(%dma_start3A_119 : memref<24x128xf32, #tpu.memory_space<hbm>>) target_semaphore(%run_scoped3A : memref<!tpu.dma_semaphore, #tpu.memory_space<semaphore_mem>>)
      %dma_wait3A = arith.constant 0 : i32
      %dma_wait3A_120 = tpu.memref_slice %arg5[%arg0, %add3A_97, %dma_wait3A] : memref<2x5000x128xf32, #tpu.memory_space<hbm>> -> memref<1x24x128xf32, #tpu.memory_space<hbm>>
      %dma_wait3A_121 = tpu.memref_squeeze %dma_wait3A_120 : memref<1x24x128xf32, #tpu.memory_space<hbm>> -> memref<24x128xf32, #tpu.memory_space<hbm>>
      %dma_wait3A_122 = arith.constant 0 : i32
      %dma_wait3A_123 = tpu.memref_slice %arg5[%arg0, %add3A_97, %dma_wait3A_122] : memref<2x5000x128xf32, #tpu.memory_space<hbm>> -> memref<1x24x128xf32, #tpu.memory_space<hbm>>
      %dma_wait3A_124 = tpu.memref_squeeze %dma_wait3A_123 : memref<1x24x128xf32, #tpu.memory_space<hbm>> -> memref<24x128xf32, #tpu.memory_space<hbm>>
      tpu.wait_dma2 semaphore(%run_scoped3A : memref<!tpu.dma_semaphore, #tpu.memory_space<semaphore_mem>>) src(%arg8 : memref<24x128xf32, #tpu.memory_space<vmem>>) dst(%dma_wait3A_124 : memref<24x128xf32, #tpu.memory_space<hbm>>)
      tpu.yield
    }) : () -> ()
    %mul3A_98 = arith.constant 312 : i32
    %mul3A_99 = arith.muli %arg1, %mul3A_98 : i32
    %add3A_100 = arith.constant 240 : i32
    %add3A_101 = arith.addi %mul3A_99, %add3A_100 : i32
    "tpu.region"() ({
      %run_scoped3A = tpu.sem_alloc : memref<!tpu.dma_semaphore, #tpu.memory_space<semaphore_mem>>
      %dma_start3A = arith.constant 0 : i32
      %dma_start3A_115 = tpu.memref_slice %arg9[%add3A_101, %dma_start3A] : memref<5008x128xf32, #tpu.memory_space<vmem_shared>> -> memref<24x128xf32, #tpu.memory_space<vmem_shared>>
      %dma_start3A_116 = arith.constant 0 : i32
      %dma_start3A_117 = tpu.memref_slice %arg9[%add3A_101, %dma_start3A_116] : memref<5008x128xf32, #tpu.memory_space<vmem_shared>> -> memref<24x128xf32, #tpu.memory_space<vmem_shared>>
      tpu.enqueue_dma source(%dma_start3A_117 : memref<24x128xf32, #tpu.memory_space<vmem_shared>>) target(%arg8 : memref<24x128xf32, #tpu.memory_space<vmem>>) target_semaphore(%run_scoped3A : memref<!tpu.dma_semaphore, #tpu.memory_space<semaphore_mem>>)
      %dma_wait3A = arith.constant 0 : i32
      %dma_wait3A_118 = tpu.memref_slice %arg9[%add3A_101, %dma_wait3A] : memref<5008x128xf32, #tpu.memory_space<vmem_shared>> -> memref<24x128xf32, #tpu.memory_space<vmem_shared>>
      %dma_wait3A_119 = arith.constant 0 : i32
      %dma_wait3A_120 = tpu.memref_slice %arg9[%add3A_101, %dma_wait3A_119] : memref<5008x128xf32, #tpu.memory_space<vmem_shared>> -> memref<24x128xf32, #tpu.memory_space<vmem_shared>>
      tpu.wait_dma2 semaphore(%run_scoped3A : memref<!tpu.dma_semaphore, #tpu.memory_space<semaphore_mem>>) src(%dma_wait3A_120 : memref<24x128xf32, #tpu.memory_space<vmem_shared>>) dst(%arg8 : memref<24x128xf32, #tpu.memory_space<vmem>>)
      tpu.yield
    }) : () -> ()
    "tpu.region"() ({
      %run_scoped3A = tpu.sem_alloc : memref<!tpu.dma_semaphore, #tpu.memory_space<semaphore_mem>>
      %dma_start3A = arith.constant 0 : i32
      %dma_start3A_115 = tpu.memref_slice %arg5[%arg0, %add3A_101, %dma_start3A] : memref<2x5000x128xf32, #tpu.memory_space<hbm>> -> memref<1x24x128xf32, #tpu.memory_space<hbm>>
      %dma_start3A_116 = tpu.memref_squeeze %dma_start3A_115 : memref<1x24x128xf32, #tpu.memory_space<hbm>> -> memref<24x128xf32, #tpu.memory_space<hbm>>
      %dma_start3A_117 = arith.constant 0 : i32
      %dma_start3A_118 = tpu.memref_slice %arg5[%arg0, %add3A_101, %dma_start3A_117] : memref<2x5000x128xf32, #tpu.memory_space<hbm>> -> memref<1x24x128xf32, #tpu.memory_space<hbm>>
      %dma_start3A_119 = tpu.memref_squeeze %dma_start3A_118 : memref<1x24x128xf32, #tpu.memory_space<hbm>> -> memref<24x128xf32, #tpu.memory_space<hbm>>
      tpu.enqueue_dma source(%arg8 : memref<24x128xf32, #tpu.memory_space<vmem>>) target(%dma_start3A_119 : memref<24x128xf32, #tpu.memory_space<hbm>>) target_semaphore(%run_scoped3A : memref<!tpu.dma_semaphore, #tpu.memory_space<semaphore_mem>>)
      %dma_wait3A = arith.constant 0 : i32
      %dma_wait3A_120 = tpu.memref_slice %arg5[%arg0, %add3A_101, %dma_wait3A] : memref<2x5000x128xf32, #tpu.memory_space<hbm>> -> memref<1x24x128xf32, #tpu.memory_space<hbm>>
      %dma_wait3A_121 = tpu.memref_squeeze %dma_wait3A_120 : memref<1x24x128xf32, #tpu.memory_space<hbm>> -> memref<24x128xf32, #tpu.memory_space<hbm>>
      %dma_wait3A_122 = arith.constant 0 : i32
      %dma_wait3A_123 = tpu.memref_slice %arg5[%arg0, %add3A_101, %dma_wait3A_122] : memref<2x5000x128xf32, #tpu.memory_space<hbm>> -> memref<1x24x128xf32, #tpu.memory_space<hbm>>
      %dma_wait3A_124 = tpu.memref_squeeze %dma_wait3A_123 : memref<1x24x128xf32, #tpu.memory_space<hbm>> -> memref<24x128xf32, #tpu.memory_space<hbm>>
      tpu.wait_dma2 semaphore(%run_scoped3A : memref<!tpu.dma_semaphore, #tpu.memory_space<semaphore_mem>>) src(%arg8 : memref<24x128xf32, #tpu.memory_space<vmem>>) dst(%dma_wait3A_124 : memref<24x128xf32, #tpu.memory_space<hbm>>)
      tpu.yield
    }) : () -> ()
    %mul3A_102 = arith.constant 312 : i32
    %mul3A_103 = arith.muli %arg1, %mul3A_102 : i32
    %add3A_104 = arith.constant 264 : i32
    %add3A_105 = arith.addi %mul3A_103, %add3A_104 : i32
    "tpu.region"() ({
      %run_scoped3A = tpu.sem_alloc : memref<!tpu.dma_semaphore, #tpu.memory_space<semaphore_mem>>
      %dma_start3A = arith.constant 0 : i32
      %dma_start3A_115 = tpu.memref_slice %arg9[%add3A_105, %dma_start3A] : memref<5008x128xf32, #tpu.memory_space<vmem_shared>> -> memref<24x128xf32, #tpu.memory_space<vmem_shared>>
      %dma_start3A_116 = arith.constant 0 : i32
      %dma_start3A_117 = tpu.memref_slice %arg9[%add3A_105, %dma_start3A_116] : memref<5008x128xf32, #tpu.memory_space<vmem_shared>> -> memref<24x128xf32, #tpu.memory_space<vmem_shared>>
      tpu.enqueue_dma source(%dma_start3A_117 : memref<24x128xf32, #tpu.memory_space<vmem_shared>>) target(%arg8 : memref<24x128xf32, #tpu.memory_space<vmem>>) target_semaphore(%run_scoped3A : memref<!tpu.dma_semaphore, #tpu.memory_space<semaphore_mem>>)
      %dma_wait3A = arith.constant 0 : i32
      %dma_wait3A_118 = tpu.memref_slice %arg9[%add3A_105, %dma_wait3A] : memref<5008x128xf32, #tpu.memory_space<vmem_shared>> -> memref<24x128xf32, #tpu.memory_space<vmem_shared>>
      %dma_wait3A_119 = arith.constant 0 : i32
      %dma_wait3A_120 = tpu.memref_slice %arg9[%add3A_105, %dma_wait3A_119] : memref<5008x128xf32, #tpu.memory_space<vmem_shared>> -> memref<24x128xf32, #tpu.memory_space<vmem_shared>>
      tpu.wait_dma2 semaphore(%run_scoped3A : memref<!tpu.dma_semaphore, #tpu.memory_space<semaphore_mem>>) src(%dma_wait3A_120 : memref<24x128xf32, #tpu.memory_space<vmem_shared>>) dst(%arg8 : memref<24x128xf32, #tpu.memory_space<vmem>>)
      tpu.yield
    }) : () -> ()
    "tpu.region"() ({
      %run_scoped3A = tpu.sem_alloc : memref<!tpu.dma_semaphore, #tpu.memory_space<semaphore_mem>>
      %dma_start3A = arith.constant 0 : i32
      %dma_start3A_115 = tpu.memref_slice %arg5[%arg0, %add3A_105, %dma_start3A] : memref<2x5000x128xf32, #tpu.memory_space<hbm>> -> memref<1x24x128xf32, #tpu.memory_space<hbm>>
      %dma_start3A_116 = tpu.memref_squeeze %dma_start3A_115 : memref<1x24x128xf32, #tpu.memory_space<hbm>> -> memref<24x128xf32, #tpu.memory_space<hbm>>
      %dma_start3A_117 = arith.constant 0 : i32
      %dma_start3A_118 = tpu.memref_slice %arg5[%arg0, %add3A_105, %dma_start3A_117] : memref<2x5000x128xf32, #tpu.memory_space<hbm>> -> memref<1x24x128xf32, #tpu.memory_space<hbm>>
      %dma_start3A_119 = tpu.memref_squeeze %dma_start3A_118 : memref<1x24x128xf32, #tpu.memory_space<hbm>> -> memref<24x128xf32, #tpu.memory_space<hbm>>
      tpu.enqueue_dma source(%arg8 : memref<24x128xf32, #tpu.memory_space<vmem>>) target(%dma_start3A_119 : memref<24x128xf32, #tpu.memory_space<hbm>>) target_semaphore(%run_scoped3A : memref<!tpu.dma_semaphore, #tpu.memory_space<semaphore_mem>>)
      %dma_wait3A = arith.constant 0 : i32
      %dma_wait3A_120 = tpu.memref_slice %arg5[%arg0, %add3A_105, %dma_wait3A] : memref<2x5000x128xf32, #tpu.memory_space<hbm>> -> memref<1x24x128xf32, #tpu.memory_space<hbm>>
      %dma_wait3A_121 = tpu.memref_squeeze %dma_wait3A_120 : memref<1x24x128xf32, #tpu.memory_space<hbm>> -> memref<24x128xf32, #tpu.memory_space<hbm>>
      %dma_wait3A_122 = arith.constant 0 : i32
      %dma_wait3A_123 = tpu.memref_slice %arg5[%arg0, %add3A_105, %dma_wait3A_122] : memref<2x5000x128xf32, #tpu.memory_space<hbm>> -> memref<1x24x128xf32, #tpu.memory_space<hbm>>
      %dma_wait3A_124 = tpu.memref_squeeze %dma_wait3A_123 : memref<1x24x128xf32, #tpu.memory_space<hbm>> -> memref<24x128xf32, #tpu.memory_space<hbm>>
      tpu.wait_dma2 semaphore(%run_scoped3A : memref<!tpu.dma_semaphore, #tpu.memory_space<semaphore_mem>>) src(%arg8 : memref<24x128xf32, #tpu.memory_space<vmem>>) dst(%dma_wait3A_124 : memref<24x128xf32, #tpu.memory_space<hbm>>)
      tpu.yield
    }) : () -> ()
    %mul3A_106 = arith.constant 312 : i32
    %mul3A_107 = arith.muli %arg1, %mul3A_106 : i32
    %add3A_108 = arith.constant 288 : i32
    %add3A_109 = arith.addi %mul3A_107, %add3A_108 : i32
    "tpu.region"() ({
      %run_scoped3A = tpu.sem_alloc : memref<!tpu.dma_semaphore, #tpu.memory_space<semaphore_mem>>
      %dma_start3A = arith.constant 0 : i32
      %dma_start3A_115 = tpu.memref_slice %arg9[%add3A_109, %dma_start3A] : memref<5008x128xf32, #tpu.memory_space<vmem_shared>> -> memref<24x128xf32, #tpu.memory_space<vmem_shared>>
      %dma_start3A_116 = arith.constant 0 : i32
      %dma_start3A_117 = tpu.memref_slice %arg9[%add3A_109, %dma_start3A_116] : memref<5008x128xf32, #tpu.memory_space<vmem_shared>> -> memref<24x128xf32, #tpu.memory_space<vmem_shared>>
      tpu.enqueue_dma source(%dma_start3A_117 : memref<24x128xf32, #tpu.memory_space<vmem_shared>>) target(%arg8 : memref<24x128xf32, #tpu.memory_space<vmem>>) target_semaphore(%run_scoped3A : memref<!tpu.dma_semaphore, #tpu.memory_space<semaphore_mem>>)
      %dma_wait3A = arith.constant 0 : i32
      %dma_wait3A_118 = tpu.memref_slice %arg9[%add3A_109, %dma_wait3A] : memref<5008x128xf32, #tpu.memory_space<vmem_shared>> -> memref<24x128xf32, #tpu.memory_space<vmem_shared>>
      %dma_wait3A_119 = arith.constant 0 : i32
      %dma_wait3A_120 = tpu.memref_slice %arg9[%add3A_109, %dma_wait3A_119] : memref<5008x128xf32, #tpu.memory_space<vmem_shared>> -> memref<24x128xf32, #tpu.memory_space<vmem_shared>>
      tpu.wait_dma2 semaphore(%run_scoped3A : memref<!tpu.dma_semaphore, #tpu.memory_space<semaphore_mem>>) src(%dma_wait3A_120 : memref<24x128xf32, #tpu.memory_space<vmem_shared>>) dst(%arg8 : memref<24x128xf32, #tpu.memory_space<vmem>>)
      tpu.yield
    }) : () -> ()
    "tpu.region"() ({
      %run_scoped3A = tpu.sem_alloc : memref<!tpu.dma_semaphore, #tpu.memory_space<semaphore_mem>>
      %dma_start3A = arith.constant 0 : i32
      %dma_start3A_115 = tpu.memref_slice %arg5[%arg0, %add3A_109, %dma_start3A] : memref<2x5000x128xf32, #tpu.memory_space<hbm>> -> memref<1x24x128xf32, #tpu.memory_space<hbm>>
      %dma_start3A_116 = tpu.memref_squeeze %dma_start3A_115 : memref<1x24x128xf32, #tpu.memory_space<hbm>> -> memref<24x128xf32, #tpu.memory_space<hbm>>
      %dma_start3A_117 = arith.constant 0 : i32
      %dma_start3A_118 = tpu.memref_slice %arg5[%arg0, %add3A_109, %dma_start3A_117] : memref<2x5000x128xf32, #tpu.memory_space<hbm>> -> memref<1x24x128xf32, #tpu.memory_space<hbm>>
      %dma_start3A_119 = tpu.memref_squeeze %dma_start3A_118 : memref<1x24x128xf32, #tpu.memory_space<hbm>> -> memref<24x128xf32, #tpu.memory_space<hbm>>
      tpu.enqueue_dma source(%arg8 : memref<24x128xf32, #tpu.memory_space<vmem>>) target(%dma_start3A_119 : memref<24x128xf32, #tpu.memory_space<hbm>>) target_semaphore(%run_scoped3A : memref<!tpu.dma_semaphore, #tpu.memory_space<semaphore_mem>>)
      %dma_wait3A = arith.constant 0 : i32
      %dma_wait3A_120 = tpu.memref_slice %arg5[%arg0, %add3A_109, %dma_wait3A] : memref<2x5000x128xf32, #tpu.memory_space<hbm>> -> memref<1x24x128xf32, #tpu.memory_space<hbm>>
      %dma_wait3A_121 = tpu.memref_squeeze %dma_wait3A_120 : memref<1x24x128xf32, #tpu.memory_space<hbm>> -> memref<24x128xf32, #tpu.memory_space<hbm>>
      %dma_wait3A_122 = arith.constant 0 : i32
      %dma_wait3A_123 = tpu.memref_slice %arg5[%arg0, %add3A_109, %dma_wait3A_122] : memref<2x5000x128xf32, #tpu.memory_space<hbm>> -> memref<1x24x128xf32, #tpu.memory_space<hbm>>
      %dma_wait3A_124 = tpu.memref_squeeze %dma_wait3A_123 : memref<1x24x128xf32, #tpu.memory_space<hbm>> -> memref<24x128xf32, #tpu.memory_space<hbm>>
      tpu.wait_dma2 semaphore(%run_scoped3A : memref<!tpu.dma_semaphore, #tpu.memory_space<semaphore_mem>>) src(%arg8 : memref<24x128xf32, #tpu.memory_space<vmem>>) dst(%dma_wait3A_124 : memref<24x128xf32, #tpu.memory_space<hbm>>)
      tpu.yield
    }) : () -> ()
    %eq3A_110 = arith.constant 0 : i32
    %eq3A_111 = arith.cmpi eq, %arg1, %eq3A_110 : i32
    %convert_element_type3A_112 = arith.extui %eq3A_111 : i1 to i32
    %cond3A_113 = arith.constant 0 : i32
    %cond3A_114 = arith.cmpi ne, %convert_element_type3A_112, %cond3A_113 : i32
    scf.if %cond3A_114 {
      "tpu.region"() ({
        %run_scoped3A = tpu.sem_alloc : memref<!tpu.dma_semaphore, #tpu.memory_space<semaphore_mem>>
        %dma_start3A = arith.constant 0 : i32
        %dma_start3A_115 = arith.constant 0 : i32
        %dma_start3A_116 = tpu.memref_slice %arg8[%dma_start3A, %dma_start3A_115] : memref<24x128xf32, #tpu.memory_space<vmem>> -> memref<8x128xf32, #tpu.memory_space<vmem>>
        %dma_start3A_117 = arith.constant 4992 : i32
        %dma_start3A_118 = arith.constant 0 : i32
        %dma_start3A_119 = tpu.memref_slice %arg9[%dma_start3A_117, %dma_start3A_118] : memref<5008x128xf32, #tpu.memory_space<vmem_shared>> -> memref<8x128xf32, #tpu.memory_space<vmem_shared>>
        %dma_start3A_120 = arith.constant 0 : i32
        %dma_start3A_121 = arith.constant 0 : i32
        %dma_start3A_122 = tpu.memref_slice %arg8[%dma_start3A_120, %dma_start3A_121] : memref<24x128xf32, #tpu.memory_space<vmem>> -> memref<8x128xf32, #tpu.memory_space<vmem>>
        %dma_start3A_123 = arith.constant 4992 : i32
        %dma_start3A_124 = arith.constant 0 : i32
        %dma_start3A_125 = tpu.memref_slice %arg9[%dma_start3A_123, %dma_start3A_124] : memref<5008x128xf32, #tpu.memory_space<vmem_shared>> -> memref<8x128xf32, #tpu.memory_space<vmem_shared>>
        tpu.enqueue_dma source(%dma_start3A_125 : memref<8x128xf32, #tpu.memory_space<vmem_shared>>) target(%dma_start3A_122 : memref<8x128xf32, #tpu.memory_space<vmem>>) target_semaphore(%run_scoped3A : memref<!tpu.dma_semaphore, #tpu.memory_space<semaphore_mem>>)
        %dma_wait3A = arith.constant 0 : i32
        %dma_wait3A_126 = arith.constant 0 : i32
        %dma_wait3A_127 = tpu.memref_slice %arg8[%dma_wait3A, %dma_wait3A_126] : memref<24x128xf32, #tpu.memory_space<vmem>> -> memref<8x128xf32, #tpu.memory_space<vmem>>
        %dma_wait3A_128 = arith.constant 4992 : i32
        %dma_wait3A_129 = arith.constant 0 : i32
        %dma_wait3A_130 = tpu.memref_slice %arg9[%dma_wait3A_128, %dma_wait3A_129] : memref<5008x128xf32, #tpu.memory_space<vmem_shared>> -> memref<8x128xf32, #tpu.memory_space<vmem_shared>>
        %dma_wait3A_131 = arith.constant 0 : i32
        %dma_wait3A_132 = arith.constant 0 : i32
        %dma_wait3A_133 = tpu.memref_slice %arg8[%dma_wait3A_131, %dma_wait3A_132] : memref<24x128xf32, #tpu.memory_space<vmem>> -> memref<8x128xf32, #tpu.memory_space<vmem>>
        %dma_wait3A_134 = arith.constant 4992 : i32
        %dma_wait3A_135 = arith.constant 0 : i32
        %dma_wait3A_136 = tpu.memref_slice %arg9[%dma_wait3A_134, %dma_wait3A_135] : memref<5008x128xf32, #tpu.memory_space<vmem_shared>> -> memref<8x128xf32, #tpu.memory_space<vmem_shared>>
        tpu.wait_dma2 semaphore(%run_scoped3A : memref<!tpu.dma_semaphore, #tpu.memory_space<semaphore_mem>>) src(%dma_wait3A_136 : memref<8x128xf32, #tpu.memory_space<vmem_shared>>) dst(%dma_wait3A_133 : memref<8x128xf32, #tpu.memory_space<vmem>>)
        tpu.yield
      }) : () -> ()
      "tpu.region"() ({
        %run_scoped3A = tpu.sem_alloc : memref<!tpu.dma_semaphore, #tpu.memory_space<semaphore_mem>>
        %dma_start3A = arith.constant 0 : i32
        %dma_start3A_115 = arith.constant 0 : i32
        %dma_start3A_116 = tpu.memref_slice %arg8[%dma_start3A, %dma_start3A_115] : memref<24x128xf32, #tpu.memory_space<vmem>> -> memref<8x128xf32, #tpu.memory_space<vmem>>
        %dma_start3A_117 = arith.constant 4992 : i32
        %dma_start3A_118 = arith.constant 0 : i32
        %dma_start3A_119 = tpu.memref_slice %arg5[%arg0, %dma_start3A_117, %dma_start3A_118] : memref<2x5000x128xf32, #tpu.memory_space<hbm>> -> memref<1x8x128xf32, #tpu.memory_space<hbm>>
        %dma_start3A_120 = tpu.memref_squeeze %dma_start3A_119 : memref<1x8x128xf32, #tpu.memory_space<hbm>> -> memref<8x128xf32, #tpu.memory_space<hbm>>
        %dma_start3A_121 = arith.constant 4992 : i32
        %dma_start3A_122 = arith.constant 0 : i32
        %dma_start3A_123 = tpu.memref_slice %arg5[%arg0, %dma_start3A_121, %dma_start3A_122] : memref<2x5000x128xf32, #tpu.memory_space<hbm>> -> memref<1x8x128xf32, #tpu.memory_space<hbm>>
        %dma_start3A_124 = tpu.memref_squeeze %dma_start3A_123 : memref<1x8x128xf32, #tpu.memory_space<hbm>> -> memref<8x128xf32, #tpu.memory_space<hbm>>
        %dma_start3A_125 = arith.constant 0 : i32
        %dma_start3A_126 = arith.constant 0 : i32
        %dma_start3A_127 = tpu.memref_slice %arg8[%dma_start3A_125, %dma_start3A_126] : memref<24x128xf32, #tpu.memory_space<vmem>> -> memref<8x128xf32, #tpu.memory_space<vmem>>
        tpu.enqueue_dma source(%dma_start3A_127 : memref<8x128xf32, #tpu.memory_space<vmem>>) target(%dma_start3A_124 : memref<8x128xf32, #tpu.memory_space<hbm>>) target_semaphore(%run_scoped3A : memref<!tpu.dma_semaphore, #tpu.memory_space<semaphore_mem>>)
        %dma_wait3A = arith.constant 0 : i32
        %dma_wait3A_128 = arith.constant 0 : i32
        %dma_wait3A_129 = tpu.memref_slice %arg8[%dma_wait3A, %dma_wait3A_128] : memref<24x128xf32, #tpu.memory_space<vmem>> -> memref<8x128xf32, #tpu.memory_space<vmem>>
        %dma_wait3A_130 = arith.constant 4992 : i32
        %dma_wait3A_131 = arith.constant 0 : i32
        %dma_wait3A_132 = tpu.memref_slice %arg5[%arg0, %dma_wait3A_130, %dma_wait3A_131] : memref<2x5000x128xf32, #tpu.memory_space<hbm>> -> memref<1x8x128xf32, #tpu.memory_space<hbm>>
        %dma_wait3A_133 = tpu.memref_squeeze %dma_wait3A_132 : memref<1x8x128xf32, #tpu.memory_space<hbm>> -> memref<8x128xf32, #tpu.memory_space<hbm>>
        %dma_wait3A_134 = arith.constant 4992 : i32
        %dma_wait3A_135 = arith.constant 0 : i32
        %dma_wait3A_136 = tpu.memref_slice %arg5[%arg0, %dma_wait3A_134, %dma_wait3A_135] : memref<2x5000x128xf32, #tpu.memory_space<hbm>> -> memref<1x8x128xf32, #tpu.memory_space<hbm>>
        %dma_wait3A_137 = tpu.memref_squeeze %dma_wait3A_136 : memref<1x8x128xf32, #tpu.memory_space<hbm>> -> memref<8x128xf32, #tpu.memory_space<hbm>>
        %dma_wait3A_138 = arith.constant 0 : i32
        %dma_wait3A_139 = arith.constant 0 : i32
        %dma_wait3A_140 = tpu.memref_slice %arg8[%dma_wait3A_138, %dma_wait3A_139] : memref<24x128xf32, #tpu.memory_space<vmem>> -> memref<8x128xf32, #tpu.memory_space<vmem>>
        tpu.wait_dma2 semaphore(%run_scoped3A : memref<!tpu.dma_semaphore, #tpu.memory_space<semaphore_mem>>) src(%dma_wait3A_140 : memref<8x128xf32, #tpu.memory_space<vmem>>) dst(%dma_wait3A_137 : memref<8x128xf32, #tpu.memory_space<hbm>>)
        tpu.yield
      }) : () -> ()
    } else {
    }
    return
  }
}

#map = affine_map<(d0, d1) -> (0, 0, 0, 0)>
#map1 = affine_map<(d0, d1) -> (0, 0, 0, 0, 0)>
#map2 = affine_map<(d0, d1) -> (0, 0)>
#map3 = affine_map<(d0, d1) -> (0, 0, 0)>
module attributes {stable_mosaic.version = 14 : i64} {
  func.func @_sc_scatter(%arg0: i32, %arg1: i32, %arg2: memref<16x2x125x80xi32, #tpu.memory_space<hbm>>, %arg3: memref<2x16x2x125x80xi32, #tpu.memory_space<hbm>>, %arg4: memref<10000x128xf32, #tpu.memory_space<hbm>>, %arg5: memref<24x128xf32, #tpu.memory_space<hbm>>, %arg6: memref<2x5000x128xf32, #tpu.memory_space<hbm>>, %arg7: memref<125x80xi32, #tpu.memory_space<vmem>>, %arg8: memref<125x80xi32, #tpu.memory_space<vmem>>, %arg9: memref<80x128xf32, #tpu.memory_space<vmem>>, %arg10: memref<80x128xf32, #tpu.memory_space<vmem>>, %arg11: memref<24x128xf32, #tpu.memory_space<vmem>>, %arg12: memref<5008x128xf32, #tpu.memory_space<vmem_shared>>, %arg13: memref<!tpu.dma_semaphore, #tpu.memory_space<semaphore_mem>>, %arg14: memref<!tpu.dma_semaphore, #tpu.memory_space<semaphore_mem>>) attributes {dimension_semantics = [#tpu.dimension_semantics<core_parallel>, #tpu.dimension_semantics<subcore_parallel>], iteration_bounds = array<i64: 2, 16>, scalar_prefetch = 0 : i64, scratch_operands = 8 : i64, tpu.core_type = #tpu.core_type<sc_vector_subcore>, window_params = [{transform_indices = #map}, {transform_indices = #map1}, {transform_indices = #map2}, {transform_indices = #map2}, {transform_indices = #map3}]} {
    "tpu.region"() ({
      %run_scoped3A_212 = tpu.sem_alloc : memref<!tpu.dma_semaphore, #tpu.memory_space<semaphore_mem>>
      tpu.enqueue_dma source(%arg5 : memref<24x128xf32, #tpu.memory_space<hbm>>) target(%arg11 : memref<24x128xf32, #tpu.memory_space<vmem>>) target_semaphore(%run_scoped3A_212 : memref<!tpu.dma_semaphore, #tpu.memory_space<semaphore_mem>>)
      tpu.wait_dma2 semaphore(%run_scoped3A_212 : memref<!tpu.dma_semaphore, #tpu.memory_space<semaphore_mem>>) src(%arg5 : memref<24x128xf32, #tpu.memory_space<hbm>>) dst(%arg11 : memref<24x128xf32, #tpu.memory_space<vmem>>)
      tpu.yield
    }) : () -> ()
    %mul3A = arith.constant 312 : i32
    %mul3A_0 = arith.muli %arg1, %mul3A : i32
    %add3A = arith.constant 0 : i32
    %add3A_1 = arith.addi %mul3A_0, %add3A : i32
    "tpu.region"() ({
      %run_scoped3A_212 = tpu.sem_alloc : memref<!tpu.dma_semaphore, #tpu.memory_space<semaphore_mem>>
      %dma_start3A_213 = arith.constant 0 : i32
      %dma_start3A_214 = tpu.memref_slice %arg12[%add3A_1, %dma_start3A_213] : memref<5008x128xf32, #tpu.memory_space<vmem_shared>> -> memref<24x128xf32, #tpu.memory_space<vmem_shared>>
      %dma_start3A_215 = arith.constant 0 : i32
      %dma_start3A_216 = tpu.memref_slice %arg12[%add3A_1, %dma_start3A_215] : memref<5008x128xf32, #tpu.memory_space<vmem_shared>> -> memref<24x128xf32, #tpu.memory_space<vmem_shared>>
      tpu.enqueue_dma source(%arg11 : memref<24x128xf32, #tpu.memory_space<vmem>>) target(%dma_start3A_216 : memref<24x128xf32, #tpu.memory_space<vmem_shared>>) target_semaphore(%run_scoped3A_212 : memref<!tpu.dma_semaphore, #tpu.memory_space<semaphore_mem>>)
      %dma_wait3A_217 = arith.constant 0 : i32
      %dma_wait3A_218 = tpu.memref_slice %arg12[%add3A_1, %dma_wait3A_217] : memref<5008x128xf32, #tpu.memory_space<vmem_shared>> -> memref<24x128xf32, #tpu.memory_space<vmem_shared>>
      %dma_wait3A_219 = arith.constant 0 : i32
      %dma_wait3A_220 = tpu.memref_slice %arg12[%add3A_1, %dma_wait3A_219] : memref<5008x128xf32, #tpu.memory_space<vmem_shared>> -> memref<24x128xf32, #tpu.memory_space<vmem_shared>>
      tpu.wait_dma2 semaphore(%run_scoped3A_212 : memref<!tpu.dma_semaphore, #tpu.memory_space<semaphore_mem>>) src(%arg11 : memref<24x128xf32, #tpu.memory_space<vmem>>) dst(%dma_wait3A_220 : memref<24x128xf32, #tpu.memory_space<vmem_shared>>)
      tpu.yield
    }) : () -> ()
    %mul3A_2 = arith.constant 312 : i32
    %mul3A_3 = arith.muli %arg1, %mul3A_2 : i32
    %add3A_4 = arith.constant 24 : i32
    %add3A_5 = arith.addi %mul3A_3, %add3A_4 : i32
    "tpu.region"() ({
      %run_scoped3A_212 = tpu.sem_alloc : memref<!tpu.dma_semaphore, #tpu.memory_space<semaphore_mem>>
      %dma_start3A_213 = arith.constant 0 : i32
      %dma_start3A_214 = tpu.memref_slice %arg12[%add3A_5, %dma_start3A_213] : memref<5008x128xf32, #tpu.memory_space<vmem_shared>> -> memref<24x128xf32, #tpu.memory_space<vmem_shared>>
      %dma_start3A_215 = arith.constant 0 : i32
      %dma_start3A_216 = tpu.memref_slice %arg12[%add3A_5, %dma_start3A_215] : memref<5008x128xf32, #tpu.memory_space<vmem_shared>> -> memref<24x128xf32, #tpu.memory_space<vmem_shared>>
      tpu.enqueue_dma source(%arg11 : memref<24x128xf32, #tpu.memory_space<vmem>>) target(%dma_start3A_216 : memref<24x128xf32, #tpu.memory_space<vmem_shared>>) target_semaphore(%run_scoped3A_212 : memref<!tpu.dma_semaphore, #tpu.memory_space<semaphore_mem>>)
      %dma_wait3A_217 = arith.constant 0 : i32
      %dma_wait3A_218 = tpu.memref_slice %arg12[%add3A_5, %dma_wait3A_217] : memref<5008x128xf32, #tpu.memory_space<vmem_shared>> -> memref<24x128xf32, #tpu.memory_space<vmem_shared>>
      %dma_wait3A_219 = arith.constant 0 : i32
      %dma_wait3A_220 = tpu.memref_slice %arg12[%add3A_5, %dma_wait3A_219] : memref<5008x128xf32, #tpu.memory_space<vmem_shared>> -> memref<24x128xf32, #tpu.memory_space<vmem_shared>>
      tpu.wait_dma2 semaphore(%run_scoped3A_212 : memref<!tpu.dma_semaphore, #tpu.memory_space<semaphore_mem>>) src(%arg11 : memref<24x128xf32, #tpu.memory_space<vmem>>) dst(%dma_wait3A_220 : memref<24x128xf32, #tpu.memory_space<vmem_shared>>)
      tpu.yield
    }) : () -> ()
    %mul3A_6 = arith.constant 312 : i32
    %mul3A_7 = arith.muli %arg1, %mul3A_6 : i32
    %add3A_8 = arith.constant 48 : i32
    %add3A_9 = arith.addi %mul3A_7, %add3A_8 : i32
    "tpu.region"() ({
      %run_scoped3A_212 = tpu.sem_alloc : memref<!tpu.dma_semaphore, #tpu.memory_space<semaphore_mem>>
      %dma_start3A_213 = arith.constant 0 : i32
      %dma_start3A_214 = tpu.memref_slice %arg12[%add3A_9, %dma_start3A_213] : memref<5008x128xf32, #tpu.memory_space<vmem_shared>> -> memref<24x128xf32, #tpu.memory_space<vmem_shared>>
      %dma_start3A_215 = arith.constant 0 : i32
      %dma_start3A_216 = tpu.memref_slice %arg12[%add3A_9, %dma_start3A_215] : memref<5008x128xf32, #tpu.memory_space<vmem_shared>> -> memref<24x128xf32, #tpu.memory_space<vmem_shared>>
      tpu.enqueue_dma source(%arg11 : memref<24x128xf32, #tpu.memory_space<vmem>>) target(%dma_start3A_216 : memref<24x128xf32, #tpu.memory_space<vmem_shared>>) target_semaphore(%run_scoped3A_212 : memref<!tpu.dma_semaphore, #tpu.memory_space<semaphore_mem>>)
      %dma_wait3A_217 = arith.constant 0 : i32
      %dma_wait3A_218 = tpu.memref_slice %arg12[%add3A_9, %dma_wait3A_217] : memref<5008x128xf32, #tpu.memory_space<vmem_shared>> -> memref<24x128xf32, #tpu.memory_space<vmem_shared>>
      %dma_wait3A_219 = arith.constant 0 : i32
      %dma_wait3A_220 = tpu.memref_slice %arg12[%add3A_9, %dma_wait3A_219] : memref<5008x128xf32, #tpu.memory_space<vmem_shared>> -> memref<24x128xf32, #tpu.memory_space<vmem_shared>>
      tpu.wait_dma2 semaphore(%run_scoped3A_212 : memref<!tpu.dma_semaphore, #tpu.memory_space<semaphore_mem>>) src(%arg11 : memref<24x128xf32, #tpu.memory_space<vmem>>) dst(%dma_wait3A_220 : memref<24x128xf32, #tpu.memory_space<vmem_shared>>)
      tpu.yield
    }) : () -> ()
    %mul3A_10 = arith.constant 312 : i32
    %mul3A_11 = arith.muli %arg1, %mul3A_10 : i32
    %add3A_12 = arith.constant 72 : i32
    %add3A_13 = arith.addi %mul3A_11, %add3A_12 : i32
    "tpu.region"() ({
      %run_scoped3A_212 = tpu.sem_alloc : memref<!tpu.dma_semaphore, #tpu.memory_space<semaphore_mem>>
      %dma_start3A_213 = arith.constant 0 : i32
      %dma_start3A_214 = tpu.memref_slice %arg12[%add3A_13, %dma_start3A_213] : memref<5008x128xf32, #tpu.memory_space<vmem_shared>> -> memref<24x128xf32, #tpu.memory_space<vmem_shared>>
      %dma_start3A_215 = arith.constant 0 : i32
      %dma_start3A_216 = tpu.memref_slice %arg12[%add3A_13, %dma_start3A_215] : memref<5008x128xf32, #tpu.memory_space<vmem_shared>> -> memref<24x128xf32, #tpu.memory_space<vmem_shared>>
      tpu.enqueue_dma source(%arg11 : memref<24x128xf32, #tpu.memory_space<vmem>>) target(%dma_start3A_216 : memref<24x128xf32, #tpu.memory_space<vmem_shared>>) target_semaphore(%run_scoped3A_212 : memref<!tpu.dma_semaphore, #tpu.memory_space<semaphore_mem>>)
      %dma_wait3A_217 = arith.constant 0 : i32
      %dma_wait3A_218 = tpu.memref_slice %arg12[%add3A_13, %dma_wait3A_217] : memref<5008x128xf32, #tpu.memory_space<vmem_shared>> -> memref<24x128xf32, #tpu.memory_space<vmem_shared>>
      %dma_wait3A_219 = arith.constant 0 : i32
      %dma_wait3A_220 = tpu.memref_slice %arg12[%add3A_13, %dma_wait3A_219] : memref<5008x128xf32, #tpu.memory_space<vmem_shared>> -> memref<24x128xf32, #tpu.memory_space<vmem_shared>>
      tpu.wait_dma2 semaphore(%run_scoped3A_212 : memref<!tpu.dma_semaphore, #tpu.memory_space<semaphore_mem>>) src(%arg11 : memref<24x128xf32, #tpu.memory_space<vmem>>) dst(%dma_wait3A_220 : memref<24x128xf32, #tpu.memory_space<vmem_shared>>)
      tpu.yield
    }) : () -> ()
    %mul3A_14 = arith.constant 312 : i32
    %mul3A_15 = arith.muli %arg1, %mul3A_14 : i32
    %add3A_16 = arith.constant 96 : i32
    %add3A_17 = arith.addi %mul3A_15, %add3A_16 : i32
    "tpu.region"() ({
      %run_scoped3A_212 = tpu.sem_alloc : memref<!tpu.dma_semaphore, #tpu.memory_space<semaphore_mem>>
      %dma_start3A_213 = arith.constant 0 : i32
      %dma_start3A_214 = tpu.memref_slice %arg12[%add3A_17, %dma_start3A_213] : memref<5008x128xf32, #tpu.memory_space<vmem_shared>> -> memref<24x128xf32, #tpu.memory_space<vmem_shared>>
      %dma_start3A_215 = arith.constant 0 : i32
      %dma_start3A_216 = tpu.memref_slice %arg12[%add3A_17, %dma_start3A_215] : memref<5008x128xf32, #tpu.memory_space<vmem_shared>> -> memref<24x128xf32, #tpu.memory_space<vmem_shared>>
      tpu.enqueue_dma source(%arg11 : memref<24x128xf32, #tpu.memory_space<vmem>>) target(%dma_start3A_216 : memref<24x128xf32, #tpu.memory_space<vmem_shared>>) target_semaphore(%run_scoped3A_212 : memref<!tpu.dma_semaphore, #tpu.memory_space<semaphore_mem>>)
      %dma_wait3A_217 = arith.constant 0 : i32
      %dma_wait3A_218 = tpu.memref_slice %arg12[%add3A_17, %dma_wait3A_217] : memref<5008x128xf32, #tpu.memory_space<vmem_shared>> -> memref<24x128xf32, #tpu.memory_space<vmem_shared>>
      %dma_wait3A_219 = arith.constant 0 : i32
      %dma_wait3A_220 = tpu.memref_slice %arg12[%add3A_17, %dma_wait3A_219] : memref<5008x128xf32, #tpu.memory_space<vmem_shared>> -> memref<24x128xf32, #tpu.memory_space<vmem_shared>>
      tpu.wait_dma2 semaphore(%run_scoped3A_212 : memref<!tpu.dma_semaphore, #tpu.memory_space<semaphore_mem>>) src(%arg11 : memref<24x128xf32, #tpu.memory_space<vmem>>) dst(%dma_wait3A_220 : memref<24x128xf32, #tpu.memory_space<vmem_shared>>)
      tpu.yield
    }) : () -> ()
    %mul3A_18 = arith.constant 312 : i32
    %mul3A_19 = arith.muli %arg1, %mul3A_18 : i32
    %add3A_20 = arith.constant 120 : i32
    %add3A_21 = arith.addi %mul3A_19, %add3A_20 : i32
    "tpu.region"() ({
      %run_scoped3A_212 = tpu.sem_alloc : memref<!tpu.dma_semaphore, #tpu.memory_space<semaphore_mem>>
      %dma_start3A_213 = arith.constant 0 : i32
      %dma_start3A_214 = tpu.memref_slice %arg12[%add3A_21, %dma_start3A_213] : memref<5008x128xf32, #tpu.memory_space<vmem_shared>> -> memref<24x128xf32, #tpu.memory_space<vmem_shared>>
      %dma_start3A_215 = arith.constant 0 : i32
      %dma_start3A_216 = tpu.memref_slice %arg12[%add3A_21, %dma_start3A_215] : memref<5008x128xf32, #tpu.memory_space<vmem_shared>> -> memref<24x128xf32, #tpu.memory_space<vmem_shared>>
      tpu.enqueue_dma source(%arg11 : memref<24x128xf32, #tpu.memory_space<vmem>>) target(%dma_start3A_216 : memref<24x128xf32, #tpu.memory_space<vmem_shared>>) target_semaphore(%run_scoped3A_212 : memref<!tpu.dma_semaphore, #tpu.memory_space<semaphore_mem>>)
      %dma_wait3A_217 = arith.constant 0 : i32
      %dma_wait3A_218 = tpu.memref_slice %arg12[%add3A_21, %dma_wait3A_217] : memref<5008x128xf32, #tpu.memory_space<vmem_shared>> -> memref<24x128xf32, #tpu.memory_space<vmem_shared>>
      %dma_wait3A_219 = arith.constant 0 : i32
      %dma_wait3A_220 = tpu.memref_slice %arg12[%add3A_21, %dma_wait3A_219] : memref<5008x128xf32, #tpu.memory_space<vmem_shared>> -> memref<24x128xf32, #tpu.memory_space<vmem_shared>>
      tpu.wait_dma2 semaphore(%run_scoped3A_212 : memref<!tpu.dma_semaphore, #tpu.memory_space<semaphore_mem>>) src(%arg11 : memref<24x128xf32, #tpu.memory_space<vmem>>) dst(%dma_wait3A_220 : memref<24x128xf32, #tpu.memory_space<vmem_shared>>)
      tpu.yield
    }) : () -> ()
    %mul3A_22 = arith.constant 312 : i32
    %mul3A_23 = arith.muli %arg1, %mul3A_22 : i32
    %add3A_24 = arith.constant 144 : i32
    %add3A_25 = arith.addi %mul3A_23, %add3A_24 : i32
    "tpu.region"() ({
      %run_scoped3A_212 = tpu.sem_alloc : memref<!tpu.dma_semaphore, #tpu.memory_space<semaphore_mem>>
      %dma_start3A_213 = arith.constant 0 : i32
      %dma_start3A_214 = tpu.memref_slice %arg12[%add3A_25, %dma_start3A_213] : memref<5008x128xf32, #tpu.memory_space<vmem_shared>> -> memref<24x128xf32, #tpu.memory_space<vmem_shared>>
      %dma_start3A_215 = arith.constant 0 : i32
      %dma_start3A_216 = tpu.memref_slice %arg12[%add3A_25, %dma_start3A_215] : memref<5008x128xf32, #tpu.memory_space<vmem_shared>> -> memref<24x128xf32, #tpu.memory_space<vmem_shared>>
      tpu.enqueue_dma source(%arg11 : memref<24x128xf32, #tpu.memory_space<vmem>>) target(%dma_start3A_216 : memref<24x128xf32, #tpu.memory_space<vmem_shared>>) target_semaphore(%run_scoped3A_212 : memref<!tpu.dma_semaphore, #tpu.memory_space<semaphore_mem>>)
      %dma_wait3A_217 = arith.constant 0 : i32
      %dma_wait3A_218 = tpu.memref_slice %arg12[%add3A_25, %dma_wait3A_217] : memref<5008x128xf32, #tpu.memory_space<vmem_shared>> -> memref<24x128xf32, #tpu.memory_space<vmem_shared>>
      %dma_wait3A_219 = arith.constant 0 : i32
      %dma_wait3A_220 = tpu.memref_slice %arg12[%add3A_25, %dma_wait3A_219] : memref<5008x128xf32, #tpu.memory_space<vmem_shared>> -> memref<24x128xf32, #tpu.memory_space<vmem_shared>>
      tpu.wait_dma2 semaphore(%run_scoped3A_212 : memref<!tpu.dma_semaphore, #tpu.memory_space<semaphore_mem>>) src(%arg11 : memref<24x128xf32, #tpu.memory_space<vmem>>) dst(%dma_wait3A_220 : memref<24x128xf32, #tpu.memory_space<vmem_shared>>)
      tpu.yield
    }) : () -> ()
    %mul3A_26 = arith.constant 312 : i32
    %mul3A_27 = arith.muli %arg1, %mul3A_26 : i32
    %add3A_28 = arith.constant 168 : i32
    %add3A_29 = arith.addi %mul3A_27, %add3A_28 : i32
    "tpu.region"() ({
      %run_scoped3A_212 = tpu.sem_alloc : memref<!tpu.dma_semaphore, #tpu.memory_space<semaphore_mem>>
      %dma_start3A_213 = arith.constant 0 : i32
      %dma_start3A_214 = tpu.memref_slice %arg12[%add3A_29, %dma_start3A_213] : memref<5008x128xf32, #tpu.memory_space<vmem_shared>> -> memref<24x128xf32, #tpu.memory_space<vmem_shared>>
      %dma_start3A_215 = arith.constant 0 : i32
      %dma_start3A_216 = tpu.memref_slice %arg12[%add3A_29, %dma_start3A_215] : memref<5008x128xf32, #tpu.memory_space<vmem_shared>> -> memref<24x128xf32, #tpu.memory_space<vmem_shared>>
      tpu.enqueue_dma source(%arg11 : memref<24x128xf32, #tpu.memory_space<vmem>>) target(%dma_start3A_216 : memref<24x128xf32, #tpu.memory_space<vmem_shared>>) target_semaphore(%run_scoped3A_212 : memref<!tpu.dma_semaphore, #tpu.memory_space<semaphore_mem>>)
      %dma_wait3A_217 = arith.constant 0 : i32
      %dma_wait3A_218 = tpu.memref_slice %arg12[%add3A_29, %dma_wait3A_217] : memref<5008x128xf32, #tpu.memory_space<vmem_shared>> -> memref<24x128xf32, #tpu.memory_space<vmem_shared>>
      %dma_wait3A_219 = arith.constant 0 : i32
      %dma_wait3A_220 = tpu.memref_slice %arg12[%add3A_29, %dma_wait3A_219] : memref<5008x128xf32, #tpu.memory_space<vmem_shared>> -> memref<24x128xf32, #tpu.memory_space<vmem_shared>>
      tpu.wait_dma2 semaphore(%run_scoped3A_212 : memref<!tpu.dma_semaphore, #tpu.memory_space<semaphore_mem>>) src(%arg11 : memref<24x128xf32, #tpu.memory_space<vmem>>) dst(%dma_wait3A_220 : memref<24x128xf32, #tpu.memory_space<vmem_shared>>)
      tpu.yield
    }) : () -> ()
    %mul3A_30 = arith.constant 312 : i32
    %mul3A_31 = arith.muli %arg1, %mul3A_30 : i32
    %add3A_32 = arith.constant 192 : i32
    %add3A_33 = arith.addi %mul3A_31, %add3A_32 : i32
    "tpu.region"() ({
      %run_scoped3A_212 = tpu.sem_alloc : memref<!tpu.dma_semaphore, #tpu.memory_space<semaphore_mem>>
      %dma_start3A_213 = arith.constant 0 : i32
      %dma_start3A_214 = tpu.memref_slice %arg12[%add3A_33, %dma_start3A_213] : memref<5008x128xf32, #tpu.memory_space<vmem_shared>> -> memref<24x128xf32, #tpu.memory_space<vmem_shared>>
      %dma_start3A_215 = arith.constant 0 : i32
      %dma_start3A_216 = tpu.memref_slice %arg12[%add3A_33, %dma_start3A_215] : memref<5008x128xf32, #tpu.memory_space<vmem_shared>> -> memref<24x128xf32, #tpu.memory_space<vmem_shared>>
      tpu.enqueue_dma source(%arg11 : memref<24x128xf32, #tpu.memory_space<vmem>>) target(%dma_start3A_216 : memref<24x128xf32, #tpu.memory_space<vmem_shared>>) target_semaphore(%run_scoped3A_212 : memref<!tpu.dma_semaphore, #tpu.memory_space<semaphore_mem>>)
      %dma_wait3A_217 = arith.constant 0 : i32
      %dma_wait3A_218 = tpu.memref_slice %arg12[%add3A_33, %dma_wait3A_217] : memref<5008x128xf32, #tpu.memory_space<vmem_shared>> -> memref<24x128xf32, #tpu.memory_space<vmem_shared>>
      %dma_wait3A_219 = arith.constant 0 : i32
      %dma_wait3A_220 = tpu.memref_slice %arg12[%add3A_33, %dma_wait3A_219] : memref<5008x128xf32, #tpu.memory_space<vmem_shared>> -> memref<24x128xf32, #tpu.memory_space<vmem_shared>>
      tpu.wait_dma2 semaphore(%run_scoped3A_212 : memref<!tpu.dma_semaphore, #tpu.memory_space<semaphore_mem>>) src(%arg11 : memref<24x128xf32, #tpu.memory_space<vmem>>) dst(%dma_wait3A_220 : memref<24x128xf32, #tpu.memory_space<vmem_shared>>)
      tpu.yield
    }) : () -> ()
    %mul3A_34 = arith.constant 312 : i32
    %mul3A_35 = arith.muli %arg1, %mul3A_34 : i32
    %add3A_36 = arith.constant 216 : i32
    %add3A_37 = arith.addi %mul3A_35, %add3A_36 : i32
    "tpu.region"() ({
      %run_scoped3A_212 = tpu.sem_alloc : memref<!tpu.dma_semaphore, #tpu.memory_space<semaphore_mem>>
      %dma_start3A_213 = arith.constant 0 : i32
      %dma_start3A_214 = tpu.memref_slice %arg12[%add3A_37, %dma_start3A_213] : memref<5008x128xf32, #tpu.memory_space<vmem_shared>> -> memref<24x128xf32, #tpu.memory_space<vmem_shared>>
      %dma_start3A_215 = arith.constant 0 : i32
      %dma_start3A_216 = tpu.memref_slice %arg12[%add3A_37, %dma_start3A_215] : memref<5008x128xf32, #tpu.memory_space<vmem_shared>> -> memref<24x128xf32, #tpu.memory_space<vmem_shared>>
      tpu.enqueue_dma source(%arg11 : memref<24x128xf32, #tpu.memory_space<vmem>>) target(%dma_start3A_216 : memref<24x128xf32, #tpu.memory_space<vmem_shared>>) target_semaphore(%run_scoped3A_212 : memref<!tpu.dma_semaphore, #tpu.memory_space<semaphore_mem>>)
      %dma_wait3A_217 = arith.constant 0 : i32
      %dma_wait3A_218 = tpu.memref_slice %arg12[%add3A_37, %dma_wait3A_217] : memref<5008x128xf32, #tpu.memory_space<vmem_shared>> -> memref<24x128xf32, #tpu.memory_space<vmem_shared>>
      %dma_wait3A_219 = arith.constant 0 : i32
      %dma_wait3A_220 = tpu.memref_slice %arg12[%add3A_37, %dma_wait3A_219] : memref<5008x128xf32, #tpu.memory_space<vmem_shared>> -> memref<24x128xf32, #tpu.memory_space<vmem_shared>>
      tpu.wait_dma2 semaphore(%run_scoped3A_212 : memref<!tpu.dma_semaphore, #tpu.memory_space<semaphore_mem>>) src(%arg11 : memref<24x128xf32, #tpu.memory_space<vmem>>) dst(%dma_wait3A_220 : memref<24x128xf32, #tpu.memory_space<vmem_shared>>)
      tpu.yield
    }) : () -> ()
    %mul3A_38 = arith.constant 312 : i32
    %mul3A_39 = arith.muli %arg1, %mul3A_38 : i32
    %add3A_40 = arith.constant 240 : i32
    %add3A_41 = arith.addi %mul3A_39, %add3A_40 : i32
    "tpu.region"() ({
      %run_scoped3A_212 = tpu.sem_alloc : memref<!tpu.dma_semaphore, #tpu.memory_space<semaphore_mem>>
      %dma_start3A_213 = arith.constant 0 : i32
      %dma_start3A_214 = tpu.memref_slice %arg12[%add3A_41, %dma_start3A_213] : memref<5008x128xf32, #tpu.memory_space<vmem_shared>> -> memref<24x128xf32, #tpu.memory_space<vmem_shared>>
      %dma_start3A_215 = arith.constant 0 : i32
      %dma_start3A_216 = tpu.memref_slice %arg12[%add3A_41, %dma_start3A_215] : memref<5008x128xf32, #tpu.memory_space<vmem_shared>> -> memref<24x128xf32, #tpu.memory_space<vmem_shared>>
      tpu.enqueue_dma source(%arg11 : memref<24x128xf32, #tpu.memory_space<vmem>>) target(%dma_start3A_216 : memref<24x128xf32, #tpu.memory_space<vmem_shared>>) target_semaphore(%run_scoped3A_212 : memref<!tpu.dma_semaphore, #tpu.memory_space<semaphore_mem>>)
      %dma_wait3A_217 = arith.constant 0 : i32
      %dma_wait3A_218 = tpu.memref_slice %arg12[%add3A_41, %dma_wait3A_217] : memref<5008x128xf32, #tpu.memory_space<vmem_shared>> -> memref<24x128xf32, #tpu.memory_space<vmem_shared>>
      %dma_wait3A_219 = arith.constant 0 : i32
      %dma_wait3A_220 = tpu.memref_slice %arg12[%add3A_41, %dma_wait3A_219] : memref<5008x128xf32, #tpu.memory_space<vmem_shared>> -> memref<24x128xf32, #tpu.memory_space<vmem_shared>>
      tpu.wait_dma2 semaphore(%run_scoped3A_212 : memref<!tpu.dma_semaphore, #tpu.memory_space<semaphore_mem>>) src(%arg11 : memref<24x128xf32, #tpu.memory_space<vmem>>) dst(%dma_wait3A_220 : memref<24x128xf32, #tpu.memory_space<vmem_shared>>)
      tpu.yield
    }) : () -> ()
    %mul3A_42 = arith.constant 312 : i32
    %mul3A_43 = arith.muli %arg1, %mul3A_42 : i32
    %add3A_44 = arith.constant 264 : i32
    %add3A_45 = arith.addi %mul3A_43, %add3A_44 : i32
    "tpu.region"() ({
      %run_scoped3A_212 = tpu.sem_alloc : memref<!tpu.dma_semaphore, #tpu.memory_space<semaphore_mem>>
      %dma_start3A_213 = arith.constant 0 : i32
      %dma_start3A_214 = tpu.memref_slice %arg12[%add3A_45, %dma_start3A_213] : memref<5008x128xf32, #tpu.memory_space<vmem_shared>> -> memref<24x128xf32, #tpu.memory_space<vmem_shared>>
      %dma_start3A_215 = arith.constant 0 : i32
      %dma_start3A_216 = tpu.memref_slice %arg12[%add3A_45, %dma_start3A_215] : memref<5008x128xf32, #tpu.memory_space<vmem_shared>> -> memref<24x128xf32, #tpu.memory_space<vmem_shared>>
      tpu.enqueue_dma source(%arg11 : memref<24x128xf32, #tpu.memory_space<vmem>>) target(%dma_start3A_216 : memref<24x128xf32, #tpu.memory_space<vmem_shared>>) target_semaphore(%run_scoped3A_212 : memref<!tpu.dma_semaphore, #tpu.memory_space<semaphore_mem>>)
      %dma_wait3A_217 = arith.constant 0 : i32
      %dma_wait3A_218 = tpu.memref_slice %arg12[%add3A_45, %dma_wait3A_217] : memref<5008x128xf32, #tpu.memory_space<vmem_shared>> -> memref<24x128xf32, #tpu.memory_space<vmem_shared>>
      %dma_wait3A_219 = arith.constant 0 : i32
      %dma_wait3A_220 = tpu.memref_slice %arg12[%add3A_45, %dma_wait3A_219] : memref<5008x128xf32, #tpu.memory_space<vmem_shared>> -> memref<24x128xf32, #tpu.memory_space<vmem_shared>>
      tpu.wait_dma2 semaphore(%run_scoped3A_212 : memref<!tpu.dma_semaphore, #tpu.memory_space<semaphore_mem>>) src(%arg11 : memref<24x128xf32, #tpu.memory_space<vmem>>) dst(%dma_wait3A_220 : memref<24x128xf32, #tpu.memory_space<vmem_shared>>)
      tpu.yield
    }) : () -> ()
    %mul3A_46 = arith.constant 312 : i32
    %mul3A_47 = arith.muli %arg1, %mul3A_46 : i32
    %add3A_48 = arith.constant 288 : i32
    %add3A_49 = arith.addi %mul3A_47, %add3A_48 : i32
    "tpu.region"() ({
      %run_scoped3A_212 = tpu.sem_alloc : memref<!tpu.dma_semaphore, #tpu.memory_space<semaphore_mem>>
      %dma_start3A_213 = arith.constant 0 : i32
      %dma_start3A_214 = tpu.memref_slice %arg12[%add3A_49, %dma_start3A_213] : memref<5008x128xf32, #tpu.memory_space<vmem_shared>> -> memref<24x128xf32, #tpu.memory_space<vmem_shared>>
      %dma_start3A_215 = arith.constant 0 : i32
      %dma_start3A_216 = tpu.memref_slice %arg12[%add3A_49, %dma_start3A_215] : memref<5008x128xf32, #tpu.memory_space<vmem_shared>> -> memref<24x128xf32, #tpu.memory_space<vmem_shared>>
      tpu.enqueue_dma source(%arg11 : memref<24x128xf32, #tpu.memory_space<vmem>>) target(%dma_start3A_216 : memref<24x128xf32, #tpu.memory_space<vmem_shared>>) target_semaphore(%run_scoped3A_212 : memref<!tpu.dma_semaphore, #tpu.memory_space<semaphore_mem>>)
      %dma_wait3A_217 = arith.constant 0 : i32
      %dma_wait3A_218 = tpu.memref_slice %arg12[%add3A_49, %dma_wait3A_217] : memref<5008x128xf32, #tpu.memory_space<vmem_shared>> -> memref<24x128xf32, #tpu.memory_space<vmem_shared>>
      %dma_wait3A_219 = arith.constant 0 : i32
      %dma_wait3A_220 = tpu.memref_slice %arg12[%add3A_49, %dma_wait3A_219] : memref<5008x128xf32, #tpu.memory_space<vmem_shared>> -> memref<24x128xf32, #tpu.memory_space<vmem_shared>>
      tpu.wait_dma2 semaphore(%run_scoped3A_212 : memref<!tpu.dma_semaphore, #tpu.memory_space<semaphore_mem>>) src(%arg11 : memref<24x128xf32, #tpu.memory_space<vmem>>) dst(%dma_wait3A_220 : memref<24x128xf32, #tpu.memory_space<vmem_shared>>)
      tpu.yield
    }) : () -> ()
    %eq3A = arith.constant 0 : i32
    %eq3A_50 = arith.cmpi eq, %arg1, %eq3A : i32
    %convert_element_type3A = arith.extui %eq3A_50 : i1 to i32
    %cond3A = arith.constant 0 : i32
    %cond3A_51 = arith.cmpi ne, %convert_element_type3A, %cond3A : i32
    scf.if %cond3A_51 {
      "tpu.region"() ({
        %run_scoped3A_212 = tpu.sem_alloc : memref<!tpu.dma_semaphore, #tpu.memory_space<semaphore_mem>>
        %dma_start3A_213 = arith.constant 0 : i32
        %dma_start3A_214 = arith.constant 0 : i32
        %dma_start3A_215 = tpu.memref_slice %arg11[%dma_start3A_213, %dma_start3A_214] : memref<24x128xf32, #tpu.memory_space<vmem>> -> memref<8x128xf32, #tpu.memory_space<vmem>>
        %dma_start3A_216 = arith.constant 4992 : i32
        %dma_start3A_217 = arith.constant 0 : i32
        %dma_start3A_218 = tpu.memref_slice %arg12[%dma_start3A_216, %dma_start3A_217] : memref<5008x128xf32, #tpu.memory_space<vmem_shared>> -> memref<8x128xf32, #tpu.memory_space<vmem_shared>>
        %dma_start3A_219 = arith.constant 4992 : i32
        %dma_start3A_220 = arith.constant 0 : i32
        %dma_start3A_221 = tpu.memref_slice %arg12[%dma_start3A_219, %dma_start3A_220] : memref<5008x128xf32, #tpu.memory_space<vmem_shared>> -> memref<8x128xf32, #tpu.memory_space<vmem_shared>>
        %dma_start3A_222 = arith.constant 0 : i32
        %dma_start3A_223 = arith.constant 0 : i32
        %dma_start3A_224 = tpu.memref_slice %arg11[%dma_start3A_222, %dma_start3A_223] : memref<24x128xf32, #tpu.memory_space<vmem>> -> memref<8x128xf32, #tpu.memory_space<vmem>>
        tpu.enqueue_dma source(%dma_start3A_224 : memref<8x128xf32, #tpu.memory_space<vmem>>) target(%dma_start3A_221 : memref<8x128xf32, #tpu.memory_space<vmem_shared>>) target_semaphore(%run_scoped3A_212 : memref<!tpu.dma_semaphore, #tpu.memory_space<semaphore_mem>>)
        %dma_wait3A_225 = arith.constant 0 : i32
        %dma_wait3A_226 = arith.constant 0 : i32
        %dma_wait3A_227 = tpu.memref_slice %arg11[%dma_wait3A_225, %dma_wait3A_226] : memref<24x128xf32, #tpu.memory_space<vmem>> -> memref<8x128xf32, #tpu.memory_space<vmem>>
        %dma_wait3A_228 = arith.constant 4992 : i32
        %dma_wait3A_229 = arith.constant 0 : i32
        %dma_wait3A_230 = tpu.memref_slice %arg12[%dma_wait3A_228, %dma_wait3A_229] : memref<5008x128xf32, #tpu.memory_space<vmem_shared>> -> memref<8x128xf32, #tpu.memory_space<vmem_shared>>
        %dma_wait3A_231 = arith.constant 4992 : i32
        %dma_wait3A_232 = arith.constant 0 : i32
        %dma_wait3A_233 = tpu.memref_slice %arg12[%dma_wait3A_231, %dma_wait3A_232] : memref<5008x128xf32, #tpu.memory_space<vmem_shared>> -> memref<8x128xf32, #tpu.memory_space<vmem_shared>>
        %dma_wait3A_234 = arith.constant 0 : i32
        %dma_wait3A_235 = arith.constant 0 : i32
        %dma_wait3A_236 = tpu.memref_slice %arg11[%dma_wait3A_234, %dma_wait3A_235] : memref<24x128xf32, #tpu.memory_space<vmem>> -> memref<8x128xf32, #tpu.memory_space<vmem>>
        tpu.wait_dma2 semaphore(%run_scoped3A_212 : memref<!tpu.dma_semaphore, #tpu.memory_space<semaphore_mem>>) src(%dma_wait3A_236 : memref<8x128xf32, #tpu.memory_space<vmem>>) dst(%dma_wait3A_233 : memref<8x128xf32, #tpu.memory_space<vmem_shared>>)
        tpu.yield
      }) : () -> ()
    } else {
    }
    %barrier3A = arith.constant 0 : index
    tpu.barrier barrier_id(%barrier3A)
    %run_scoped3A = arith.constant 0 : i32
    "tpu.region"() ({
      %run_scoped3A_212 = tpu.sem_alloc : memref<!tpu.dma_semaphore, #tpu.memory_space<semaphore_mem>>
      %dma_start3A_213 = arith.constant 0 : i32
      %dma_start3A_214 = arith.constant 0 : i32
      %dma_start3A_215 = tpu.memref_slice %arg2[%arg1, %run_scoped3A, %dma_start3A_213, %dma_start3A_214] : memref<16x2x125x80xi32, #tpu.memory_space<hbm>> -> memref<1x1x125x80xi32, #tpu.memory_space<hbm>>
      %dma_start3A_216 = tpu.memref_squeeze %dma_start3A_215 : memref<1x1x125x80xi32, #tpu.memory_space<hbm>> -> memref<125x80xi32, #tpu.memory_space<hbm>>
      %dma_start3A_217 = arith.constant 0 : i32
      %dma_start3A_218 = arith.constant 0 : i32
      %dma_start3A_219 = tpu.memref_slice %arg2[%arg1, %run_scoped3A, %dma_start3A_217, %dma_start3A_218] : memref<16x2x125x80xi32, #tpu.memory_space<hbm>> -> memref<1x1x125x80xi32, #tpu.memory_space<hbm>>
      %dma_start3A_220 = tpu.memref_squeeze %dma_start3A_219 : memref<1x1x125x80xi32, #tpu.memory_space<hbm>> -> memref<125x80xi32, #tpu.memory_space<hbm>>
      tpu.enqueue_dma source(%dma_start3A_220 : memref<125x80xi32, #tpu.memory_space<hbm>>) target(%arg7 : memref<125x80xi32, #tpu.memory_space<vmem>>) target_semaphore(%run_scoped3A_212 : memref<!tpu.dma_semaphore, #tpu.memory_space<semaphore_mem>>)
      %dma_wait3A_221 = arith.constant 0 : i32
      %dma_wait3A_222 = arith.constant 0 : i32
      %dma_wait3A_223 = tpu.memref_slice %arg2[%arg1, %run_scoped3A, %dma_wait3A_221, %dma_wait3A_222] : memref<16x2x125x80xi32, #tpu.memory_space<hbm>> -> memref<1x1x125x80xi32, #tpu.memory_space<hbm>>
      %dma_wait3A_224 = tpu.memref_squeeze %dma_wait3A_223 : memref<1x1x125x80xi32, #tpu.memory_space<hbm>> -> memref<125x80xi32, #tpu.memory_space<hbm>>
      %dma_wait3A_225 = arith.constant 0 : i32
      %dma_wait3A_226 = arith.constant 0 : i32
      %dma_wait3A_227 = tpu.memref_slice %arg2[%arg1, %run_scoped3A, %dma_wait3A_225, %dma_wait3A_226] : memref<16x2x125x80xi32, #tpu.memory_space<hbm>> -> memref<1x1x125x80xi32, #tpu.memory_space<hbm>>
      %dma_wait3A_228 = tpu.memref_squeeze %dma_wait3A_227 : memref<1x1x125x80xi32, #tpu.memory_space<hbm>> -> memref<125x80xi32, #tpu.memory_space<hbm>>
      tpu.wait_dma2 semaphore(%run_scoped3A_212 : memref<!tpu.dma_semaphore, #tpu.memory_space<semaphore_mem>>) src(%dma_wait3A_228 : memref<125x80xi32, #tpu.memory_space<hbm>>) dst(%arg7 : memref<125x80xi32, #tpu.memory_space<vmem>>)
      tpu.yield
    }) : () -> ()
    %run_scoped3A_52 = arith.constant 0 : i32
    "tpu.region"() ({
      %run_scoped3A_212 = tpu.sem_alloc : memref<!tpu.dma_semaphore, #tpu.memory_space<semaphore_mem>>
      %dma_start3A_213 = arith.constant 0 : i32
      %dma_start3A_214 = arith.constant 0 : i32
      %dma_start3A_215 = tpu.memref_slice %arg3[%arg0, %arg1, %run_scoped3A_52, %dma_start3A_213, %dma_start3A_214] : memref<2x16x2x125x80xi32, #tpu.memory_space<hbm>> -> memref<1x1x1x125x80xi32, #tpu.memory_space<hbm>>
      %dma_start3A_216 = tpu.memref_squeeze %dma_start3A_215 : memref<1x1x1x125x80xi32, #tpu.memory_space<hbm>> -> memref<125x80xi32, #tpu.memory_space<hbm>>
      %dma_start3A_217 = arith.constant 0 : i32
      %dma_start3A_218 = arith.constant 0 : i32
      %dma_start3A_219 = tpu.memref_slice %arg3[%arg0, %arg1, %run_scoped3A_52, %dma_start3A_217, %dma_start3A_218] : memref<2x16x2x125x80xi32, #tpu.memory_space<hbm>> -> memref<1x1x1x125x80xi32, #tpu.memory_space<hbm>>
      %dma_start3A_220 = tpu.memref_squeeze %dma_start3A_219 : memref<1x1x1x125x80xi32, #tpu.memory_space<hbm>> -> memref<125x80xi32, #tpu.memory_space<hbm>>
      tpu.enqueue_dma source(%dma_start3A_220 : memref<125x80xi32, #tpu.memory_space<hbm>>) target(%arg8 : memref<125x80xi32, #tpu.memory_space<vmem>>) target_semaphore(%run_scoped3A_212 : memref<!tpu.dma_semaphore, #tpu.memory_space<semaphore_mem>>)
      %dma_wait3A_221 = arith.constant 0 : i32
      %dma_wait3A_222 = arith.constant 0 : i32
      %dma_wait3A_223 = tpu.memref_slice %arg3[%arg0, %arg1, %run_scoped3A_52, %dma_wait3A_221, %dma_wait3A_222] : memref<2x16x2x125x80xi32, #tpu.memory_space<hbm>> -> memref<1x1x1x125x80xi32, #tpu.memory_space<hbm>>
      %dma_wait3A_224 = tpu.memref_squeeze %dma_wait3A_223 : memref<1x1x1x125x80xi32, #tpu.memory_space<hbm>> -> memref<125x80xi32, #tpu.memory_space<hbm>>
      %dma_wait3A_225 = arith.constant 0 : i32
      %dma_wait3A_226 = arith.constant 0 : i32
      %dma_wait3A_227 = tpu.memref_slice %arg3[%arg0, %arg1, %run_scoped3A_52, %dma_wait3A_225, %dma_wait3A_226] : memref<2x16x2x125x80xi32, #tpu.memory_space<hbm>> -> memref<1x1x1x125x80xi32, #tpu.memory_space<hbm>>
      %dma_wait3A_228 = tpu.memref_squeeze %dma_wait3A_227 : memref<1x1x1x125x80xi32, #tpu.memory_space<hbm>> -> memref<125x80xi32, #tpu.memory_space<hbm>>
      tpu.wait_dma2 semaphore(%run_scoped3A_212 : memref<!tpu.dma_semaphore, #tpu.memory_space<semaphore_mem>>) src(%dma_wait3A_228 : memref<125x80xi32, #tpu.memory_space<hbm>>) dst(%arg8 : memref<125x80xi32, #tpu.memory_space<vmem>>)
      tpu.yield
    }) : () -> ()
    %dma_start3A = arith.constant 0 : i32
    %dma_start3A_53 = arith.constant 0 : i32
    %dma_start3A_54 = tpu.memref_slice %arg7[%dma_start3A, %dma_start3A_53] : memref<125x80xi32, #tpu.memory_space<vmem>> -> memref<1x80xi32, #tpu.memory_space<vmem>>
    %dma_start3A_55 = tpu.memref_squeeze %dma_start3A_54 : memref<1x80xi32, #tpu.memory_space<vmem>> -> memref<80xi32, #tpu.memory_space<vmem>>
    %dma_start3A_56 = arith.constant 0 : i32
    %dma_start3A_57 = arith.constant 0 : i32
    %dma_start3A_58 = tpu.memref_slice %arg4[%dma_start3A_56, %dma_start3A_57] : memref<10000x128xf32, #tpu.memory_space<hbm>> -> memref<10000x128xf32, #tpu.memory_space<hbm>>
    tpu.enqueue_indirect_dma source(%dma_start3A_58 : memref<10000x128xf32, #tpu.memory_space<hbm>>) target(%arg9 : memref<80x128xf32, #tpu.memory_space<vmem>>) offsets(%dma_start3A_55 : memref<80xi32, #tpu.memory_space<vmem>>) semaphore(%arg13 : memref<!tpu.dma_semaphore, #tpu.memory_space<semaphore_mem>>)
    %dma_start3A_59 = arith.constant 1 : i32
    %dma_start3A_60 = arith.constant 0 : i32
    %dma_start3A_61 = tpu.memref_slice %arg7[%dma_start3A_59, %dma_start3A_60] : memref<125x80xi32, #tpu.memory_space<vmem>> -> memref<1x80xi32, #tpu.memory_space<vmem>>
    %dma_start3A_62 = tpu.memref_squeeze %dma_start3A_61 : memref<1x80xi32, #tpu.memory_space<vmem>> -> memref<80xi32, #tpu.memory_space<vmem>>
    %dma_start3A_63 = arith.constant 0 : i32
    %dma_start3A_64 = arith.constant 0 : i32
    %dma_start3A_65 = tpu.memref_slice %arg4[%dma_start3A_63, %dma_start3A_64] : memref<10000x128xf32, #tpu.memory_space<hbm>> -> memref<10000x128xf32, #tpu.memory_space<hbm>>
    tpu.enqueue_indirect_dma source(%dma_start3A_65 : memref<10000x128xf32, #tpu.memory_space<hbm>>) target(%arg10 : memref<80x128xf32, #tpu.memory_space<vmem>>) offsets(%dma_start3A_62 : memref<80xi32, #tpu.memory_space<vmem>>) semaphore(%arg14 : memref<!tpu.dma_semaphore, #tpu.memory_space<semaphore_mem>>)
    %scan3A = arith.constant 0 : i32
    %scan3A_66 = arith.constant 0 : i32
    %scan3A_67 = arith.constant 61 : i32
    %scan3A_68 = arith.addi %scan3A_66, %scan3A_67 : i32
    %scan3A_69 = arith.constant 1 : i32
    scf.for %scan3A_212 = %scan3A_66 to %scan3A_68 step %scan3A_69  : i32 {
      %mul3A_213 = arith.constant 2 : i32
      %mul3A_214 = arith.muli %mul3A_213, %scan3A_212 : i32
      %add3A_215 = arith.constant 0 : i32
      %add3A_216 = arith.addi %mul3A_214, %add3A_215 : i32
      %dma_wait3A_217 = arith.constant 0 : i32
      %dma_wait3A_218 = tpu.memref_slice %arg7[%add3A_216, %dma_wait3A_217] : memref<125x80xi32, #tpu.memory_space<vmem>> -> memref<1x80xi32, #tpu.memory_space<vmem>>
      %dma_wait3A_219 = tpu.memref_squeeze %dma_wait3A_218 : memref<1x80xi32, #tpu.memory_space<vmem>> -> memref<80xi32, #tpu.memory_space<vmem>>
      %dma_wait3A_220 = arith.constant 0 : i32
      %dma_wait3A_221 = arith.constant 0 : i32
      %dma_wait3A_222 = tpu.memref_slice %arg4[%dma_wait3A_220, %dma_wait3A_221] : memref<10000x128xf32, #tpu.memory_space<hbm>> -> memref<10000x128xf32, #tpu.memory_space<hbm>>
      tpu.wait_indirect_dma semaphore(%arg13 : memref<!tpu.dma_semaphore, #tpu.memory_space<semaphore_mem>>) src(%dma_wait3A_222 : memref<10000x128xf32, #tpu.memory_space<hbm>>) dst(%arg9 : memref<80x128xf32, #tpu.memory_space<vmem>>)
      "tpu.region"() ({
        %run_scoped3A_249 = tpu.sem_alloc : memref<!tpu.dma_semaphore, #tpu.memory_space<semaphore_mem>>
        %dma_start3A_250 = arith.constant 0 : i32
        %dma_start3A_251 = tpu.memref_slice %arg8[%add3A_216, %dma_start3A_250] : memref<125x80xi32, #tpu.memory_space<vmem>> -> memref<1x80xi32, #tpu.memory_space<vmem>>
        %dma_start3A_252 = tpu.memref_squeeze %dma_start3A_251 : memref<1x80xi32, #tpu.memory_space<vmem>> -> memref<80xi32, #tpu.memory_space<vmem>>
        %dma_start3A_253 = arith.constant 0 : i32
        %dma_start3A_254 = arith.constant 0 : i32
        %dma_start3A_255 = tpu.memref_slice %arg12[%dma_start3A_253, %dma_start3A_254] : memref<5008x128xf32, #tpu.memory_space<vmem_shared>> -> memref<5008x128xf32, #tpu.memory_space<vmem_shared>>
        tpu.enqueue_indirect_dma source(%arg9 : memref<80x128xf32, #tpu.memory_space<vmem>>) target(%dma_start3A_255 : memref<5008x128xf32, #tpu.memory_space<vmem_shared>>) offsets(%dma_start3A_252 : memref<80xi32, #tpu.memory_space<vmem>>) semaphore(%run_scoped3A_249 : memref<!tpu.dma_semaphore, #tpu.memory_space<semaphore_mem>>) {add = true}
        %dma_wait3A_256 = arith.constant 0 : i32
        %dma_wait3A_257 = tpu.memref_slice %arg8[%add3A_216, %dma_wait3A_256] : memref<125x80xi32, #tpu.memory_space<vmem>> -> memref<1x80xi32, #tpu.memory_space<vmem>>
        %dma_wait3A_258 = tpu.memref_squeeze %dma_wait3A_257 : memref<1x80xi32, #tpu.memory_space<vmem>> -> memref<80xi32, #tpu.memory_space<vmem>>
        %dma_wait3A_259 = arith.constant 0 : i32
        %dma_wait3A_260 = arith.constant 0 : i32
        %dma_wait3A_261 = tpu.memref_slice %arg12[%dma_wait3A_259, %dma_wait3A_260] : memref<5008x128xf32, #tpu.memory_space<vmem_shared>> -> memref<5008x128xf32, #tpu.memory_space<vmem_shared>>
        tpu.wait_indirect_dma semaphore(%run_scoped3A_249 : memref<!tpu.dma_semaphore, #tpu.memory_space<semaphore_mem>>) src(%arg9 : memref<80x128xf32, #tpu.memory_space<vmem>>) dst(%dma_wait3A_261 : memref<5008x128xf32, #tpu.memory_space<vmem_shared>>)
        tpu.yield
      }) : () -> ()
      %add3A_223 = arith.constant 2 : i32
      %add3A_224 = arith.addi %add3A_216, %add3A_223 : i32
      %dma_start3A_225 = arith.constant 0 : i32
      %dma_start3A_226 = tpu.memref_slice %arg7[%add3A_224, %dma_start3A_225] : memref<125x80xi32, #tpu.memory_space<vmem>> -> memref<1x80xi32, #tpu.memory_space<vmem>>
      %dma_start3A_227 = tpu.memref_squeeze %dma_start3A_226 : memref<1x80xi32, #tpu.memory_space<vmem>> -> memref<80xi32, #tpu.memory_space<vmem>>
      %dma_start3A_228 = arith.constant 0 : i32
      %dma_start3A_229 = arith.constant 0 : i32
      %dma_start3A_230 = tpu.memref_slice %arg4[%dma_start3A_228, %dma_start3A_229] : memref<10000x128xf32, #tpu.memory_space<hbm>> -> memref<10000x128xf32, #tpu.memory_space<hbm>>
      tpu.enqueue_indirect_dma source(%dma_start3A_230 : memref<10000x128xf32, #tpu.memory_space<hbm>>) target(%arg9 : memref<80x128xf32, #tpu.memory_space<vmem>>) offsets(%dma_start3A_227 : memref<80xi32, #tpu.memory_space<vmem>>) semaphore(%arg13 : memref<!tpu.dma_semaphore, #tpu.memory_space<semaphore_mem>>)
      %mul3A_231 = arith.constant 2 : i32
      %mul3A_232 = arith.muli %mul3A_231, %scan3A_212 : i32
      %add3A_233 = arith.constant 1 : i32
      %add3A_234 = arith.addi %mul3A_232, %add3A_233 : i32
      %dma_wait3A_235 = arith.constant 0 : i32
      %dma_wait3A_236 = tpu.memref_slice %arg7[%add3A_234, %dma_wait3A_235] : memref<125x80xi32, #tpu.memory_space<vmem>> -> memref<1x80xi32, #tpu.memory_space<vmem>>
      %dma_wait3A_237 = tpu.memref_squeeze %dma_wait3A_236 : memref<1x80xi32, #tpu.memory_space<vmem>> -> memref<80xi32, #tpu.memory_space<vmem>>
      %dma_wait3A_238 = arith.constant 0 : i32
      %dma_wait3A_239 = arith.constant 0 : i32
      %dma_wait3A_240 = tpu.memref_slice %arg4[%dma_wait3A_238, %dma_wait3A_239] : memref<10000x128xf32, #tpu.memory_space<hbm>> -> memref<10000x128xf32, #tpu.memory_space<hbm>>
      tpu.wait_indirect_dma semaphore(%arg14 : memref<!tpu.dma_semaphore, #tpu.memory_space<semaphore_mem>>) src(%dma_wait3A_240 : memref<10000x128xf32, #tpu.memory_space<hbm>>) dst(%arg10 : memref<80x128xf32, #tpu.memory_space<vmem>>)
      "tpu.region"() ({
        %run_scoped3A_249 = tpu.sem_alloc : memref<!tpu.dma_semaphore, #tpu.memory_space<semaphore_mem>>
        %dma_start3A_250 = arith.constant 0 : i32
        %dma_start3A_251 = tpu.memref_slice %arg8[%add3A_234, %dma_start3A_250] : memref<125x80xi32, #tpu.memory_space<vmem>> -> memref<1x80xi32, #tpu.memory_space<vmem>>
        %dma_start3A_252 = tpu.memref_squeeze %dma_start3A_251 : memref<1x80xi32, #tpu.memory_space<vmem>> -> memref<80xi32, #tpu.memory_space<vmem>>
        %dma_start3A_253 = arith.constant 0 : i32
        %dma_start3A_254 = arith.constant 0 : i32
        %dma_start3A_255 = tpu.memref_slice %arg12[%dma_start3A_253, %dma_start3A_254] : memref<5008x128xf32, #tpu.memory_space<vmem_shared>> -> memref<5008x128xf32, #tpu.memory_space<vmem_shared>>
        tpu.enqueue_indirect_dma source(%arg10 : memref<80x128xf32, #tpu.memory_space<vmem>>) target(%dma_start3A_255 : memref<5008x128xf32, #tpu.memory_space<vmem_shared>>) offsets(%dma_start3A_252 : memref<80xi32, #tpu.memory_space<vmem>>) semaphore(%run_scoped3A_249 : memref<!tpu.dma_semaphore, #tpu.memory_space<semaphore_mem>>) {add = true}
        %dma_wait3A_256 = arith.constant 0 : i32
        %dma_wait3A_257 = tpu.memref_slice %arg8[%add3A_234, %dma_wait3A_256] : memref<125x80xi32, #tpu.memory_space<vmem>> -> memref<1x80xi32, #tpu.memory_space<vmem>>
        %dma_wait3A_258 = tpu.memref_squeeze %dma_wait3A_257 : memref<1x80xi32, #tpu.memory_space<vmem>> -> memref<80xi32, #tpu.memory_space<vmem>>
        %dma_wait3A_259 = arith.constant 0 : i32
        %dma_wait3A_260 = arith.constant 0 : i32
        %dma_wait3A_261 = tpu.memref_slice %arg12[%dma_wait3A_259, %dma_wait3A_260] : memref<5008x128xf32, #tpu.memory_space<vmem_shared>> -> memref<5008x128xf32, #tpu.memory_space<vmem_shared>>
        tpu.wait_indirect_dma semaphore(%run_scoped3A_249 : memref<!tpu.dma_semaphore, #tpu.memory_space<semaphore_mem>>) src(%arg10 : memref<80x128xf32, #tpu.memory_space<vmem>>) dst(%dma_wait3A_261 : memref<5008x128xf32, #tpu.memory_space<vmem_shared>>)
        tpu.yield
      }) : () -> ()
      %add3A_241 = arith.constant 2 : i32
      %add3A_242 = arith.addi %add3A_234, %add3A_241 : i32
      %dma_start3A_243 = arith.constant 0 : i32
      %dma_start3A_244 = tpu.memref_slice %arg7[%add3A_242, %dma_start3A_243] : memref<125x80xi32, #tpu.memory_space<vmem>> -> memref<1x80xi32, #tpu.memory_space<vmem>>
      %dma_start3A_245 = tpu.memref_squeeze %dma_start3A_244 : memref<1x80xi32, #tpu.memory_space<vmem>> -> memref<80xi32, #tpu.memory_space<vmem>>
      %dma_start3A_246 = arith.constant 0 : i32
      %dma_start3A_247 = arith.constant 0 : i32
      %dma_start3A_248 = tpu.memref_slice %arg4[%dma_start3A_246, %dma_start3A_247] : memref<10000x128xf32, #tpu.memory_space<hbm>> -> memref<10000x128xf32, #tpu.memory_space<hbm>>
      tpu.enqueue_indirect_dma source(%dma_start3A_248 : memref<10000x128xf32, #tpu.memory_space<hbm>>) target(%arg10 : memref<80x128xf32, #tpu.memory_space<vmem>>) offsets(%dma_start3A_245 : memref<80xi32, #tpu.memory_space<vmem>>) semaphore(%arg14 : memref<!tpu.dma_semaphore, #tpu.memory_space<semaphore_mem>>)
    }
    %scan3A_70 = arith.constant 61 : i32
    %dma_wait3A = arith.constant 122 : i32
    %dma_wait3A_71 = arith.constant 0 : i32
    %dma_wait3A_72 = tpu.memref_slice %arg7[%dma_wait3A, %dma_wait3A_71] : memref<125x80xi32, #tpu.memory_space<vmem>> -> memref<1x80xi32, #tpu.memory_space<vmem>>
    %dma_wait3A_73 = tpu.memref_squeeze %dma_wait3A_72 : memref<1x80xi32, #tpu.memory_space<vmem>> -> memref<80xi32, #tpu.memory_space<vmem>>
    %dma_wait3A_74 = arith.constant 0 : i32
    %dma_wait3A_75 = arith.constant 0 : i32
    %dma_wait3A_76 = tpu.memref_slice %arg4[%dma_wait3A_74, %dma_wait3A_75] : memref<10000x128xf32, #tpu.memory_space<hbm>> -> memref<10000x128xf32, #tpu.memory_space<hbm>>
    tpu.wait_indirect_dma semaphore(%arg13 : memref<!tpu.dma_semaphore, #tpu.memory_space<semaphore_mem>>) src(%dma_wait3A_76 : memref<10000x128xf32, #tpu.memory_space<hbm>>) dst(%arg9 : memref<80x128xf32, #tpu.memory_space<vmem>>)
    %run_scoped3A_77 = arith.constant 122 : i32
    "tpu.region"() ({
      %run_scoped3A_212 = tpu.sem_alloc : memref<!tpu.dma_semaphore, #tpu.memory_space<semaphore_mem>>
      %dma_start3A_213 = arith.constant 0 : i32
      %dma_start3A_214 = tpu.memref_slice %arg8[%run_scoped3A_77, %dma_start3A_213] : memref<125x80xi32, #tpu.memory_space<vmem>> -> memref<1x80xi32, #tpu.memory_space<vmem>>
      %dma_start3A_215 = tpu.memref_squeeze %dma_start3A_214 : memref<1x80xi32, #tpu.memory_space<vmem>> -> memref<80xi32, #tpu.memory_space<vmem>>
      %dma_start3A_216 = arith.constant 0 : i32
      %dma_start3A_217 = arith.constant 0 : i32
      %dma_start3A_218 = tpu.memref_slice %arg12[%dma_start3A_216, %dma_start3A_217] : memref<5008x128xf32, #tpu.memory_space<vmem_shared>> -> memref<5008x128xf32, #tpu.memory_space<vmem_shared>>
      tpu.enqueue_indirect_dma source(%arg9 : memref<80x128xf32, #tpu.memory_space<vmem>>) target(%dma_start3A_218 : memref<5008x128xf32, #tpu.memory_space<vmem_shared>>) offsets(%dma_start3A_215 : memref<80xi32, #tpu.memory_space<vmem>>) semaphore(%run_scoped3A_212 : memref<!tpu.dma_semaphore, #tpu.memory_space<semaphore_mem>>) {add = true}
      %dma_wait3A_219 = arith.constant 0 : i32
      %dma_wait3A_220 = tpu.memref_slice %arg8[%run_scoped3A_77, %dma_wait3A_219] : memref<125x80xi32, #tpu.memory_space<vmem>> -> memref<1x80xi32, #tpu.memory_space<vmem>>
      %dma_wait3A_221 = tpu.memref_squeeze %dma_wait3A_220 : memref<1x80xi32, #tpu.memory_space<vmem>> -> memref<80xi32, #tpu.memory_space<vmem>>
      %dma_wait3A_222 = arith.constant 0 : i32
      %dma_wait3A_223 = arith.constant 0 : i32
      %dma_wait3A_224 = tpu.memref_slice %arg12[%dma_wait3A_222, %dma_wait3A_223] : memref<5008x128xf32, #tpu.memory_space<vmem_shared>> -> memref<5008x128xf32, #tpu.memory_space<vmem_shared>>
      tpu.wait_indirect_dma semaphore(%run_scoped3A_212 : memref<!tpu.dma_semaphore, #tpu.memory_space<semaphore_mem>>) src(%arg9 : memref<80x128xf32, #tpu.memory_space<vmem>>) dst(%dma_wait3A_224 : memref<5008x128xf32, #tpu.memory_space<vmem_shared>>)
      tpu.yield
    }) : () -> ()
    %dma_start3A_78 = arith.constant 124 : i32
    %dma_start3A_79 = arith.constant 0 : i32
    %dma_start3A_80 = tpu.memref_slice %arg7[%dma_start3A_78, %dma_start3A_79] : memref<125x80xi32, #tpu.memory_space<vmem>> -> memref<1x80xi32, #tpu.memory_space<vmem>>
    %dma_start3A_81 = tpu.memref_squeeze %dma_start3A_80 : memref<1x80xi32, #tpu.memory_space<vmem>> -> memref<80xi32, #tpu.memory_space<vmem>>
    %dma_start3A_82 = arith.constant 0 : i32
    %dma_start3A_83 = arith.constant 0 : i32
    %dma_start3A_84 = tpu.memref_slice %arg4[%dma_start3A_82, %dma_start3A_83] : memref<10000x128xf32, #tpu.memory_space<hbm>> -> memref<10000x128xf32, #tpu.memory_space<hbm>>
    tpu.enqueue_indirect_dma source(%dma_start3A_84 : memref<10000x128xf32, #tpu.memory_space<hbm>>) target(%arg9 : memref<80x128xf32, #tpu.memory_space<vmem>>) offsets(%dma_start3A_81 : memref<80xi32, #tpu.memory_space<vmem>>) semaphore(%arg13 : memref<!tpu.dma_semaphore, #tpu.memory_space<semaphore_mem>>)
    %dma_wait3A_85 = arith.constant 123 : i32
    %dma_wait3A_86 = arith.constant 0 : i32
    %dma_wait3A_87 = tpu.memref_slice %arg7[%dma_wait3A_85, %dma_wait3A_86] : memref<125x80xi32, #tpu.memory_space<vmem>> -> memref<1x80xi32, #tpu.memory_space<vmem>>
    %dma_wait3A_88 = tpu.memref_squeeze %dma_wait3A_87 : memref<1x80xi32, #tpu.memory_space<vmem>> -> memref<80xi32, #tpu.memory_space<vmem>>
    %dma_wait3A_89 = arith.constant 0 : i32
    %dma_wait3A_90 = arith.constant 0 : i32
    %dma_wait3A_91 = tpu.memref_slice %arg4[%dma_wait3A_89, %dma_wait3A_90] : memref<10000x128xf32, #tpu.memory_space<hbm>> -> memref<10000x128xf32, #tpu.memory_space<hbm>>
    tpu.wait_indirect_dma semaphore(%arg14 : memref<!tpu.dma_semaphore, #tpu.memory_space<semaphore_mem>>) src(%dma_wait3A_91 : memref<10000x128xf32, #tpu.memory_space<hbm>>) dst(%arg10 : memref<80x128xf32, #tpu.memory_space<vmem>>)
    %run_scoped3A_92 = arith.constant 123 : i32
    "tpu.region"() ({
      %run_scoped3A_212 = tpu.sem_alloc : memref<!tpu.dma_semaphore, #tpu.memory_space<semaphore_mem>>
      %dma_start3A_213 = arith.constant 0 : i32
      %dma_start3A_214 = tpu.memref_slice %arg8[%run_scoped3A_92, %dma_start3A_213] : memref<125x80xi32, #tpu.memory_space<vmem>> -> memref<1x80xi32, #tpu.memory_space<vmem>>
      %dma_start3A_215 = tpu.memref_squeeze %dma_start3A_214 : memref<1x80xi32, #tpu.memory_space<vmem>> -> memref<80xi32, #tpu.memory_space<vmem>>
      %dma_start3A_216 = arith.constant 0 : i32
      %dma_start3A_217 = arith.constant 0 : i32
      %dma_start3A_218 = tpu.memref_slice %arg12[%dma_start3A_216, %dma_start3A_217] : memref<5008x128xf32, #tpu.memory_space<vmem_shared>> -> memref<5008x128xf32, #tpu.memory_space<vmem_shared>>
      tpu.enqueue_indirect_dma source(%arg10 : memref<80x128xf32, #tpu.memory_space<vmem>>) target(%dma_start3A_218 : memref<5008x128xf32, #tpu.memory_space<vmem_shared>>) offsets(%dma_start3A_215 : memref<80xi32, #tpu.memory_space<vmem>>) semaphore(%run_scoped3A_212 : memref<!tpu.dma_semaphore, #tpu.memory_space<semaphore_mem>>) {add = true}
      %dma_wait3A_219 = arith.constant 0 : i32
      %dma_wait3A_220 = tpu.memref_slice %arg8[%run_scoped3A_92, %dma_wait3A_219] : memref<125x80xi32, #tpu.memory_space<vmem>> -> memref<1x80xi32, #tpu.memory_space<vmem>>
      %dma_wait3A_221 = tpu.memref_squeeze %dma_wait3A_220 : memref<1x80xi32, #tpu.memory_space<vmem>> -> memref<80xi32, #tpu.memory_space<vmem>>
      %dma_wait3A_222 = arith.constant 0 : i32
      %dma_wait3A_223 = arith.constant 0 : i32
      %dma_wait3A_224 = tpu.memref_slice %arg12[%dma_wait3A_222, %dma_wait3A_223] : memref<5008x128xf32, #tpu.memory_space<vmem_shared>> -> memref<5008x128xf32, #tpu.memory_space<vmem_shared>>
      tpu.wait_indirect_dma semaphore(%run_scoped3A_212 : memref<!tpu.dma_semaphore, #tpu.memory_space<semaphore_mem>>) src(%arg10 : memref<80x128xf32, #tpu.memory_space<vmem>>) dst(%dma_wait3A_224 : memref<5008x128xf32, #tpu.memory_space<vmem_shared>>)
      tpu.yield
    }) : () -> ()
    %dma_wait3A_93 = arith.constant 124 : i32
    %dma_wait3A_94 = arith.constant 0 : i32
    %dma_wait3A_95 = tpu.memref_slice %arg7[%dma_wait3A_93, %dma_wait3A_94] : memref<125x80xi32, #tpu.memory_space<vmem>> -> memref<1x80xi32, #tpu.memory_space<vmem>>
    %dma_wait3A_96 = tpu.memref_squeeze %dma_wait3A_95 : memref<1x80xi32, #tpu.memory_space<vmem>> -> memref<80xi32, #tpu.memory_space<vmem>>
    %dma_wait3A_97 = arith.constant 0 : i32
    %dma_wait3A_98 = arith.constant 0 : i32
    %dma_wait3A_99 = tpu.memref_slice %arg4[%dma_wait3A_97, %dma_wait3A_98] : memref<10000x128xf32, #tpu.memory_space<hbm>> -> memref<10000x128xf32, #tpu.memory_space<hbm>>
    tpu.wait_indirect_dma semaphore(%arg13 : memref<!tpu.dma_semaphore, #tpu.memory_space<semaphore_mem>>) src(%dma_wait3A_99 : memref<10000x128xf32, #tpu.memory_space<hbm>>) dst(%arg9 : memref<80x128xf32, #tpu.memory_space<vmem>>)
    %run_scoped3A_100 = arith.constant 124 : i32
    "tpu.region"() ({
      %run_scoped3A_212 = tpu.sem_alloc : memref<!tpu.dma_semaphore, #tpu.memory_space<semaphore_mem>>
      %dma_start3A_213 = arith.constant 0 : i32
      %dma_start3A_214 = tpu.memref_slice %arg8[%run_scoped3A_100, %dma_start3A_213] : memref<125x80xi32, #tpu.memory_space<vmem>> -> memref<1x80xi32, #tpu.memory_space<vmem>>
      %dma_start3A_215 = tpu.memref_squeeze %dma_start3A_214 : memref<1x80xi32, #tpu.memory_space<vmem>> -> memref<80xi32, #tpu.memory_space<vmem>>
      %dma_start3A_216 = arith.constant 0 : i32
      %dma_start3A_217 = arith.constant 0 : i32
      %dma_start3A_218 = tpu.memref_slice %arg12[%dma_start3A_216, %dma_start3A_217] : memref<5008x128xf32, #tpu.memory_space<vmem_shared>> -> memref<5008x128xf32, #tpu.memory_space<vmem_shared>>
      tpu.enqueue_indirect_dma source(%arg9 : memref<80x128xf32, #tpu.memory_space<vmem>>) target(%dma_start3A_218 : memref<5008x128xf32, #tpu.memory_space<vmem_shared>>) offsets(%dma_start3A_215 : memref<80xi32, #tpu.memory_space<vmem>>) semaphore(%run_scoped3A_212 : memref<!tpu.dma_semaphore, #tpu.memory_space<semaphore_mem>>) {add = true}
      %dma_wait3A_219 = arith.constant 0 : i32
      %dma_wait3A_220 = tpu.memref_slice %arg8[%run_scoped3A_100, %dma_wait3A_219] : memref<125x80xi32, #tpu.memory_space<vmem>> -> memref<1x80xi32, #tpu.memory_space<vmem>>
      %dma_wait3A_221 = tpu.memref_squeeze %dma_wait3A_220 : memref<1x80xi32, #tpu.memory_space<vmem>> -> memref<80xi32, #tpu.memory_space<vmem>>
      %dma_wait3A_222 = arith.constant 0 : i32
      %dma_wait3A_223 = arith.constant 0 : i32
      %dma_wait3A_224 = tpu.memref_slice %arg12[%dma_wait3A_222, %dma_wait3A_223] : memref<5008x128xf32, #tpu.memory_space<vmem_shared>> -> memref<5008x128xf32, #tpu.memory_space<vmem_shared>>
      tpu.wait_indirect_dma semaphore(%run_scoped3A_212 : memref<!tpu.dma_semaphore, #tpu.memory_space<semaphore_mem>>) src(%arg9 : memref<80x128xf32, #tpu.memory_space<vmem>>) dst(%dma_wait3A_224 : memref<5008x128xf32, #tpu.memory_space<vmem_shared>>)
      tpu.yield
    }) : () -> ()
    %run_scoped3A_101 = arith.constant 1 : i32
    "tpu.region"() ({
      %run_scoped3A_212 = tpu.sem_alloc : memref<!tpu.dma_semaphore, #tpu.memory_space<semaphore_mem>>
      %dma_start3A_213 = arith.constant 0 : i32
      %dma_start3A_214 = arith.constant 0 : i32
      %dma_start3A_215 = tpu.memref_slice %arg2[%arg1, %run_scoped3A_101, %dma_start3A_213, %dma_start3A_214] : memref<16x2x125x80xi32, #tpu.memory_space<hbm>> -> memref<1x1x125x80xi32, #tpu.memory_space<hbm>>
      %dma_start3A_216 = tpu.memref_squeeze %dma_start3A_215 : memref<1x1x125x80xi32, #tpu.memory_space<hbm>> -> memref<125x80xi32, #tpu.memory_space<hbm>>
      %dma_start3A_217 = arith.constant 0 : i32
      %dma_start3A_218 = arith.constant 0 : i32
      %dma_start3A_219 = tpu.memref_slice %arg2[%arg1, %run_scoped3A_101, %dma_start3A_217, %dma_start3A_218] : memref<16x2x125x80xi32, #tpu.memory_space<hbm>> -> memref<1x1x125x80xi32, #tpu.memory_space<hbm>>
      %dma_start3A_220 = tpu.memref_squeeze %dma_start3A_219 : memref<1x1x125x80xi32, #tpu.memory_space<hbm>> -> memref<125x80xi32, #tpu.memory_space<hbm>>
      tpu.enqueue_dma source(%dma_start3A_220 : memref<125x80xi32, #tpu.memory_space<hbm>>) target(%arg7 : memref<125x80xi32, #tpu.memory_space<vmem>>) target_semaphore(%run_scoped3A_212 : memref<!tpu.dma_semaphore, #tpu.memory_space<semaphore_mem>>)
      %dma_wait3A_221 = arith.constant 0 : i32
      %dma_wait3A_222 = arith.constant 0 : i32
      %dma_wait3A_223 = tpu.memref_slice %arg2[%arg1, %run_scoped3A_101, %dma_wait3A_221, %dma_wait3A_222] : memref<16x2x125x80xi32, #tpu.memory_space<hbm>> -> memref<1x1x125x80xi32, #tpu.memory_space<hbm>>
      %dma_wait3A_224 = tpu.memref_squeeze %dma_wait3A_223 : memref<1x1x125x80xi32, #tpu.memory_space<hbm>> -> memref<125x80xi32, #tpu.memory_space<hbm>>
      %dma_wait3A_225 = arith.constant 0 : i32
      %dma_wait3A_226 = arith.constant 0 : i32
      %dma_wait3A_227 = tpu.memref_slice %arg2[%arg1, %run_scoped3A_101, %dma_wait3A_225, %dma_wait3A_226] : memref<16x2x125x80xi32, #tpu.memory_space<hbm>> -> memref<1x1x125x80xi32, #tpu.memory_space<hbm>>
      %dma_wait3A_228 = tpu.memref_squeeze %dma_wait3A_227 : memref<1x1x125x80xi32, #tpu.memory_space<hbm>> -> memref<125x80xi32, #tpu.memory_space<hbm>>
      tpu.wait_dma2 semaphore(%run_scoped3A_212 : memref<!tpu.dma_semaphore, #tpu.memory_space<semaphore_mem>>) src(%dma_wait3A_228 : memref<125x80xi32, #tpu.memory_space<hbm>>) dst(%arg7 : memref<125x80xi32, #tpu.memory_space<vmem>>)
      tpu.yield
    }) : () -> ()
    %run_scoped3A_102 = arith.constant 1 : i32
    "tpu.region"() ({
      %run_scoped3A_212 = tpu.sem_alloc : memref<!tpu.dma_semaphore, #tpu.memory_space<semaphore_mem>>
      %dma_start3A_213 = arith.constant 0 : i32
      %dma_start3A_214 = arith.constant 0 : i32
      %dma_start3A_215 = tpu.memref_slice %arg3[%arg0, %arg1, %run_scoped3A_102, %dma_start3A_213, %dma_start3A_214] : memref<2x16x2x125x80xi32, #tpu.memory_space<hbm>> -> memref<1x1x1x125x80xi32, #tpu.memory_space<hbm>>
      %dma_start3A_216 = tpu.memref_squeeze %dma_start3A_215 : memref<1x1x1x125x80xi32, #tpu.memory_space<hbm>> -> memref<125x80xi32, #tpu.memory_space<hbm>>
      %dma_start3A_217 = arith.constant 0 : i32
      %dma_start3A_218 = arith.constant 0 : i32
      %dma_start3A_219 = tpu.memref_slice %arg3[%arg0, %arg1, %run_scoped3A_102, %dma_start3A_217, %dma_start3A_218] : memref<2x16x2x125x80xi32, #tpu.memory_space<hbm>> -> memref<1x1x1x125x80xi32, #tpu.memory_space<hbm>>
      %dma_start3A_220 = tpu.memref_squeeze %dma_start3A_219 : memref<1x1x1x125x80xi32, #tpu.memory_space<hbm>> -> memref<125x80xi32, #tpu.memory_space<hbm>>
      tpu.enqueue_dma source(%dma_start3A_220 : memref<125x80xi32, #tpu.memory_space<hbm>>) target(%arg8 : memref<125x80xi32, #tpu.memory_space<vmem>>) target_semaphore(%run_scoped3A_212 : memref<!tpu.dma_semaphore, #tpu.memory_space<semaphore_mem>>)
      %dma_wait3A_221 = arith.constant 0 : i32
      %dma_wait3A_222 = arith.constant 0 : i32
      %dma_wait3A_223 = tpu.memref_slice %arg3[%arg0, %arg1, %run_scoped3A_102, %dma_wait3A_221, %dma_wait3A_222] : memref<2x16x2x125x80xi32, #tpu.memory_space<hbm>> -> memref<1x1x1x125x80xi32, #tpu.memory_space<hbm>>
      %dma_wait3A_224 = tpu.memref_squeeze %dma_wait3A_223 : memref<1x1x1x125x80xi32, #tpu.memory_space<hbm>> -> memref<125x80xi32, #tpu.memory_space<hbm>>
      %dma_wait3A_225 = arith.constant 0 : i32
      %dma_wait3A_226 = arith.constant 0 : i32
      %dma_wait3A_227 = tpu.memref_slice %arg3[%arg0, %arg1, %run_scoped3A_102, %dma_wait3A_225, %dma_wait3A_226] : memref<2x16x2x125x80xi32, #tpu.memory_space<hbm>> -> memref<1x1x1x125x80xi32, #tpu.memory_space<hbm>>
      %dma_wait3A_228 = tpu.memref_squeeze %dma_wait3A_227 : memref<1x1x1x125x80xi32, #tpu.memory_space<hbm>> -> memref<125x80xi32, #tpu.memory_space<hbm>>
      tpu.wait_dma2 semaphore(%run_scoped3A_212 : memref<!tpu.dma_semaphore, #tpu.memory_space<semaphore_mem>>) src(%dma_wait3A_228 : memref<125x80xi32, #tpu.memory_space<hbm>>) dst(%arg8 : memref<125x80xi32, #tpu.memory_space<vmem>>)
      tpu.yield
    }) : () -> ()
    %dma_start3A_103 = arith.constant 0 : i32
    %dma_start3A_104 = arith.constant 0 : i32
    %dma_start3A_105 = tpu.memref_slice %arg7[%dma_start3A_103, %dma_start3A_104] : memref<125x80xi32, #tpu.memory_space<vmem>> -> memref<1x80xi32, #tpu.memory_space<vmem>>
    %dma_start3A_106 = tpu.memref_squeeze %dma_start3A_105 : memref<1x80xi32, #tpu.memory_space<vmem>> -> memref<80xi32, #tpu.memory_space<vmem>>
    %dma_start3A_107 = arith.constant 0 : i32
    %dma_start3A_108 = arith.constant 0 : i32
    %dma_start3A_109 = tpu.memref_slice %arg4[%dma_start3A_107, %dma_start3A_108] : memref<10000x128xf32, #tpu.memory_space<hbm>> -> memref<10000x128xf32, #tpu.memory_space<hbm>>
    tpu.enqueue_indirect_dma source(%dma_start3A_109 : memref<10000x128xf32, #tpu.memory_space<hbm>>) target(%arg9 : memref<80x128xf32, #tpu.memory_space<vmem>>) offsets(%dma_start3A_106 : memref<80xi32, #tpu.memory_space<vmem>>) semaphore(%arg13 : memref<!tpu.dma_semaphore, #tpu.memory_space<semaphore_mem>>)
    %dma_start3A_110 = arith.constant 1 : i32
    %dma_start3A_111 = arith.constant 0 : i32
    %dma_start3A_112 = tpu.memref_slice %arg7[%dma_start3A_110, %dma_start3A_111] : memref<125x80xi32, #tpu.memory_space<vmem>> -> memref<1x80xi32, #tpu.memory_space<vmem>>
    %dma_start3A_113 = tpu.memref_squeeze %dma_start3A_112 : memref<1x80xi32, #tpu.memory_space<vmem>> -> memref<80xi32, #tpu.memory_space<vmem>>
    %dma_start3A_114 = arith.constant 0 : i32
    %dma_start3A_115 = arith.constant 0 : i32
    %dma_start3A_116 = tpu.memref_slice %arg4[%dma_start3A_114, %dma_start3A_115] : memref<10000x128xf32, #tpu.memory_space<hbm>> -> memref<10000x128xf32, #tpu.memory_space<hbm>>
    tpu.enqueue_indirect_dma source(%dma_start3A_116 : memref<10000x128xf32, #tpu.memory_space<hbm>>) target(%arg10 : memref<80x128xf32, #tpu.memory_space<vmem>>) offsets(%dma_start3A_113 : memref<80xi32, #tpu.memory_space<vmem>>) semaphore(%arg14 : memref<!tpu.dma_semaphore, #tpu.memory_space<semaphore_mem>>)
    %scan3A_117 = arith.constant 0 : i32
    %scan3A_118 = arith.constant 0 : i32
    %scan3A_119 = arith.constant 61 : i32
    %scan3A_120 = arith.addi %scan3A_118, %scan3A_119 : i32
    %scan3A_121 = arith.constant 1 : i32
    scf.for %scan3A_212 = %scan3A_118 to %scan3A_120 step %scan3A_121  : i32 {
      %mul3A_213 = arith.constant 2 : i32
      %mul3A_214 = arith.muli %mul3A_213, %scan3A_212 : i32
      %add3A_215 = arith.constant 0 : i32
      %add3A_216 = arith.addi %mul3A_214, %add3A_215 : i32
      %dma_wait3A_217 = arith.constant 0 : i32
      %dma_wait3A_218 = tpu.memref_slice %arg7[%add3A_216, %dma_wait3A_217] : memref<125x80xi32, #tpu.memory_space<vmem>> -> memref<1x80xi32, #tpu.memory_space<vmem>>
      %dma_wait3A_219 = tpu.memref_squeeze %dma_wait3A_218 : memref<1x80xi32, #tpu.memory_space<vmem>> -> memref<80xi32, #tpu.memory_space<vmem>>
      %dma_wait3A_220 = arith.constant 0 : i32
      %dma_wait3A_221 = arith.constant 0 : i32
      %dma_wait3A_222 = tpu.memref_slice %arg4[%dma_wait3A_220, %dma_wait3A_221] : memref<10000x128xf32, #tpu.memory_space<hbm>> -> memref<10000x128xf32, #tpu.memory_space<hbm>>
      tpu.wait_indirect_dma semaphore(%arg13 : memref<!tpu.dma_semaphore, #tpu.memory_space<semaphore_mem>>) src(%dma_wait3A_222 : memref<10000x128xf32, #tpu.memory_space<hbm>>) dst(%arg9 : memref<80x128xf32, #tpu.memory_space<vmem>>)
      "tpu.region"() ({
        %run_scoped3A_249 = tpu.sem_alloc : memref<!tpu.dma_semaphore, #tpu.memory_space<semaphore_mem>>
        %dma_start3A_250 = arith.constant 0 : i32
        %dma_start3A_251 = tpu.memref_slice %arg8[%add3A_216, %dma_start3A_250] : memref<125x80xi32, #tpu.memory_space<vmem>> -> memref<1x80xi32, #tpu.memory_space<vmem>>
        %dma_start3A_252 = tpu.memref_squeeze %dma_start3A_251 : memref<1x80xi32, #tpu.memory_space<vmem>> -> memref<80xi32, #tpu.memory_space<vmem>>
        %dma_start3A_253 = arith.constant 0 : i32
        %dma_start3A_254 = arith.constant 0 : i32
        %dma_start3A_255 = tpu.memref_slice %arg12[%dma_start3A_253, %dma_start3A_254] : memref<5008x128xf32, #tpu.memory_space<vmem_shared>> -> memref<5008x128xf32, #tpu.memory_space<vmem_shared>>
        tpu.enqueue_indirect_dma source(%arg9 : memref<80x128xf32, #tpu.memory_space<vmem>>) target(%dma_start3A_255 : memref<5008x128xf32, #tpu.memory_space<vmem_shared>>) offsets(%dma_start3A_252 : memref<80xi32, #tpu.memory_space<vmem>>) semaphore(%run_scoped3A_249 : memref<!tpu.dma_semaphore, #tpu.memory_space<semaphore_mem>>) {add = true}
        %dma_wait3A_256 = arith.constant 0 : i32
        %dma_wait3A_257 = tpu.memref_slice %arg8[%add3A_216, %dma_wait3A_256] : memref<125x80xi32, #tpu.memory_space<vmem>> -> memref<1x80xi32, #tpu.memory_space<vmem>>
        %dma_wait3A_258 = tpu.memref_squeeze %dma_wait3A_257 : memref<1x80xi32, #tpu.memory_space<vmem>> -> memref<80xi32, #tpu.memory_space<vmem>>
        %dma_wait3A_259 = arith.constant 0 : i32
        %dma_wait3A_260 = arith.constant 0 : i32
        %dma_wait3A_261 = tpu.memref_slice %arg12[%dma_wait3A_259, %dma_wait3A_260] : memref<5008x128xf32, #tpu.memory_space<vmem_shared>> -> memref<5008x128xf32, #tpu.memory_space<vmem_shared>>
        tpu.wait_indirect_dma semaphore(%run_scoped3A_249 : memref<!tpu.dma_semaphore, #tpu.memory_space<semaphore_mem>>) src(%arg9 : memref<80x128xf32, #tpu.memory_space<vmem>>) dst(%dma_wait3A_261 : memref<5008x128xf32, #tpu.memory_space<vmem_shared>>)
        tpu.yield
      }) : () -> ()
      %add3A_223 = arith.constant 2 : i32
      %add3A_224 = arith.addi %add3A_216, %add3A_223 : i32
      %dma_start3A_225 = arith.constant 0 : i32
      %dma_start3A_226 = tpu.memref_slice %arg7[%add3A_224, %dma_start3A_225] : memref<125x80xi32, #tpu.memory_space<vmem>> -> memref<1x80xi32, #tpu.memory_space<vmem>>
      %dma_start3A_227 = tpu.memref_squeeze %dma_start3A_226 : memref<1x80xi32, #tpu.memory_space<vmem>> -> memref<80xi32, #tpu.memory_space<vmem>>
      %dma_start3A_228 = arith.constant 0 : i32
      %dma_start3A_229 = arith.constant 0 : i32
      %dma_start3A_230 = tpu.memref_slice %arg4[%dma_start3A_228, %dma_start3A_229] : memref<10000x128xf32, #tpu.memory_space<hbm>> -> memref<10000x128xf32, #tpu.memory_space<hbm>>
      tpu.enqueue_indirect_dma source(%dma_start3A_230 : memref<10000x128xf32, #tpu.memory_space<hbm>>) target(%arg9 : memref<80x128xf32, #tpu.memory_space<vmem>>) offsets(%dma_start3A_227 : memref<80xi32, #tpu.memory_space<vmem>>) semaphore(%arg13 : memref<!tpu.dma_semaphore, #tpu.memory_space<semaphore_mem>>)
      %mul3A_231 = arith.constant 2 : i32
      %mul3A_232 = arith.muli %mul3A_231, %scan3A_212 : i32
      %add3A_233 = arith.constant 1 : i32
      %add3A_234 = arith.addi %mul3A_232, %add3A_233 : i32
      %dma_wait3A_235 = arith.constant 0 : i32
      %dma_wait3A_236 = tpu.memref_slice %arg7[%add3A_234, %dma_wait3A_235] : memref<125x80xi32, #tpu.memory_space<vmem>> -> memref<1x80xi32, #tpu.memory_space<vmem>>
      %dma_wait3A_237 = tpu.memref_squeeze %dma_wait3A_236 : memref<1x80xi32, #tpu.memory_space<vmem>> -> memref<80xi32, #tpu.memory_space<vmem>>
      %dma_wait3A_238 = arith.constant 0 : i32
      %dma_wait3A_239 = arith.constant 0 : i32
      %dma_wait3A_240 = tpu.memref_slice %arg4[%dma_wait3A_238, %dma_wait3A_239] : memref<10000x128xf32, #tpu.memory_space<hbm>> -> memref<10000x128xf32, #tpu.memory_space<hbm>>
      tpu.wait_indirect_dma semaphore(%arg14 : memref<!tpu.dma_semaphore, #tpu.memory_space<semaphore_mem>>) src(%dma_wait3A_240 : memref<10000x128xf32, #tpu.memory_space<hbm>>) dst(%arg10 : memref<80x128xf32, #tpu.memory_space<vmem>>)
      "tpu.region"() ({
        %run_scoped3A_249 = tpu.sem_alloc : memref<!tpu.dma_semaphore, #tpu.memory_space<semaphore_mem>>
        %dma_start3A_250 = arith.constant 0 : i32
        %dma_start3A_251 = tpu.memref_slice %arg8[%add3A_234, %dma_start3A_250] : memref<125x80xi32, #tpu.memory_space<vmem>> -> memref<1x80xi32, #tpu.memory_space<vmem>>
        %dma_start3A_252 = tpu.memref_squeeze %dma_start3A_251 : memref<1x80xi32, #tpu.memory_space<vmem>> -> memref<80xi32, #tpu.memory_space<vmem>>
        %dma_start3A_253 = arith.constant 0 : i32
        %dma_start3A_254 = arith.constant 0 : i32
        %dma_start3A_255 = tpu.memref_slice %arg12[%dma_start3A_253, %dma_start3A_254] : memref<5008x128xf32, #tpu.memory_space<vmem_shared>> -> memref<5008x128xf32, #tpu.memory_space<vmem_shared>>
        tpu.enqueue_indirect_dma source(%arg10 : memref<80x128xf32, #tpu.memory_space<vmem>>) target(%dma_start3A_255 : memref<5008x128xf32, #tpu.memory_space<vmem_shared>>) offsets(%dma_start3A_252 : memref<80xi32, #tpu.memory_space<vmem>>) semaphore(%run_scoped3A_249 : memref<!tpu.dma_semaphore, #tpu.memory_space<semaphore_mem>>) {add = true}
        %dma_wait3A_256 = arith.constant 0 : i32
        %dma_wait3A_257 = tpu.memref_slice %arg8[%add3A_234, %dma_wait3A_256] : memref<125x80xi32, #tpu.memory_space<vmem>> -> memref<1x80xi32, #tpu.memory_space<vmem>>
        %dma_wait3A_258 = tpu.memref_squeeze %dma_wait3A_257 : memref<1x80xi32, #tpu.memory_space<vmem>> -> memref<80xi32, #tpu.memory_space<vmem>>
        %dma_wait3A_259 = arith.constant 0 : i32
        %dma_wait3A_260 = arith.constant 0 : i32
        %dma_wait3A_261 = tpu.memref_slice %arg12[%dma_wait3A_259, %dma_wait3A_260] : memref<5008x128xf32, #tpu.memory_space<vmem_shared>> -> memref<5008x128xf32, #tpu.memory_space<vmem_shared>>
        tpu.wait_indirect_dma semaphore(%run_scoped3A_249 : memref<!tpu.dma_semaphore, #tpu.memory_space<semaphore_mem>>) src(%arg10 : memref<80x128xf32, #tpu.memory_space<vmem>>) dst(%dma_wait3A_261 : memref<5008x128xf32, #tpu.memory_space<vmem_shared>>)
        tpu.yield
      }) : () -> ()
      %add3A_241 = arith.constant 2 : i32
      %add3A_242 = arith.addi %add3A_234, %add3A_241 : i32
      %dma_start3A_243 = arith.constant 0 : i32
      %dma_start3A_244 = tpu.memref_slice %arg7[%add3A_242, %dma_start3A_243] : memref<125x80xi32, #tpu.memory_space<vmem>> -> memref<1x80xi32, #tpu.memory_space<vmem>>
      %dma_start3A_245 = tpu.memref_squeeze %dma_start3A_244 : memref<1x80xi32, #tpu.memory_space<vmem>> -> memref<80xi32, #tpu.memory_space<vmem>>
      %dma_start3A_246 = arith.constant 0 : i32
      %dma_start3A_247 = arith.constant 0 : i32
      %dma_start3A_248 = tpu.memref_slice %arg4[%dma_start3A_246, %dma_start3A_247] : memref<10000x128xf32, #tpu.memory_space<hbm>> -> memref<10000x128xf32, #tpu.memory_space<hbm>>
      tpu.enqueue_indirect_dma source(%dma_start3A_248 : memref<10000x128xf32, #tpu.memory_space<hbm>>) target(%arg10 : memref<80x128xf32, #tpu.memory_space<vmem>>) offsets(%dma_start3A_245 : memref<80xi32, #tpu.memory_space<vmem>>) semaphore(%arg14 : memref<!tpu.dma_semaphore, #tpu.memory_space<semaphore_mem>>)
    }
    %scan3A_122 = arith.constant 61 : i32
    %dma_wait3A_123 = arith.constant 122 : i32
    %dma_wait3A_124 = arith.constant 0 : i32
    %dma_wait3A_125 = tpu.memref_slice %arg7[%dma_wait3A_123, %dma_wait3A_124] : memref<125x80xi32, #tpu.memory_space<vmem>> -> memref<1x80xi32, #tpu.memory_space<vmem>>
    %dma_wait3A_126 = tpu.memref_squeeze %dma_wait3A_125 : memref<1x80xi32, #tpu.memory_space<vmem>> -> memref<80xi32, #tpu.memory_space<vmem>>
    %dma_wait3A_127 = arith.constant 0 : i32
    %dma_wait3A_128 = arith.constant 0 : i32
    %dma_wait3A_129 = tpu.memref_slice %arg4[%dma_wait3A_127, %dma_wait3A_128] : memref<10000x128xf32, #tpu.memory_space<hbm>> -> memref<10000x128xf32, #tpu.memory_space<hbm>>
    tpu.wait_indirect_dma semaphore(%arg13 : memref<!tpu.dma_semaphore, #tpu.memory_space<semaphore_mem>>) src(%dma_wait3A_129 : memref<10000x128xf32, #tpu.memory_space<hbm>>) dst(%arg9 : memref<80x128xf32, #tpu.memory_space<vmem>>)
    %run_scoped3A_130 = arith.constant 122 : i32
    "tpu.region"() ({
      %run_scoped3A_212 = tpu.sem_alloc : memref<!tpu.dma_semaphore, #tpu.memory_space<semaphore_mem>>
      %dma_start3A_213 = arith.constant 0 : i32
      %dma_start3A_214 = tpu.memref_slice %arg8[%run_scoped3A_130, %dma_start3A_213] : memref<125x80xi32, #tpu.memory_space<vmem>> -> memref<1x80xi32, #tpu.memory_space<vmem>>
      %dma_start3A_215 = tpu.memref_squeeze %dma_start3A_214 : memref<1x80xi32, #tpu.memory_space<vmem>> -> memref<80xi32, #tpu.memory_space<vmem>>
      %dma_start3A_216 = arith.constant 0 : i32
      %dma_start3A_217 = arith.constant 0 : i32
      %dma_start3A_218 = tpu.memref_slice %arg12[%dma_start3A_216, %dma_start3A_217] : memref<5008x128xf32, #tpu.memory_space<vmem_shared>> -> memref<5008x128xf32, #tpu.memory_space<vmem_shared>>
      tpu.enqueue_indirect_dma source(%arg9 : memref<80x128xf32, #tpu.memory_space<vmem>>) target(%dma_start3A_218 : memref<5008x128xf32, #tpu.memory_space<vmem_shared>>) offsets(%dma_start3A_215 : memref<80xi32, #tpu.memory_space<vmem>>) semaphore(%run_scoped3A_212 : memref<!tpu.dma_semaphore, #tpu.memory_space<semaphore_mem>>) {add = true}
      %dma_wait3A_219 = arith.constant 0 : i32
      %dma_wait3A_220 = tpu.memref_slice %arg8[%run_scoped3A_130, %dma_wait3A_219] : memref<125x80xi32, #tpu.memory_space<vmem>> -> memref<1x80xi32, #tpu.memory_space<vmem>>
      %dma_wait3A_221 = tpu.memref_squeeze %dma_wait3A_220 : memref<1x80xi32, #tpu.memory_space<vmem>> -> memref<80xi32, #tpu.memory_space<vmem>>
      %dma_wait3A_222 = arith.constant 0 : i32
      %dma_wait3A_223 = arith.constant 0 : i32
      %dma_wait3A_224 = tpu.memref_slice %arg12[%dma_wait3A_222, %dma_wait3A_223] : memref<5008x128xf32, #tpu.memory_space<vmem_shared>> -> memref<5008x128xf32, #tpu.memory_space<vmem_shared>>
      tpu.wait_indirect_dma semaphore(%run_scoped3A_212 : memref<!tpu.dma_semaphore, #tpu.memory_space<semaphore_mem>>) src(%arg9 : memref<80x128xf32, #tpu.memory_space<vmem>>) dst(%dma_wait3A_224 : memref<5008x128xf32, #tpu.memory_space<vmem_shared>>)
      tpu.yield
    }) : () -> ()
    %dma_start3A_131 = arith.constant 124 : i32
    %dma_start3A_132 = arith.constant 0 : i32
    %dma_start3A_133 = tpu.memref_slice %arg7[%dma_start3A_131, %dma_start3A_132] : memref<125x80xi32, #tpu.memory_space<vmem>> -> memref<1x80xi32, #tpu.memory_space<vmem>>
    %dma_start3A_134 = tpu.memref_squeeze %dma_start3A_133 : memref<1x80xi32, #tpu.memory_space<vmem>> -> memref<80xi32, #tpu.memory_space<vmem>>
    %dma_start3A_135 = arith.constant 0 : i32
    %dma_start3A_136 = arith.constant 0 : i32
    %dma_start3A_137 = tpu.memref_slice %arg4[%dma_start3A_135, %dma_start3A_136] : memref<10000x128xf32, #tpu.memory_space<hbm>> -> memref<10000x128xf32, #tpu.memory_space<hbm>>
    tpu.enqueue_indirect_dma source(%dma_start3A_137 : memref<10000x128xf32, #tpu.memory_space<hbm>>) target(%arg9 : memref<80x128xf32, #tpu.memory_space<vmem>>) offsets(%dma_start3A_134 : memref<80xi32, #tpu.memory_space<vmem>>) semaphore(%arg13 : memref<!tpu.dma_semaphore, #tpu.memory_space<semaphore_mem>>)
    %dma_wait3A_138 = arith.constant 123 : i32
    %dma_wait3A_139 = arith.constant 0 : i32
    %dma_wait3A_140 = tpu.memref_slice %arg7[%dma_wait3A_138, %dma_wait3A_139] : memref<125x80xi32, #tpu.memory_space<vmem>> -> memref<1x80xi32, #tpu.memory_space<vmem>>
    %dma_wait3A_141 = tpu.memref_squeeze %dma_wait3A_140 : memref<1x80xi32, #tpu.memory_space<vmem>> -> memref<80xi32, #tpu.memory_space<vmem>>
    %dma_wait3A_142 = arith.constant 0 : i32
    %dma_wait3A_143 = arith.constant 0 : i32
    %dma_wait3A_144 = tpu.memref_slice %arg4[%dma_wait3A_142, %dma_wait3A_143] : memref<10000x128xf32, #tpu.memory_space<hbm>> -> memref<10000x128xf32, #tpu.memory_space<hbm>>
    tpu.wait_indirect_dma semaphore(%arg14 : memref<!tpu.dma_semaphore, #tpu.memory_space<semaphore_mem>>) src(%dma_wait3A_144 : memref<10000x128xf32, #tpu.memory_space<hbm>>) dst(%arg10 : memref<80x128xf32, #tpu.memory_space<vmem>>)
    %run_scoped3A_145 = arith.constant 123 : i32
    "tpu.region"() ({
      %run_scoped3A_212 = tpu.sem_alloc : memref<!tpu.dma_semaphore, #tpu.memory_space<semaphore_mem>>
      %dma_start3A_213 = arith.constant 0 : i32
      %dma_start3A_214 = tpu.memref_slice %arg8[%run_scoped3A_145, %dma_start3A_213] : memref<125x80xi32, #tpu.memory_space<vmem>> -> memref<1x80xi32, #tpu.memory_space<vmem>>
      %dma_start3A_215 = tpu.memref_squeeze %dma_start3A_214 : memref<1x80xi32, #tpu.memory_space<vmem>> -> memref<80xi32, #tpu.memory_space<vmem>>
      %dma_start3A_216 = arith.constant 0 : i32
      %dma_start3A_217 = arith.constant 0 : i32
      %dma_start3A_218 = tpu.memref_slice %arg12[%dma_start3A_216, %dma_start3A_217] : memref<5008x128xf32, #tpu.memory_space<vmem_shared>> -> memref<5008x128xf32, #tpu.memory_space<vmem_shared>>
      tpu.enqueue_indirect_dma source(%arg10 : memref<80x128xf32, #tpu.memory_space<vmem>>) target(%dma_start3A_218 : memref<5008x128xf32, #tpu.memory_space<vmem_shared>>) offsets(%dma_start3A_215 : memref<80xi32, #tpu.memory_space<vmem>>) semaphore(%run_scoped3A_212 : memref<!tpu.dma_semaphore, #tpu.memory_space<semaphore_mem>>) {add = true}
      %dma_wait3A_219 = arith.constant 0 : i32
      %dma_wait3A_220 = tpu.memref_slice %arg8[%run_scoped3A_145, %dma_wait3A_219] : memref<125x80xi32, #tpu.memory_space<vmem>> -> memref<1x80xi32, #tpu.memory_space<vmem>>
      %dma_wait3A_221 = tpu.memref_squeeze %dma_wait3A_220 : memref<1x80xi32, #tpu.memory_space<vmem>> -> memref<80xi32, #tpu.memory_space<vmem>>
      %dma_wait3A_222 = arith.constant 0 : i32
      %dma_wait3A_223 = arith.constant 0 : i32
      %dma_wait3A_224 = tpu.memref_slice %arg12[%dma_wait3A_222, %dma_wait3A_223] : memref<5008x128xf32, #tpu.memory_space<vmem_shared>> -> memref<5008x128xf32, #tpu.memory_space<vmem_shared>>
      tpu.wait_indirect_dma semaphore(%run_scoped3A_212 : memref<!tpu.dma_semaphore, #tpu.memory_space<semaphore_mem>>) src(%arg10 : memref<80x128xf32, #tpu.memory_space<vmem>>) dst(%dma_wait3A_224 : memref<5008x128xf32, #tpu.memory_space<vmem_shared>>)
      tpu.yield
    }) : () -> ()
    %dma_wait3A_146 = arith.constant 124 : i32
    %dma_wait3A_147 = arith.constant 0 : i32
    %dma_wait3A_148 = tpu.memref_slice %arg7[%dma_wait3A_146, %dma_wait3A_147] : memref<125x80xi32, #tpu.memory_space<vmem>> -> memref<1x80xi32, #tpu.memory_space<vmem>>
    %dma_wait3A_149 = tpu.memref_squeeze %dma_wait3A_148 : memref<1x80xi32, #tpu.memory_space<vmem>> -> memref<80xi32, #tpu.memory_space<vmem>>
    %dma_wait3A_150 = arith.constant 0 : i32
    %dma_wait3A_151 = arith.constant 0 : i32
    %dma_wait3A_152 = tpu.memref_slice %arg4[%dma_wait3A_150, %dma_wait3A_151] : memref<10000x128xf32, #tpu.memory_space<hbm>> -> memref<10000x128xf32, #tpu.memory_space<hbm>>
    tpu.wait_indirect_dma semaphore(%arg13 : memref<!tpu.dma_semaphore, #tpu.memory_space<semaphore_mem>>) src(%dma_wait3A_152 : memref<10000x128xf32, #tpu.memory_space<hbm>>) dst(%arg9 : memref<80x128xf32, #tpu.memory_space<vmem>>)
    %run_scoped3A_153 = arith.constant 124 : i32
    "tpu.region"() ({
      %run_scoped3A_212 = tpu.sem_alloc : memref<!tpu.dma_semaphore, #tpu.memory_space<semaphore_mem>>
      %dma_start3A_213 = arith.constant 0 : i32
      %dma_start3A_214 = tpu.memref_slice %arg8[%run_scoped3A_153, %dma_start3A_213] : memref<125x80xi32, #tpu.memory_space<vmem>> -> memref<1x80xi32, #tpu.memory_space<vmem>>
      %dma_start3A_215 = tpu.memref_squeeze %dma_start3A_214 : memref<1x80xi32, #tpu.memory_space<vmem>> -> memref<80xi32, #tpu.memory_space<vmem>>
      %dma_start3A_216 = arith.constant 0 : i32
      %dma_start3A_217 = arith.constant 0 : i32
      %dma_start3A_218 = tpu.memref_slice %arg12[%dma_start3A_216, %dma_start3A_217] : memref<5008x128xf32, #tpu.memory_space<vmem_shared>> -> memref<5008x128xf32, #tpu.memory_space<vmem_shared>>
      tpu.enqueue_indirect_dma source(%arg9 : memref<80x128xf32, #tpu.memory_space<vmem>>) target(%dma_start3A_218 : memref<5008x128xf32, #tpu.memory_space<vmem_shared>>) offsets(%dma_start3A_215 : memref<80xi32, #tpu.memory_space<vmem>>) semaphore(%run_scoped3A_212 : memref<!tpu.dma_semaphore, #tpu.memory_space<semaphore_mem>>) {add = true}
      %dma_wait3A_219 = arith.constant 0 : i32
      %dma_wait3A_220 = tpu.memref_slice %arg8[%run_scoped3A_153, %dma_wait3A_219] : memref<125x80xi32, #tpu.memory_space<vmem>> -> memref<1x80xi32, #tpu.memory_space<vmem>>
      %dma_wait3A_221 = tpu.memref_squeeze %dma_wait3A_220 : memref<1x80xi32, #tpu.memory_space<vmem>> -> memref<80xi32, #tpu.memory_space<vmem>>
      %dma_wait3A_222 = arith.constant 0 : i32
      %dma_wait3A_223 = arith.constant 0 : i32
      %dma_wait3A_224 = tpu.memref_slice %arg12[%dma_wait3A_222, %dma_wait3A_223] : memref<5008x128xf32, #tpu.memory_space<vmem_shared>> -> memref<5008x128xf32, #tpu.memory_space<vmem_shared>>
      tpu.wait_indirect_dma semaphore(%run_scoped3A_212 : memref<!tpu.dma_semaphore, #tpu.memory_space<semaphore_mem>>) src(%arg9 : memref<80x128xf32, #tpu.memory_space<vmem>>) dst(%dma_wait3A_224 : memref<5008x128xf32, #tpu.memory_space<vmem_shared>>)
      tpu.yield
    }) : () -> ()
    %barrier3A_154 = arith.constant 0 : index
    tpu.barrier barrier_id(%barrier3A_154)
    %mul3A_155 = arith.constant 312 : i32
    %mul3A_156 = arith.muli %arg1, %mul3A_155 : i32
    %add3A_157 = arith.constant 0 : i32
    %add3A_158 = arith.addi %mul3A_156, %add3A_157 : i32
    "tpu.region"() ({
      %run_scoped3A_212 = tpu.sem_alloc : memref<!tpu.dma_semaphore, #tpu.memory_space<semaphore_mem>>
      %dma_start3A_213 = arith.constant 0 : i32
      %dma_start3A_214 = tpu.memref_slice %arg12[%add3A_158, %dma_start3A_213] : memref<5008x128xf32, #tpu.memory_space<vmem_shared>> -> memref<24x128xf32, #tpu.memory_space<vmem_shared>>
      %dma_start3A_215 = arith.constant 0 : i32
      %dma_start3A_216 = tpu.memref_slice %arg12[%add3A_158, %dma_start3A_215] : memref<5008x128xf32, #tpu.memory_space<vmem_shared>> -> memref<24x128xf32, #tpu.memory_space<vmem_shared>>
      tpu.enqueue_dma source(%dma_start3A_216 : memref<24x128xf32, #tpu.memory_space<vmem_shared>>) target(%arg11 : memref<24x128xf32, #tpu.memory_space<vmem>>) target_semaphore(%run_scoped3A_212 : memref<!tpu.dma_semaphore, #tpu.memory_space<semaphore_mem>>)
      %dma_wait3A_217 = arith.constant 0 : i32
      %dma_wait3A_218 = tpu.memref_slice %arg12[%add3A_158, %dma_wait3A_217] : memref<5008x128xf32, #tpu.memory_space<vmem_shared>> -> memref<24x128xf32, #tpu.memory_space<vmem_shared>>
      %dma_wait3A_219 = arith.constant 0 : i32
      %dma_wait3A_220 = tpu.memref_slice %arg12[%add3A_158, %dma_wait3A_219] : memref<5008x128xf32, #tpu.memory_space<vmem_shared>> -> memref<24x128xf32, #tpu.memory_space<vmem_shared>>
      tpu.wait_dma2 semaphore(%run_scoped3A_212 : memref<!tpu.dma_semaphore, #tpu.memory_space<semaphore_mem>>) src(%dma_wait3A_220 : memref<24x128xf32, #tpu.memory_space<vmem_shared>>) dst(%arg11 : memref<24x128xf32, #tpu.memory_space<vmem>>)
      tpu.yield
    }) : () -> ()
    "tpu.region"() ({
      %run_scoped3A_212 = tpu.sem_alloc : memref<!tpu.dma_semaphore, #tpu.memory_space<semaphore_mem>>
      %dma_start3A_213 = arith.constant 0 : i32
      %dma_start3A_214 = tpu.memref_slice %arg6[%arg0, %add3A_158, %dma_start3A_213] : memref<2x5000x128xf32, #tpu.memory_space<hbm>> -> memref<1x24x128xf32, #tpu.memory_space<hbm>>
      %dma_start3A_215 = tpu.memref_squeeze %dma_start3A_214 : memref<1x24x128xf32, #tpu.memory_space<hbm>> -> memref<24x128xf32, #tpu.memory_space<hbm>>
      %dma_start3A_216 = arith.constant 0 : i32
      %dma_start3A_217 = tpu.memref_slice %arg6[%arg0, %add3A_158, %dma_start3A_216] : memref<2x5000x128xf32, #tpu.memory_space<hbm>> -> memref<1x24x128xf32, #tpu.memory_space<hbm>>
      %dma_start3A_218 = tpu.memref_squeeze %dma_start3A_217 : memref<1x24x128xf32, #tpu.memory_space<hbm>> -> memref<24x128xf32, #tpu.memory_space<hbm>>
      tpu.enqueue_dma source(%arg11 : memref<24x128xf32, #tpu.memory_space<vmem>>) target(%dma_start3A_218 : memref<24x128xf32, #tpu.memory_space<hbm>>) target_semaphore(%run_scoped3A_212 : memref<!tpu.dma_semaphore, #tpu.memory_space<semaphore_mem>>)
      %dma_wait3A_219 = arith.constant 0 : i32
      %dma_wait3A_220 = tpu.memref_slice %arg6[%arg0, %add3A_158, %dma_wait3A_219] : memref<2x5000x128xf32, #tpu.memory_space<hbm>> -> memref<1x24x128xf32, #tpu.memory_space<hbm>>
      %dma_wait3A_221 = tpu.memref_squeeze %dma_wait3A_220 : memref<1x24x128xf32, #tpu.memory_space<hbm>> -> memref<24x128xf32, #tpu.memory_space<hbm>>
      %dma_wait3A_222 = arith.constant 0 : i32
      %dma_wait3A_223 = tpu.memref_slice %arg6[%arg0, %add3A_158, %dma_wait3A_222] : memref<2x5000x128xf32, #tpu.memory_space<hbm>> -> memref<1x24x128xf32, #tpu.memory_space<hbm>>
      %dma_wait3A_224 = tpu.memref_squeeze %dma_wait3A_223 : memref<1x24x128xf32, #tpu.memory_space<hbm>> -> memref<24x128xf32, #tpu.memory_space<hbm>>
      tpu.wait_dma2 semaphore(%run_scoped3A_212 : memref<!tpu.dma_semaphore, #tpu.memory_space<semaphore_mem>>) src(%arg11 : memref<24x128xf32, #tpu.memory_space<vmem>>) dst(%dma_wait3A_224 : memref<24x128xf32, #tpu.memory_space<hbm>>)
      tpu.yield
    }) : () -> ()
    %mul3A_159 = arith.constant 312 : i32
    %mul3A_160 = arith.muli %arg1, %mul3A_159 : i32
    %add3A_161 = arith.constant 24 : i32
    %add3A_162 = arith.addi %mul3A_160, %add3A_161 : i32
    "tpu.region"() ({
      %run_scoped3A_212 = tpu.sem_alloc : memref<!tpu.dma_semaphore, #tpu.memory_space<semaphore_mem>>
      %dma_start3A_213 = arith.constant 0 : i32
      %dma_start3A_214 = tpu.memref_slice %arg12[%add3A_162, %dma_start3A_213] : memref<5008x128xf32, #tpu.memory_space<vmem_shared>> -> memref<24x128xf32, #tpu.memory_space<vmem_shared>>
      %dma_start3A_215 = arith.constant 0 : i32
      %dma_start3A_216 = tpu.memref_slice %arg12[%add3A_162, %dma_start3A_215] : memref<5008x128xf32, #tpu.memory_space<vmem_shared>> -> memref<24x128xf32, #tpu.memory_space<vmem_shared>>
      tpu.enqueue_dma source(%dma_start3A_216 : memref<24x128xf32, #tpu.memory_space<vmem_shared>>) target(%arg11 : memref<24x128xf32, #tpu.memory_space<vmem>>) target_semaphore(%run_scoped3A_212 : memref<!tpu.dma_semaphore, #tpu.memory_space<semaphore_mem>>)
      %dma_wait3A_217 = arith.constant 0 : i32
      %dma_wait3A_218 = tpu.memref_slice %arg12[%add3A_162, %dma_wait3A_217] : memref<5008x128xf32, #tpu.memory_space<vmem_shared>> -> memref<24x128xf32, #tpu.memory_space<vmem_shared>>
      %dma_wait3A_219 = arith.constant 0 : i32
      %dma_wait3A_220 = tpu.memref_slice %arg12[%add3A_162, %dma_wait3A_219] : memref<5008x128xf32, #tpu.memory_space<vmem_shared>> -> memref<24x128xf32, #tpu.memory_space<vmem_shared>>
      tpu.wait_dma2 semaphore(%run_scoped3A_212 : memref<!tpu.dma_semaphore, #tpu.memory_space<semaphore_mem>>) src(%dma_wait3A_220 : memref<24x128xf32, #tpu.memory_space<vmem_shared>>) dst(%arg11 : memref<24x128xf32, #tpu.memory_space<vmem>>)
      tpu.yield
    }) : () -> ()
    "tpu.region"() ({
      %run_scoped3A_212 = tpu.sem_alloc : memref<!tpu.dma_semaphore, #tpu.memory_space<semaphore_mem>>
      %dma_start3A_213 = arith.constant 0 : i32
      %dma_start3A_214 = tpu.memref_slice %arg6[%arg0, %add3A_162, %dma_start3A_213] : memref<2x5000x128xf32, #tpu.memory_space<hbm>> -> memref<1x24x128xf32, #tpu.memory_space<hbm>>
      %dma_start3A_215 = tpu.memref_squeeze %dma_start3A_214 : memref<1x24x128xf32, #tpu.memory_space<hbm>> -> memref<24x128xf32, #tpu.memory_space<hbm>>
      %dma_start3A_216 = arith.constant 0 : i32
      %dma_start3A_217 = tpu.memref_slice %arg6[%arg0, %add3A_162, %dma_start3A_216] : memref<2x5000x128xf32, #tpu.memory_space<hbm>> -> memref<1x24x128xf32, #tpu.memory_space<hbm>>
      %dma_start3A_218 = tpu.memref_squeeze %dma_start3A_217 : memref<1x24x128xf32, #tpu.memory_space<hbm>> -> memref<24x128xf32, #tpu.memory_space<hbm>>
      tpu.enqueue_dma source(%arg11 : memref<24x128xf32, #tpu.memory_space<vmem>>) target(%dma_start3A_218 : memref<24x128xf32, #tpu.memory_space<hbm>>) target_semaphore(%run_scoped3A_212 : memref<!tpu.dma_semaphore, #tpu.memory_space<semaphore_mem>>)
      %dma_wait3A_219 = arith.constant 0 : i32
      %dma_wait3A_220 = tpu.memref_slice %arg6[%arg0, %add3A_162, %dma_wait3A_219] : memref<2x5000x128xf32, #tpu.memory_space<hbm>> -> memref<1x24x128xf32, #tpu.memory_space<hbm>>
      %dma_wait3A_221 = tpu.memref_squeeze %dma_wait3A_220 : memref<1x24x128xf32, #tpu.memory_space<hbm>> -> memref<24x128xf32, #tpu.memory_space<hbm>>
      %dma_wait3A_222 = arith.constant 0 : i32
      %dma_wait3A_223 = tpu.memref_slice %arg6[%arg0, %add3A_162, %dma_wait3A_222] : memref<2x5000x128xf32, #tpu.memory_space<hbm>> -> memref<1x24x128xf32, #tpu.memory_space<hbm>>
      %dma_wait3A_224 = tpu.memref_squeeze %dma_wait3A_223 : memref<1x24x128xf32, #tpu.memory_space<hbm>> -> memref<24x128xf32, #tpu.memory_space<hbm>>
      tpu.wait_dma2 semaphore(%run_scoped3A_212 : memref<!tpu.dma_semaphore, #tpu.memory_space<semaphore_mem>>) src(%arg11 : memref<24x128xf32, #tpu.memory_space<vmem>>) dst(%dma_wait3A_224 : memref<24x128xf32, #tpu.memory_space<hbm>>)
      tpu.yield
    }) : () -> ()
    %mul3A_163 = arith.constant 312 : i32
    %mul3A_164 = arith.muli %arg1, %mul3A_163 : i32
    %add3A_165 = arith.constant 48 : i32
    %add3A_166 = arith.addi %mul3A_164, %add3A_165 : i32
    "tpu.region"() ({
      %run_scoped3A_212 = tpu.sem_alloc : memref<!tpu.dma_semaphore, #tpu.memory_space<semaphore_mem>>
      %dma_start3A_213 = arith.constant 0 : i32
      %dma_start3A_214 = tpu.memref_slice %arg12[%add3A_166, %dma_start3A_213] : memref<5008x128xf32, #tpu.memory_space<vmem_shared>> -> memref<24x128xf32, #tpu.memory_space<vmem_shared>>
      %dma_start3A_215 = arith.constant 0 : i32
      %dma_start3A_216 = tpu.memref_slice %arg12[%add3A_166, %dma_start3A_215] : memref<5008x128xf32, #tpu.memory_space<vmem_shared>> -> memref<24x128xf32, #tpu.memory_space<vmem_shared>>
      tpu.enqueue_dma source(%dma_start3A_216 : memref<24x128xf32, #tpu.memory_space<vmem_shared>>) target(%arg11 : memref<24x128xf32, #tpu.memory_space<vmem>>) target_semaphore(%run_scoped3A_212 : memref<!tpu.dma_semaphore, #tpu.memory_space<semaphore_mem>>)
      %dma_wait3A_217 = arith.constant 0 : i32
      %dma_wait3A_218 = tpu.memref_slice %arg12[%add3A_166, %dma_wait3A_217] : memref<5008x128xf32, #tpu.memory_space<vmem_shared>> -> memref<24x128xf32, #tpu.memory_space<vmem_shared>>
      %dma_wait3A_219 = arith.constant 0 : i32
      %dma_wait3A_220 = tpu.memref_slice %arg12[%add3A_166, %dma_wait3A_219] : memref<5008x128xf32, #tpu.memory_space<vmem_shared>> -> memref<24x128xf32, #tpu.memory_space<vmem_shared>>
      tpu.wait_dma2 semaphore(%run_scoped3A_212 : memref<!tpu.dma_semaphore, #tpu.memory_space<semaphore_mem>>) src(%dma_wait3A_220 : memref<24x128xf32, #tpu.memory_space<vmem_shared>>) dst(%arg11 : memref<24x128xf32, #tpu.memory_space<vmem>>)
      tpu.yield
    }) : () -> ()
    "tpu.region"() ({
      %run_scoped3A_212 = tpu.sem_alloc : memref<!tpu.dma_semaphore, #tpu.memory_space<semaphore_mem>>
      %dma_start3A_213 = arith.constant 0 : i32
      %dma_start3A_214 = tpu.memref_slice %arg6[%arg0, %add3A_166, %dma_start3A_213] : memref<2x5000x128xf32, #tpu.memory_space<hbm>> -> memref<1x24x128xf32, #tpu.memory_space<hbm>>
      %dma_start3A_215 = tpu.memref_squeeze %dma_start3A_214 : memref<1x24x128xf32, #tpu.memory_space<hbm>> -> memref<24x128xf32, #tpu.memory_space<hbm>>
      %dma_start3A_216 = arith.constant 0 : i32
      %dma_start3A_217 = tpu.memref_slice %arg6[%arg0, %add3A_166, %dma_start3A_216] : memref<2x5000x128xf32, #tpu.memory_space<hbm>> -> memref<1x24x128xf32, #tpu.memory_space<hbm>>
      %dma_start3A_218 = tpu.memref_squeeze %dma_start3A_217 : memref<1x24x128xf32, #tpu.memory_space<hbm>> -> memref<24x128xf32, #tpu.memory_space<hbm>>
      tpu.enqueue_dma source(%arg11 : memref<24x128xf32, #tpu.memory_space<vmem>>) target(%dma_start3A_218 : memref<24x128xf32, #tpu.memory_space<hbm>>) target_semaphore(%run_scoped3A_212 : memref<!tpu.dma_semaphore, #tpu.memory_space<semaphore_mem>>)
      %dma_wait3A_219 = arith.constant 0 : i32
      %dma_wait3A_220 = tpu.memref_slice %arg6[%arg0, %add3A_166, %dma_wait3A_219] : memref<2x5000x128xf32, #tpu.memory_space<hbm>> -> memref<1x24x128xf32, #tpu.memory_space<hbm>>
      %dma_wait3A_221 = tpu.memref_squeeze %dma_wait3A_220 : memref<1x24x128xf32, #tpu.memory_space<hbm>> -> memref<24x128xf32, #tpu.memory_space<hbm>>
      %dma_wait3A_222 = arith.constant 0 : i32
      %dma_wait3A_223 = tpu.memref_slice %arg6[%arg0, %add3A_166, %dma_wait3A_222] : memref<2x5000x128xf32, #tpu.memory_space<hbm>> -> memref<1x24x128xf32, #tpu.memory_space<hbm>>
      %dma_wait3A_224 = tpu.memref_squeeze %dma_wait3A_223 : memref<1x24x128xf32, #tpu.memory_space<hbm>> -> memref<24x128xf32, #tpu.memory_space<hbm>>
      tpu.wait_dma2 semaphore(%run_scoped3A_212 : memref<!tpu.dma_semaphore, #tpu.memory_space<semaphore_mem>>) src(%arg11 : memref<24x128xf32, #tpu.memory_space<vmem>>) dst(%dma_wait3A_224 : memref<24x128xf32, #tpu.memory_space<hbm>>)
      tpu.yield
    }) : () -> ()
    %mul3A_167 = arith.constant 312 : i32
    %mul3A_168 = arith.muli %arg1, %mul3A_167 : i32
    %add3A_169 = arith.constant 72 : i32
    %add3A_170 = arith.addi %mul3A_168, %add3A_169 : i32
    "tpu.region"() ({
      %run_scoped3A_212 = tpu.sem_alloc : memref<!tpu.dma_semaphore, #tpu.memory_space<semaphore_mem>>
      %dma_start3A_213 = arith.constant 0 : i32
      %dma_start3A_214 = tpu.memref_slice %arg12[%add3A_170, %dma_start3A_213] : memref<5008x128xf32, #tpu.memory_space<vmem_shared>> -> memref<24x128xf32, #tpu.memory_space<vmem_shared>>
      %dma_start3A_215 = arith.constant 0 : i32
      %dma_start3A_216 = tpu.memref_slice %arg12[%add3A_170, %dma_start3A_215] : memref<5008x128xf32, #tpu.memory_space<vmem_shared>> -> memref<24x128xf32, #tpu.memory_space<vmem_shared>>
      tpu.enqueue_dma source(%dma_start3A_216 : memref<24x128xf32, #tpu.memory_space<vmem_shared>>) target(%arg11 : memref<24x128xf32, #tpu.memory_space<vmem>>) target_semaphore(%run_scoped3A_212 : memref<!tpu.dma_semaphore, #tpu.memory_space<semaphore_mem>>)
      %dma_wait3A_217 = arith.constant 0 : i32
      %dma_wait3A_218 = tpu.memref_slice %arg12[%add3A_170, %dma_wait3A_217] : memref<5008x128xf32, #tpu.memory_space<vmem_shared>> -> memref<24x128xf32, #tpu.memory_space<vmem_shared>>
      %dma_wait3A_219 = arith.constant 0 : i32
      %dma_wait3A_220 = tpu.memref_slice %arg12[%add3A_170, %dma_wait3A_219] : memref<5008x128xf32, #tpu.memory_space<vmem_shared>> -> memref<24x128xf32, #tpu.memory_space<vmem_shared>>
      tpu.wait_dma2 semaphore(%run_scoped3A_212 : memref<!tpu.dma_semaphore, #tpu.memory_space<semaphore_mem>>) src(%dma_wait3A_220 : memref<24x128xf32, #tpu.memory_space<vmem_shared>>) dst(%arg11 : memref<24x128xf32, #tpu.memory_space<vmem>>)
      tpu.yield
    }) : () -> ()
    "tpu.region"() ({
      %run_scoped3A_212 = tpu.sem_alloc : memref<!tpu.dma_semaphore, #tpu.memory_space<semaphore_mem>>
      %dma_start3A_213 = arith.constant 0 : i32
      %dma_start3A_214 = tpu.memref_slice %arg6[%arg0, %add3A_170, %dma_start3A_213] : memref<2x5000x128xf32, #tpu.memory_space<hbm>> -> memref<1x24x128xf32, #tpu.memory_space<hbm>>
      %dma_start3A_215 = tpu.memref_squeeze %dma_start3A_214 : memref<1x24x128xf32, #tpu.memory_space<hbm>> -> memref<24x128xf32, #tpu.memory_space<hbm>>
      %dma_start3A_216 = arith.constant 0 : i32
      %dma_start3A_217 = tpu.memref_slice %arg6[%arg0, %add3A_170, %dma_start3A_216] : memref<2x5000x128xf32, #tpu.memory_space<hbm>> -> memref<1x24x128xf32, #tpu.memory_space<hbm>>
      %dma_start3A_218 = tpu.memref_squeeze %dma_start3A_217 : memref<1x24x128xf32, #tpu.memory_space<hbm>> -> memref<24x128xf32, #tpu.memory_space<hbm>>
      tpu.enqueue_dma source(%arg11 : memref<24x128xf32, #tpu.memory_space<vmem>>) target(%dma_start3A_218 : memref<24x128xf32, #tpu.memory_space<hbm>>) target_semaphore(%run_scoped3A_212 : memref<!tpu.dma_semaphore, #tpu.memory_space<semaphore_mem>>)
      %dma_wait3A_219 = arith.constant 0 : i32
      %dma_wait3A_220 = tpu.memref_slice %arg6[%arg0, %add3A_170, %dma_wait3A_219] : memref<2x5000x128xf32, #tpu.memory_space<hbm>> -> memref<1x24x128xf32, #tpu.memory_space<hbm>>
      %dma_wait3A_221 = tpu.memref_squeeze %dma_wait3A_220 : memref<1x24x128xf32, #tpu.memory_space<hbm>> -> memref<24x128xf32, #tpu.memory_space<hbm>>
      %dma_wait3A_222 = arith.constant 0 : i32
      %dma_wait3A_223 = tpu.memref_slice %arg6[%arg0, %add3A_170, %dma_wait3A_222] : memref<2x5000x128xf32, #tpu.memory_space<hbm>> -> memref<1x24x128xf32, #tpu.memory_space<hbm>>
      %dma_wait3A_224 = tpu.memref_squeeze %dma_wait3A_223 : memref<1x24x128xf32, #tpu.memory_space<hbm>> -> memref<24x128xf32, #tpu.memory_space<hbm>>
      tpu.wait_dma2 semaphore(%run_scoped3A_212 : memref<!tpu.dma_semaphore, #tpu.memory_space<semaphore_mem>>) src(%arg11 : memref<24x128xf32, #tpu.memory_space<vmem>>) dst(%dma_wait3A_224 : memref<24x128xf32, #tpu.memory_space<hbm>>)
      tpu.yield
    }) : () -> ()
    %mul3A_171 = arith.constant 312 : i32
    %mul3A_172 = arith.muli %arg1, %mul3A_171 : i32
    %add3A_173 = arith.constant 96 : i32
    %add3A_174 = arith.addi %mul3A_172, %add3A_173 : i32
    "tpu.region"() ({
      %run_scoped3A_212 = tpu.sem_alloc : memref<!tpu.dma_semaphore, #tpu.memory_space<semaphore_mem>>
      %dma_start3A_213 = arith.constant 0 : i32
      %dma_start3A_214 = tpu.memref_slice %arg12[%add3A_174, %dma_start3A_213] : memref<5008x128xf32, #tpu.memory_space<vmem_shared>> -> memref<24x128xf32, #tpu.memory_space<vmem_shared>>
      %dma_start3A_215 = arith.constant 0 : i32
      %dma_start3A_216 = tpu.memref_slice %arg12[%add3A_174, %dma_start3A_215] : memref<5008x128xf32, #tpu.memory_space<vmem_shared>> -> memref<24x128xf32, #tpu.memory_space<vmem_shared>>
      tpu.enqueue_dma source(%dma_start3A_216 : memref<24x128xf32, #tpu.memory_space<vmem_shared>>) target(%arg11 : memref<24x128xf32, #tpu.memory_space<vmem>>) target_semaphore(%run_scoped3A_212 : memref<!tpu.dma_semaphore, #tpu.memory_space<semaphore_mem>>)
      %dma_wait3A_217 = arith.constant 0 : i32
      %dma_wait3A_218 = tpu.memref_slice %arg12[%add3A_174, %dma_wait3A_217] : memref<5008x128xf32, #tpu.memory_space<vmem_shared>> -> memref<24x128xf32, #tpu.memory_space<vmem_shared>>
      %dma_wait3A_219 = arith.constant 0 : i32
      %dma_wait3A_220 = tpu.memref_slice %arg12[%add3A_174, %dma_wait3A_219] : memref<5008x128xf32, #tpu.memory_space<vmem_shared>> -> memref<24x128xf32, #tpu.memory_space<vmem_shared>>
      tpu.wait_dma2 semaphore(%run_scoped3A_212 : memref<!tpu.dma_semaphore, #tpu.memory_space<semaphore_mem>>) src(%dma_wait3A_220 : memref<24x128xf32, #tpu.memory_space<vmem_shared>>) dst(%arg11 : memref<24x128xf32, #tpu.memory_space<vmem>>)
      tpu.yield
    }) : () -> ()
    "tpu.region"() ({
      %run_scoped3A_212 = tpu.sem_alloc : memref<!tpu.dma_semaphore, #tpu.memory_space<semaphore_mem>>
      %dma_start3A_213 = arith.constant 0 : i32
      %dma_start3A_214 = tpu.memref_slice %arg6[%arg0, %add3A_174, %dma_start3A_213] : memref<2x5000x128xf32, #tpu.memory_space<hbm>> -> memref<1x24x128xf32, #tpu.memory_space<hbm>>
      %dma_start3A_215 = tpu.memref_squeeze %dma_start3A_214 : memref<1x24x128xf32, #tpu.memory_space<hbm>> -> memref<24x128xf32, #tpu.memory_space<hbm>>
      %dma_start3A_216 = arith.constant 0 : i32
      %dma_start3A_217 = tpu.memref_slice %arg6[%arg0, %add3A_174, %dma_start3A_216] : memref<2x5000x128xf32, #tpu.memory_space<hbm>> -> memref<1x24x128xf32, #tpu.memory_space<hbm>>
      %dma_start3A_218 = tpu.memref_squeeze %dma_start3A_217 : memref<1x24x128xf32, #tpu.memory_space<hbm>> -> memref<24x128xf32, #tpu.memory_space<hbm>>
      tpu.enqueue_dma source(%arg11 : memref<24x128xf32, #tpu.memory_space<vmem>>) target(%dma_start3A_218 : memref<24x128xf32, #tpu.memory_space<hbm>>) target_semaphore(%run_scoped3A_212 : memref<!tpu.dma_semaphore, #tpu.memory_space<semaphore_mem>>)
      %dma_wait3A_219 = arith.constant 0 : i32
      %dma_wait3A_220 = tpu.memref_slice %arg6[%arg0, %add3A_174, %dma_wait3A_219] : memref<2x5000x128xf32, #tpu.memory_space<hbm>> -> memref<1x24x128xf32, #tpu.memory_space<hbm>>
      %dma_wait3A_221 = tpu.memref_squeeze %dma_wait3A_220 : memref<1x24x128xf32, #tpu.memory_space<hbm>> -> memref<24x128xf32, #tpu.memory_space<hbm>>
      %dma_wait3A_222 = arith.constant 0 : i32
      %dma_wait3A_223 = tpu.memref_slice %arg6[%arg0, %add3A_174, %dma_wait3A_222] : memref<2x5000x128xf32, #tpu.memory_space<hbm>> -> memref<1x24x128xf32, #tpu.memory_space<hbm>>
      %dma_wait3A_224 = tpu.memref_squeeze %dma_wait3A_223 : memref<1x24x128xf32, #tpu.memory_space<hbm>> -> memref<24x128xf32, #tpu.memory_space<hbm>>
      tpu.wait_dma2 semaphore(%run_scoped3A_212 : memref<!tpu.dma_semaphore, #tpu.memory_space<semaphore_mem>>) src(%arg11 : memref<24x128xf32, #tpu.memory_space<vmem>>) dst(%dma_wait3A_224 : memref<24x128xf32, #tpu.memory_space<hbm>>)
      tpu.yield
    }) : () -> ()
    %mul3A_175 = arith.constant 312 : i32
    %mul3A_176 = arith.muli %arg1, %mul3A_175 : i32
    %add3A_177 = arith.constant 120 : i32
    %add3A_178 = arith.addi %mul3A_176, %add3A_177 : i32
    "tpu.region"() ({
      %run_scoped3A_212 = tpu.sem_alloc : memref<!tpu.dma_semaphore, #tpu.memory_space<semaphore_mem>>
      %dma_start3A_213 = arith.constant 0 : i32
      %dma_start3A_214 = tpu.memref_slice %arg12[%add3A_178, %dma_start3A_213] : memref<5008x128xf32, #tpu.memory_space<vmem_shared>> -> memref<24x128xf32, #tpu.memory_space<vmem_shared>>
      %dma_start3A_215 = arith.constant 0 : i32
      %dma_start3A_216 = tpu.memref_slice %arg12[%add3A_178, %dma_start3A_215] : memref<5008x128xf32, #tpu.memory_space<vmem_shared>> -> memref<24x128xf32, #tpu.memory_space<vmem_shared>>
      tpu.enqueue_dma source(%dma_start3A_216 : memref<24x128xf32, #tpu.memory_space<vmem_shared>>) target(%arg11 : memref<24x128xf32, #tpu.memory_space<vmem>>) target_semaphore(%run_scoped3A_212 : memref<!tpu.dma_semaphore, #tpu.memory_space<semaphore_mem>>)
      %dma_wait3A_217 = arith.constant 0 : i32
      %dma_wait3A_218 = tpu.memref_slice %arg12[%add3A_178, %dma_wait3A_217] : memref<5008x128xf32, #tpu.memory_space<vmem_shared>> -> memref<24x128xf32, #tpu.memory_space<vmem_shared>>
      %dma_wait3A_219 = arith.constant 0 : i32
      %dma_wait3A_220 = tpu.memref_slice %arg12[%add3A_178, %dma_wait3A_219] : memref<5008x128xf32, #tpu.memory_space<vmem_shared>> -> memref<24x128xf32, #tpu.memory_space<vmem_shared>>
      tpu.wait_dma2 semaphore(%run_scoped3A_212 : memref<!tpu.dma_semaphore, #tpu.memory_space<semaphore_mem>>) src(%dma_wait3A_220 : memref<24x128xf32, #tpu.memory_space<vmem_shared>>) dst(%arg11 : memref<24x128xf32, #tpu.memory_space<vmem>>)
      tpu.yield
    }) : () -> ()
    "tpu.region"() ({
      %run_scoped3A_212 = tpu.sem_alloc : memref<!tpu.dma_semaphore, #tpu.memory_space<semaphore_mem>>
      %dma_start3A_213 = arith.constant 0 : i32
      %dma_start3A_214 = tpu.memref_slice %arg6[%arg0, %add3A_178, %dma_start3A_213] : memref<2x5000x128xf32, #tpu.memory_space<hbm>> -> memref<1x24x128xf32, #tpu.memory_space<hbm>>
      %dma_start3A_215 = tpu.memref_squeeze %dma_start3A_214 : memref<1x24x128xf32, #tpu.memory_space<hbm>> -> memref<24x128xf32, #tpu.memory_space<hbm>>
      %dma_start3A_216 = arith.constant 0 : i32
      %dma_start3A_217 = tpu.memref_slice %arg6[%arg0, %add3A_178, %dma_start3A_216] : memref<2x5000x128xf32, #tpu.memory_space<hbm>> -> memref<1x24x128xf32, #tpu.memory_space<hbm>>
      %dma_start3A_218 = tpu.memref_squeeze %dma_start3A_217 : memref<1x24x128xf32, #tpu.memory_space<hbm>> -> memref<24x128xf32, #tpu.memory_space<hbm>>
      tpu.enqueue_dma source(%arg11 : memref<24x128xf32, #tpu.memory_space<vmem>>) target(%dma_start3A_218 : memref<24x128xf32, #tpu.memory_space<hbm>>) target_semaphore(%run_scoped3A_212 : memref<!tpu.dma_semaphore, #tpu.memory_space<semaphore_mem>>)
      %dma_wait3A_219 = arith.constant 0 : i32
      %dma_wait3A_220 = tpu.memref_slice %arg6[%arg0, %add3A_178, %dma_wait3A_219] : memref<2x5000x128xf32, #tpu.memory_space<hbm>> -> memref<1x24x128xf32, #tpu.memory_space<hbm>>
      %dma_wait3A_221 = tpu.memref_squeeze %dma_wait3A_220 : memref<1x24x128xf32, #tpu.memory_space<hbm>> -> memref<24x128xf32, #tpu.memory_space<hbm>>
      %dma_wait3A_222 = arith.constant 0 : i32
      %dma_wait3A_223 = tpu.memref_slice %arg6[%arg0, %add3A_178, %dma_wait3A_222] : memref<2x5000x128xf32, #tpu.memory_space<hbm>> -> memref<1x24x128xf32, #tpu.memory_space<hbm>>
      %dma_wait3A_224 = tpu.memref_squeeze %dma_wait3A_223 : memref<1x24x128xf32, #tpu.memory_space<hbm>> -> memref<24x128xf32, #tpu.memory_space<hbm>>
      tpu.wait_dma2 semaphore(%run_scoped3A_212 : memref<!tpu.dma_semaphore, #tpu.memory_space<semaphore_mem>>) src(%arg11 : memref<24x128xf32, #tpu.memory_space<vmem>>) dst(%dma_wait3A_224 : memref<24x128xf32, #tpu.memory_space<hbm>>)
      tpu.yield
    }) : () -> ()
    %mul3A_179 = arith.constant 312 : i32
    %mul3A_180 = arith.muli %arg1, %mul3A_179 : i32
    %add3A_181 = arith.constant 144 : i32
    %add3A_182 = arith.addi %mul3A_180, %add3A_181 : i32
    "tpu.region"() ({
      %run_scoped3A_212 = tpu.sem_alloc : memref<!tpu.dma_semaphore, #tpu.memory_space<semaphore_mem>>
      %dma_start3A_213 = arith.constant 0 : i32
      %dma_start3A_214 = tpu.memref_slice %arg12[%add3A_182, %dma_start3A_213] : memref<5008x128xf32, #tpu.memory_space<vmem_shared>> -> memref<24x128xf32, #tpu.memory_space<vmem_shared>>
      %dma_start3A_215 = arith.constant 0 : i32
      %dma_start3A_216 = tpu.memref_slice %arg12[%add3A_182, %dma_start3A_215] : memref<5008x128xf32, #tpu.memory_space<vmem_shared>> -> memref<24x128xf32, #tpu.memory_space<vmem_shared>>
      tpu.enqueue_dma source(%dma_start3A_216 : memref<24x128xf32, #tpu.memory_space<vmem_shared>>) target(%arg11 : memref<24x128xf32, #tpu.memory_space<vmem>>) target_semaphore(%run_scoped3A_212 : memref<!tpu.dma_semaphore, #tpu.memory_space<semaphore_mem>>)
      %dma_wait3A_217 = arith.constant 0 : i32
      %dma_wait3A_218 = tpu.memref_slice %arg12[%add3A_182, %dma_wait3A_217] : memref<5008x128xf32, #tpu.memory_space<vmem_shared>> -> memref<24x128xf32, #tpu.memory_space<vmem_shared>>
      %dma_wait3A_219 = arith.constant 0 : i32
      %dma_wait3A_220 = tpu.memref_slice %arg12[%add3A_182, %dma_wait3A_219] : memref<5008x128xf32, #tpu.memory_space<vmem_shared>> -> memref<24x128xf32, #tpu.memory_space<vmem_shared>>
      tpu.wait_dma2 semaphore(%run_scoped3A_212 : memref<!tpu.dma_semaphore, #tpu.memory_space<semaphore_mem>>) src(%dma_wait3A_220 : memref<24x128xf32, #tpu.memory_space<vmem_shared>>) dst(%arg11 : memref<24x128xf32, #tpu.memory_space<vmem>>)
      tpu.yield
    }) : () -> ()
    "tpu.region"() ({
      %run_scoped3A_212 = tpu.sem_alloc : memref<!tpu.dma_semaphore, #tpu.memory_space<semaphore_mem>>
      %dma_start3A_213 = arith.constant 0 : i32
      %dma_start3A_214 = tpu.memref_slice %arg6[%arg0, %add3A_182, %dma_start3A_213] : memref<2x5000x128xf32, #tpu.memory_space<hbm>> -> memref<1x24x128xf32, #tpu.memory_space<hbm>>
      %dma_start3A_215 = tpu.memref_squeeze %dma_start3A_214 : memref<1x24x128xf32, #tpu.memory_space<hbm>> -> memref<24x128xf32, #tpu.memory_space<hbm>>
      %dma_start3A_216 = arith.constant 0 : i32
      %dma_start3A_217 = tpu.memref_slice %arg6[%arg0, %add3A_182, %dma_start3A_216] : memref<2x5000x128xf32, #tpu.memory_space<hbm>> -> memref<1x24x128xf32, #tpu.memory_space<hbm>>
      %dma_start3A_218 = tpu.memref_squeeze %dma_start3A_217 : memref<1x24x128xf32, #tpu.memory_space<hbm>> -> memref<24x128xf32, #tpu.memory_space<hbm>>
      tpu.enqueue_dma source(%arg11 : memref<24x128xf32, #tpu.memory_space<vmem>>) target(%dma_start3A_218 : memref<24x128xf32, #tpu.memory_space<hbm>>) target_semaphore(%run_scoped3A_212 : memref<!tpu.dma_semaphore, #tpu.memory_space<semaphore_mem>>)
      %dma_wait3A_219 = arith.constant 0 : i32
      %dma_wait3A_220 = tpu.memref_slice %arg6[%arg0, %add3A_182, %dma_wait3A_219] : memref<2x5000x128xf32, #tpu.memory_space<hbm>> -> memref<1x24x128xf32, #tpu.memory_space<hbm>>
      %dma_wait3A_221 = tpu.memref_squeeze %dma_wait3A_220 : memref<1x24x128xf32, #tpu.memory_space<hbm>> -> memref<24x128xf32, #tpu.memory_space<hbm>>
      %dma_wait3A_222 = arith.constant 0 : i32
      %dma_wait3A_223 = tpu.memref_slice %arg6[%arg0, %add3A_182, %dma_wait3A_222] : memref<2x5000x128xf32, #tpu.memory_space<hbm>> -> memref<1x24x128xf32, #tpu.memory_space<hbm>>
      %dma_wait3A_224 = tpu.memref_squeeze %dma_wait3A_223 : memref<1x24x128xf32, #tpu.memory_space<hbm>> -> memref<24x128xf32, #tpu.memory_space<hbm>>
      tpu.wait_dma2 semaphore(%run_scoped3A_212 : memref<!tpu.dma_semaphore, #tpu.memory_space<semaphore_mem>>) src(%arg11 : memref<24x128xf32, #tpu.memory_space<vmem>>) dst(%dma_wait3A_224 : memref<24x128xf32, #tpu.memory_space<hbm>>)
      tpu.yield
    }) : () -> ()
    %mul3A_183 = arith.constant 312 : i32
    %mul3A_184 = arith.muli %arg1, %mul3A_183 : i32
    %add3A_185 = arith.constant 168 : i32
    %add3A_186 = arith.addi %mul3A_184, %add3A_185 : i32
    "tpu.region"() ({
      %run_scoped3A_212 = tpu.sem_alloc : memref<!tpu.dma_semaphore, #tpu.memory_space<semaphore_mem>>
      %dma_start3A_213 = arith.constant 0 : i32
      %dma_start3A_214 = tpu.memref_slice %arg12[%add3A_186, %dma_start3A_213] : memref<5008x128xf32, #tpu.memory_space<vmem_shared>> -> memref<24x128xf32, #tpu.memory_space<vmem_shared>>
      %dma_start3A_215 = arith.constant 0 : i32
      %dma_start3A_216 = tpu.memref_slice %arg12[%add3A_186, %dma_start3A_215] : memref<5008x128xf32, #tpu.memory_space<vmem_shared>> -> memref<24x128xf32, #tpu.memory_space<vmem_shared>>
      tpu.enqueue_dma source(%dma_start3A_216 : memref<24x128xf32, #tpu.memory_space<vmem_shared>>) target(%arg11 : memref<24x128xf32, #tpu.memory_space<vmem>>) target_semaphore(%run_scoped3A_212 : memref<!tpu.dma_semaphore, #tpu.memory_space<semaphore_mem>>)
      %dma_wait3A_217 = arith.constant 0 : i32
      %dma_wait3A_218 = tpu.memref_slice %arg12[%add3A_186, %dma_wait3A_217] : memref<5008x128xf32, #tpu.memory_space<vmem_shared>> -> memref<24x128xf32, #tpu.memory_space<vmem_shared>>
      %dma_wait3A_219 = arith.constant 0 : i32
      %dma_wait3A_220 = tpu.memref_slice %arg12[%add3A_186, %dma_wait3A_219] : memref<5008x128xf32, #tpu.memory_space<vmem_shared>> -> memref<24x128xf32, #tpu.memory_space<vmem_shared>>
      tpu.wait_dma2 semaphore(%run_scoped3A_212 : memref<!tpu.dma_semaphore, #tpu.memory_space<semaphore_mem>>) src(%dma_wait3A_220 : memref<24x128xf32, #tpu.memory_space<vmem_shared>>) dst(%arg11 : memref<24x128xf32, #tpu.memory_space<vmem>>)
      tpu.yield
    }) : () -> ()
    "tpu.region"() ({
      %run_scoped3A_212 = tpu.sem_alloc : memref<!tpu.dma_semaphore, #tpu.memory_space<semaphore_mem>>
      %dma_start3A_213 = arith.constant 0 : i32
      %dma_start3A_214 = tpu.memref_slice %arg6[%arg0, %add3A_186, %dma_start3A_213] : memref<2x5000x128xf32, #tpu.memory_space<hbm>> -> memref<1x24x128xf32, #tpu.memory_space<hbm>>
      %dma_start3A_215 = tpu.memref_squeeze %dma_start3A_214 : memref<1x24x128xf32, #tpu.memory_space<hbm>> -> memref<24x128xf32, #tpu.memory_space<hbm>>
      %dma_start3A_216 = arith.constant 0 : i32
      %dma_start3A_217 = tpu.memref_slice %arg6[%arg0, %add3A_186, %dma_start3A_216] : memref<2x5000x128xf32, #tpu.memory_space<hbm>> -> memref<1x24x128xf32, #tpu.memory_space<hbm>>
      %dma_start3A_218 = tpu.memref_squeeze %dma_start3A_217 : memref<1x24x128xf32, #tpu.memory_space<hbm>> -> memref<24x128xf32, #tpu.memory_space<hbm>>
      tpu.enqueue_dma source(%arg11 : memref<24x128xf32, #tpu.memory_space<vmem>>) target(%dma_start3A_218 : memref<24x128xf32, #tpu.memory_space<hbm>>) target_semaphore(%run_scoped3A_212 : memref<!tpu.dma_semaphore, #tpu.memory_space<semaphore_mem>>)
      %dma_wait3A_219 = arith.constant 0 : i32
      %dma_wait3A_220 = tpu.memref_slice %arg6[%arg0, %add3A_186, %dma_wait3A_219] : memref<2x5000x128xf32, #tpu.memory_space<hbm>> -> memref<1x24x128xf32, #tpu.memory_space<hbm>>
      %dma_wait3A_221 = tpu.memref_squeeze %dma_wait3A_220 : memref<1x24x128xf32, #tpu.memory_space<hbm>> -> memref<24x128xf32, #tpu.memory_space<hbm>>
      %dma_wait3A_222 = arith.constant 0 : i32
      %dma_wait3A_223 = tpu.memref_slice %arg6[%arg0, %add3A_186, %dma_wait3A_222] : memref<2x5000x128xf32, #tpu.memory_space<hbm>> -> memref<1x24x128xf32, #tpu.memory_space<hbm>>
      %dma_wait3A_224 = tpu.memref_squeeze %dma_wait3A_223 : memref<1x24x128xf32, #tpu.memory_space<hbm>> -> memref<24x128xf32, #tpu.memory_space<hbm>>
      tpu.wait_dma2 semaphore(%run_scoped3A_212 : memref<!tpu.dma_semaphore, #tpu.memory_space<semaphore_mem>>) src(%arg11 : memref<24x128xf32, #tpu.memory_space<vmem>>) dst(%dma_wait3A_224 : memref<24x128xf32, #tpu.memory_space<hbm>>)
      tpu.yield
    }) : () -> ()
    %mul3A_187 = arith.constant 312 : i32
    %mul3A_188 = arith.muli %arg1, %mul3A_187 : i32
    %add3A_189 = arith.constant 192 : i32
    %add3A_190 = arith.addi %mul3A_188, %add3A_189 : i32
    "tpu.region"() ({
      %run_scoped3A_212 = tpu.sem_alloc : memref<!tpu.dma_semaphore, #tpu.memory_space<semaphore_mem>>
      %dma_start3A_213 = arith.constant 0 : i32
      %dma_start3A_214 = tpu.memref_slice %arg12[%add3A_190, %dma_start3A_213] : memref<5008x128xf32, #tpu.memory_space<vmem_shared>> -> memref<24x128xf32, #tpu.memory_space<vmem_shared>>
      %dma_start3A_215 = arith.constant 0 : i32
      %dma_start3A_216 = tpu.memref_slice %arg12[%add3A_190, %dma_start3A_215] : memref<5008x128xf32, #tpu.memory_space<vmem_shared>> -> memref<24x128xf32, #tpu.memory_space<vmem_shared>>
      tpu.enqueue_dma source(%dma_start3A_216 : memref<24x128xf32, #tpu.memory_space<vmem_shared>>) target(%arg11 : memref<24x128xf32, #tpu.memory_space<vmem>>) target_semaphore(%run_scoped3A_212 : memref<!tpu.dma_semaphore, #tpu.memory_space<semaphore_mem>>)
      %dma_wait3A_217 = arith.constant 0 : i32
      %dma_wait3A_218 = tpu.memref_slice %arg12[%add3A_190, %dma_wait3A_217] : memref<5008x128xf32, #tpu.memory_space<vmem_shared>> -> memref<24x128xf32, #tpu.memory_space<vmem_shared>>
      %dma_wait3A_219 = arith.constant 0 : i32
      %dma_wait3A_220 = tpu.memref_slice %arg12[%add3A_190, %dma_wait3A_219] : memref<5008x128xf32, #tpu.memory_space<vmem_shared>> -> memref<24x128xf32, #tpu.memory_space<vmem_shared>>
      tpu.wait_dma2 semaphore(%run_scoped3A_212 : memref<!tpu.dma_semaphore, #tpu.memory_space<semaphore_mem>>) src(%dma_wait3A_220 : memref<24x128xf32, #tpu.memory_space<vmem_shared>>) dst(%arg11 : memref<24x128xf32, #tpu.memory_space<vmem>>)
      tpu.yield
    }) : () -> ()
    "tpu.region"() ({
      %run_scoped3A_212 = tpu.sem_alloc : memref<!tpu.dma_semaphore, #tpu.memory_space<semaphore_mem>>
      %dma_start3A_213 = arith.constant 0 : i32
      %dma_start3A_214 = tpu.memref_slice %arg6[%arg0, %add3A_190, %dma_start3A_213] : memref<2x5000x128xf32, #tpu.memory_space<hbm>> -> memref<1x24x128xf32, #tpu.memory_space<hbm>>
      %dma_start3A_215 = tpu.memref_squeeze %dma_start3A_214 : memref<1x24x128xf32, #tpu.memory_space<hbm>> -> memref<24x128xf32, #tpu.memory_space<hbm>>
      %dma_start3A_216 = arith.constant 0 : i32
      %dma_start3A_217 = tpu.memref_slice %arg6[%arg0, %add3A_190, %dma_start3A_216] : memref<2x5000x128xf32, #tpu.memory_space<hbm>> -> memref<1x24x128xf32, #tpu.memory_space<hbm>>
      %dma_start3A_218 = tpu.memref_squeeze %dma_start3A_217 : memref<1x24x128xf32, #tpu.memory_space<hbm>> -> memref<24x128xf32, #tpu.memory_space<hbm>>
      tpu.enqueue_dma source(%arg11 : memref<24x128xf32, #tpu.memory_space<vmem>>) target(%dma_start3A_218 : memref<24x128xf32, #tpu.memory_space<hbm>>) target_semaphore(%run_scoped3A_212 : memref<!tpu.dma_semaphore, #tpu.memory_space<semaphore_mem>>)
      %dma_wait3A_219 = arith.constant 0 : i32
      %dma_wait3A_220 = tpu.memref_slice %arg6[%arg0, %add3A_190, %dma_wait3A_219] : memref<2x5000x128xf32, #tpu.memory_space<hbm>> -> memref<1x24x128xf32, #tpu.memory_space<hbm>>
      %dma_wait3A_221 = tpu.memref_squeeze %dma_wait3A_220 : memref<1x24x128xf32, #tpu.memory_space<hbm>> -> memref<24x128xf32, #tpu.memory_space<hbm>>
      %dma_wait3A_222 = arith.constant 0 : i32
      %dma_wait3A_223 = tpu.memref_slice %arg6[%arg0, %add3A_190, %dma_wait3A_222] : memref<2x5000x128xf32, #tpu.memory_space<hbm>> -> memref<1x24x128xf32, #tpu.memory_space<hbm>>
      %dma_wait3A_224 = tpu.memref_squeeze %dma_wait3A_223 : memref<1x24x128xf32, #tpu.memory_space<hbm>> -> memref<24x128xf32, #tpu.memory_space<hbm>>
      tpu.wait_dma2 semaphore(%run_scoped3A_212 : memref<!tpu.dma_semaphore, #tpu.memory_space<semaphore_mem>>) src(%arg11 : memref<24x128xf32, #tpu.memory_space<vmem>>) dst(%dma_wait3A_224 : memref<24x128xf32, #tpu.memory_space<hbm>>)
      tpu.yield
    }) : () -> ()
    %mul3A_191 = arith.constant 312 : i32
    %mul3A_192 = arith.muli %arg1, %mul3A_191 : i32
    %add3A_193 = arith.constant 216 : i32
    %add3A_194 = arith.addi %mul3A_192, %add3A_193 : i32
    "tpu.region"() ({
      %run_scoped3A_212 = tpu.sem_alloc : memref<!tpu.dma_semaphore, #tpu.memory_space<semaphore_mem>>
      %dma_start3A_213 = arith.constant 0 : i32
      %dma_start3A_214 = tpu.memref_slice %arg12[%add3A_194, %dma_start3A_213] : memref<5008x128xf32, #tpu.memory_space<vmem_shared>> -> memref<24x128xf32, #tpu.memory_space<vmem_shared>>
      %dma_start3A_215 = arith.constant 0 : i32
      %dma_start3A_216 = tpu.memref_slice %arg12[%add3A_194, %dma_start3A_215] : memref<5008x128xf32, #tpu.memory_space<vmem_shared>> -> memref<24x128xf32, #tpu.memory_space<vmem_shared>>
      tpu.enqueue_dma source(%dma_start3A_216 : memref<24x128xf32, #tpu.memory_space<vmem_shared>>) target(%arg11 : memref<24x128xf32, #tpu.memory_space<vmem>>) target_semaphore(%run_scoped3A_212 : memref<!tpu.dma_semaphore, #tpu.memory_space<semaphore_mem>>)
      %dma_wait3A_217 = arith.constant 0 : i32
      %dma_wait3A_218 = tpu.memref_slice %arg12[%add3A_194, %dma_wait3A_217] : memref<5008x128xf32, #tpu.memory_space<vmem_shared>> -> memref<24x128xf32, #tpu.memory_space<vmem_shared>>
      %dma_wait3A_219 = arith.constant 0 : i32
      %dma_wait3A_220 = tpu.memref_slice %arg12[%add3A_194, %dma_wait3A_219] : memref<5008x128xf32, #tpu.memory_space<vmem_shared>> -> memref<24x128xf32, #tpu.memory_space<vmem_shared>>
      tpu.wait_dma2 semaphore(%run_scoped3A_212 : memref<!tpu.dma_semaphore, #tpu.memory_space<semaphore_mem>>) src(%dma_wait3A_220 : memref<24x128xf32, #tpu.memory_space<vmem_shared>>) dst(%arg11 : memref<24x128xf32, #tpu.memory_space<vmem>>)
      tpu.yield
    }) : () -> ()
    "tpu.region"() ({
      %run_scoped3A_212 = tpu.sem_alloc : memref<!tpu.dma_semaphore, #tpu.memory_space<semaphore_mem>>
      %dma_start3A_213 = arith.constant 0 : i32
      %dma_start3A_214 = tpu.memref_slice %arg6[%arg0, %add3A_194, %dma_start3A_213] : memref<2x5000x128xf32, #tpu.memory_space<hbm>> -> memref<1x24x128xf32, #tpu.memory_space<hbm>>
      %dma_start3A_215 = tpu.memref_squeeze %dma_start3A_214 : memref<1x24x128xf32, #tpu.memory_space<hbm>> -> memref<24x128xf32, #tpu.memory_space<hbm>>
      %dma_start3A_216 = arith.constant 0 : i32
      %dma_start3A_217 = tpu.memref_slice %arg6[%arg0, %add3A_194, %dma_start3A_216] : memref<2x5000x128xf32, #tpu.memory_space<hbm>> -> memref<1x24x128xf32, #tpu.memory_space<hbm>>
      %dma_start3A_218 = tpu.memref_squeeze %dma_start3A_217 : memref<1x24x128xf32, #tpu.memory_space<hbm>> -> memref<24x128xf32, #tpu.memory_space<hbm>>
      tpu.enqueue_dma source(%arg11 : memref<24x128xf32, #tpu.memory_space<vmem>>) target(%dma_start3A_218 : memref<24x128xf32, #tpu.memory_space<hbm>>) target_semaphore(%run_scoped3A_212 : memref<!tpu.dma_semaphore, #tpu.memory_space<semaphore_mem>>)
      %dma_wait3A_219 = arith.constant 0 : i32
      %dma_wait3A_220 = tpu.memref_slice %arg6[%arg0, %add3A_194, %dma_wait3A_219] : memref<2x5000x128xf32, #tpu.memory_space<hbm>> -> memref<1x24x128xf32, #tpu.memory_space<hbm>>
      %dma_wait3A_221 = tpu.memref_squeeze %dma_wait3A_220 : memref<1x24x128xf32, #tpu.memory_space<hbm>> -> memref<24x128xf32, #tpu.memory_space<hbm>>
      %dma_wait3A_222 = arith.constant 0 : i32
      %dma_wait3A_223 = tpu.memref_slice %arg6[%arg0, %add3A_194, %dma_wait3A_222] : memref<2x5000x128xf32, #tpu.memory_space<hbm>> -> memref<1x24x128xf32, #tpu.memory_space<hbm>>
      %dma_wait3A_224 = tpu.memref_squeeze %dma_wait3A_223 : memref<1x24x128xf32, #tpu.memory_space<hbm>> -> memref<24x128xf32, #tpu.memory_space<hbm>>
      tpu.wait_dma2 semaphore(%run_scoped3A_212 : memref<!tpu.dma_semaphore, #tpu.memory_space<semaphore_mem>>) src(%arg11 : memref<24x128xf32, #tpu.memory_space<vmem>>) dst(%dma_wait3A_224 : memref<24x128xf32, #tpu.memory_space<hbm>>)
      tpu.yield
    }) : () -> ()
    %mul3A_195 = arith.constant 312 : i32
    %mul3A_196 = arith.muli %arg1, %mul3A_195 : i32
    %add3A_197 = arith.constant 240 : i32
    %add3A_198 = arith.addi %mul3A_196, %add3A_197 : i32
    "tpu.region"() ({
      %run_scoped3A_212 = tpu.sem_alloc : memref<!tpu.dma_semaphore, #tpu.memory_space<semaphore_mem>>
      %dma_start3A_213 = arith.constant 0 : i32
      %dma_start3A_214 = tpu.memref_slice %arg12[%add3A_198, %dma_start3A_213] : memref<5008x128xf32, #tpu.memory_space<vmem_shared>> -> memref<24x128xf32, #tpu.memory_space<vmem_shared>>
      %dma_start3A_215 = arith.constant 0 : i32
      %dma_start3A_216 = tpu.memref_slice %arg12[%add3A_198, %dma_start3A_215] : memref<5008x128xf32, #tpu.memory_space<vmem_shared>> -> memref<24x128xf32, #tpu.memory_space<vmem_shared>>
      tpu.enqueue_dma source(%dma_start3A_216 : memref<24x128xf32, #tpu.memory_space<vmem_shared>>) target(%arg11 : memref<24x128xf32, #tpu.memory_space<vmem>>) target_semaphore(%run_scoped3A_212 : memref<!tpu.dma_semaphore, #tpu.memory_space<semaphore_mem>>)
      %dma_wait3A_217 = arith.constant 0 : i32
      %dma_wait3A_218 = tpu.memref_slice %arg12[%add3A_198, %dma_wait3A_217] : memref<5008x128xf32, #tpu.memory_space<vmem_shared>> -> memref<24x128xf32, #tpu.memory_space<vmem_shared>>
      %dma_wait3A_219 = arith.constant 0 : i32
      %dma_wait3A_220 = tpu.memref_slice %arg12[%add3A_198, %dma_wait3A_219] : memref<5008x128xf32, #tpu.memory_space<vmem_shared>> -> memref<24x128xf32, #tpu.memory_space<vmem_shared>>
      tpu.wait_dma2 semaphore(%run_scoped3A_212 : memref<!tpu.dma_semaphore, #tpu.memory_space<semaphore_mem>>) src(%dma_wait3A_220 : memref<24x128xf32, #tpu.memory_space<vmem_shared>>) dst(%arg11 : memref<24x128xf32, #tpu.memory_space<vmem>>)
      tpu.yield
    }) : () -> ()
    "tpu.region"() ({
      %run_scoped3A_212 = tpu.sem_alloc : memref<!tpu.dma_semaphore, #tpu.memory_space<semaphore_mem>>
      %dma_start3A_213 = arith.constant 0 : i32
      %dma_start3A_214 = tpu.memref_slice %arg6[%arg0, %add3A_198, %dma_start3A_213] : memref<2x5000x128xf32, #tpu.memory_space<hbm>> -> memref<1x24x128xf32, #tpu.memory_space<hbm>>
      %dma_start3A_215 = tpu.memref_squeeze %dma_start3A_214 : memref<1x24x128xf32, #tpu.memory_space<hbm>> -> memref<24x128xf32, #tpu.memory_space<hbm>>
      %dma_start3A_216 = arith.constant 0 : i32
      %dma_start3A_217 = tpu.memref_slice %arg6[%arg0, %add3A_198, %dma_start3A_216] : memref<2x5000x128xf32, #tpu.memory_space<hbm>> -> memref<1x24x128xf32, #tpu.memory_space<hbm>>
      %dma_start3A_218 = tpu.memref_squeeze %dma_start3A_217 : memref<1x24x128xf32, #tpu.memory_space<hbm>> -> memref<24x128xf32, #tpu.memory_space<hbm>>
      tpu.enqueue_dma source(%arg11 : memref<24x128xf32, #tpu.memory_space<vmem>>) target(%dma_start3A_218 : memref<24x128xf32, #tpu.memory_space<hbm>>) target_semaphore(%run_scoped3A_212 : memref<!tpu.dma_semaphore, #tpu.memory_space<semaphore_mem>>)
      %dma_wait3A_219 = arith.constant 0 : i32
      %dma_wait3A_220 = tpu.memref_slice %arg6[%arg0, %add3A_198, %dma_wait3A_219] : memref<2x5000x128xf32, #tpu.memory_space<hbm>> -> memref<1x24x128xf32, #tpu.memory_space<hbm>>
      %dma_wait3A_221 = tpu.memref_squeeze %dma_wait3A_220 : memref<1x24x128xf32, #tpu.memory_space<hbm>> -> memref<24x128xf32, #tpu.memory_space<hbm>>
      %dma_wait3A_222 = arith.constant 0 : i32
      %dma_wait3A_223 = tpu.memref_slice %arg6[%arg0, %add3A_198, %dma_wait3A_222] : memref<2x5000x128xf32, #tpu.memory_space<hbm>> -> memref<1x24x128xf32, #tpu.memory_space<hbm>>
      %dma_wait3A_224 = tpu.memref_squeeze %dma_wait3A_223 : memref<1x24x128xf32, #tpu.memory_space<hbm>> -> memref<24x128xf32, #tpu.memory_space<hbm>>
      tpu.wait_dma2 semaphore(%run_scoped3A_212 : memref<!tpu.dma_semaphore, #tpu.memory_space<semaphore_mem>>) src(%arg11 : memref<24x128xf32, #tpu.memory_space<vmem>>) dst(%dma_wait3A_224 : memref<24x128xf32, #tpu.memory_space<hbm>>)
      tpu.yield
    }) : () -> ()
    %mul3A_199 = arith.constant 312 : i32
    %mul3A_200 = arith.muli %arg1, %mul3A_199 : i32
    %add3A_201 = arith.constant 264 : i32
    %add3A_202 = arith.addi %mul3A_200, %add3A_201 : i32
    "tpu.region"() ({
      %run_scoped3A_212 = tpu.sem_alloc : memref<!tpu.dma_semaphore, #tpu.memory_space<semaphore_mem>>
      %dma_start3A_213 = arith.constant 0 : i32
      %dma_start3A_214 = tpu.memref_slice %arg12[%add3A_202, %dma_start3A_213] : memref<5008x128xf32, #tpu.memory_space<vmem_shared>> -> memref<24x128xf32, #tpu.memory_space<vmem_shared>>
      %dma_start3A_215 = arith.constant 0 : i32
      %dma_start3A_216 = tpu.memref_slice %arg12[%add3A_202, %dma_start3A_215] : memref<5008x128xf32, #tpu.memory_space<vmem_shared>> -> memref<24x128xf32, #tpu.memory_space<vmem_shared>>
      tpu.enqueue_dma source(%dma_start3A_216 : memref<24x128xf32, #tpu.memory_space<vmem_shared>>) target(%arg11 : memref<24x128xf32, #tpu.memory_space<vmem>>) target_semaphore(%run_scoped3A_212 : memref<!tpu.dma_semaphore, #tpu.memory_space<semaphore_mem>>)
      %dma_wait3A_217 = arith.constant 0 : i32
      %dma_wait3A_218 = tpu.memref_slice %arg12[%add3A_202, %dma_wait3A_217] : memref<5008x128xf32, #tpu.memory_space<vmem_shared>> -> memref<24x128xf32, #tpu.memory_space<vmem_shared>>
      %dma_wait3A_219 = arith.constant 0 : i32
      %dma_wait3A_220 = tpu.memref_slice %arg12[%add3A_202, %dma_wait3A_219] : memref<5008x128xf32, #tpu.memory_space<vmem_shared>> -> memref<24x128xf32, #tpu.memory_space<vmem_shared>>
      tpu.wait_dma2 semaphore(%run_scoped3A_212 : memref<!tpu.dma_semaphore, #tpu.memory_space<semaphore_mem>>) src(%dma_wait3A_220 : memref<24x128xf32, #tpu.memory_space<vmem_shared>>) dst(%arg11 : memref<24x128xf32, #tpu.memory_space<vmem>>)
      tpu.yield
    }) : () -> ()
    "tpu.region"() ({
      %run_scoped3A_212 = tpu.sem_alloc : memref<!tpu.dma_semaphore, #tpu.memory_space<semaphore_mem>>
      %dma_start3A_213 = arith.constant 0 : i32
      %dma_start3A_214 = tpu.memref_slice %arg6[%arg0, %add3A_202, %dma_start3A_213] : memref<2x5000x128xf32, #tpu.memory_space<hbm>> -> memref<1x24x128xf32, #tpu.memory_space<hbm>>
      %dma_start3A_215 = tpu.memref_squeeze %dma_start3A_214 : memref<1x24x128xf32, #tpu.memory_space<hbm>> -> memref<24x128xf32, #tpu.memory_space<hbm>>
      %dma_start3A_216 = arith.constant 0 : i32
      %dma_start3A_217 = tpu.memref_slice %arg6[%arg0, %add3A_202, %dma_start3A_216] : memref<2x5000x128xf32, #tpu.memory_space<hbm>> -> memref<1x24x128xf32, #tpu.memory_space<hbm>>
      %dma_start3A_218 = tpu.memref_squeeze %dma_start3A_217 : memref<1x24x128xf32, #tpu.memory_space<hbm>> -> memref<24x128xf32, #tpu.memory_space<hbm>>
      tpu.enqueue_dma source(%arg11 : memref<24x128xf32, #tpu.memory_space<vmem>>) target(%dma_start3A_218 : memref<24x128xf32, #tpu.memory_space<hbm>>) target_semaphore(%run_scoped3A_212 : memref<!tpu.dma_semaphore, #tpu.memory_space<semaphore_mem>>)
      %dma_wait3A_219 = arith.constant 0 : i32
      %dma_wait3A_220 = tpu.memref_slice %arg6[%arg0, %add3A_202, %dma_wait3A_219] : memref<2x5000x128xf32, #tpu.memory_space<hbm>> -> memref<1x24x128xf32, #tpu.memory_space<hbm>>
      %dma_wait3A_221 = tpu.memref_squeeze %dma_wait3A_220 : memref<1x24x128xf32, #tpu.memory_space<hbm>> -> memref<24x128xf32, #tpu.memory_space<hbm>>
      %dma_wait3A_222 = arith.constant 0 : i32
      %dma_wait3A_223 = tpu.memref_slice %arg6[%arg0, %add3A_202, %dma_wait3A_222] : memref<2x5000x128xf32, #tpu.memory_space<hbm>> -> memref<1x24x128xf32, #tpu.memory_space<hbm>>
      %dma_wait3A_224 = tpu.memref_squeeze %dma_wait3A_223 : memref<1x24x128xf32, #tpu.memory_space<hbm>> -> memref<24x128xf32, #tpu.memory_space<hbm>>
      tpu.wait_dma2 semaphore(%run_scoped3A_212 : memref<!tpu.dma_semaphore, #tpu.memory_space<semaphore_mem>>) src(%arg11 : memref<24x128xf32, #tpu.memory_space<vmem>>) dst(%dma_wait3A_224 : memref<24x128xf32, #tpu.memory_space<hbm>>)
      tpu.yield
    }) : () -> ()
    %mul3A_203 = arith.constant 312 : i32
    %mul3A_204 = arith.muli %arg1, %mul3A_203 : i32
    %add3A_205 = arith.constant 288 : i32
    %add3A_206 = arith.addi %mul3A_204, %add3A_205 : i32
    "tpu.region"() ({
      %run_scoped3A_212 = tpu.sem_alloc : memref<!tpu.dma_semaphore, #tpu.memory_space<semaphore_mem>>
      %dma_start3A_213 = arith.constant 0 : i32
      %dma_start3A_214 = tpu.memref_slice %arg12[%add3A_206, %dma_start3A_213] : memref<5008x128xf32, #tpu.memory_space<vmem_shared>> -> memref<24x128xf32, #tpu.memory_space<vmem_shared>>
      %dma_start3A_215 = arith.constant 0 : i32
      %dma_start3A_216 = tpu.memref_slice %arg12[%add3A_206, %dma_start3A_215] : memref<5008x128xf32, #tpu.memory_space<vmem_shared>> -> memref<24x128xf32, #tpu.memory_space<vmem_shared>>
      tpu.enqueue_dma source(%dma_start3A_216 : memref<24x128xf32, #tpu.memory_space<vmem_shared>>) target(%arg11 : memref<24x128xf32, #tpu.memory_space<vmem>>) target_semaphore(%run_scoped3A_212 : memref<!tpu.dma_semaphore, #tpu.memory_space<semaphore_mem>>)
      %dma_wait3A_217 = arith.constant 0 : i32
      %dma_wait3A_218 = tpu.memref_slice %arg12[%add3A_206, %dma_wait3A_217] : memref<5008x128xf32, #tpu.memory_space<vmem_shared>> -> memref<24x128xf32, #tpu.memory_space<vmem_shared>>
      %dma_wait3A_219 = arith.constant 0 : i32
      %dma_wait3A_220 = tpu.memref_slice %arg12[%add3A_206, %dma_wait3A_219] : memref<5008x128xf32, #tpu.memory_space<vmem_shared>> -> memref<24x128xf32, #tpu.memory_space<vmem_shared>>
      tpu.wait_dma2 semaphore(%run_scoped3A_212 : memref<!tpu.dma_semaphore, #tpu.memory_space<semaphore_mem>>) src(%dma_wait3A_220 : memref<24x128xf32, #tpu.memory_space<vmem_shared>>) dst(%arg11 : memref<24x128xf32, #tpu.memory_space<vmem>>)
      tpu.yield
    }) : () -> ()
    "tpu.region"() ({
      %run_scoped3A_212 = tpu.sem_alloc : memref<!tpu.dma_semaphore, #tpu.memory_space<semaphore_mem>>
      %dma_start3A_213 = arith.constant 0 : i32
      %dma_start3A_214 = tpu.memref_slice %arg6[%arg0, %add3A_206, %dma_start3A_213] : memref<2x5000x128xf32, #tpu.memory_space<hbm>> -> memref<1x24x128xf32, #tpu.memory_space<hbm>>
      %dma_start3A_215 = tpu.memref_squeeze %dma_start3A_214 : memref<1x24x128xf32, #tpu.memory_space<hbm>> -> memref<24x128xf32, #tpu.memory_space<hbm>>
      %dma_start3A_216 = arith.constant 0 : i32
      %dma_start3A_217 = tpu.memref_slice %arg6[%arg0, %add3A_206, %dma_start3A_216] : memref<2x5000x128xf32, #tpu.memory_space<hbm>> -> memref<1x24x128xf32, #tpu.memory_space<hbm>>
      %dma_start3A_218 = tpu.memref_squeeze %dma_start3A_217 : memref<1x24x128xf32, #tpu.memory_space<hbm>> -> memref<24x128xf32, #tpu.memory_space<hbm>>
      tpu.enqueue_dma source(%arg11 : memref<24x128xf32, #tpu.memory_space<vmem>>) target(%dma_start3A_218 : memref<24x128xf32, #tpu.memory_space<hbm>>) target_semaphore(%run_scoped3A_212 : memref<!tpu.dma_semaphore, #tpu.memory_space<semaphore_mem>>)
      %dma_wait3A_219 = arith.constant 0 : i32
      %dma_wait3A_220 = tpu.memref_slice %arg6[%arg0, %add3A_206, %dma_wait3A_219] : memref<2x5000x128xf32, #tpu.memory_space<hbm>> -> memref<1x24x128xf32, #tpu.memory_space<hbm>>
      %dma_wait3A_221 = tpu.memref_squeeze %dma_wait3A_220 : memref<1x24x128xf32, #tpu.memory_space<hbm>> -> memref<24x128xf32, #tpu.memory_space<hbm>>
      %dma_wait3A_222 = arith.constant 0 : i32
      %dma_wait3A_223 = tpu.memref_slice %arg6[%arg0, %add3A_206, %dma_wait3A_222] : memref<2x5000x128xf32, #tpu.memory_space<hbm>> -> memref<1x24x128xf32, #tpu.memory_space<hbm>>
      %dma_wait3A_224 = tpu.memref_squeeze %dma_wait3A_223 : memref<1x24x128xf32, #tpu.memory_space<hbm>> -> memref<24x128xf32, #tpu.memory_space<hbm>>
      tpu.wait_dma2 semaphore(%run_scoped3A_212 : memref<!tpu.dma_semaphore, #tpu.memory_space<semaphore_mem>>) src(%arg11 : memref<24x128xf32, #tpu.memory_space<vmem>>) dst(%dma_wait3A_224 : memref<24x128xf32, #tpu.memory_space<hbm>>)
      tpu.yield
    }) : () -> ()
    %eq3A_207 = arith.constant 0 : i32
    %eq3A_208 = arith.cmpi eq, %arg1, %eq3A_207 : i32
    %convert_element_type3A_209 = arith.extui %eq3A_208 : i1 to i32
    %cond3A_210 = arith.constant 0 : i32
    %cond3A_211 = arith.cmpi ne, %convert_element_type3A_209, %cond3A_210 : i32
    scf.if %cond3A_211 {
      "tpu.region"() ({
        %run_scoped3A_212 = tpu.sem_alloc : memref<!tpu.dma_semaphore, #tpu.memory_space<semaphore_mem>>
        %dma_start3A_213 = arith.constant 0 : i32
        %dma_start3A_214 = arith.constant 0 : i32
        %dma_start3A_215 = tpu.memref_slice %arg11[%dma_start3A_213, %dma_start3A_214] : memref<24x128xf32, #tpu.memory_space<vmem>> -> memref<8x128xf32, #tpu.memory_space<vmem>>
        %dma_start3A_216 = arith.constant 4992 : i32
        %dma_start3A_217 = arith.constant 0 : i32
        %dma_start3A_218 = tpu.memref_slice %arg12[%dma_start3A_216, %dma_start3A_217] : memref<5008x128xf32, #tpu.memory_space<vmem_shared>> -> memref<8x128xf32, #tpu.memory_space<vmem_shared>>
        %dma_start3A_219 = arith.constant 0 : i32
        %dma_start3A_220 = arith.constant 0 : i32
        %dma_start3A_221 = tpu.memref_slice %arg11[%dma_start3A_219, %dma_start3A_220] : memref<24x128xf32, #tpu.memory_space<vmem>> -> memref<8x128xf32, #tpu.memory_space<vmem>>
        %dma_start3A_222 = arith.constant 4992 : i32
        %dma_start3A_223 = arith.constant 0 : i32
        %dma_start3A_224 = tpu.memref_slice %arg12[%dma_start3A_222, %dma_start3A_223] : memref<5008x128xf32, #tpu.memory_space<vmem_shared>> -> memref<8x128xf32, #tpu.memory_space<vmem_shared>>
        tpu.enqueue_dma source(%dma_start3A_224 : memref<8x128xf32, #tpu.memory_space<vmem_shared>>) target(%dma_start3A_221 : memref<8x128xf32, #tpu.memory_space<vmem>>) target_semaphore(%run_scoped3A_212 : memref<!tpu.dma_semaphore, #tpu.memory_space<semaphore_mem>>)
        %dma_wait3A_225 = arith.constant 0 : i32
        %dma_wait3A_226 = arith.constant 0 : i32
        %dma_wait3A_227 = tpu.memref_slice %arg11[%dma_wait3A_225, %dma_wait3A_226] : memref<24x128xf32, #tpu.memory_space<vmem>> -> memref<8x128xf32, #tpu.memory_space<vmem>>
        %dma_wait3A_228 = arith.constant 4992 : i32
        %dma_wait3A_229 = arith.constant 0 : i32
        %dma_wait3A_230 = tpu.memref_slice %arg12[%dma_wait3A_228, %dma_wait3A_229] : memref<5008x128xf32, #tpu.memory_space<vmem_shared>> -> memref<8x128xf32, #tpu.memory_space<vmem_shared>>
        %dma_wait3A_231 = arith.constant 0 : i32
        %dma_wait3A_232 = arith.constant 0 : i32
        %dma_wait3A_233 = tpu.memref_slice %arg11[%dma_wait3A_231, %dma_wait3A_232] : memref<24x128xf32, #tpu.memory_space<vmem>> -> memref<8x128xf32, #tpu.memory_space<vmem>>
        %dma_wait3A_234 = arith.constant 4992 : i32
        %dma_wait3A_235 = arith.constant 0 : i32
        %dma_wait3A_236 = tpu.memref_slice %arg12[%dma_wait3A_234, %dma_wait3A_235] : memref<5008x128xf32, #tpu.memory_space<vmem_shared>> -> memref<8x128xf32, #tpu.memory_space<vmem_shared>>
        tpu.wait_dma2 semaphore(%run_scoped3A_212 : memref<!tpu.dma_semaphore, #tpu.memory_space<semaphore_mem>>) src(%dma_wait3A_236 : memref<8x128xf32, #tpu.memory_space<vmem_shared>>) dst(%dma_wait3A_233 : memref<8x128xf32, #tpu.memory_space<vmem>>)
        tpu.yield
      }) : () -> ()
      "tpu.region"() ({
        %run_scoped3A_212 = tpu.sem_alloc : memref<!tpu.dma_semaphore, #tpu.memory_space<semaphore_mem>>
        %dma_start3A_213 = arith.constant 0 : i32
        %dma_start3A_214 = arith.constant 0 : i32
        %dma_start3A_215 = tpu.memref_slice %arg11[%dma_start3A_213, %dma_start3A_214] : memref<24x128xf32, #tpu.memory_space<vmem>> -> memref<8x128xf32, #tpu.memory_space<vmem>>
        %dma_start3A_216 = arith.constant 4992 : i32
        %dma_start3A_217 = arith.constant 0 : i32
        %dma_start3A_218 = tpu.memref_slice %arg6[%arg0, %dma_start3A_216, %dma_start3A_217] : memref<2x5000x128xf32, #tpu.memory_space<hbm>> -> memref<1x8x128xf32, #tpu.memory_space<hbm>>
        %dma_start3A_219 = tpu.memref_squeeze %dma_start3A_218 : memref<1x8x128xf32, #tpu.memory_space<hbm>> -> memref<8x128xf32, #tpu.memory_space<hbm>>
        %dma_start3A_220 = arith.constant 4992 : i32
        %dma_start3A_221 = arith.constant 0 : i32
        %dma_start3A_222 = tpu.memref_slice %arg6[%arg0, %dma_start3A_220, %dma_start3A_221] : memref<2x5000x128xf32, #tpu.memory_space<hbm>> -> memref<1x8x128xf32, #tpu.memory_space<hbm>>
        %dma_start3A_223 = tpu.memref_squeeze %dma_start3A_222 : memref<1x8x128xf32, #tpu.memory_space<hbm>> -> memref<8x128xf32, #tpu.memory_space<hbm>>
        %dma_start3A_224 = arith.constant 0 : i32
        %dma_start3A_225 = arith.constant 0 : i32
        %dma_start3A_226 = tpu.memref_slice %arg11[%dma_start3A_224, %dma_start3A_225] : memref<24x128xf32, #tpu.memory_space<vmem>> -> memref<8x128xf32, #tpu.memory_space<vmem>>
        tpu.enqueue_dma source(%dma_start3A_226 : memref<8x128xf32, #tpu.memory_space<vmem>>) target(%dma_start3A_223 : memref<8x128xf32, #tpu.memory_space<hbm>>) target_semaphore(%run_scoped3A_212 : memref<!tpu.dma_semaphore, #tpu.memory_space<semaphore_mem>>)
        %dma_wait3A_227 = arith.constant 0 : i32
        %dma_wait3A_228 = arith.constant 0 : i32
        %dma_wait3A_229 = tpu.memref_slice %arg11[%dma_wait3A_227, %dma_wait3A_228] : memref<24x128xf32, #tpu.memory_space<vmem>> -> memref<8x128xf32, #tpu.memory_space<vmem>>
        %dma_wait3A_230 = arith.constant 4992 : i32
        %dma_wait3A_231 = arith.constant 0 : i32
        %dma_wait3A_232 = tpu.memref_slice %arg6[%arg0, %dma_wait3A_230, %dma_wait3A_231] : memref<2x5000x128xf32, #tpu.memory_space<hbm>> -> memref<1x8x128xf32, #tpu.memory_space<hbm>>
        %dma_wait3A_233 = tpu.memref_squeeze %dma_wait3A_232 : memref<1x8x128xf32, #tpu.memory_space<hbm>> -> memref<8x128xf32, #tpu.memory_space<hbm>>
        %dma_wait3A_234 = arith.constant 4992 : i32
        %dma_wait3A_235 = arith.constant 0 : i32
        %dma_wait3A_236 = tpu.memref_slice %arg6[%arg0, %dma_wait3A_234, %dma_wait3A_235] : memref<2x5000x128xf32, #tpu.memory_space<hbm>> -> memref<1x8x128xf32, #tpu.memory_space<hbm>>
        %dma_wait3A_237 = tpu.memref_squeeze %dma_wait3A_236 : memref<1x8x128xf32, #tpu.memory_space<hbm>> -> memref<8x128xf32, #tpu.memory_space<hbm>>
        %dma_wait3A_238 = arith.constant 0 : i32
        %dma_wait3A_239 = arith.constant 0 : i32
        %dma_wait3A_240 = tpu.memref_slice %arg11[%dma_wait3A_238, %dma_wait3A_239] : memref<24x128xf32, #tpu.memory_space<vmem>> -> memref<8x128xf32, #tpu.memory_space<vmem>>
        tpu.wait_dma2 semaphore(%run_scoped3A_212 : memref<!tpu.dma_semaphore, #tpu.memory_space<semaphore_mem>>) src(%dma_wait3A_240 : memref<8x128xf32, #tpu.memory_space<vmem>>) dst(%dma_wait3A_237 : memref<8x128xf32, #tpu.memory_space<hbm>>)
        tpu.yield
      }) : () -> ()
    } else {
    }
    return
  }
}

module attributes {stable_mosaic.version = 14 : i64} {
  func.func @_loc_body(%arg0: memref<2500x128xi32, #tpu.memory_space<vmem>>, %arg1: memref<2x2500x128xi32, #tpu.memory_space<vmem>>) attributes {dimension_semantics = [], scalar_prefetch = 0 : i64, scratch_operands = 0 : i64, tpu.core_type = #tpu.core_type<tc>} {
    %get3A = arith.constant 0 : index
    %get3A_0 = arith.constant 0 : index
    %get3A_1 = vector.load %arg0[%get3A, %get3A_0] : memref<2500x128xi32, #tpu.memory_space<vmem>>, vector<2500x128xi32>
    %sub3A = arith.constant 0 : i32
    %sub3A_2 = vector.broadcast %sub3A : i32 to vector<2500x128xi32>
    %sub3A_3 = arith.subi %get3A_1, %sub3A_2 : vector<2500x128xi32>
    %ge3A = arith.constant 0 : i32
    %ge3A_4 = vector.broadcast %ge3A : i32 to vector<2500x128xi32>
    %ge3A_5 = arith.cmpi sge, %sub3A_3, %ge3A_4 : vector<2500x128xi32>
    %lt3A = arith.constant 5000 : i32
    %lt3A_6 = vector.broadcast %lt3A : i32 to vector<2500x128xi32>
    %lt3A_7 = arith.cmpi slt, %sub3A_3, %lt3A_6 : vector<2500x128xi32>
    %and3A = arith.andi %ge3A_5, %lt3A_7 : vector<2500x128xi1>
    %jit3A = arith.constant 5000 : i32
    %broadcast_in_dim3A = vector.broadcast %jit3A : i32 to vector<2500x128xi32>
    %select_n3A = arith.select %and3A, %sub3A_3, %broadcast_in_dim3A : vector<2500x128xi1>, vector<2500x128xi32>
    %swap3A = arith.constant 0 : index
    %swap3A_8 = arith.constant 0 : index
    %swap3A_9 = arith.constant 0 : index
    %swap3A_10 = vector.load %arg1[%swap3A, %swap3A_8, %swap3A_9] : memref<2x2500x128xi32, #tpu.memory_space<vmem>>, vector<1x2500x128xi32>
    %swap3A_11 = vector.shape_cast %swap3A_10 : vector<1x2500x128xi32> to vector<2500x128xi32>
    %swap3A_12 = vector.shape_cast %select_n3A : vector<2500x128xi32> to vector<1x2500x128xi32>
    tpu.vector_store %arg1[%swap3A, %swap3A_8, %swap3A_9], %swap3A_12 {strides = array<i32>} : memref<2x2500x128xi32, #tpu.memory_space<vmem>>, vector<1x2500x128xi32>,
    %sub3A_13 = arith.constant 5000 : i32
    %sub3A_14 = vector.broadcast %sub3A_13 : i32 to vector<2500x128xi32>
    %sub3A_15 = arith.subi %get3A_1, %sub3A_14 : vector<2500x128xi32>
    %ge3A_16 = arith.constant 0 : i32
    %ge3A_17 = vector.broadcast %ge3A_16 : i32 to vector<2500x128xi32>
    %ge3A_18 = arith.cmpi sge, %sub3A_15, %ge3A_17 : vector<2500x128xi32>
    %lt3A_19 = arith.constant 5000 : i32
    %lt3A_20 = vector.broadcast %lt3A_19 : i32 to vector<2500x128xi32>
    %lt3A_21 = arith.cmpi slt, %sub3A_15, %lt3A_20 : vector<2500x128xi32>
    %and3A_22 = arith.andi %ge3A_18, %lt3A_21 : vector<2500x128xi1>
    %jit3A_23 = arith.constant 5000 : i32
    %broadcast_in_dim3A_24 = vector.broadcast %jit3A_23 : i32 to vector<2500x128xi32>
    %select_n3A_25 = arith.select %and3A_22, %sub3A_15, %broadcast_in_dim3A_24 : vector<2500x128xi1>, vector<2500x128xi32>
    %swap3A_26 = arith.constant 1 : index
    %swap3A_27 = arith.constant 0 : index
    %swap3A_28 = arith.constant 0 : index
    %swap3A_29 = vector.load %arg1[%swap3A_26, %swap3A_27, %swap3A_28] : memref<2x2500x128xi32, #tpu.memory_space<vmem>>, vector<1x2500x128xi32>
    %swap3A_30 = vector.shape_cast %swap3A_29 : vector<1x2500x128xi32> to vector<2500x128xi32>
    %swap3A_31 = vector.shape_cast %select_n3A_25 : vector<2500x128xi32> to vector<1x2500x128xi32>
    tpu.vector_store %arg1[%swap3A_26, %swap3A_27, %swap3A_28], %swap3A_31 {strides = array<i32>} : memref<2x2500x128xi32, #tpu.memory_space<vmem>>, vector<1x2500x128xi32>,
    return
  }
}

module attributes {stable_mosaic.version = 14 : i64} {
  func.func @_tc1_body(%arg0: i32, %arg1: memref<1000x128xf32, #tpu.memory_space<vmem>>, %arg2: memref<128x128xf32, #tpu.memory_space<vmem>>, %arg3: memref<1x1000x128xf32, #tpu.memory_space<vmem>>, %arg4: memref<1000x128xf32, #tpu.memory_space<vmem>>) attributes {dimension_semantics = [#tpu.dimension_semantics<arbitrary>], iteration_bounds = array<i64: 10>, scalar_prefetch = 0 : i64, scratch_operands = 0 : i64, tpu.core_type = #tpu.core_type<tc>, window_params = [{transform_indices = @transform_0, window_bounds = array<i64: 1000, 128>}, {pipeline_mode = #tpu.pipeline_mode<synchronous>, transform_indices = @transform_1, window_bounds = array<i64: 128, 128>}, {transform_indices = @transform_2, window_bounds = array<i64: 1, 1000, 128>}, {transform_indices = @transform_3, window_bounds = array<i64: 1000, 128>}]} {
    %get3A = arith.constant 0 : index
    %get3A_0 = arith.constant 0 : index
    %get3A_1 = vector.load %arg1[%get3A, %get3A_0] : memref<1000x128xf32, #tpu.memory_space<vmem>>, vector<1000x128xf32>
    %get3A_2 = arith.constant 0 : index
    %get3A_3 = arith.constant 0 : index
    %get3A_4 = vector.load %arg2[%get3A_2, %get3A_3] : memref<128x128xf32, #tpu.memory_space<vmem>>, vector<128x128xf32>
    %dot_general3A = arith.constant dense<0.000000e+00> : vector<1000x128xf32>
    %dot_general3A_5 = tpu.matmul %get3A_1, %get3A_4, %dot_general3A {dimension_numbers = #tpu.dot_dimension_numbers<[1], [0], [0], [1], [0, 0, 1, 1], [], []>, transpose_lhs_hint = false} : vector<1000x128xf32>, vector<128x128xf32>, vector<1000x128xf32> -> vector<1000x128xf32>
    %get3A_6 = arith.constant 0 : index
    %get3A_7 = arith.constant 0 : index
    %get3A_8 = arith.constant 0 : index
    %get3A_9 = vector.load %arg3[%get3A_6, %get3A_7, %get3A_8] : memref<1x1000x128xf32, #tpu.memory_space<vmem>>, vector<1x1000x1xf32>
    %get3A_10 = vector.shape_cast %get3A_9 : vector<1x1000x1xf32> to vector<1000xf32>
    %add3A = arith.constant 1.000000e+00 : f32
    %add3A_11 = vector.broadcast %add3A : f32 to vector<1000xf32>
    %add3A_12 = arith.addf %get3A_10, %add3A_11 : vector<1000xf32>
    %rsqrt3A = math.rsqrt %add3A_12 : vector<1000xf32>
    %broadcast_in_dim3A = vector.shape_cast %rsqrt3A : vector<1000xf32> to vector<1000x1xf32>
    %mul3A = vector.broadcast %broadcast_in_dim3A : vector<1000x1xf32> to vector<1000x128xf32>
    %mul3A_13 = arith.mulf %dot_general3A_5, %mul3A : vector<1000x128xf32>
    %swap3A = arith.constant 0 : index
    %swap3A_14 = arith.constant 0 : index
    %swap3A_15 = vector.load %arg4[%swap3A, %swap3A_14] : memref<1000x128xf32, #tpu.memory_space<vmem>>, vector<1000x128xf32>
    tpu.vector_store %arg4[%swap3A, %swap3A_14], %mul3A_13 {strides = array<i32>} : memref<1000x128xf32, #tpu.memory_space<vmem>>, vector<1000x128xf32>,
    return
  }
  func.func @transform_0(%arg0: i32) -> (i32, i32) {
    %c0_i32 = arith.constant 0 : i32
    %c0_i32_0 = arith.constant 0 : i32
    return %arg0, %c0_i32 : i32, i32
  }
  func.func @transform_1(%arg0: i32) -> (i32, i32) {
    %c0_i32 = arith.constant 0 : i32
    %c0_i32_0 = arith.constant 0 : i32
    %c0_i32_1 = arith.constant 0 : i32
    return %c0_i32, %c0_i32_0 : i32, i32
  }
  func.func @transform_2(%arg0: i32) -> (i32, i32, i32) {
    %jit3A = arith.constant 5 : i32
    %div3A = arith.divsi %arg0, %jit3A : i32
    %sign3A = arith.constant 0 : i32
    %sign3A_0 = arith.cmpi sgt, %arg0, %sign3A : i32
    %sign3A_1 = arith.extui %sign3A_0 : i1 to i32
    %sign3A_2 = arith.constant 0 : i32
    %sign3A_3 = arith.cmpi slt, %arg0, %sign3A_2 : i32
    %sign3A_4 = arith.extui %sign3A_3 : i1 to i32
    %sign3A_5 = arith.subi %sign3A_1, %sign3A_4 : i32
    %sign3A_6 = arith.constant 0 : i32
    %sign3A_7 = arith.cmpi sgt, %jit3A, %sign3A_6 : i32
    %sign3A_8 = arith.extui %sign3A_7 : i1 to i32
    %sign3A_9 = arith.constant 0 : i32
    %sign3A_10 = arith.cmpi slt, %jit3A, %sign3A_9 : i32
    %sign3A_11 = arith.extui %sign3A_10 : i1 to i32
    %sign3A_12 = arith.subi %sign3A_8, %sign3A_11 : i32
    %ne3A = arith.cmpi ne, %sign3A_5, %sign3A_12 : i32
    %rem3A = arith.remsi %arg0, %jit3A : i32
    %ne3A_13 = arith.constant 0 : i32
    %ne3A_14 = arith.cmpi ne, %rem3A, %ne3A_13 : i32
    %and3A = arith.andi %ne3A, %ne3A_14 : i1
    %sub3A = arith.constant 1 : i32
    %sub3A_15 = arith.subi %div3A, %sub3A : i32
    %select_n3A = arith.select %and3A, %sub3A_15, %div3A : i32
    %jit3A_16 = arith.constant 5 : i32
    %eq3A = arith.constant 0 : i32
    %eq3A_17 = arith.cmpi eq, %jit3A_16, %eq3A : i32
    %jit3A_18 = arith.constant 1 : i32
    %select_n3A_19 = arith.select %eq3A_17, %jit3A_18, %jit3A_16 : i32
    %rem3A_20 = arith.remsi %arg0, %select_n3A_19 : i32
    %ne3A_21 = arith.constant 0 : i32
    %ne3A_22 = arith.cmpi ne, %rem3A_20, %ne3A_21 : i32
    %lt3A = arith.constant 0 : i32
    %lt3A_23 = arith.cmpi slt, %rem3A_20, %lt3A : i32
    %lt3A_24 = arith.constant 0 : i32
    %lt3A_25 = arith.cmpi slt, %select_n3A_19, %lt3A_24 : i32
    %ne3A_26 = arith.xori %lt3A_23, %lt3A_25 : i1
    %and3A_27 = arith.andi %ne3A_26, %ne3A_22 : i1
    %add3A = arith.addi %rem3A_20, %select_n3A_19 : i32
    %select_n3A_28 = arith.select %and3A_27, %add3A, %rem3A_20 : i32
    %c0_i32 = arith.constant 0 : i32
    %c0_i32_29 = arith.constant 0 : i32
    return %select_n3A, %select_n3A_28, %c0_i32 : i32, i32, i32
  }
  func.func @transform_3(%arg0: i32) -> (i32, i32) {
    %c0_i32 = arith.constant 0 : i32
    %c0_i32_0 = arith.constant 0 : i32
    return %arg0, %c0_i32 : i32, i32
  }
}

module attributes {stable_mosaic.version = 14 : i64} {
  func.func @_post_body(%arg0: i32, %arg1: memref<1x1000x128xf32, #tpu.memory_space<vmem>>, %arg2: memref<1000x128xf32, #tpu.memory_space<vmem>>, %arg3: memref<1x1000x128xf32, #tpu.memory_space<vmem>>, %arg4: memref<1x128xf32, #tpu.memory_space<vmem>>, %arg5: memref<1000x128xf32, #tpu.memory_space<vmem>>) attributes {dimension_semantics = [#tpu.dimension_semantics<arbitrary>], iteration_bounds = array<i64: 10>, scalar_prefetch = 0 : i64, scratch_operands = 0 : i64, tpu.core_type = #tpu.core_type<tc>, window_params = [{transform_indices = @transform_0, window_bounds = array<i64: 1, 1000, 128>}, {transform_indices = @transform_1, window_bounds = array<i64: 1000, 128>}, {transform_indices = @transform_2, window_bounds = array<i64: 1, 1000, 128>}, {pipeline_mode = #tpu.pipeline_mode<synchronous>, transform_indices = @transform_3, window_bounds = array<i64: 1, 128>}, {transform_indices = @transform_4, window_bounds = array<i64: 1000, 128>}]} {
    %get3A = arith.constant 0 : index
    %get3A_0 = arith.constant 0 : index
    %get3A_1 = arith.constant 0 : index
    %get3A_2 = vector.load %arg3[%get3A, %get3A_0, %get3A_1] : memref<1x1000x128xf32, #tpu.memory_space<vmem>>, vector<1x1000x1xf32>
    %get3A_3 = vector.shape_cast %get3A_2 : vector<1x1000x1xf32> to vector<1000xf32>
    %add3A = arith.constant 1.000000e+00 : f32
    %add3A_4 = vector.broadcast %add3A : f32 to vector<1000xf32>
    %add3A_5 = arith.addf %get3A_3, %add3A_4 : vector<1000xf32>
    %rsqrt3A = math.rsqrt %add3A_5 : vector<1000xf32>
    %broadcast_in_dim3A = vector.shape_cast %rsqrt3A : vector<1000xf32> to vector<1000x1xf32>
    %get3A_6 = arith.constant 0 : index
    %get3A_7 = arith.constant 0 : index
    %get3A_8 = arith.constant 0 : index
    %get3A_9 = vector.load %arg1[%get3A_6, %get3A_7, %get3A_8] : memref<1x1000x128xf32, #tpu.memory_space<vmem>>, vector<1x1000x128xf32>
    %get3A_10 = vector.shape_cast %get3A_9 : vector<1x1000x128xf32> to vector<1000x128xf32>
    %get3A_11 = arith.constant 0 : index
    %get3A_12 = arith.constant 0 : index
    %get3A_13 = vector.load %arg2[%get3A_11, %get3A_12] : memref<1000x128xf32, #tpu.memory_space<vmem>>, vector<1000x128xf32>
    %add3A_14 = arith.addf %get3A_10, %get3A_13 : vector<1000x128xf32>
    %mul3A = vector.broadcast %broadcast_in_dim3A : vector<1000x1xf32> to vector<1000x128xf32>
    %mul3A_15 = arith.mulf %add3A_14, %mul3A : vector<1000x128xf32>
    %get3A_16 = arith.constant 0 : index
    %get3A_17 = arith.constant 0 : index
    %get3A_18 = vector.load %arg4[%get3A_16, %get3A_17] : memref<1x128xf32, #tpu.memory_space<vmem>>, vector<1x128xf32>
    %add3A_19 = vector.broadcast %get3A_18 : vector<1x128xf32> to vector<1000x128xf32>
    %add3A_20 = arith.addf %mul3A_15, %add3A_19 : vector<1000x128xf32>
    %max3A = arith.constant 0.000000e+00 : f32
    %max3A_21 = vector.broadcast %max3A : f32 to vector<1000x128xf32>
    %max3A_22 = arith.maximumf %add3A_20, %max3A_21 : vector<1000x128xf32>
    %swap3A = arith.constant 0 : index
    %swap3A_23 = arith.constant 0 : index
    %swap3A_24 = vector.load %arg5[%swap3A, %swap3A_23] : memref<1000x128xf32, #tpu.memory_space<vmem>>, vector<1000x128xf32>
    tpu.vector_store %arg5[%swap3A, %swap3A_23], %max3A_22 {strides = array<i32>} : memref<1000x128xf32, #tpu.memory_space<vmem>>, vector<1000x128xf32>,
    return
  }
  func.func @transform_0(%arg0: i32) -> (i32, i32, i32) {
    %jit3A = arith.constant 5 : i32
    %div3A = arith.divsi %arg0, %jit3A : i32
    %sign3A = arith.constant 0 : i32
    %sign3A_0 = arith.cmpi sgt, %arg0, %sign3A : i32
    %sign3A_1 = arith.extui %sign3A_0 : i1 to i32
    %sign3A_2 = arith.constant 0 : i32
    %sign3A_3 = arith.cmpi slt, %arg0, %sign3A_2 : i32
    %sign3A_4 = arith.extui %sign3A_3 : i1 to i32
    %sign3A_5 = arith.subi %sign3A_1, %sign3A_4 : i32
    %sign3A_6 = arith.constant 0 : i32
    %sign3A_7 = arith.cmpi sgt, %jit3A, %sign3A_6 : i32
    %sign3A_8 = arith.extui %sign3A_7 : i1 to i32
    %sign3A_9 = arith.constant 0 : i32
    %sign3A_10 = arith.cmpi slt, %jit3A, %sign3A_9 : i32
    %sign3A_11 = arith.extui %sign3A_10 : i1 to i32
    %sign3A_12 = arith.subi %sign3A_8, %sign3A_11 : i32
    %ne3A = arith.cmpi ne, %sign3A_5, %sign3A_12 : i32
    %rem3A = arith.remsi %arg0, %jit3A : i32
    %ne3A_13 = arith.constant 0 : i32
    %ne3A_14 = arith.cmpi ne, %rem3A, %ne3A_13 : i32
    %and3A = arith.andi %ne3A, %ne3A_14 : i1
    %sub3A = arith.constant 1 : i32
    %sub3A_15 = arith.subi %div3A, %sub3A : i32
    %select_n3A = arith.select %and3A, %sub3A_15, %div3A : i32
    %jit3A_16 = arith.constant 5 : i32
    %eq3A = arith.constant 0 : i32
    %eq3A_17 = arith.cmpi eq, %jit3A_16, %eq3A : i32
    %jit3A_18 = arith.constant 1 : i32
    %select_n3A_19 = arith.select %eq3A_17, %jit3A_18, %jit3A_16 : i32
    %rem3A_20 = arith.remsi %arg0, %select_n3A_19 : i32
    %ne3A_21 = arith.constant 0 : i32
    %ne3A_22 = arith.cmpi ne, %rem3A_20, %ne3A_21 : i32
    %lt3A = arith.constant 0 : i32
    %lt3A_23 = arith.cmpi slt, %rem3A_20, %lt3A : i32
    %lt3A_24 = arith.constant 0 : i32
    %lt3A_25 = arith.cmpi slt, %select_n3A_19, %lt3A_24 : i32
    %ne3A_26 = arith.xori %lt3A_23, %lt3A_25 : i1
    %and3A_27 = arith.andi %ne3A_26, %ne3A_22 : i1
    %add3A = arith.addi %rem3A_20, %select_n3A_19 : i32
    %select_n3A_28 = arith.select %and3A_27, %add3A, %rem3A_20 : i32
    %c0_i32 = arith.constant 0 : i32
    %c0_i32_29 = arith.constant 0 : i32
    return %select_n3A, %select_n3A_28, %c0_i32 : i32, i32, i32
  }
  func.func @transform_1(%arg0: i32) -> (i32, i32) {
    %c0_i32 = arith.constant 0 : i32
    %c0_i32_0 = arith.constant 0 : i32
    return %arg0, %c0_i32 : i32, i32
  }
  func.func @transform_2(%arg0: i32) -> (i32, i32, i32) {
    %jit3A = arith.constant 5 : i32
    %div3A = arith.divsi %arg0, %jit3A : i32
    %sign3A = arith.constant 0 : i32
    %sign3A_0 = arith.cmpi sgt, %arg0, %sign3A : i32
    %sign3A_1 = arith.extui %sign3A_0 : i1 to i32
    %sign3A_2 = arith.constant 0 : i32
    %sign3A_3 = arith.cmpi slt, %arg0, %sign3A_2 : i32
    %sign3A_4 = arith.extui %sign3A_3 : i1 to i32
    %sign3A_5 = arith.subi %sign3A_1, %sign3A_4 : i32
    %sign3A_6 = arith.constant 0 : i32
    %sign3A_7 = arith.cmpi sgt, %jit3A, %sign3A_6 : i32
    %sign3A_8 = arith.extui %sign3A_7 : i1 to i32
    %sign3A_9 = arith.constant 0 : i32
    %sign3A_10 = arith.cmpi slt, %jit3A, %sign3A_9 : i32
    %sign3A_11 = arith.extui %sign3A_10 : i1 to i32
    %sign3A_12 = arith.subi %sign3A_8, %sign3A_11 : i32
    %ne3A = arith.cmpi ne, %sign3A_5, %sign3A_12 : i32
    %rem3A = arith.remsi %arg0, %jit3A : i32
    %ne3A_13 = arith.constant 0 : i32
    %ne3A_14 = arith.cmpi ne, %rem3A, %ne3A_13 : i32
    %and3A = arith.andi %ne3A, %ne3A_14 : i1
    %sub3A = arith.constant 1 : i32
    %sub3A_15 = arith.subi %div3A, %sub3A : i32
    %select_n3A = arith.select %and3A, %sub3A_15, %div3A : i32
    %jit3A_16 = arith.constant 5 : i32
    %eq3A = arith.constant 0 : i32
    %eq3A_17 = arith.cmpi eq, %jit3A_16, %eq3A : i32
    %jit3A_18 = arith.constant 1 : i32
    %select_n3A_19 = arith.select %eq3A_17, %jit3A_18, %jit3A_16 : i32
    %rem3A_20 = arith.remsi %arg0, %select_n3A_19 : i32
    %ne3A_21 = arith.constant 0 : i32
    %ne3A_22 = arith.cmpi ne, %rem3A_20, %ne3A_21 : i32
    %lt3A = arith.constant 0 : i32
    %lt3A_23 = arith.cmpi slt, %rem3A_20, %lt3A : i32
    %lt3A_24 = arith.constant 0 : i32
    %lt3A_25 = arith.cmpi slt, %select_n3A_19, %lt3A_24 : i32
    %ne3A_26 = arith.xori %lt3A_23, %lt3A_25 : i1
    %and3A_27 = arith.andi %ne3A_26, %ne3A_22 : i1
    %add3A = arith.addi %rem3A_20, %select_n3A_19 : i32
    %select_n3A_28 = arith.select %and3A_27, %add3A, %rem3A_20 : i32
    %c0_i32 = arith.constant 0 : i32
    %c0_i32_29 = arith.constant 0 : i32
    return %select_n3A, %select_n3A_28, %c0_i32 : i32, i32, i32
  }
  func.func @transform_3(%arg0: i32) -> (i32, i32) {
    %c0_i32 = arith.constant 0 : i32
    %c0_i32_0 = arith.constant 0 : i32
    %c0_i32_1 = arith.constant 0 : i32
    return %c0_i32, %c0_i32_0 : i32, i32
  }
  func.func @transform_4(%arg0: i32) -> (i32, i32) {
    %c0_i32 = arith.constant 0 : i32
    %c0_i32_0 = arith.constant 0 : i32
    return %arg0, %c0_i32 : i32, i32
  }
}

module attributes {stable_mosaic.version = 14 : i64} {
  func.func @_tc3_body(%arg0: i32, %arg1: memref<1000x128xf32, #tpu.memory_space<vmem>>, %arg2: memref<1x1x1000xi32, #tpu.memory_space<vmem>>, %arg3: memref<128x128xf32, #tpu.memory_space<vmem>>, %arg4: memref<1x128xf32, #tpu.memory_space<vmem>>, %arg5: memref<64x128xf32, #tpu.memory_space<vmem>>, %arg6: memref<64x128xf32, #tpu.memory_space<vmem>>, %arg7: memref<64x128xf32, #tpu.memory_space<vmem>>) attributes {dimension_semantics = [#tpu.dimension_semantics<arbitrary>], iteration_bounds = array<i64: 10>, scalar_prefetch = 0 : i64, scratch_operands = 2 : i64, tpu.core_type = #tpu.core_type<tc>, window_params = [{transform_indices = @transform_0, window_bounds = array<i64: 1000, 128>}, {transform_indices = @transform_1, window_bounds = array<i64: 1, 1, 1000>}, {pipeline_mode = #tpu.pipeline_mode<synchronous>, transform_indices = @transform_2, window_bounds = array<i64: 128, 128>}, {pipeline_mode = #tpu.pipeline_mode<synchronous>, transform_indices = @transform_3, window_bounds = array<i64: 1, 128>}, {pipeline_mode = #tpu.pipeline_mode<synchronous>, transform_indices = @transform_4, window_bounds = array<i64: 64, 128>}]} {
    %eq3A = arith.constant 0 : i32
    %eq3A_0 = arith.cmpi eq, %arg0, %eq3A : i32
    %convert_element_type3A = arith.extui %eq3A_0 : i1 to i32
    %cond3A = arith.constant 0 : i32
    %cond3A_1 = arith.cmpi ne, %convert_element_type3A, %cond3A : i32
    scf.if %cond3A_1 {
      %broadcast_in_dim3A_35 = arith.constant 0.000000e+00 : f32
      %broadcast_in_dim3A_36 = vector.broadcast %broadcast_in_dim3A_35 : f32 to vector<64x128xf32>
      %swap3A_37 = arith.constant 0 : index
      %swap3A_38 = arith.constant 0 : index
      %swap3A_39 = vector.load %arg6[%swap3A_37, %swap3A_38] : memref<64x128xf32, #tpu.memory_space<vmem>>, vector<64x128xf32>
      tpu.vector_store %arg6[%swap3A_37, %swap3A_38], %broadcast_in_dim3A_36 {strides = array<i32>} : memref<64x128xf32, #tpu.memory_space<vmem>>, vector<64x128xf32>,
      %broadcast_in_dim3A_40 = arith.constant 0.000000e+00 : f32
      %broadcast_in_dim3A_41 = vector.broadcast %broadcast_in_dim3A_40 : f32 to vector<64x128xf32>
      %swap3A_42 = arith.constant 0 : index
      %swap3A_43 = arith.constant 0 : index
      %swap3A_44 = vector.load %arg7[%swap3A_42, %swap3A_43] : memref<64x128xf32, #tpu.memory_space<vmem>>, vector<64x128xf32>
      tpu.vector_store %arg7[%swap3A_42, %swap3A_43], %broadcast_in_dim3A_41 {strides = array<i32>} : memref<64x128xf32, #tpu.memory_space<vmem>>, vector<64x128xf32>,
    } else {
    }
    %get3A = arith.constant 0 : index
    %get3A_2 = arith.constant 0 : index
    %get3A_3 = vector.load %arg1[%get3A, %get3A_2] : memref<1000x128xf32, #tpu.memory_space<vmem>>, vector<1000x128xf32>
    %get3A_4 = arith.constant 0 : index
    %get3A_5 = arith.constant 0 : index
    %get3A_6 = arith.constant 0 : index
    %get3A_7 = vector.load %arg2[%get3A_4, %get3A_5, %get3A_6] : memref<1x1x1000xi32, #tpu.memory_space<vmem>>, vector<1x1x1000xi32>
    %get3A_8 = vector.shape_cast %get3A_7 : vector<1x1x1000xi32> to vector<1000xi32>
    %iota3A = tpu.iota {dimensions = array<i32: 0>} : vector<64x1000xi32>
    %broadcast_in_dim3A = vector.shape_cast %get3A_8 : vector<1000xi32> to vector<1x1000xi32>
    %eq3A_9 = vector.broadcast %broadcast_in_dim3A : vector<1x1000xi32> to vector<64x1000xi32>
    %eq3A_10 = arith.cmpi eq, %iota3A, %eq3A_9 : vector<64x1000xi32>
    %convert_element_type3A_11 = arith.extui %eq3A_10 : vector<64x1000xi1> to vector<64x1000xi32>
    %convert_element_type3A_12 = arith.sitofp %convert_element_type3A_11 : vector<64x1000xi32> to vector<64x1000xf32>
    %get3A_13 = arith.constant 0 : index
    %get3A_14 = arith.constant 0 : index
    %get3A_15 = vector.load %arg6[%get3A_13, %get3A_14] : memref<64x128xf32, #tpu.memory_space<vmem>>, vector<64x128xf32>
    %dot_general3A = arith.constant dense<0.000000e+00> : vector<64x128xf32>
    %dot_general3A_16 = tpu.matmul %convert_element_type3A_12, %get3A_3, %dot_general3A {dimension_numbers = #tpu.dot_dimension_numbers<[1], [0], [0], [1], [0, 0, 1, 1], [], []>, transpose_lhs_hint = false} : vector<64x1000xf32>, vector<1000x128xf32>, vector<64x128xf32> -> vector<64x128xf32>
    %add3A = arith.addf %get3A_15, %dot_general3A_16 : vector<64x128xf32>
    %swap3A = arith.constant 0 : index
    %swap3A_17 = arith.constant 0 : index
    %swap3A_18 = vector.load %arg6[%swap3A, %swap3A_17] : memref<64x128xf32, #tpu.memory_space<vmem>>, vector<64x128xf32>
    tpu.vector_store %arg6[%swap3A, %swap3A_17], %add3A {strides = array<i32>} : memref<64x128xf32, #tpu.memory_space<vmem>>, vector<64x128xf32>,
    %get3A_19 = arith.constant 0 : index
    %get3A_20 = arith.constant 0 : index
    %get3A_21 = vector.load %arg7[%get3A_19, %get3A_20] : memref<64x128xf32, #tpu.memory_space<vmem>>, vector<64x128xf32>
    %reduce_sum3A = arith.constant dense<0.000000e+00> : vector<64xf32>
    %reduce_sum3A_22 = vector.multi_reduction <add>, %convert_element_type3A_12, %reduce_sum3A [1] : vector<64x1000xf32> to vector<64xf32>
    %broadcast_in_dim3A_23 = vector.shape_cast %reduce_sum3A_22 : vector<64xf32> to vector<64x1xf32>
    %broadcast_in_dim3A_24 = vector.shape_cast %broadcast_in_dim3A_23 : vector<64x1xf32> to vector<64x1xf32>
    %broadcast_in_dim3A_25 = vector.broadcast %broadcast_in_dim3A_24 : vector<64x1xf32> to vector<64x128xf32>
    %add3A_26 = arith.addf %get3A_21, %broadcast_in_dim3A_25 : vector<64x128xf32>
    %swap3A_27 = arith.constant 0 : index
    %swap3A_28 = arith.constant 0 : index
    %swap3A_29 = vector.load %arg7[%swap3A_27, %swap3A_28] : memref<64x128xf32, #tpu.memory_space<vmem>>, vector<64x128xf32>
    tpu.vector_store %arg7[%swap3A_27, %swap3A_28], %add3A_26 {strides = array<i32>} : memref<64x128xf32, #tpu.memory_space<vmem>>, vector<64x128xf32>,
    %eq3A_30 = arith.constant 9 : i32
    %eq3A_31 = arith.cmpi eq, %arg0, %eq3A_30 : i32
    %convert_element_type3A_32 = arith.extui %eq3A_31 : i1 to i32
    %cond3A_33 = arith.constant 0 : i32
    %cond3A_34 = arith.cmpi ne, %convert_element_type3A_32, %cond3A_33 : i32
    scf.if %cond3A_34 {
      %get3A_35 = arith.constant 0 : index
      %get3A_36 = arith.constant 0 : index
      %get3A_37 = vector.load %arg6[%get3A_35, %get3A_36] : memref<64x128xf32, #tpu.memory_space<vmem>>, vector<64x128xf32>
      %get3A_38 = arith.constant 0 : index
      %get3A_39 = arith.constant 0 : index
      %get3A_40 = vector.load %arg7[%get3A_38, %get3A_39] : memref<64x128xf32, #tpu.memory_space<vmem>>, vector<64x128xf32>
      %max3A = arith.constant 1.000000e+00 : f32
      %max3A_41 = vector.broadcast %max3A : f32 to vector<64x128xf32>
      %max3A_42 = arith.maximumf %get3A_40, %max3A_41 : vector<64x128xf32>
      %div3A = arith.divf %get3A_37, %max3A_42 : vector<64x128xf32>
      %get3A_43 = arith.constant 0 : index
      %get3A_44 = arith.constant 0 : index
      %get3A_45 = vector.load %arg3[%get3A_43, %get3A_44] : memref<128x128xf32, #tpu.memory_space<vmem>>, vector<128x128xf32>
      %dot_general3A_46 = arith.constant dense<0.000000e+00> : vector<64x128xf32>
      %dot_general3A_47 = tpu.matmul %div3A, %get3A_45, %dot_general3A_46 {dimension_numbers = #tpu.dot_dimension_numbers<[1], [0], [0], [1], [0, 0, 1, 1], [], []>, transpose_lhs_hint = false} : vector<64x128xf32>, vector<128x128xf32>, vector<64x128xf32> -> vector<64x128xf32>
      %get3A_48 = arith.constant 0 : index
      %get3A_49 = arith.constant 0 : index
      %get3A_50 = vector.load %arg4[%get3A_48, %get3A_49] : memref<1x128xf32, #tpu.memory_space<vmem>>, vector<1x128xf32>
      %add3A_51 = vector.broadcast %get3A_50 : vector<1x128xf32> to vector<64x128xf32>
      %add3A_52 = arith.addf %dot_general3A_47, %add3A_51 : vector<64x128xf32>
      %swap3A_53 = arith.constant 0 : index
      %swap3A_54 = arith.constant 0 : index
      %swap3A_55 = vector.load %arg5[%swap3A_53, %swap3A_54] : memref<64x128xf32, #tpu.memory_space<vmem>>, vector<64x128xf32>
      tpu.vector_store %arg5[%swap3A_53, %swap3A_54], %add3A_52 {strides = array<i32>} : memref<64x128xf32, #tpu.memory_space<vmem>>, vector<64x128xf32>,
    } else {
    }
    return
  }
  func.func @transform_0(%arg0: i32) -> (i32, i32) {
    %c0_i32 = arith.constant 0 : i32
    %c0_i32_0 = arith.constant 0 : i32
    return %arg0, %c0_i32 : i32, i32
  }
  func.func @transform_1(%arg0: i32) -> (i32, i32, i32) {
    %c0_i32 = arith.constant 0 : i32
    %c0_i32_0 = arith.constant 0 : i32
    %c0_i32_1 = arith.constant 0 : i32
    return %arg0, %c0_i32, %c0_i32_0 : i32, i32, i32
  }
  func.func @transform_2(%arg0: i32) -> (i32, i32) {
    %c0_i32 = arith.constant 0 : i32
    %c0_i32_0 = arith.constant 0 : i32
    %c0_i32_1 = arith.constant 0 : i32
    return %c0_i32, %c0_i32_0 : i32, i32
  }
  func.func @transform_3(%arg0: i32) -> (i32, i32) {
    %c0_i32 = arith.constant 0 : i32
    %c0_i32_0 = arith.constant 0 : i32
    %c0_i32_1 = arith.constant 0 : i32
    return %c0_i32, %c0_i32_0 : i32, i32
  }
  func.func @transform_4(%arg0: i32) -> (i32, i32) {
    %c0_i32 = arith.constant 0 : i32
    %c0_i32_0 = arith.constant 0 : i32
    %c0_i32_1 = arith.constant 0 : i32
    return %c0_i32, %c0_i32_0 : i32, i32
  }
}

</mosaic_0001>

<sc_bundles>
// kernel: closed_call.12.cloned.1.call-start
scs
__scs_entry_jumppad:
0x0: {  	(pc) =	sbr.rel $0x88, $3  }
0x1: {  	(tag) =	ssettag $0x0;
	lr =	simm.s32 $0x1  }
0x2: {  	[smem:$0x3F98] =	sst lr;
	_ =	strace $0xD0000000  }
0x3: {  	_ = 	snop  }
0x4: {  	_ = 	snop  }
0x5: {  	_ = 	snop  }
0x6: {  	_ = 	snop  }
0x7: {  	_ = 	snop  }
__scs_overlays_trampoline_lowered:
0x8: {  	[smem:$0x3FA7] =	sst s0  }
0x9: {  	[smem:$0x3FA8] =	sst s1  }
0xa: {  	[smem:$0x3FA9] =	sst s2  }
0xb: {  	[smem:$0x3FAA] =	sst s3  }
0xc: {  	[smem:$0x3FAB] =	sst s4  }
0xd: {  	[smem:$0x3FAC] =	sst s5  }
0xe: {  	[smem:$0x3FAD] =	sst s6  }
0xf: {  	[smem:$0x3FAE] =	sst s7  }
0x10: {  	[smem:$0x3FAF] =	sst s8  }
0x11: {  	[smem:$0x3FB0] =	sst s9;
	s0 =	simm.s32 @!p0 $0x0  }
0x12: {  	s1 =	sld [smem:$0x3F96];
	s0 =	simm.s32 @p0 $0x1  }
0x13: {  	[smem:$0x3FB1] =	sst s0;
	s0 =	simm.s32 @!p1 $0x0  }
0x14: {  	s2 =	sld [smem:$0x3F95];
	s0 =	simm.s32 @p1 $0x1  }
0x15: {  	[smem:$0x3FB2] =	sst s0;
	s0 =	simm.s32 @!p2 $0x0  }
0x16: {  	s3 =	sld [smem:$0x3FDB];
	s0 =	simm.s32 @p2 $0x1  }
0x17: {  	s4 =	simm.s32 $0x1BF5;
	[smem:$0x3FB4] =	sst s0  }
0x18: {  	s0 =	sld [smem:$0x3F97];
	_ =	swait.ge [sflag:s4], $0x0  }
0x19: {  	s7 =	sld [smem:$0x3F98]  }
0x1a: {  	s8 =	sadd.s32 $0xFFFFE003, lr  }
0x1b: {  	s9 =	sadd.s32 $0xFFFFFEF7, lr;
	s5 =	simm.s32 $0xFFFFFFFF;
	p2 =	slt.u32 s8, $0xFFFFF086  }
0x1c: {  	p1 =	slt.u32 s9, $0xF7A;
	s5 =	simm.s32 @!p2 $0x0  }
0x1d: {  	s5 =	simm.s32 @p1 $0x1;
	p0 =	seq.s32 s7, s2  }
0x1e: {  	s7 =	smul.u32 @!p0 $0xF7A, s2;
	p2 =	seq.s32 @!p0 s5, $0x0  }
0x1f: {  	s9 =	smul.u32 $0xF7A, s1;
	s8 =	simm.s32 @!p0 $0x1BF5;
	p2 =	por !p2, p0  }
0x20: {  	[sflag:s8] =	ssyncset.s32 @!p0 $0xFFFFF086;
	s6 =	sadd.s32 @!p0 s3, s7;
	s7 =	simm.s32 @!p0 $0x108  }
0x21: {  	s3 =	sadd.s32 s3, s9;
	s6 =	sadd.s32 @!p0 $0x88, s6;
	s7 =	simm.s32 @p2 $0x1082  }
0x22: {  	[simem:s7], [sflag:s8] =	dma.local @!p0 [hbm:s6], $0xF7A  }
0x23: {  	s9 =	sor.u32 $0xD0000000, s2;
	s6 =	simm.s32 $0x108;
	_ =	swait.ge @!p0 [sflag:s8], $0x0  }
0x24: {  	s3 =	sadd.s32 $0x88, s3;
	s6 =	simm.s32 @!p1 $0x1082;
	[sflag:s4] =	ssyncset.s32 $0xFFFFF086  }
0x25: {  	[simem:s6], [sflag:s4] =	dma.local [hbm:s3], $0xF7A  }
0x26: {  	[smem:$0x3F98] =	sst s1;
	(tag) =	ssettag s2;
	_ =	strace s9  }
0x27: {  	s1 =	sld [smem:$0x3FA8]  }
0x28: {  	s2 =	sld [smem:$0x3FA9]  }
0x29: {  	s4 =	sld [smem:$0x3FAB]  }
0x2a: {  	p0 =	seq.s32 s5, $0x0;
	s5 =	sld [smem:$0x3FAC]  }
0x2b: {  	s6 =	sld [smem:$0x3FAD]  }
0x2c: {  	s7 =	sld [smem:$0x3FAE]  }
0x2d: {  	s3 =	simm.s32 $0x108;
	s8 =	sld [smem:$0x3FAF]  }
0x2e: {  	s3 =	simm.s32 @!p0 $0x1082;
	s9 =	sld [smem:$0x3FB0]  }
0x2f: {  	lr =	sadd.s32 s0, s3;
	s0 =	sld [smem:$0x3FA7]  }
0x30: {  	s3 =	sld [smem:$0x3FAA]  }
0x31: {  	[smem:$0x3FB3] =	sst s10  }
0x32: {  	s10 =	sld [smem:$0x3FB1];
	_ =	sdelay $0x3  }
0x33: {  	p0 =	seq.s32 s10, $0x1;
	s10 =	sld [smem:$0x3FB3];
	_ =	sdelay $0x3  }
0x34: {  	[smem:$0x3FB3] =	sst s10  }
0x35: {  	s10 =	sld [smem:$0x3FB2];
	_ =	sdelay $0x3  }
0x36: {  	p1 =	seq.s32 s10, $0x1;
	s10 =	sld [smem:$0x3FB3];
	_ =	sdelay $0x3  }
0x37: {  	[smem:$0x3FB3] =	sst s10  }
0x38: {  	s10 =	sld [smem:$0x3FB4]  }
0x39: {  	_ = 	snop;
	(pc) =	sbr.ind lr, $3  }
0x3a: {  	_ = 	snop  }
0x3b: {  	_ = 	snop  }
0x3c: {  	p2 =	seq.s32 s10, $0x1;
	s10 =	sld [smem:$0x3FB3]  }
0x3d: {  	_ =	shalt  }
0x3e: {  	_ =	shalt  }
0x3f: {  	_ =	shalt  }
0x40: {  	_ =	shalt  }
0x41: {  	_ =	shalt  }
0x42: {  	_ =	shalt  }
0x43: {  	_ =	shalt  }
0x44: {  	_ =	shalt  }
0x45: {  	_ =	shalt  }
0x46: {  	_ =	shalt  }
0x47: {  	_ =	shalt  }
0x48: {  	_ =	shalt  }
0x49: {  	_ =	shalt  }
0x4a: {  	_ =	shalt  }
0x4b: {  	_ =	shalt  }
0x4c: {  	_ =	shalt  }
0x4d: {  	_ =	shalt  }
0x4e: {  	_ =	shalt  }
0x4f: {  	_ =	shalt  }
0x50: {  	_ =	shalt  }
0x51: {  	_ =	shalt  }
0x52: {  	_ =	shalt  }
0x53: {  	_ =	shalt  }
0x54: {  	_ =	shalt  }
0x55: {  	_ =	shalt  }
0x56: {  	_ =	shalt  }
0x57: {  	_ =	shalt  }
0x58: {  	_ =	shalt  }
0x59: {  	_ =	shalt  }
0x5a: {  	_ =	shalt  }
0x5b: {  	_ =	shalt  }
0x5c: {  	_ =	shalt  }
0x5d: {  	_ =	shalt  }
0x5e: {  	_ =	shalt  }
0x5f: {  	_ =	shalt  }
0x60: {  	_ =	shalt  }
0x61: {  	_ =	shalt  }
0x62: {  	_ =	shalt  }
0x63: {  	_ =	shalt  }
0x64: {  	_ =	shalt  }
0x65: {  	_ =	shalt  }
0x66: {  	_ =	shalt  }
0x67: {  	_ =	shalt  }
0x68: {  	_ =	shalt  }
0x69: {  	_ =	shalt  }
0x6a: {  	_ =	shalt  }
0x6b: {  	_ =	shalt  }
0x6c: {  	_ =	shalt  }
0x6d: {  	_ =	shalt  }
0x6e: {  	_ =	shalt  }
0x6f: {  	_ =	shalt  }
0x70: {  	_ =	shalt  }
0x71: {  	_ =	shalt  }
0x72: {  	_ =	shalt  }
0x73: {  	_ =	shalt  }
0x74: {  	_ =	shalt  }
0x75: {  	_ =	shalt  }
0x76: {  	_ =	shalt  }
0x77: {  	_ =	shalt  }
0x78: {  	_ =	shalt  }
0x79: {  	_ =	shalt  }
0x7a: {  	_ =	shalt  }
0x7b: {  	_ =	shalt  }
0x7c: {  	_ =	shalt  }
0x7d: {  	_ =	shalt  }
0x7e: {  	_ =	shalt  }
0x7f: {  	_ =	shalt  }
0x80: {  	_ =	shalt  }
0x81: {  	_ =	shalt  }
0x82: {  	_ =	shalt  }
0x83: {  	_ =	shalt  }
0x84: {  	_ =	shalt  }
0x85: {  	_ =	shalt  }
0x86: {  	_ =	shalt  }
0x87: {  	_ =	shalt  }
.Lfunc_end0:
.L_simem_size_0:
called_computation_lowered:
.L_overlay_start_0:
0x88: {  	s2 =	sld [smem:$0x3FD9]  }
0x89: {  	s3 =	sld [smem:$0x3FFE];
	_ =	sdelay $0x1  }
0x8a: {  	s1 =	srdreg.scid  }
0x8b: {  	s0 =	sand.u32 $0x1, s1  }
0x8c: {  	s17 =	sshll.u32 s0, $0xA;
	s2 =	sadd.s32 s3, s2  }
0x8d: {  	s2 =	sadd.s32 s2, s17  }
0x8e: {  	[smem:$0x3FBF] =	sst s2  }
0x8f: {  	_ = 	snop  }
0x90: {  	s2 =	sld [smem:$0x3FD0];
	(tm) =	ssettm $0x1  }
0x91: {  	s18 =	sld [smem:$0x3FFB];
	_ =	sdelay $0x3  }
0x92: {  	_ =	strace s18  }
0x93: {  	s3 =	sld [smem:$0x3FFC];
	_ =	sdelay $0x3  }
0x94: {  	_ =	strace s3  }
0x95: {  	s3 =	sld [smem:$0x3FFD];
	_ =	sdelay $0x3  }
0x96: {  	_ =	strace s3  }
0x97: {  	_ =	strace $0x8FFFFFFF  }
0x98: {  	s19 =	sld [smem:$0x3FDB];
	_ =	sdelay $0x1  }
0x99: {  	s4 =	simm.s32 $_scs_section_size  }
0x9a: {  	s5 =	simm.s32 $_size__tile_overlayer_lowered;
	s6 =	simm.s32 $_tile_overlayer_lowered  }
0x9b: {  	s22 =	simm.s32 $0x1BFF;
	s21 =	sshll.u32 s6, $0x1;
	s3 =	sadd.s32 s4, s19  }
0x9c: {  	s7 =	simm.s32 $0x0;
	s20 =	sshll.u32 s5, $0x1;
	s5 =	sadd.s32 s21, s3  }
0x9d: {  	[timem:s7], [sflag:s22] =	dma.local [hbm:s5], s20  }
0x9e: {  	_ =	swait.ge [sflag:s22], s20  }
0x9f: {  	s4 =	ssub.s32 $0x0, s20;
	[sflag:s22] =	ssyncset.done $0x0  }
0xa0: {  	[sflag:s22] =	ssyncadd.s32 s4;
	_ =	sdelay $0x1  }
0xa1: {  	s23 =	simm.s32 $0x1B8B  }
0xa2: {  	_ =	swait.ge [sflag:s23], $0x1  }
0xa3: {  	[sflag:s23] =	ssyncset.done $0x0  }
0xa4: {  	s25 =	simm.s32 $0x1B8E;
	s24 =	sld [smem:$0x3FFE];
	[sflag:s23] =	ssyncadd.s32 $0xFFFFFFFF  }
0xa5: {  	s26 =	simm.s32 $execute0_lowered;
	[smem:$0x3FD2] =	sst s25  }
0xa6: {  	s5 =	sshll.u32 s26, $0x1;
	_ =	strace $0x80000049;
	[dreg:$0x1] =	wrdreg $0xFFFFFFFF  }
0xa7: {  	s28 =	simm.s32 $_size_execute0_lowered;
	s3 =	sadd.s32 s3, s5;
	[dreg:$0x0] =	wrdreg $0x0  }
0xa8: {  	s5 =	sshll.u32 s28, $0x1;
	[dreg:$0x2] =	wrdreg s3  }
0xa9: {  	[dreg:$0x3] =	wrdreg s5  }
0xaa: {  	[dreg:$0x4] =	wrdreg $0xC0  }
0xab: {  	_ =	task [dreg:s7], $0x5FFFF  }
0xac: {  	[dreg:$0x1] =	wrdreg $0xFFFFFFFF  }
0xad: {  	[dreg:$0x0] =	wrdreg $0x60  }
0xae: {  	[dreg:$0x2] =	wrdreg s24  }
0xaf: {  	[dreg:$0x3] =	wrdreg s2  }
0xb0: {  	[dreg:$0x4] =	wrdreg $0xDC000  }
0xb1: {  	[dreg:$0x5] =	wrdreg $0x9  }
0xb2: {  	_ =	task.clear_ibuf [dreg:s7], $0x6FFFF;
	_ =	strace $0x90000049  }
0xb3: {  	s29 =	simm.s32 $0x9;
	_ =	strace $0x8000004B  }
0xb4: {  	_ =	swait.ge [sflag:s29], $0x1  }
0xb5: {  	[sflag:s29] =	ssyncadd.s32 $0xFFFFFFFF  }
0xb6: {  	_ =	strace $0x9000004B  }
0xb7: {  	_ =	sfence  }
0xb8: {  	s30 =	sld [smem:$0x0];
	_ =	sdelay $0x2  }
0xb9: {  	s31 =	sshll.u32 s1, $0xD;
	s1 =	sshrl.u32 s1, $0x2  }
0xba: {  	s3 =	sand.u32 $0x4000, s31;
	s1 =	sadd.s32 s1, s30  }
0xbb: {  	s0 =	sor.u32 s3, s0;
	s1 =	sshll.u32 s1, $0x11  }
0xbc: {  	s0 =	sor.u32 s1, s0  }
0xbd: {  	s0 =	sadd.s32 $0x8F2B, s0  }
0xbe: {  	[sflag:s0] =	ssyncadd.remote.s32 $0x1  }
0xbf: {  	_ =	sfence.sel $0xFFFF  }
0xc0: {  	[dreg:$0x0] =	wrdreg $0xFFFFFFFF;
	(pc) =	sbr.abs _section_cstart, $3  }
0xc1: {  	[dreg:$0x1] =	wrdreg $0xFFFFFFFF  }
0xc2: {  	_ =	task.clear_ibuf [dreg:s7], $0x2FFFF;
	_ =	strace $0x9FFFFFFF  }
0xc3: {  	(tm) =	ssettm $0x7FFFFFFF  }
tec
execute0_lowered:
.L_overlay_start_1:
0x0: {  	(tag) =	ssettag $0x1  }
0x1: {  	s0 =	srdreg.scid;
	s2 =	rddreg [dreg:$0x0]  }
0x2: {  	s3 =	stileid.u32;
	s4 =	sand.u32 $0x1, s0;
	s0 =	simm.s32 $0x0  }
0x3: {  	s15 =	smul.u32 $0x9C00, s3;
	s17 =	sadd.s32 $0x81C00, s2;
	p0 =	sne.s32 s3, $0x0  }
0x4: {  	s1 =	ssub.s32 $0x2, s4;
	[smem:$0x7FF] =	sst s0;
	s18 =	smul.u32 $0x9C400, s4  }
0x5: {  	s4 =	sshll.u32 s4, $0x10;
	s5 =	sshrl.u32 s1, $0x1;
	s6 =	sadd.s32 $0x1800, s15  }
0x6: {  	s7 =	sadd.s32 $0x2400, s15;
	s8 =	sadd.s32 $0x3000, s15;
	s9 =	sadd.s32 $0x3C00, s15  }
0x7: {  	s10 =	sadd.s32 $0x4800, s15;
	s11 =	sadd.s32 $0x5400, s15;
	s12 =	sadd.s32 $0x6000, s15  }
0x8: {  	s13 =	sadd.s32 $0x6C00, s15;
	s14 =	sadd.s32 $0x7800, s15;
	s16 =	sadd.s32 $0x8400, s15  }
0x9: {  	s31 =	sadd.s32 $0x9000, s15;
	s1 =	ssub.s32 s1, s5;
	s5 =	sadd.s32 $0xC00, s15  }
0xa: {  	s19 =	sadd.s32 s15, s18;
	s21 =	sadd.s32 s18, s6;
	s22 =	sadd.s32 s18, s7  }
0xb: {  	s23 =	sadd.s32 s18, s8;
	s20 =	sadd.s32 s18, s5;
	s25 =	sshrl.u32 s19, $0x3  }
0xc: {  	[dreg:$0x17] =	wrdreg s1;
	s26 =	sshrl.u32 s20, $0x3;
	s15 =	sadd.s32 s17, s25  }
0xd: {  	s25 =	sshrl.u32 s22, $0x3;
	s22 =	sadd.s32 s18, s10;
	[dreg:$0x4] =	wrdreg s15  }
0xe: {  	s20 =	sadd.s32 s17, s26;
	s15 =	sshrl.u32 s21, $0x3;
	s26 =	sshrl.u32 s23, $0x3  }
0xf: {  	s21 =	sadd.s32 s18, s9;
	s23 =	sadd.s32 s18, s11;
	[dreg:$0x5] =	wrdreg s20  }
0x10: {  	s24 =	sadd.s32 s17, s15;
	s15 =	sadd.s32 s17, s25;
	s20 =	sadd.s32 s17, s26  }
0x11: {  	s25 =	sshrl.u32 s22, $0x3;
	s26 =	sshrl.u32 s23, $0x3;
	[dreg:$0x6] =	wrdreg s24  }
0x12: {  	s22 =	sadd.s32 s18, s13;
	s23 =	sadd.s32 s18, s14;
	[dreg:$0x7] =	wrdreg s15  }
0x13: {  	[dreg:$0x8] =	wrdreg s20;
	s15 =	sshrl.u32 s21, $0x3;
	s20 =	sadd.s32 s17, s26  }
0x14: {  	s21 =	sadd.s32 s18, s12;
	s24 =	sadd.s32 s17, s15;
	[dreg:$0xb] =	wrdreg s20  }
0x15: {  	s26 =	sshrl.u32 s23, $0x3;
	s15 =	sadd.s32 s17, s25;
	[dreg:$0x9] =	wrdreg s24  }
0x16: {  	s25 =	sshrl.u32 s22, $0x3;
	s20 =	sadd.s32 s17, s26;
	[dreg:$0xa] =	wrdreg s15  }
0x17: {  	s22 =	sadd.s32 s18, s31;
	s15 =	sshrl.u32 s21, $0x3;
	[dreg:$0xe] =	wrdreg s20  }
0x18: {  	s21 =	sadd.s32 s18, s16;
	s19 =	sshrl.u32 s22, $0x3;
	s18 =	sshrl.u32 s18, $0x3  }
0x19: {  	s24 =	sadd.s32 s17, s15;
	s15 =	sadd.s32 s17, s25;
	s1 =	sadd.s32 s17, s18  }
0x1a: {  	s25 =	smul.u32 $0x27000, s3;
	s3 =	sshll.u32 s3, $0xC;
	[dreg:$0xc] =	wrdreg s24  }
0x1b: {  	[dreg:$0xd] =	wrdreg s15;
	s15 =	sshrl.u32 s21, $0x3;
	s24 =	sadd.s32 s17, s19  }
0x1c: {  	s4 =	sor.u32 s3, s4;
	s23 =	sadd.s32 s17, s15;
	s15 =	rddreg [dreg:$0x2]  }
0x1d: {  	s3 =	sadd.s32 s3, s2;
	s1 =	sadd.s32 $0x13800, s1;
	[dreg:$0x10] =	wrdreg s24  }
0x1e: {  	s26 =	sshrl.u32 s25, $0x2;
	s4 =	sadd.s32 s4, s2;
	s17 =	sadd.s32 $0x5AA00, s2  }
0x1f: {  	s2 =	simm.s32 $0x7E00;
	[dreg:$0xf] =	wrdreg s23;
	s18 =	sadd.s32 s26, s15  }
0x20: {  	s19 =	sadd.s32 s5, s15;
	s20 =	sadd.s32 s6, s15;
	s21 =	sadd.s32 s7, s15  }
0x21: {  	s22 =	sadd.s32 s8, s15;
	s23 =	sadd.s32 s9, s15;
	s24 =	sadd.s32 s10, s15  }
0x22: {  	s25 =	sadd.s32 s11, s15;
	s26 =	sadd.s32 s12, s15;
	s28 =	sadd.s32 s13, s15  }
0x23: {  	s29 =	sadd.s32 s14, s15;
	s30 =	sadd.s32 s16, s15;
	s11 =	sadd.s32 $0x4AA00, s3  }
0x24: {  	s12 =	sadd.s32 $0x4B200, s3;
	_ =	strace $0x8000004A;
	[dreg:$0x11] =	wrdreg s11  }
0x25: {  	s31 =	sadd.s32 s31, s15;
	s13 =	sadd.s32 $0x3000, s4;
	[dreg:$0x12] =	wrdreg s12  }
0x26: {  	s14 =	sadd.s32 $0x3800, s4;
	s5 =	sadd.s32 $0x9C000, s15;
	[dreg:$0x13] =	wrdreg s13  }
0x27: {  	s6 =	simm.s32 $0xD000;
	s7 =	simm.s32 $0x3;
	[dreg:$0x14] =	wrdreg s14  }
0x28: {  	s9 =	simm.s32 $0x50;
	s10 =	simm.s32 $0x8000;
	[dreg:$0x15] =	wrdreg s1  }
0x29: {  	s8 =	simm.s32 $0x7D80;
	s3 =	simm.s32 $0x0;
	s16 =	rddreg [dreg:$0x17]  }
0x2a: {  	s14 =	simm.s32 $0xA800;
	s13 =	simm.s32 $0x2;
	s1 =	smax.u32 s16, $0x1  }
0x2b: {  	s16 =	simm.s32 $0x1;
	[dreg:$0x16] =	wrdreg s1;
	s1 =	simm.s32 $0x4000  }
.LBB2_1:
0x2c: {  	s4 =	rddreg [dreg:$0x1]  }
0x2d: {  	[tilespmem:s6], [sflag:$0x3] =	stream.linear.gather [hbm4b:s4+s0], $0xC00, $0x38;
	[tilespmem:$0x17880] =	vst v63  }
0x2e: {  	_ =	swait.ge [sflag:s7], $0xC00  }
0x2f: {  	[sflag:s7] =	ssyncset.done $0x0  }
0x30: {  	[sflag:s7] =	ssyncadd.s32 $0xFFFFF400  }
0x31: {  	[spmem:s18] =	stream.linear.scatter [tilespmem:s6], [sflag:$0x3], $0xC00, $0x38;
	[tilespmem:$0x17880] =	vst v63  }
0x32: {  	_ =	swait.ge [sflag:s7], $0xC00  }
0x33: {  	[sflag:s7] =	ssyncset.done $0x0  }
0x34: {  	[sflag:s7] =	ssyncadd.s32 $0xFFFFF400  }
0x35: {  	[spmem:s19] =	stream.linear.scatter [tilespmem:s6], [sflag:$0x3], $0xC00, $0x38;
	[tilespmem:$0x17880] =	vst v63  }
0x36: {  	_ =	swait.ge [sflag:s7], $0xC00  }
0x37: {  	[sflag:s7] =	ssyncset.done $0x0  }
0x38: {  	[sflag:s7] =	ssyncadd.s32 $0xFFFFF400  }
0x39: {  	[spmem:s20] =	stream.linear.scatter [tilespmem:s6], [sflag:$0x3], $0xC00, $0x38;
	[tilespmem:$0x17880] =	vst v63  }
0x3a: {  	_ =	swait.ge [sflag:s7], $0xC00  }
0x3b: {  	[sflag:s7] =	ssyncset.done $0x0  }
0x3c: {  	[sflag:s7] =	ssyncadd.s32 $0xFFFFF400  }
0x3d: {  	[spmem:s21] =	stream.linear.scatter [tilespmem:s6], [sflag:$0x3], $0xC00, $0x38;
	[tilespmem:$0x17880] =	vst v63  }
0x3e: {  	_ =	swait.ge [sflag:s7], $0xC00  }
0x3f: {  	[sflag:s7] =	ssyncset.done $0x0  }
0x40: {  	[sflag:s7] =	ssyncadd.s32 $0xFFFFF400  }
0x41: {  	[spmem:s22] =	stream.linear.scatter [tilespmem:s6], [sflag:$0x3], $0xC00, $0x38;
	[tilespmem:$0x17880] =	vst v63  }
0x42: {  	_ =	swait.ge [sflag:s7], $0xC00  }
0x43: {  	[sflag:s7] =	ssyncset.done $0x0  }
0x44: {  	[sflag:s7] =	ssyncadd.s32 $0xFFFFF400  }
0x45: {  	[spmem:s23] =	stream.linear.scatter [tilespmem:s6], [sflag:$0x3], $0xC00, $0x38;
	[tilespmem:$0x17880] =	vst v63  }
0x46: {  	_ =	swait.ge [sflag:s7], $0xC00  }
0x47: {  	[sflag:s7] =	ssyncset.done $0x0  }
0x48: {  	[sflag:s7] =	ssyncadd.s32 $0xFFFFF400  }
0x49: {  	[spmem:s24] =	stream.linear.scatter [tilespmem:s6], [sflag:$0x3], $0xC00, $0x38;
	[tilespmem:$0x17880] =	vst v63  }
0x4a: {  	_ =	swait.ge [sflag:s7], $0xC00  }
0x4b: {  	[sflag:s7] =	ssyncset.done $0x0  }
0x4c: {  	[sflag:s7] =	ssyncadd.s32 $0xFFFFF400  }
0x4d: {  	[spmem:s25] =	stream.linear.scatter [tilespmem:s6], [sflag:$0x3], $0xC00, $0x38;
	[tilespmem:$0x17880] =	vst v63  }
0x4e: {  	_ =	swait.ge [sflag:s7], $0xC00  }
0x4f: {  	[sflag:s7] =	ssyncset.done $0x0  }
0x50: {  	[sflag:s7] =	ssyncadd.s32 $0xFFFFF400  }
0x51: {  	[spmem:s26] =	stream.linear.scatter [tilespmem:s6], [sflag:$0x3], $0xC00, $0x38;
	[tilespmem:$0x17880] =	vst v63  }
0x52: {  	_ =	swait.ge [sflag:s7], $0xC00  }
0x53: {  	[sflag:s7] =	ssyncset.done $0x0  }
0x54: {  	[sflag:s7] =	ssyncadd.s32 $0xFFFFF400  }
0x55: {  	[spmem:s28] =	stream.linear.scatter [tilespmem:s6], [sflag:$0x3], $0xC00, $0x38;
	[tilespmem:$0x17880] =	vst v63  }
0x56: {  	_ =	swait.ge [sflag:s7], $0xC00  }
0x57: {  	[sflag:s7] =	ssyncset.done $0x0  }
0x58: {  	[sflag:s7] =	ssyncadd.s32 $0xFFFFF400  }
0x59: {  	[spmem:s29] =	stream.linear.scatter [tilespmem:s6], [sflag:$0x3], $0xC00, $0x38;
	[tilespmem:$0x17880] =	vst v63  }
0x5a: {  	_ =	swait.ge [sflag:s7], $0xC00  }
0x5b: {  	[sflag:s7] =	ssyncset.done $0x0  }
0x5c: {  	[sflag:s7] =	ssyncadd.s32 $0xFFFFF400  }
0x5d: {  	[spmem:s30] =	stream.linear.scatter [tilespmem:s6], [sflag:$0x3], $0xC00, $0x38;
	[tilespmem:$0x17880] =	vst v63  }
0x5e: {  	_ =	swait.ge [sflag:s7], $0xC00  }
0x5f: {  	[sflag:s7] =	ssyncset.done $0x0  }
0x60: {  	[sflag:s7] =	ssyncadd.s32 $0xFFFFF400  }
0x61: {  	[spmem:s31] =	stream.linear.scatter [tilespmem:s6], [sflag:$0x3], $0xC00, $0x38;
	[tilespmem:$0x17880] =	vst v63  }
0x62: {  	_ =	swait.ge [sflag:s7], $0xC00  }
0x63: {  	[sflag:s7] =	ssyncset.done $0x0  }
0x64: {  	s4 =	simm.s32 @!p0 $0xD000;
	[sflag:s7] =	ssyncadd.s32 $0xFFFFF400  }
0x65: {  	[spmem:s5] =	stream.linear.scatter @!p0 [tilespmem:s4], [sflag:$0x3], $0x400, $0x38;
	[tilespmem:$0x17880] =	vst v63  }
0x66: {  	s4 =	simm.s32 @!p0 $0x3  }
0x67: {  	_ =	swait.ge @!p0 [sflag:s4], $0x400  }
0x68: {  	[sflag:s4] =	ssyncset.done @!p0 $0x0  }
0x69: {  	[sflag:s4] =	ssyncadd.s32 @!p0 $0xFFFFFC00  }
0x6a: {  	[bflag:$0x0] =	sbarrier.arrive $0xFFFF  }
0x6b: {  	s11 =	rddreg [dreg:$0x11]  }
0x6c: {  	[tilespmem:s0], [sflag:$0x3] =	stream.linear.gather [hbm4b:s11+s0], $0x3E80, $0x38;
	[tilespmem:$0x17880] =	vst v63  }
0x6d: {  	_ =	swait.ge [sflag:s7], $0x3E80  }
0x6e: {  	[sflag:s7] =	ssyncset.done $0x0  }
0x6f: {  	s12 =	rddreg [dreg:$0x13];
	[sflag:s7] =	ssyncadd.s32 $0xFFFFC180  }
0x70: {  	[tilespmem:s1], [sflag:$0x3] =	stream.linear.gather [hbm4b:s12+s0], $0x3E80, $0x38;
	[tilespmem:$0x17880] =	vst v63  }
0x71: {  	_ =	swait.ge [sflag:s7], $0x3E80  }
0x72: {  	[sflag:s7] =	ssyncset.done $0x0  }
0x73: {  	[sflag:s7] =	ssyncadd.s32 $0xFFFFC180  }
0x74: {  	[tilespmem:s10], [sflag:$0x1] =	stream.indirect.gather [hbm4b:s17+s9], $0x80, s0, s9, $0xb8;
	[tilespmem:$0x17880] =	vst v63  }
0x75: {  	s11 =	simm.s32 $0x80  }
0x76: {  	[tilespmem:s14], [sflag:$0x2] =	stream.indirect.gather [hbm4b:s17+s9], $0x80, s11, s9, $0xb8;
	[tilespmem:$0x17880] =	vst v63  }
0x77: {  	_ =	swait.ge [sflag:s16], $0x2800  }
0x78: {  	[sflag:s16] =	ssyncset.done $0x0  }
0x79: {  	s12 =	simm.s32 $0x4000;
	[sflag:s16] =	ssyncadd.s32 $0xFFFFD800  }
0x7a: {  	[spmem:s15] =	stream.indirect.scatter.add.f32 [tilespmem:s10], [sflag:$0x3], $0x80, s12, s9, $0xb8;
	[tilespmem:$0x17880] =	vst v63  }
0x7b: {  	_ =	swait.ge [sflag:s7], $0x2800  }
0x7c: {  	[sflag:s7] =	ssyncset.done $0x0  }
0x7d: {  	s11 =	simm.s32 $0x100;
	[sflag:s7] =	ssyncadd.s32 $0xFFFFD800  }
0x7e: {  	[tilespmem:s10], [sflag:$0x1] =	stream.indirect.gather [hbm4b:s17+s9], $0x80, s11, s9, $0xb8;
	[tilespmem:$0x17880] =	vst v63  }
0x7f: {  	_ =	swait.ge [sflag:s13], $0x2800  }
0x80: {  	[sflag:s13] =	ssyncset.done $0x0  }
0x81: {  	s12 =	simm.s32 $0x4080;
	[sflag:s13] =	ssyncadd.s32 $0xFFFFD800  }
0x82: {  	[spmem:s15] =	stream.indirect.scatter.add.f32 [tilespmem:s14], [sflag:$0x3], $0x80, s12, s9, $0xb8;
	[tilespmem:$0x17880] =	vst v63  }
0x83: {  	_ =	swait.ge [sflag:s7], $0x2800  }
0x84: {  	[sflag:s7] =	ssyncset.done $0x0  }
0x85: {  	s4 =	simm.s32 $0x400;
	s11 =	simm.s32 $0x180;
	[sflag:s7] =	ssyncadd.s32 $0xFFFFD800  }
.LBB2_2:
0x86: {  	[tilespmem:s14], [sflag:$0x2] =	stream.indirect.gather [hbm4b:s17+s9], $0x80, s11, s9, $0xb8;
	[tilespmem:$0x17880] =	vst v63  }
0x87: {  	s11 =	smov.u32 s4  }
0x88: {  	p1 =	sne.s32 s4, $0xF000;
	s4 =	sadd.s32 $0x400, s4;
	_ =	swait.ge [sflag:s16], $0x2800  }
0x89: {  	s11 =	sshra.s32 s11, $0x2;
	[sflag:s16] =	ssyncset.done $0x0  }
0x8a: {  	s12 =	sadd.s32 $0x4000, s11;
	[sflag:s16] =	ssyncadd.s32 $0xFFFFD800  }
0x8b: {  	[spmem:s15] =	stream.indirect.scatter.add.f32 [tilespmem:s10], [sflag:$0x3], $0x80, s12, s9, $0xb8;
	[tilespmem:$0x17880] =	vst v63  }
0x8c: {  	_ =	swait.ge [sflag:s7], $0x2800  }
0x8d: {  	[sflag:s7] =	ssyncset.done $0x0  }
0x8e: {  	s12 =	sadd.s32 $0x100, s11;
	[sflag:s7] =	ssyncadd.s32 $0xFFFFD800  }
0x8f: {  	[tilespmem:s10], [sflag:$0x1] =	stream.indirect.gather [hbm4b:s17+s9], $0x80, s12, s9, $0xb8;
	[tilespmem:$0x17880] =	vst v63  }
0x90: {  	_ =	swait.ge [sflag:s13], $0x2800  }
0x91: {  	[sflag:s13] =	ssyncset.done $0x0  }
.Ltmp0:
0x92: {  	s12 =	sadd.s32 $0x4080, s11;
	[sflag:s13] =	ssyncadd.s32 $0xFFFFD800;
	(pc) =	sbr.rel @p1 .LBB2_2-.Ltmp0, $4  }
0x93: {  	[spmem:s15] =	stream.indirect.scatter.add.f32 [tilespmem:s14], [sflag:$0x3], $0x80, s12, s9, $0xb8;
	[tilespmem:$0x17880] =	vst v63  }
0x94: {  	_ =	swait.ge [sflag:s7], $0x2800  }
0x95: {  	[sflag:s7] =	ssyncset.done $0x0  }
0x96: {  	s11 =	sadd.s32 $0x180, s11;
	[sflag:s7] =	ssyncadd.s32 $0xFFFFD800  }
0x97: {  	[tilespmem:s14], [sflag:$0x2] =	stream.indirect.gather [hbm4b:s17+s9], $0x80, s11, s9, $0xb8;
	[tilespmem:$0x17880] =	vst v63  }
0x98: {  	_ =	swait.ge [sflag:s16], $0x2800  }
0x99: {  	[sflag:s16] =	ssyncset.done $0x0  }
0x9a: {  	s4 =	simm.s32 $0x7D00;
	[sflag:s16] =	ssyncadd.s32 $0xFFFFD800  }
0x9b: {  	[spmem:s15] =	stream.indirect.scatter.add.f32 [tilespmem:s10], [sflag:$0x3], $0x80, s4, s9, $0xb8;
	[tilespmem:$0x17880] =	vst v63  }
0x9c: {  	_ =	swait.ge [sflag:s7], $0x2800  }
0x9d: {  	[sflag:s7] =	ssyncset.done $0x0  }
0x9e: {  	s11 =	simm.s32 $0x3E00;
	[sflag:s7] =	ssyncadd.s32 $0xFFFFD800  }
0x9f: {  	[tilespmem:s10], [sflag:$0x1] =	stream.indirect.gather [hbm4b:s17+s9], $0x80, s11, s9, $0xb8;
	[tilespmem:$0x17880] =	vst v63  }
0xa0: {  	_ =	swait.ge [sflag:s13], $0x2800  }
0xa1: {  	[sflag:s13] =	ssyncset.done $0x0  }
0xa2: {  	[sflag:s13] =	ssyncadd.s32 $0xFFFFD800  }
0xa3: {  	[spmem:s15] =	stream.indirect.scatter.add.f32 [tilespmem:s14], [sflag:$0x3], $0x80, s8, s9, $0xb8;
	[tilespmem:$0x17880] =	vst v63  }
0xa4: {  	_ =	swait.ge [sflag:s7], $0x2800  }
0xa5: {  	[sflag:s7] =	ssyncset.done $0x0  }
0xa6: {  	[sflag:s7] =	ssyncadd.s32 $0xFFFFD800  }
0xa7: {  	_ =	swait.ge [sflag:s16], $0x2800  }
0xa8: {  	[sflag:s16] =	ssyncset.done $0x0  }
0xa9: {  	[sflag:s16] =	ssyncadd.s32 $0xFFFFD800  }
0xaa: {  	[spmem:s15] =	stream.indirect.scatter.add.f32 [tilespmem:s10], [sflag:$0x3], $0x80, s2, s9, $0xb8;
	[tilespmem:$0x17880] =	vst v63  }
0xab: {  	_ =	swait.ge [sflag:s7], $0x2800  }
0xac: {  	[sflag:s7] =	ssyncset.done $0x0  }
0xad: {  	s4 =	simm.s32 $0x0;
	s12 =	rddreg [dreg:$0x12];
	[sflag:s7] =	ssyncadd.s32 $0xFFFFD800  }
0xae: {  	[tilespmem:s4], [sflag:$0x3] =	stream.linear.gather [hbm4b:s12+s4], $0x3E80, $0x38;
	[tilespmem:$0x17880] =	vst v63  }
0xaf: {  	_ =	swait.ge [sflag:s7], $0x3E80  }
0xb0: {  	[sflag:s7] =	ssyncset.done $0x0  }
0xb1: {  	s12 =	rddreg [dreg:$0x14];
	[sflag:s7] =	ssyncadd.s32 $0xFFFFC180  }
0xb2: {  	[tilespmem:s1], [sflag:$0x3] =	stream.linear.gather [hbm4b:s12+s4], $0x3E80, $0x38;
	[tilespmem:$0x17880] =	vst v63  }
0xb3: {  	_ =	swait.ge [sflag:s7], $0x3E80  }
0xb4: {  	[sflag:s7] =	ssyncset.done $0x0  }
0xb5: {  	[sflag:s7] =	ssyncadd.s32 $0xFFFFC180  }
0xb6: {  	[tilespmem:s10], [sflag:$0x1] =	stream.indirect.gather [hbm4b:s17+s9], $0x80, s4, s9, $0xb8;
	[tilespmem:$0x17880] =	vst v63  }
0xb7: {  	s12 =	simm.s32 $0x80  }
0xb8: {  	[tilespmem:s14], [sflag:$0x2] =	stream.indirect.gather [hbm4b:s17+s9], $0x80, s12, s9, $0xb8;
	[tilespmem:$0x17880] =	vst v63  }
0xb9: {  	_ =	swait.ge [sflag:s16], $0x2800  }
0xba: {  	[sflag:s16] =	ssyncset.done $0x0  }
0xbb: {  	s1 =	simm.s32 $0x4000;
	[sflag:s16] =	ssyncadd.s32 $0xFFFFD800  }
0xbc: {  	[spmem:s15] =	stream.indirect.scatter.add.f32 [tilespmem:s10], [sflag:$0x3], $0x80, s1, s9, $0xb8;
	[tilespmem:$0x17880] =	vst v63  }
0xbd: {  	_ =	swait.ge [sflag:s7], $0x2800  }
0xbe: {  	[sflag:s7] =	ssyncset.done $0x0  }
0xbf: {  	s11 =	simm.s32 $0x100;
	[sflag:s7] =	ssyncadd.s32 $0xFFFFD800  }
0xc0: {  	[tilespmem:s10], [sflag:$0x1] =	stream.indirect.gather [hbm4b:s17+s9], $0x80, s11, s9, $0xb8;
	[tilespmem:$0x17880] =	vst v63  }
0xc1: {  	_ =	swait.ge [sflag:s13], $0x2800  }
0xc2: {  	[sflag:s13] =	ssyncset.done $0x0  }
0xc3: {  	s12 =	simm.s32 $0x4080;
	[sflag:s13] =	ssyncadd.s32 $0xFFFFD800  }
0xc4: {  	[spmem:s15] =	stream.indirect.scatter.add.f32 [tilespmem:s14], [sflag:$0x3], $0x80, s12, s9, $0xb8;
	[tilespmem:$0x17880] =	vst v63  }
0xc5: {  	_ =	swait.ge [sflag:s7], $0x2800  }
0xc6: {  	[sflag:s7] =	ssyncset.done $0x0  }
0xc7: {  	s4 =	simm.s32 $0x400;
	s11 =	simm.s32 $0x180;
	[sflag:s7] =	ssyncadd.s32 $0xFFFFD800  }
.LBB2_4:
0xc8: {  	[tilespmem:s14], [sflag:$0x2] =	stream.indirect.gather [hbm4b:s17+s9], $0x80, s11, s9, $0xb8;
	[tilespmem:$0x17880] =	vst v63  }
0xc9: {  	s11 =	smov.u32 s4  }
0xca: {  	p1 =	sne.s32 s4, $0xF000;
	s4 =	sadd.s32 $0x400, s4;
	_ =	swait.ge [sflag:s16], $0x2800  }
0xcb: {  	s11 =	sshra.s32 s11, $0x2;
	[sflag:s16] =	ssyncset.done $0x0  }
0xcc: {  	s12 =	sadd.s32 $0x4000, s11;
	[sflag:s16] =	ssyncadd.s32 $0xFFFFD800  }
0xcd: {  	[spmem:s15] =	stream.indirect.scatter.add.f32 [tilespmem:s10], [sflag:$0x3], $0x80, s12, s9, $0xb8;
	[tilespmem:$0x17880] =	vst v63  }
0xce: {  	_ =	swait.ge [sflag:s7], $0x2800  }
0xcf: {  	[sflag:s7] =	ssyncset.done $0x0  }
0xd0: {  	s12 =	sadd.s32 $0x100, s11;
	[sflag:s7] =	ssyncadd.s32 $0xFFFFD800  }
0xd1: {  	[tilespmem:s10], [sflag:$0x1] =	stream.indirect.gather [hbm4b:s17+s9], $0x80, s12, s9, $0xb8;
	[tilespmem:$0x17880] =	vst v63  }
0xd2: {  	_ =	swait.ge [sflag:s13], $0x2800  }
0xd3: {  	[sflag:s13] =	ssyncset.done $0x0  }
.Ltmp1:
0xd4: {  	s12 =	sadd.s32 $0x4080, s11;
	[sflag:s13] =	ssyncadd.s32 $0xFFFFD800;
	(pc) =	sbr.rel @p1 .LBB2_4-.Ltmp1, $4  }
0xd5: {  	[spmem:s15] =	stream.indirect.scatter.add.f32 [tilespmem:s14], [sflag:$0x3], $0x80, s12, s9, $0xb8;
	[tilespmem:$0x17880] =	vst v63  }
0xd6: {  	_ =	swait.ge [sflag:s7], $0x2800  }
0xd7: {  	[sflag:s7] =	ssyncset.done $0x0  }
0xd8: {  	s11 =	sadd.s32 $0x180, s11;
	[sflag:s7] =	ssyncadd.s32 $0xFFFFD800  }
0xd9: {  	[tilespmem:s14], [sflag:$0x2] =	stream.indirect.gather [hbm4b:s17+s9], $0x80, s11, s9, $0xb8;
	[tilespmem:$0x17880] =	vst v63  }
0xda: {  	_ =	swait.ge [sflag:s16], $0x2800  }
0xdb: {  	[sflag:s16] =	ssyncset.done $0x0  }
0xdc: {  	s1 =	simm.s32 $0x7D00;
	[sflag:s16] =	ssyncadd.s32 $0xFFFFD800  }
0xdd: {  	[spmem:s15] =	stream.indirect.scatter.add.f32 [tilespmem:s10], [sflag:$0x3], $0x80, s1, s9, $0xb8;
	[tilespmem:$0x17880] =	vst v63  }
0xde: {  	_ =	swait.ge [sflag:s7], $0x2800  }
0xdf: {  	[sflag:s7] =	ssyncset.done $0x0  }
0xe0: {  	s11 =	simm.s32 $0x3E00;
	[sflag:s7] =	ssyncadd.s32 $0xFFFFD800  }
0xe1: {  	[tilespmem:s10], [sflag:$0x1] =	stream.indirect.gather [hbm4b:s17+s9], $0x80, s11, s9, $0xb8;
	[tilespmem:$0x17880] =	vst v63  }
0xe2: {  	_ =	swait.ge [sflag:s13], $0x2800  }
0xe3: {  	[sflag:s13] =	ssyncset.done $0x0  }
0xe4: {  	[sflag:s13] =	ssyncadd.s32 $0xFFFFD800  }
0xe5: {  	[spmem:s15] =	stream.indirect.scatter.add.f32 [tilespmem:s14], [sflag:$0x3], $0x80, s8, s9, $0xb8;
	[tilespmem:$0x17880] =	vst v63  }
0xe6: {  	_ =	swait.ge [sflag:s7], $0x2800  }
0xe7: {  	[sflag:s7] =	ssyncset.done $0x0  }
0xe8: {  	[sflag:s7] =	ssyncadd.s32 $0xFFFFD800  }
0xe9: {  	_ =	swait.ge [sflag:s16], $0x2800  }
0xea: {  	[sflag:s16] =	ssyncset.done $0x0  }
0xeb: {  	[sflag:s16] =	ssyncadd.s32 $0xFFFFD800  }
0xec: {  	[spmem:s15] =	stream.indirect.scatter.add.f32 [tilespmem:s10], [sflag:$0x3], $0x80, s2, s9, $0xb8;
	[tilespmem:$0x17880] =	vst v63  }
0xed: {  	_ =	swait.ge [sflag:s7], $0x2800  }
0xee: {  	[sflag:s7] =	ssyncset.done $0x0  }
0xef: {  	[sflag:s7] =	ssyncadd.s32 $0xFFFFD800  }
0xf0: {  	[bflag:$0x0] =	sbarrier.arrive $0xFFFF  }
0xf1: {  	[tilespmem:s6], [sflag:$0x3] =	stream.linear.gather [spmem:s18], $0xC00, $0x38;
	[tilespmem:$0x17880] =	vst v63  }
0xf2: {  	_ =	swait.ge [sflag:s7], $0xC00  }
0xf3: {  	[sflag:s7] =	ssyncset.done $0x0  }
0xf4: {  	s4 =	rddreg [dreg:$0x4];
	[sflag:s7] =	ssyncadd.s32 $0xFFFFF400  }
0xf5: {  	[hbm4b:s4+s0] =	stream.linear.scatter [tilespmem:s6], [sflag:$0x3], $0xC00, $0x38;
	[tilespmem:$0x17880] =	vst v63  }
0xf6: {  	_ =	swait.ge [sflag:s7], $0xC00  }
0xf7: {  	[sflag:s7] =	ssyncset.done $0x0  }
0xf8: {  	[sflag:s7] =	ssyncadd.s32 $0xFFFFF400  }
0xf9: {  	[tilespmem:s6], [sflag:$0x3] =	stream.linear.gather [spmem:s19], $0xC00, $0x38;
	[tilespmem:$0x17880] =	vst v63  }
0xfa: {  	_ =	swait.ge [sflag:s7], $0xC00  }
0xfb: {  	[sflag:s7] =	ssyncset.done $0x0  }
0xfc: {  	s12 =	rddreg [dreg:$0x5];
	[sflag:s7] =	ssyncadd.s32 $0xFFFFF400  }
0xfd: {  	[hbm4b:s12+s0] =	stream.linear.scatter [tilespmem:s6], [sflag:$0x3], $0xC00, $0x38;
	[tilespmem:$0x17880] =	vst v63  }
0xfe: {  	_ =	swait.ge [sflag:s7], $0xC00  }
0xff: {  	[sflag:s7] =	ssyncset.done $0x0  }
0x100: {  	[sflag:s7] =	ssyncadd.s32 $0xFFFFF400  }
0x101: {  	[tilespmem:s6], [sflag:$0x3] =	stream.linear.gather [spmem:s20], $0xC00, $0x38;
	[tilespmem:$0x17880] =	vst v63  }
0x102: {  	_ =	swait.ge [sflag:s7], $0xC00  }
0x103: {  	[sflag:s7] =	ssyncset.done $0x0  }
0x104: {  	s1 =	rddreg [dreg:$0x6];
	[sflag:s7] =	ssyncadd.s32 $0xFFFFF400  }
0x105: {  	[hbm4b:s1+s0] =	stream.linear.scatter [tilespmem:s6], [sflag:$0x3], $0xC00, $0x38;
	[tilespmem:$0x17880] =	vst v63  }
0x106: {  	_ =	swait.ge [sflag:s7], $0xC00  }
0x107: {  	[sflag:s7] =	ssyncset.done $0x0  }
0x108: {  	[sflag:s7] =	ssyncadd.s32 $0xFFFFF400  }
0x109: {  	[tilespmem:s6], [sflag:$0x3] =	stream.linear.gather [spmem:s21], $0xC00, $0x38;
	[tilespmem:$0x17880] =	vst v63  }
0x10a: {  	_ =	swait.ge [sflag:s7], $0xC00  }
0x10b: {  	[sflag:s7] =	ssyncset.done $0x0  }
0x10c: {  	s11 =	rddreg [dreg:$0x7];
	[sflag:s7] =	ssyncadd.s32 $0xFFFFF400  }
0x10d: {  	[hbm4b:s11+s0] =	stream.linear.scatter [tilespmem:s6], [sflag:$0x3], $0xC00, $0x38;
	[tilespmem:$0x17880] =	vst v63  }
0x10e: {  	_ =	swait.ge [sflag:s7], $0xC00  }
0x10f: {  	[sflag:s7] =	ssyncset.done $0x0  }
0x110: {  	[sflag:s7] =	ssyncadd.s32 $0xFFFFF400  }
0x111: {  	[tilespmem:s6], [sflag:$0x3] =	stream.linear.gather [spmem:s22], $0xC00, $0x38;
	[tilespmem:$0x17880] =	vst v63  }
0x112: {  	_ =	swait.ge [sflag:s7], $0xC00  }
0x113: {  	[sflag:s7] =	ssyncset.done $0x0  }
0x114: {  	s12 =	rddreg [dreg:$0x8];
	[sflag:s7] =	ssyncadd.s32 $0xFFFFF400  }
0x115: {  	[hbm4b:s12+s0] =	stream.linear.scatter [tilespmem:s6], [sflag:$0x3], $0xC00, $0x38;
	[tilespmem:$0x17880] =	vst v63  }
0x116: {  	_ =	swait.ge [sflag:s7], $0xC00  }
0x117: {  	[sflag:s7] =	ssyncset.done $0x0  }
0x118: {  	[sflag:s7] =	ssyncadd.s32 $0xFFFFF400  }
0x119: {  	[tilespmem:s6], [sflag:$0x3] =	stream.linear.gather [spmem:s23], $0xC00, $0x38;
	[tilespmem:$0x17880] =	vst v63  }
0x11a: {  	_ =	swait.ge [sflag:s7], $0xC00  }
0x11b: {  	[sflag:s7] =	ssyncset.done $0x0  }
0x11c: {  	s1 =	rddreg [dreg:$0x9];
	[sflag:s7] =	ssyncadd.s32 $0xFFFFF400  }
0x11d: {  	[hbm4b:s1+s0] =	stream.linear.scatter [tilespmem:s6], [sflag:$0x3], $0xC00, $0x38;
	[tilespmem:$0x17880] =	vst v63  }
0x11e: {  	_ =	swait.ge [sflag:s7], $0xC00  }
0x11f: {  	[sflag:s7] =	ssyncset.done $0x0  }
0x120: {  	[sflag:s7] =	ssyncadd.s32 $0xFFFFF400  }
0x121: {  	[tilespmem:s6], [sflag:$0x3] =	stream.linear.gather [spmem:s24], $0xC00, $0x38;
	[tilespmem:$0x17880] =	vst v63  }
0x122: {  	_ =	swait.ge [sflag:s7], $0xC00  }
0x123: {  	[sflag:s7] =	ssyncset.done $0x0  }
0x124: {  	s11 =	rddreg [dreg:$0xa];
	[sflag:s7] =	ssyncadd.s32 $0xFFFFF400  }
0x125: {  	[hbm4b:s11+s0] =	stream.linear.scatter [tilespmem:s6], [sflag:$0x3], $0xC00, $0x38;
	[tilespmem:$0x17880] =	vst v63  }
0x126: {  	_ =	swait.ge [sflag:s7], $0xC00  }
0x127: {  	[sflag:s7] =	ssyncset.done $0x0  }
0x128: {  	[sflag:s7] =	ssyncadd.s32 $0xFFFFF400  }
0x129: {  	[tilespmem:s6], [sflag:$0x3] =	stream.linear.gather [spmem:s25], $0xC00, $0x38;
	[tilespmem:$0x17880] =	vst v63  }
0x12a: {  	_ =	swait.ge [sflag:s7], $0xC00  }
0x12b: {  	[sflag:s7] =	ssyncset.done $0x0  }
0x12c: {  	s12 =	rddreg [dreg:$0xb];
	[sflag:s7] =	ssyncadd.s32 $0xFFFFF400  }
0x12d: {  	[hbm4b:s12+s0] =	stream.linear.scatter [tilespmem:s6], [sflag:$0x3], $0xC00, $0x38;
	[tilespmem:$0x17880] =	vst v63  }
0x12e: {  	_ =	swait.ge [sflag:s7], $0xC00  }
0x12f: {  	[sflag:s7] =	ssyncset.done $0x0  }
0x130: {  	[sflag:s7] =	ssyncadd.s32 $0xFFFFF400  }
0x131: {  	[tilespmem:s6], [sflag:$0x3] =	stream.linear.gather [spmem:s26], $0xC00, $0x38;
	[tilespmem:$0x17880] =	vst v63  }
0x132: {  	_ =	swait.ge [sflag:s7], $0xC00  }
0x133: {  	[sflag:s7] =	ssyncset.done $0x0  }
0x134: {  	s1 =	rddreg [dreg:$0xc];
	[sflag:s7] =	ssyncadd.s32 $0xFFFFF400  }
0x135: {  	[hbm4b:s1+s0] =	stream.linear.scatter [tilespmem:s6], [sflag:$0x3], $0xC00, $0x38;
	[tilespmem:$0x17880] =	vst v63  }
0x136: {  	_ =	swait.ge [sflag:s7], $0xC00  }
0x137: {  	[sflag:s7] =	ssyncset.done $0x0  }
0x138: {  	[sflag:s7] =	ssyncadd.s32 $0xFFFFF400  }
0x139: {  	[tilespmem:s6], [sflag:$0x3] =	stream.linear.gather [spmem:s28], $0xC00, $0x38;
	[tilespmem:$0x17880] =	vst v63  }
0x13a: {  	_ =	swait.ge [sflag:s7], $0xC00  }
0x13b: {  	[sflag:s7] =	ssyncset.done $0x0  }
0x13c: {  	s11 =	rddreg [dreg:$0xd];
	[sflag:s7] =	ssyncadd.s32 $0xFFFFF400  }
0x13d: {  	[hbm4b:s11+s0] =	stream.linear.scatter [tilespmem:s6], [sflag:$0x3], $0xC00, $0x38;
	[tilespmem:$0x17880] =	vst v63  }
0x13e: {  	_ =	swait.ge [sflag:s7], $0xC00  }
0x13f: {  	[sflag:s7] =	ssyncset.done $0x0  }
0x140: {  	[sflag:s7] =	ssyncadd.s32 $0xFFFFF400  }
0x141: {  	[tilespmem:s6], [sflag:$0x3] =	stream.linear.gather [spmem:s29], $0xC00, $0x38;
	[tilespmem:$0x17880] =	vst v63  }
0x142: {  	_ =	swait.ge [sflag:s7], $0xC00  }
0x143: {  	[sflag:s7] =	ssyncset.done $0x0  }
0x144: {  	s12 =	rddreg [dreg:$0xe];
	[sflag:s7] =	ssyncadd.s32 $0xFFFFF400  }
0x145: {  	[hbm4b:s12+s0] =	stream.linear.scatter [tilespmem:s6], [sflag:$0x3], $0xC00, $0x38;
	[tilespmem:$0x17880] =	vst v63  }
0x146: {  	_ =	swait.ge [sflag:s7], $0xC00  }
0x147: {  	[sflag:s7] =	ssyncset.done $0x0  }
0x148: {  	[sflag:s7] =	ssyncadd.s32 $0xFFFFF400  }
0x149: {  	[tilespmem:s6], [sflag:$0x3] =	stream.linear.gather [spmem:s30], $0xC00, $0x38;
	[tilespmem:$0x17880] =	vst v63  }
0x14a: {  	_ =	swait.ge [sflag:s7], $0xC00  }
0x14b: {  	[sflag:s7] =	ssyncset.done $0x0  }
0x14c: {  	s1 =	rddreg [dreg:$0xf];
	[sflag:s7] =	ssyncadd.s32 $0xFFFFF400  }
0x14d: {  	[hbm4b:s1+s0] =	stream.linear.scatter [tilespmem:s6], [sflag:$0x3], $0xC00, $0x38;
	[tilespmem:$0x17880] =	vst v63  }
0x14e: {  	_ =	swait.ge [sflag:s7], $0xC00  }
0x14f: {  	[sflag:s7] =	ssyncset.done $0x0  }
0x150: {  	[sflag:s7] =	ssyncadd.s32 $0xFFFFF400  }
0x151: {  	[tilespmem:s6], [sflag:$0x3] =	stream.linear.gather [spmem:s31], $0xC00, $0x38;
	[tilespmem:$0x17880] =	vst v63  }
0x152: {  	_ =	swait.ge [sflag:s7], $0xC00  }
0x153: {  	[sflag:s7] =	ssyncset.done $0x0  }
0x154: {  	s11 =	rddreg [dreg:$0x10];
	[sflag:s7] =	ssyncadd.s32 $0xFFFFF400  }
0x155: {  	[hbm4b:s11+s0] =	stream.linear.scatter [tilespmem:s6], [sflag:$0x3], $0xC00, $0x38;
	[tilespmem:$0x17880] =	vst v63  }
0x156: {  	_ =	swait.ge [sflag:s7], $0xC00  }
0x157: {  	[sflag:s7] =	ssyncset.done $0x0  }
0x158: {  	s4 =	simm.s32 @!p0 $0xD000;
	s11 =	simm.s32 @!p0 $0x3;
	[sflag:s7] =	ssyncadd.s32 $0xFFFFF400  }
0x159: {  	[tilespmem:s4], [sflag:$0x3] =	stream.linear.gather @!p0 [spmem:s5], $0x400, $0x38;
	[tilespmem:$0x17880] =	vst v63  }
0x15a: {  	_ =	swait.ge @!p0 [sflag:s11], $0x400  }
0x15b: {  	[sflag:s11] =	ssyncset.done @!p0 $0x0  }
0x15c: {  	s12 =	simm.s32 @!p0 $0x0;
	s1 =	rddreg [dreg:$0x15];
	[sflag:s11] =	ssyncadd.s32 @!p0 $0xFFFFFC00  }
0x15d: {  	[hbm4b:s1+s12] =	stream.linear.scatter @!p0 [tilespmem:s4], [sflag:$0x3], $0x400, $0x38;
	[tilespmem:$0x17880] =	vst v63  }
0x15e: {  	_ =	swait.ge @!p0 [sflag:s11], $0x400  }
0x15f: {  	s3 =	sadd.s32 $0x1, s3;
	s12 =	rddreg [dreg:$0x16]  }
0x160: {  	p1 =	sne.s32 s3, s12  }
.Ltmp2:
0x161: {  	_ = 	snop;
	(pc) =	sbr.rel @p1 .LBB2_1-.Ltmp2, $3  }
0x162: {  	_ =	sdelay $0x1  }
0x163: {  	[sflag:s11] =	ssyncset.done @!p0 $0x0  }
0x164: {  	s1 =	simm.s32 $0x4000;
	[sflag:s11] =	ssyncadd.s32 @!p0 $0xFFFFFC00  }
0x165: {  	_ =	sfence.sel $0x180000  }
0x166: {  	[bflag:$0x0] =	sbarrier.arrive $0xFFFF  }
0x167: {  	_ =	strace $0x9000004A  }
0x168: {  	[bflag:$0x2] =	sbarrier.arrive $0xFFFF  }
0x169: {  	s0 =	rddreg [dreg:$0x3]  }
0x16a: {  	s0 =	sadd.s32 @!p0 $0x100000, s0  }
0x16b: {  	[sflag:s0] =	ssyncadd.tile.s32 @!p0 $0x1;
	_ =	shalt  }
.Lfunc_end2:
_tile_overlayer_lowered:
.L_overlay_start_2:
0x16c: {  	(tag) =	ssettag $0x2  }
0x16d: {  	s0 =	rddreg [dreg:$0x0];
	s2 =	stileid.u32  }
0x16e: {  	s1 =	rddreg [dreg:$0x1];
	p0 =	sne.s32 s2, $0x0  }
0x16f: {  	s3 =	rddreg [dreg:$0x2];
	[bflag:$0x3] =	sbarrier.arrive $0xFFFF;
	s2 =	simm.s32 @!p0 $0x1C03  }
0x170: {  	[timem:s3], [sflag:s2] =	dma.local @!p0 [hbm:s0], s1  }
0x171: {  	s0 =	simm.s32 @!p0 $0x3  }
0x172: {  	_ =	swait.ge @!p0 [sflag:s0], s1  }
0x173: {  	s1 =	ssub.s32 @!p0 $0x0, s1;
	[sflag:s0] =	ssyncset.done @!p0 $0x0  }
0x174: {  	[sflag:s0] =	ssyncadd.s32 @!p0 s1  }
0x175: {  	[bflag:$0x3] =	sbarrier.arrive $0xFFFF  }
0x176: {  	_ =	shalt  }

// kernel: kernel.5.cloned.1.call-start
scs
__scs_entry_jumppad:
0x0: {  	(pc) =	sbr.rel $0x88, $3  }
0x1: {  	(tag) =	ssettag $0x0;
	lr =	simm.s32 $0x1  }
0x2: {  	[smem:$0x3F98] =	sst lr;
	_ =	strace $0xD0000000  }
0x3: {  	_ = 	snop  }
0x4: {  	_ = 	snop  }
0x5: {  	_ = 	snop  }
0x6: {  	_ = 	snop  }
0x7: {  	_ = 	snop  }
__scs_overlays_trampoline_lowered:
0x8: {  	[smem:$0x3FA7] =	sst s0  }
0x9: {  	[smem:$0x3FA8] =	sst s1  }
0xa: {  	[smem:$0x3FA9] =	sst s2  }
0xb: {  	[smem:$0x3FAA] =	sst s3  }
0xc: {  	[smem:$0x3FAB] =	sst s4  }
0xd: {  	[smem:$0x3FAC] =	sst s5  }
0xe: {  	[smem:$0x3FAD] =	sst s6  }
0xf: {  	[smem:$0x3FAE] =	sst s7  }
0x10: {  	[smem:$0x3FAF] =	sst s8  }
0x11: {  	[smem:$0x3FB0] =	sst s9;
	s0 =	simm.s32 @!p0 $0x0  }
0x12: {  	s1 =	sld [smem:$0x3F96];
	s0 =	simm.s32 @p0 $0x1  }
0x13: {  	[smem:$0x3FB1] =	sst s0;
	s0 =	simm.s32 @!p1 $0x0  }
0x14: {  	s2 =	sld [smem:$0x3F95];
	s0 =	simm.s32 @p1 $0x1  }
0x15: {  	[smem:$0x3FB2] =	sst s0;
	s0 =	simm.s32 @!p2 $0x0  }
0x16: {  	s3 =	sld [smem:$0x3FDB];
	s0 =	simm.s32 @p2 $0x1  }
0x17: {  	s4 =	simm.s32 $0x1BF5;
	[smem:$0x3FB4] =	sst s0  }
0x18: {  	s0 =	sld [smem:$0x3F97];
	_ =	swait.ge [sflag:s4], $0x0  }
0x19: {  	s7 =	sld [smem:$0x3F98]  }
0x1a: {  	s8 =	sadd.s32 $0xFFFFE003, lr  }
0x1b: {  	s9 =	sadd.s32 $0xFFFFFEF7, lr;
	s5 =	simm.s32 $0xFFFFFFFF;
	p2 =	slt.u32 s8, $0xFFFFF086  }
0x1c: {  	p1 =	slt.u32 s9, $0xF7A;
	s5 =	simm.s32 @!p2 $0x0  }
0x1d: {  	s5 =	simm.s32 @p1 $0x1;
	p0 =	seq.s32 s7, s2  }
0x1e: {  	s7 =	smul.u32 @!p0 $0xF7A, s2;
	p2 =	seq.s32 @!p0 s5, $0x0  }
0x1f: {  	s9 =	smul.u32 $0xF7A, s1;
	s8 =	simm.s32 @!p0 $0x1BF5;
	p2 =	por !p2, p0  }
0x20: {  	[sflag:s8] =	ssyncset.s32 @!p0 $0xFFFFF086;
	s6 =	sadd.s32 @!p0 s3, s7;
	s7 =	simm.s32 @!p0 $0x108  }
0x21: {  	s3 =	sadd.s32 s3, s9;
	s6 =	sadd.s32 @!p0 $0x88, s6;
	s7 =	simm.s32 @p2 $0x1082  }
0x22: {  	[simem:s7], [sflag:s8] =	dma.local @!p0 [hbm:s6], $0xF7A  }
0x23: {  	s9 =	sor.u32 $0xD0000000, s2;
	s6 =	simm.s32 $0x108;
	_ =	swait.ge @!p0 [sflag:s8], $0x0  }
0x24: {  	s3 =	sadd.s32 $0x88, s3;
	s6 =	simm.s32 @!p1 $0x1082;
	[sflag:s4] =	ssyncset.s32 $0xFFFFF086  }
0x25: {  	[simem:s6], [sflag:s4] =	dma.local [hbm:s3], $0xF7A  }
0x26: {  	[smem:$0x3F98] =	sst s1;
	(tag) =	ssettag s2;
	_ =	strace s9  }
0x27: {  	s1 =	sld [smem:$0x3FA8]  }
0x28: {  	s2 =	sld [smem:$0x3FA9]  }
0x29: {  	s4 =	sld [smem:$0x3FAB]  }
0x2a: {  	p0 =	seq.s32 s5, $0x0;
	s5 =	sld [smem:$0x3FAC]  }
0x2b: {  	s6 =	sld [smem:$0x3FAD]  }
0x2c: {  	s7 =	sld [smem:$0x3FAE]  }
0x2d: {  	s3 =	simm.s32 $0x108;
	s8 =	sld [smem:$0x3FAF]  }
0x2e: {  	s3 =	simm.s32 @!p0 $0x1082;
	s9 =	sld [smem:$0x3FB0]  }
0x2f: {  	lr =	sadd.s32 s0, s3;
	s0 =	sld [smem:$0x3FA7]  }
0x30: {  	s3 =	sld [smem:$0x3FAA]  }
0x31: {  	[smem:$0x3FB3] =	sst s10  }
0x32: {  	s10 =	sld [smem:$0x3FB1];
	_ =	sdelay $0x3  }
0x33: {  	p0 =	seq.s32 s10, $0x1;
	s10 =	sld [smem:$0x3FB3];
	_ =	sdelay $0x3  }
0x34: {  	[smem:$0x3FB3] =	sst s10  }
0x35: {  	s10 =	sld [smem:$0x3FB2];
	_ =	sdelay $0x3  }
0x36: {  	p1 =	seq.s32 s10, $0x1;
	s10 =	sld [smem:$0x3FB3];
	_ =	sdelay $0x3  }
0x37: {  	[smem:$0x3FB3] =	sst s10  }
0x38: {  	s10 =	sld [smem:$0x3FB4]  }
0x39: {  	_ = 	snop;
	(pc) =	sbr.ind lr, $3  }
0x3a: {  	_ = 	snop  }
0x3b: {  	_ = 	snop  }
0x3c: {  	p2 =	seq.s32 s10, $0x1;
	s10 =	sld [smem:$0x3FB3]  }
0x3d: {  	_ =	shalt  }
0x3e: {  	_ =	shalt  }
0x3f: {  	_ =	shalt  }
0x40: {  	_ =	shalt  }
0x41: {  	_ =	shalt  }
0x42: {  	_ =	shalt  }
0x43: {  	_ =	shalt  }
0x44: {  	_ =	shalt  }
0x45: {  	_ =	shalt  }
0x46: {  	_ =	shalt  }
0x47: {  	_ =	shalt  }
0x48: {  	_ =	shalt  }
0x49: {  	_ =	shalt  }
0x4a: {  	_ =	shalt  }
0x4b: {  	_ =	shalt  }
0x4c: {  	_ =	shalt  }
0x4d: {  	_ =	shalt  }
0x4e: {  	_ =	shalt  }
0x4f: {  	_ =	shalt  }
0x50: {  	_ =	shalt  }
0x51: {  	_ =	shalt  }
0x52: {  	_ =	shalt  }
0x53: {  	_ =	shalt  }
0x54: {  	_ =	shalt  }
0x55: {  	_ =	shalt  }
0x56: {  	_ =	shalt  }
0x57: {  	_ =	shalt  }
0x58: {  	_ =	shalt  }
0x59: {  	_ =	shalt  }
0x5a: {  	_ =	shalt  }
0x5b: {  	_ =	shalt  }
0x5c: {  	_ =	shalt  }
0x5d: {  	_ =	shalt  }
0x5e: {  	_ =	shalt  }
0x5f: {  	_ =	shalt  }
0x60: {  	_ =	shalt  }
0x61: {  	_ =	shalt  }
0x62: {  	_ =	shalt  }
0x63: {  	_ =	shalt  }
0x64: {  	_ =	shalt  }
0x65: {  	_ =	shalt  }
0x66: {  	_ =	shalt  }
0x67: {  	_ =	shalt  }
0x68: {  	_ =	shalt  }
0x69: {  	_ =	shalt  }
0x6a: {  	_ =	shalt  }
0x6b: {  	_ =	shalt  }
0x6c: {  	_ =	shalt  }
0x6d: {  	_ =	shalt  }
0x6e: {  	_ =	shalt  }
0x6f: {  	_ =	shalt  }
0x70: {  	_ =	shalt  }
0x71: {  	_ =	shalt  }
0x72: {  	_ =	shalt  }
0x73: {  	_ =	shalt  }
0x74: {  	_ =	shalt  }
0x75: {  	_ =	shalt  }
0x76: {  	_ =	shalt  }
0x77: {  	_ =	shalt  }
0x78: {  	_ =	shalt  }
0x79: {  	_ =	shalt  }
0x7a: {  	_ =	shalt  }
0x7b: {  	_ =	shalt  }
0x7c: {  	_ =	shalt  }
0x7d: {  	_ =	shalt  }
0x7e: {  	_ =	shalt  }
0x7f: {  	_ =	shalt  }
0x80: {  	_ =	shalt  }
0x81: {  	_ =	shalt  }
0x82: {  	_ =	shalt  }
0x83: {  	_ =	shalt  }
0x84: {  	_ =	shalt  }
0x85: {  	_ =	shalt  }
0x86: {  	_ =	shalt  }
0x87: {  	_ =	shalt  }
.Lfunc_end0:
.L_simem_size_0:
called_computation.1_lowered:
.L_overlay_start_0:
0x88: {  	s2 =	sld [smem:$0x3FD9]  }
0x89: {  	s3 =	sld [smem:$0x3FFE];
	_ =	sdelay $0x1  }
0x8a: {  	s1 =	srdreg.scid  }
0x8b: {  	s0 =	sand.u32 $0x1, s1  }
0x8c: {  	s17 =	sshll.u32 s0, $0xA;
	s2 =	sadd.s32 s3, s2  }
0x8d: {  	s2 =	sadd.s32 s2, s17  }
0x8e: {  	[smem:$0x3FBF] =	sst s2  }
0x8f: {  	_ = 	snop  }
0x90: {  	s2 =	sld [smem:$0x3FD0];
	(tm) =	ssettm $0x1  }
0x91: {  	s18 =	sld [smem:$0x3FFB];
	_ =	sdelay $0x3  }
0x92: {  	_ =	strace s18  }
0x93: {  	s3 =	sld [smem:$0x3FFC];
	_ =	sdelay $0x3  }
0x94: {  	_ =	strace s3  }
0x95: {  	s3 =	sld [smem:$0x3FFD];
	_ =	sdelay $0x3  }
0x96: {  	_ =	strace s3  }
0x97: {  	_ =	strace $0x8FFFFFFF  }
0x98: {  	s19 =	sld [smem:$0x3FDB];
	_ =	sdelay $0x1  }
0x99: {  	s4 =	simm.s32 $_scs_section_size  }
0x9a: {  	s5 =	simm.s32 $_size__tile_overlayer_lowered;
	s6 =	simm.s32 $_tile_overlayer_lowered  }
0x9b: {  	s22 =	simm.s32 $0x1BFF;
	s21 =	sshll.u32 s6, $0x1;
	s3 =	sadd.s32 s4, s19  }
0x9c: {  	s7 =	simm.s32 $0x0;
	s20 =	sshll.u32 s5, $0x1;
	s5 =	sadd.s32 s21, s3  }
0x9d: {  	[timem:s7], [sflag:s22] =	dma.local [hbm:s5], s20  }
0x9e: {  	_ =	swait.ge [sflag:s22], s20  }
0x9f: {  	s4 =	ssub.s32 $0x0, s20;
	[sflag:s22] =	ssyncset.done $0x0  }
0xa0: {  	[sflag:s22] =	ssyncadd.s32 s4;
	_ =	sdelay $0x1  }
0xa1: {  	s23 =	simm.s32 $0x1B8B  }
0xa2: {  	_ =	swait.ge [sflag:s23], $0x1  }
0xa3: {  	[sflag:s23] =	ssyncset.done $0x0  }
0xa4: {  	s25 =	simm.s32 $0x1B8E;
	s24 =	sld [smem:$0x3FFE];
	[sflag:s23] =	ssyncadd.s32 $0xFFFFFFFF  }
0xa5: {  	s26 =	simm.s32 $execute0_lowered;
	[smem:$0x3FD2] =	sst s25  }
0xa6: {  	s5 =	sshll.u32 s26, $0x1;
	_ =	strace $0x80000046;
	[dreg:$0x1] =	wrdreg $0xFFFFFFFF  }
0xa7: {  	s28 =	simm.s32 $_size_execute0_lowered;
	s3 =	sadd.s32 s3, s5;
	[dreg:$0x0] =	wrdreg $0x0  }
0xa8: {  	s5 =	sshll.u32 s28, $0x1;
	[dreg:$0x2] =	wrdreg s3  }
0xa9: {  	[dreg:$0x3] =	wrdreg s5  }
0xaa: {  	[dreg:$0x4] =	wrdreg $0xC0  }
0xab: {  	_ =	task [dreg:s7], $0x5FFFF  }
0xac: {  	[dreg:$0x1] =	wrdreg $0xFFFFFFFF  }
0xad: {  	[dreg:$0x0] =	wrdreg $0x60  }
0xae: {  	[dreg:$0x2] =	wrdreg s24  }
0xaf: {  	[dreg:$0x3] =	wrdreg s2  }
0xb0: {  	[dreg:$0x4] =	wrdreg $0xB4000  }
0xb1: {  	[dreg:$0x5] =	wrdreg $0x9  }
0xb2: {  	_ =	task.clear_ibuf [dreg:s7], $0x6FFFF;
	_ =	strace $0x90000046  }
0xb3: {  	s29 =	simm.s32 $0x9;
	_ =	strace $0x80000048  }
0xb4: {  	_ =	swait.ge [sflag:s29], $0x1  }
0xb5: {  	[sflag:s29] =	ssyncadd.s32 $0xFFFFFFFF  }
0xb6: {  	_ =	strace $0x90000048  }
0xb7: {  	_ =	sfence  }
0xb8: {  	s30 =	sld [smem:$0x0];
	_ =	sdelay $0x2  }
0xb9: {  	s31 =	sshll.u32 s1, $0xD;
	s1 =	sshrl.u32 s1, $0x2  }
0xba: {  	s3 =	sand.u32 $0x4000, s31;
	s1 =	sadd.s32 s1, s30  }
0xbb: {  	s0 =	sor.u32 s3, s0;
	s1 =	sshll.u32 s1, $0x11  }
0xbc: {  	s0 =	sor.u32 s1, s0  }
0xbd: {  	s0 =	sadd.s32 $0x8F2B, s0  }
0xbe: {  	[sflag:s0] =	ssyncadd.remote.s32 $0x1  }
0xbf: {  	_ =	sfence.sel $0xFFFF  }
0xc0: {  	[dreg:$0x0] =	wrdreg $0xFFFFFFFF;
	(pc) =	sbr.abs _section_cstart, $3  }
0xc1: {  	[dreg:$0x1] =	wrdreg $0xFFFFFFFF  }
0xc2: {  	_ =	task.clear_ibuf [dreg:s7], $0x2FFFF;
	_ =	strace $0x9FFFFFFF  }
0xc3: {  	(tm) =	ssettm $0x7FFFFFFF  }
tec
execute0_lowered:
.L_overlay_start_1:
0x0: {  	(tag) =	ssettag $0x1  }
0x1: {  	s2 =	rddreg [dreg:$0x0]  }
0x2: {  	s3 =	stileid.u32;
	s1 =	srdreg.scid;
	s0 =	simm.s32 $0x0  }
0x3: {  	s4 =	sshll.u32 s3, $0xC;
	s8 =	sand.u32 $0x1, s1;
	[smem:$0x7FF] =	sst s0  }
0x4: {  	s9 =	smul.u32 $0x9C00, s3;
	s17 =	sadd.s32 $0x23600, s2;
	p0 =	sne.s32 s3, $0x0  }
0x5: {  	s4 =	sadd.s32 s4, s2;
	s1 =	ssub.s32 $0x2, s8;
	s6 =	sshll.u32 s8, $0x10  }
0x6: {  	s8 =	smul.u32 $0x9C400, s8;
	s5 =	sshrl.u32 s1, $0x1;
	s18 =	sadd.s32 s6, s4  }
0x7: {  	s4 =	sadd.s32 $0xC00, s9;
	s6 =	sadd.s32 $0x2400, s9;
	s7 =	sadd.s32 $0x3000, s9  }
0x8: {  	s12 =	sadd.s32 $0x3C00, s9;
	s13 =	sadd.s32 $0x4800, s9;
	s26 =	sadd.s32 $0x5400, s9  }
0x9: {  	s28 =	sadd.s32 $0x6000, s9;
	s29 =	sadd.s32 $0x6C00, s9;
	s30 =	sadd.s32 $0x7800, s9  }
0xa: {  	s31 =	sadd.s32 $0x8400, s9;
	s1 =	ssub.s32 s1, s5;
	s5 =	sadd.s32 $0x1800, s9  }
0xb: {  	s10 =	sadd.s32 s9, s8;
	s11 =	sadd.s32 s8, s4;
	s24 =	sadd.s32 s8, s6  }
0xc: {  	s25 =	sadd.s32 s8, s7;
	s15 =	sadd.s32 s8, s12;
	s16 =	sadd.s32 s8, s13  }
0xd: {  	s19 =	sadd.s32 s8, s26;
	s18 =	sadd.s32 $0x3000, s18;
	[dreg:$0xe] =	wrdreg s1  }
0xe: {  	s10 =	sshrl.u32 s10, $0x3;
	s1 =	sadd.s32 $0x9000, s9;
	s22 =	sshrl.u32 s11, $0x3  }
0xf: {  	s23 =	sadd.s32 s8, s5;
	s14 =	sshrl.u32 s25, $0x3;
	s21 =	sadd.s32 s17, s10  }
0x10: {  	s9 =	sadd.s32 s17, s22;
	s10 =	sshrl.u32 s24, $0x3;
	[dreg:$0x4] =	wrdreg s21  }
0x11: {  	s22 =	sadd.s32 s8, s28;
	s24 =	sadd.s32 s8, s30;
	[dreg:$0x5] =	wrdreg s9  }
0x12: {  	s9 =	sshrl.u32 s23, $0x3;
	s10 =	sadd.s32 s17, s10;
	s21 =	sshrl.u32 s19, $0x3  }
0x13: {  	s23 =	sadd.s32 s8, s29;
	s11 =	sshrl.u32 s24, $0x3;
	s19 =	smul.u32 $0x27000, s3  }
0x14: {  	s3 =	simm.s32 $0x1;
	s9 =	sadd.s32 s17, s9;
	[dreg:$0x7] =	wrdreg s10  }
0x15: {  	s10 =	sshrl.u32 s16, $0x3;
	s11 =	sadd.s32 s17, s11;
	s16 =	rddreg [dreg:$0x2]  }
0x16: {  	[dreg:$0x6] =	wrdreg s9;
	s9 =	sadd.s32 s17, s14;
	s20 =	sadd.s32 s17, s10  }
0x17: {  	s10 =	sshrl.u32 s23, $0x3;
	s14 =	sadd.s32 s8, s31;
	s23 =	sadd.s32 s7, s16  }
0x18: {  	s24 =	sadd.s32 s12, s16;
	s26 =	sadd.s32 s26, s16;
	s28 =	sadd.s32 s28, s16  }
0x19: {  	s29 =	sadd.s32 s29, s16;
	s30 =	sadd.s32 s30, s16;
	s31 =	sadd.s32 s31, s16  }
0x1a: {  	s12 =	sadd.s32 s1, s16;
	s7 =	simm.s32 $0x0;
	[dreg:$0x8] =	wrdreg s9  }
0x1b: {  	s9 =	sshrl.u32 s15, $0x3;
	[dreg:$0xa] =	wrdreg s20;
	s25 =	sadd.s32 s17, s10  }
0x1c: {  	s15 =	sadd.s32 s8, s1;
	s14 =	sshrl.u32 s14, $0x3;
	s8 =	sshrl.u32 s8, $0x3  }
0x1d: {  	s20 =	sadd.s32 s4, s16;
	s4 =	simm.s32 $0x8000;
	s9 =	sadd.s32 s17, s9  }
0x1e: {  	[dreg:$0xd] =	wrdreg s25;
	s15 =	sshrl.u32 s15, $0x3;
	s14 =	sadd.s32 s17, s14  }
0x1f: {  	s8 =	sadd.s32 s17, s8;
	[dreg:$0x9] =	wrdreg s9;
	s9 =	sadd.s32 s17, s21  }
0x20: {  	s25 =	sadd.s32 s13, s16;
	[dreg:$0xb] =	wrdreg s9;
	s9 =	sshrl.u32 s22, $0x3  }
0x21: {  	s15 =	sadd.s32 s17, s15;
	s21 =	sadd.s32 s5, s16;
	s9 =	sadd.s32 s17, s9  }
0x22: {  	s13 =	sadd.s32 $0x13800, s8;
	s5 =	simm.s32 $0xA800;
	[dreg:$0xc] =	wrdreg s9  }
0x23: {  	s22 =	sadd.s32 s6, s16;
	s6 =	simm.s32 $0x50;
	_ =	strace $0x80000047  }
0x24: {  	s17 =	sadd.s32 $0x23000, s2;
	s9 =	sshrl.u32 s19, $0x2;
	s10 =	rddreg [dreg:$0xe]  }
0x25: {  	s2 =	sadd.s32 $0x9C000, s16;
	s19 =	sadd.s32 s9, s16;
	s1 =	smax.u32 s10, $0x1  }
.LBB2_1:
0x26: {  	[tilespmem:s0], [sflag:$0x1] =	stream.linear.gather [hbm4b:s18+s0], $0x7D00, $0x38;
	[tilespmem:$0x15080] =	vst v63  }
0x27: {  	_ =	swait.ge [sflag:s3], $0x7D00  }
0x28: {  	[sflag:s3] =	ssyncset.done $0x0  }
0x29: {  	[sflag:s3] =	ssyncadd.s32 $0xFFFF8300  }
0x2a: {  	[tilespmem:s4], [sflag:$0x1] =	stream.linear.gather [hbm4b:s17+s0], $0x2800, $0x38;
	[tilespmem:$0x15080] =	vst v63  }
0x2b: {  	_ =	swait.ge [sflag:s3], $0x2800  }
0x2c: {  	[sflag:s3] =	ssyncset.done $0x0  }
0x2d: {  	[sflag:s3] =	ssyncadd.s32 $0xFFFFD800  }
0x2e: {  	s8 =	rddreg [dreg:$0x1]  }
0x2f: {  	[tilespmem:s5], [sflag:$0x1] =	stream.linear.gather [hbm4b:s8+s0], $0xC00, $0x38;
	[tilespmem:$0x15080] =	vst v63  }
0x30: {  	_ =	swait.ge [sflag:s3], $0xC00  }
0x31: {  	[sflag:s3] =	ssyncset.done $0x0  }
0x32: {  	[sflag:s3] =	ssyncadd.s32 $0xFFFFF400  }
0x33: {  	[spmem:s19] =	stream.linear.scatter [tilespmem:s5], [sflag:$0x1], $0xC00, $0x38;
	[tilespmem:$0x15080] =	vst v63  }
0x34: {  	_ =	swait.ge [sflag:s3], $0xC00  }
0x35: {  	[sflag:s3] =	ssyncset.done $0x0  }
0x36: {  	[sflag:s3] =	ssyncadd.s32 $0xFFFFF400  }
0x37: {  	[spmem:s20] =	stream.linear.scatter [tilespmem:s5], [sflag:$0x1], $0xC00, $0x38;
	[tilespmem:$0x15080] =	vst v63  }
0x38: {  	_ =	swait.ge [sflag:s3], $0xC00  }
0x39: {  	[sflag:s3] =	ssyncset.done $0x0  }
0x3a: {  	[sflag:s3] =	ssyncadd.s32 $0xFFFFF400  }
0x3b: {  	[spmem:s21] =	stream.linear.scatter [tilespmem:s5], [sflag:$0x1], $0xC00, $0x38;
	[tilespmem:$0x15080] =	vst v63  }
0x3c: {  	_ =	swait.ge [sflag:s3], $0xC00  }
0x3d: {  	[sflag:s3] =	ssyncset.done $0x0  }
0x3e: {  	[sflag:s3] =	ssyncadd.s32 $0xFFFFF400  }
0x3f: {  	[spmem:s22] =	stream.linear.scatter [tilespmem:s5], [sflag:$0x1], $0xC00, $0x38;
	[tilespmem:$0x15080] =	vst v63  }
0x40: {  	_ =	swait.ge [sflag:s3], $0xC00  }
0x41: {  	[sflag:s3] =	ssyncset.done $0x0  }
0x42: {  	[sflag:s3] =	ssyncadd.s32 $0xFFFFF400  }
0x43: {  	[spmem:s23] =	stream.linear.scatter [tilespmem:s5], [sflag:$0x1], $0xC00, $0x38;
	[tilespmem:$0x15080] =	vst v63  }
0x44: {  	_ =	swait.ge [sflag:s3], $0xC00  }
0x45: {  	[sflag:s3] =	ssyncset.done $0x0  }
0x46: {  	[sflag:s3] =	ssyncadd.s32 $0xFFFFF400  }
0x47: {  	[spmem:s24] =	stream.linear.scatter [tilespmem:s5], [sflag:$0x1], $0xC00, $0x38;
	[tilespmem:$0x15080] =	vst v63  }
0x48: {  	_ =	swait.ge [sflag:s3], $0xC00  }
0x49: {  	[sflag:s3] =	ssyncset.done $0x0  }
0x4a: {  	[sflag:s3] =	ssyncadd.s32 $0xFFFFF400  }
0x4b: {  	[spmem:s25] =	stream.linear.scatter [tilespmem:s5], [sflag:$0x1], $0xC00, $0x38;
	[tilespmem:$0x15080] =	vst v63  }
0x4c: {  	_ =	swait.ge [sflag:s3], $0xC00  }
0x4d: {  	[sflag:s3] =	ssyncset.done $0x0  }
0x4e: {  	[sflag:s3] =	ssyncadd.s32 $0xFFFFF400  }
0x4f: {  	[spmem:s26] =	stream.linear.scatter [tilespmem:s5], [sflag:$0x1], $0xC00, $0x38;
	[tilespmem:$0x15080] =	vst v63  }
0x50: {  	_ =	swait.ge [sflag:s3], $0xC00  }
0x51: {  	[sflag:s3] =	ssyncset.done $0x0  }
0x52: {  	[sflag:s3] =	ssyncadd.s32 $0xFFFFF400  }
0x53: {  	[spmem:s28] =	stream.linear.scatter [tilespmem:s5], [sflag:$0x1], $0xC00, $0x38;
	[tilespmem:$0x15080] =	vst v63  }
0x54: {  	_ =	swait.ge [sflag:s3], $0xC00  }
0x55: {  	[sflag:s3] =	ssyncset.done $0x0  }
0x56: {  	[sflag:s3] =	ssyncadd.s32 $0xFFFFF400  }
0x57: {  	[spmem:s29] =	stream.linear.scatter [tilespmem:s5], [sflag:$0x1], $0xC00, $0x38;
	[tilespmem:$0x15080] =	vst v63  }
0x58: {  	_ =	swait.ge [sflag:s3], $0xC00  }
0x59: {  	[sflag:s3] =	ssyncset.done $0x0  }
0x5a: {  	[sflag:s3] =	ssyncadd.s32 $0xFFFFF400  }
0x5b: {  	[spmem:s30] =	stream.linear.scatter [tilespmem:s5], [sflag:$0x1], $0xC00, $0x38;
	[tilespmem:$0x15080] =	vst v63  }
0x5c: {  	_ =	swait.ge [sflag:s3], $0xC00  }
0x5d: {  	[sflag:s3] =	ssyncset.done $0x0  }
0x5e: {  	[sflag:s3] =	ssyncadd.s32 $0xFFFFF400  }
0x5f: {  	[spmem:s31] =	stream.linear.scatter [tilespmem:s5], [sflag:$0x1], $0xC00, $0x38;
	[tilespmem:$0x15080] =	vst v63  }
0x60: {  	_ =	swait.ge [sflag:s3], $0xC00  }
0x61: {  	[sflag:s3] =	ssyncset.done $0x0  }
0x62: {  	[sflag:s3] =	ssyncadd.s32 $0xFFFFF400  }
0x63: {  	[spmem:s12] =	stream.linear.scatter [tilespmem:s5], [sflag:$0x1], $0xC00, $0x38;
	[tilespmem:$0x15080] =	vst v63  }
0x64: {  	_ =	swait.ge [sflag:s3], $0xC00  }
0x65: {  	[sflag:s3] =	ssyncset.done $0x0  }
0x66: {  	s8 =	simm.s32 @!p0 $0xA800;
	[sflag:s3] =	ssyncadd.s32 $0xFFFFF400  }
0x67: {  	[spmem:s2] =	stream.linear.scatter @!p0 [tilespmem:s8], [sflag:$0x1], $0x400, $0x38;
	[tilespmem:$0x15080] =	vst v63  }
0x68: {  	s8 =	simm.s32 @!p0 $0x1  }
0x69: {  	_ =	swait.ge @!p0 [sflag:s8], $0x400  }
0x6a: {  	[sflag:s8] =	ssyncset.done @!p0 $0x0  }
0x6b: {  	[sflag:s8] =	ssyncadd.s32 @!p0 $0xFFFFFC00  }
0x6c: {  	s10 =	simm.s32 $0x0;
	[bflag:$0x0] =	sbarrier.arrive $0xFFFF  }
0x6d: {  	[spmem:s16] =	stream.indirect.scatter.add.f32 [tilespmem:s4], [sflag:$0x1], $0x80, s10, s6, $0xb8;
	[tilespmem:$0x15080] =	vst v63  }
0x6e: {  	_ =	swait.ge [sflag:s3], $0x2800  }
0x6f: {  	s8 =	simm.s32 $0x200;
	[sflag:s3] =	ssyncset.done $0x0  }
.LBB2_2:
0x70: {  	s9 =	sshra.s32 s8, $0x2;
	[sflag:s3] =	ssyncadd.s32 $0xFFFFD800;
	p1 =	sne.s32 s8, $0x1F200  }
0x71: {  	[spmem:s16] =	stream.indirect.scatter.add.f32 [tilespmem:s4], [sflag:$0x1], $0x80, s9, s6, $0xb8;
	[tilespmem:$0x15080] =	vst v63  }
.Ltmp0:
0x72: {  	_ = 	snop;
	(pc) =	sbr.rel @p1 .LBB2_2-.Ltmp0, $4  }
0x73: {  	_ = 	snop  }
0x74: {  	s8 =	sadd.s32 $0x200, s8  }
0x75: {  	_ =	swait.ge [sflag:s3], $0x2800  }
0x76: {  	[sflag:s3] =	ssyncset.done $0x0  }
0x77: {  	[sflag:s3] =	ssyncadd.s32 $0xFFFFD800  }
0x78: {  	[bflag:$0x0] =	sbarrier.arrive $0xFFFF  }
0x79: {  	[tilespmem:s5], [sflag:$0x1] =	stream.linear.gather [spmem:s19], $0xC00, $0x38;
	[tilespmem:$0x15080] =	vst v63  }
0x7a: {  	_ =	swait.ge [sflag:s3], $0xC00  }
0x7b: {  	[sflag:s3] =	ssyncset.done $0x0  }
0x7c: {  	s8 =	rddreg [dreg:$0x4];
	[sflag:s3] =	ssyncadd.s32 $0xFFFFF400  }
0x7d: {  	[hbm4b:s8+s0] =	stream.linear.scatter [tilespmem:s5], [sflag:$0x1], $0xC00, $0x38;
	[tilespmem:$0x15080] =	vst v63  }
0x7e: {  	_ =	swait.ge [sflag:s3], $0xC00  }
0x7f: {  	[sflag:s3] =	ssyncset.done $0x0  }
0x80: {  	[sflag:s3] =	ssyncadd.s32 $0xFFFFF400  }
0x81: {  	[tilespmem:s5], [sflag:$0x1] =	stream.linear.gather [spmem:s20], $0xC00, $0x38;
	[tilespmem:$0x15080] =	vst v63  }
0x82: {  	_ =	swait.ge [sflag:s3], $0xC00  }
0x83: {  	[sflag:s3] =	ssyncset.done $0x0  }
0x84: {  	s10 =	rddreg [dreg:$0x5];
	[sflag:s3] =	ssyncadd.s32 $0xFFFFF400  }
0x85: {  	[hbm4b:s10+s0] =	stream.linear.scatter [tilespmem:s5], [sflag:$0x1], $0xC00, $0x38;
	[tilespmem:$0x15080] =	vst v63  }
0x86: {  	_ =	swait.ge [sflag:s3], $0xC00  }
0x87: {  	[sflag:s3] =	ssyncset.done $0x0  }
0x88: {  	[sflag:s3] =	ssyncadd.s32 $0xFFFFF400  }
0x89: {  	[tilespmem:s5], [sflag:$0x1] =	stream.linear.gather [spmem:s21], $0xC00, $0x38;
	[tilespmem:$0x15080] =	vst v63  }
0x8a: {  	_ =	swait.ge [sflag:s3], $0xC00  }
0x8b: {  	[sflag:s3] =	ssyncset.done $0x0  }
0x8c: {  	s9 =	rddreg [dreg:$0x6];
	[sflag:s3] =	ssyncadd.s32 $0xFFFFF400  }
0x8d: {  	[hbm4b:s9+s0] =	stream.linear.scatter [tilespmem:s5], [sflag:$0x1], $0xC00, $0x38;
	[tilespmem:$0x15080] =	vst v63  }
0x8e: {  	_ =	swait.ge [sflag:s3], $0xC00  }
0x8f: {  	[sflag:s3] =	ssyncset.done $0x0  }
0x90: {  	[sflag:s3] =	ssyncadd.s32 $0xFFFFF400  }
0x91: {  	[tilespmem:s5], [sflag:$0x1] =	stream.linear.gather [spmem:s22], $0xC00, $0x38;
	[tilespmem:$0x15080] =	vst v63  }
0x92: {  	_ =	swait.ge [sflag:s3], $0xC00  }
0x93: {  	[sflag:s3] =	ssyncset.done $0x0  }
0x94: {  	s10 =	rddreg [dreg:$0x7];
	[sflag:s3] =	ssyncadd.s32 $0xFFFFF400  }
0x95: {  	[hbm4b:s10+s0] =	stream.linear.scatter [tilespmem:s5], [sflag:$0x1], $0xC00, $0x38;
	[tilespmem:$0x15080] =	vst v63  }
0x96: {  	_ =	swait.ge [sflag:s3], $0xC00  }
0x97: {  	[sflag:s3] =	ssyncset.done $0x0  }
0x98: {  	[sflag:s3] =	ssyncadd.s32 $0xFFFFF400  }
0x99: {  	[tilespmem:s5], [sflag:$0x1] =	stream.linear.gather [spmem:s23], $0xC00, $0x38;
	[tilespmem:$0x15080] =	vst v63  }
0x9a: {  	_ =	swait.ge [sflag:s3], $0xC00  }
0x9b: {  	[sflag:s3] =	ssyncset.done $0x0  }
0x9c: {  	s9 =	rddreg [dreg:$0x8];
	[sflag:s3] =	ssyncadd.s32 $0xFFFFF400  }
0x9d: {  	[hbm4b:s9+s0] =	stream.linear.scatter [tilespmem:s5], [sflag:$0x1], $0xC00, $0x38;
	[tilespmem:$0x15080] =	vst v63  }
0x9e: {  	_ =	swait.ge [sflag:s3], $0xC00  }
0x9f: {  	[sflag:s3] =	ssyncset.done $0x0  }
0xa0: {  	[sflag:s3] =	ssyncadd.s32 $0xFFFFF400  }
0xa1: {  	[tilespmem:s5], [sflag:$0x1] =	stream.linear.gather [spmem:s24], $0xC00, $0x38;
	[tilespmem:$0x15080] =	vst v63  }
0xa2: {  	_ =	swait.ge [sflag:s3], $0xC00  }
0xa3: {  	[sflag:s3] =	ssyncset.done $0x0  }
0xa4: {  	s10 =	rddreg [dreg:$0x9];
	[sflag:s3] =	ssyncadd.s32 $0xFFFFF400  }
0xa5: {  	[hbm4b:s10+s0] =	stream.linear.scatter [tilespmem:s5], [sflag:$0x1], $0xC00, $0x38;
	[tilespmem:$0x15080] =	vst v63  }
0xa6: {  	_ =	swait.ge [sflag:s3], $0xC00  }
0xa7: {  	[sflag:s3] =	ssyncset.done $0x0  }
0xa8: {  	[sflag:s3] =	ssyncadd.s32 $0xFFFFF400  }
0xa9: {  	[tilespmem:s5], [sflag:$0x1] =	stream.linear.gather [spmem:s25], $0xC00, $0x38;
	[tilespmem:$0x15080] =	vst v63  }
0xaa: {  	_ =	swait.ge [sflag:s3], $0xC00  }
0xab: {  	[sflag:s3] =	ssyncset.done $0x0  }
0xac: {  	s9 =	rddreg [dreg:$0xa];
	[sflag:s3] =	ssyncadd.s32 $0xFFFFF400  }
0xad: {  	[hbm4b:s9+s0] =	stream.linear.scatter [tilespmem:s5], [sflag:$0x1], $0xC00, $0x38;
	[tilespmem:$0x15080] =	vst v63  }
0xae: {  	_ =	swait.ge [sflag:s3], $0xC00  }
0xaf: {  	[sflag:s3] =	ssyncset.done $0x0  }
0xb0: {  	[sflag:s3] =	ssyncadd.s32 $0xFFFFF400  }
0xb1: {  	[tilespmem:s5], [sflag:$0x1] =	stream.linear.gather [spmem:s26], $0xC00, $0x38;
	[tilespmem:$0x15080] =	vst v63  }
0xb2: {  	_ =	swait.ge [sflag:s3], $0xC00  }
0xb3: {  	[sflag:s3] =	ssyncset.done $0x0  }
0xb4: {  	s10 =	rddreg [dreg:$0xb];
	[sflag:s3] =	ssyncadd.s32 $0xFFFFF400  }
0xb5: {  	[hbm4b:s10+s0] =	stream.linear.scatter [tilespmem:s5], [sflag:$0x1], $0xC00, $0x38;
	[tilespmem:$0x15080] =	vst v63  }
0xb6: {  	_ =	swait.ge [sflag:s3], $0xC00  }
0xb7: {  	[sflag:s3] =	ssyncset.done $0x0  }
0xb8: {  	[sflag:s3] =	ssyncadd.s32 $0xFFFFF400  }
0xb9: {  	[tilespmem:s5], [sflag:$0x1] =	stream.linear.gather [spmem:s28], $0xC00, $0x38;
	[tilespmem:$0x15080] =	vst v63  }
0xba: {  	_ =	swait.ge [sflag:s3], $0xC00  }
0xbb: {  	[sflag:s3] =	ssyncset.done $0x0  }
0xbc: {  	s9 =	rddreg [dreg:$0xc];
	[sflag:s3] =	ssyncadd.s32 $0xFFFFF400  }
0xbd: {  	[hbm4b:s9+s0] =	stream.linear.scatter [tilespmem:s5], [sflag:$0x1], $0xC00, $0x38;
	[tilespmem:$0x15080] =	vst v63  }
0xbe: {  	_ =	swait.ge [sflag:s3], $0xC00  }
0xbf: {  	[sflag:s3] =	ssyncset.done $0x0  }
0xc0: {  	[sflag:s3] =	ssyncadd.s32 $0xFFFFF400  }
0xc1: {  	[tilespmem:s5], [sflag:$0x1] =	stream.linear.gather [spmem:s29], $0xC00, $0x38;
	[tilespmem:$0x15080] =	vst v63  }
0xc2: {  	_ =	swait.ge [sflag:s3], $0xC00  }
0xc3: {  	[sflag:s3] =	ssyncset.done $0x0  }
0xc4: {  	s10 =	rddreg [dreg:$0xd];
	[sflag:s3] =	ssyncadd.s32 $0xFFFFF400  }
0xc5: {  	[hbm4b:s10+s0] =	stream.linear.scatter [tilespmem:s5], [sflag:$0x1], $0xC00, $0x38;
	[tilespmem:$0x15080] =	vst v63  }
0xc6: {  	_ =	swait.ge [sflag:s3], $0xC00  }
0xc7: {  	[sflag:s3] =	ssyncset.done $0x0  }
0xc8: {  	[sflag:s3] =	ssyncadd.s32 $0xFFFFF400  }
0xc9: {  	[tilespmem:s5], [sflag:$0x1] =	stream.linear.gather [spmem:s30], $0xC00, $0x38;
	[tilespmem:$0x15080] =	vst v63  }
0xca: {  	_ =	swait.ge [sflag:s3], $0xC00  }
0xcb: {  	[sflag:s3] =	ssyncset.done $0x0  }
0xcc: {  	[sflag:s3] =	ssyncadd.s32 $0xFFFFF400  }
0xcd: {  	[hbm4b:s11+s0] =	stream.linear.scatter [tilespmem:s5], [sflag:$0x1], $0xC00, $0x38;
	[tilespmem:$0x15080] =	vst v63  }
0xce: {  	_ =	swait.ge [sflag:s3], $0xC00  }
0xcf: {  	[sflag:s3] =	ssyncset.done $0x0  }
0xd0: {  	[sflag:s3] =	ssyncadd.s32 $0xFFFFF400  }
0xd1: {  	[tilespmem:s5], [sflag:$0x1] =	stream.linear.gather [spmem:s31], $0xC00, $0x38;
	[tilespmem:$0x15080] =	vst v63  }
0xd2: {  	_ =	swait.ge [sflag:s3], $0xC00  }
0xd3: {  	[sflag:s3] =	ssyncset.done $0x0  }
0xd4: {  	[sflag:s3] =	ssyncadd.s32 $0xFFFFF400  }
0xd5: {  	[hbm4b:s14+s0] =	stream.linear.scatter [tilespmem:s5], [sflag:$0x1], $0xC00, $0x38;
	[tilespmem:$0x15080] =	vst v63  }
0xd6: {  	_ =	swait.ge [sflag:s3], $0xC00  }
0xd7: {  	[sflag:s3] =	ssyncset.done $0x0  }
0xd8: {  	[sflag:s3] =	ssyncadd.s32 $0xFFFFF400  }
0xd9: {  	[tilespmem:s5], [sflag:$0x1] =	stream.linear.gather [spmem:s12], $0xC00, $0x38;
	[tilespmem:$0x15080] =	vst v63  }
0xda: {  	_ =	swait.ge [sflag:s3], $0xC00  }
0xdb: {  	[sflag:s3] =	ssyncset.done $0x0  }
0xdc: {  	[sflag:s3] =	ssyncadd.s32 $0xFFFFF400  }
0xdd: {  	[hbm4b:s15+s0] =	stream.linear.scatter [tilespmem:s5], [sflag:$0x1], $0xC00, $0x38;
	[tilespmem:$0x15080] =	vst v63  }
0xde: {  	_ =	swait.ge [sflag:s3], $0xC00  }
0xdf: {  	[sflag:s3] =	ssyncset.done $0x0  }
0xe0: {  	s8 =	simm.s32 @!p0 $0xA800;
	s9 =	simm.s32 @!p0 $0x1;
	[sflag:s3] =	ssyncadd.s32 $0xFFFFF400  }
0xe1: {  	[tilespmem:s8], [sflag:$0x1] =	stream.linear.gather @!p0 [spmem:s2], $0x400, $0x38;
	[tilespmem:$0x15080] =	vst v63  }
0xe2: {  	s7 =	sadd.s32 $0x1, s7;
	_ =	swait.ge @!p0 [sflag:s9], $0x400  }
0xe3: {  	p1 =	sne.s32 s7, s1;
	[sflag:s9] =	ssyncset.done @!p0 $0x0  }
.Ltmp1:
0xe4: {  	s10 =	simm.s32 @!p0 $0x0;
	[sflag:s9] =	ssyncadd.s32 @!p0 $0xFFFFFC00;
	(pc) =	sbr.rel @p1 .LBB2_1-.Ltmp1, $4  }
0xe5: {  	[hbm4b:s13+s10] =	stream.linear.scatter @!p0 [tilespmem:s8], [sflag:$0x1], $0x400, $0x38;
	[tilespmem:$0x15080] =	vst v63  }
0xe6: {  	_ =	swait.ge @!p0 [sflag:s9], $0x400  }
0xe7: {  	[sflag:s9] =	ssyncset.done @!p0 $0x0  }
0xe8: {  	[sflag:s9] =	ssyncadd.s32 @!p0 $0xFFFFFC00  }
0xe9: {  	_ =	sfence.sel $0x180000  }
0xea: {  	[bflag:$0x0] =	sbarrier.arrive $0xFFFF  }
0xeb: {  	_ =	strace $0x90000047  }
0xec: {  	[bflag:$0x2] =	sbarrier.arrive $0xFFFF  }
0xed: {  	s0 =	rddreg [dreg:$0x3]  }
0xee: {  	s0 =	sadd.s32 @!p0 $0x100000, s0  }
0xef: {  	[sflag:s0] =	ssyncadd.tile.s32 @!p0 $0x1;
	_ =	shalt  }
.Lfunc_end2:
_tile_overlayer_lowered:
.L_overlay_start_2:
0xf0: {  	(tag) =	ssettag $0x2  }
0xf1: {  	s0 =	rddreg [dreg:$0x0];
	s2 =	stileid.u32  }
0xf2: {  	s1 =	rddreg [dreg:$0x1];
	p0 =	sne.s32 s2, $0x0  }
0xf3: {  	s3 =	rddreg [dreg:$0x2];
	[bflag:$0x3] =	sbarrier.arrive $0xFFFF;
	s2 =	simm.s32 @!p0 $0x1C01  }
0xf4: {  	[timem:s3], [sflag:s2] =	dma.local @!p0 [hbm:s0], s1  }
0xf5: {  	s0 =	simm.s32 @!p0 $0x1  }
0xf6: {  	_ =	swait.ge @!p0 [sflag:s0], s1  }
0xf7: {  	s1 =	ssub.s32 @!p0 $0x0, s1;
	[sflag:s0] =	ssyncset.done @!p0 $0x0  }
0xf8: {  	[sflag:s0] =	ssyncadd.s32 @!p0 s1  }
0xf9: {  	[bflag:$0x3] =	sbarrier.arrive $0xFFFF  }
0xfa: {  	_ =	shalt  }

</sc_bundles>
